<compile_context>
chip_gen: v7x
topology: tpu7x:2x2x1
jax: 0.10.2.dev20260603
libtpu: 0.0.44.dev20260713+nightly
codegen_flags: <defaults>
</compile_context>

<pallas_src>
import functools

import jax
import jax.numpy as jnp
from jax import lax
from jax.experimental import pallas as pl
from jax.experimental.pallas import tpu as pltpu
from jax.experimental.pallas import tpu_sc as plsc

_K_RATIO = 0.1
_MIN_K = 5

_NC = 2
_NS = 16
_NW = _NC * _NS
_L = 16
_BITS = (10, 8, 8, 6)
_SHIFTS = (22, 14, 6, 0)
_NB1 = 1 << _BITS[0]
_HS = _NB1 + 1
_CAP = 2049


def _f32_to_key(x):
    bu = lax.bitcast_convert_type(x, jnp.uint32)
    sign = bu >> jnp.uint32(31)
    return bu ^ ((sign * jnp.uint32(0xFFFFFFFF)) | jnp.uint32(0x80000000))


def _key_to_f32(key):
    high = key >= jnp.uint32(0x80000000)
    bu = jnp.where(high, key ^ jnp.uint32(0x80000000), ~key)
    return lax.bitcast_convert_type(bu, jnp.float32)


def _sc_body(x_hbm, out_hbm, xrow, bufa, bufb, hist, red, red2, red3, resv,
             *, n, k, rows_per_w):
    cid = lax.axis_index("c")
    sid = lax.axis_index("s")
    wid = cid * _NS + sid
    lane = lax.iota(jnp.int32, _L)
    lane_base = lane * _HS
    ones = jnp.ones((_L,), jnp.int32)
    kf = jnp.float32(k)

    def zero_hist():
        def body(j, _):
            hist[pl.ds(j * _L, _L)] = jnp.zeros((_L,), jnp.int32)
            return 0
        lax.fori_loop(0, _HS * _L // _L, body, 0, unroll=8)

    def scan_level(r_needed, nb):
        nch = nb // _L
        @plsc.parallel_loop(0, nch, unroll=2)
        def _(j):
            zero = jnp.zeros((_L,), jnp.int32)
            acc = hist[pl.ds(j * _L, _L)]
            hist[pl.ds(j * _L, _L)] = zero
            for l in range(1, _L):
                acc = acc + hist[pl.ds(l * _HS + j * _L, _L)]
                hist[pl.ds(l * _HS + j * _L, _L)] = zero
            revacc = lax.rev(acc, (0,))
            red[pl.ds(j * _L, _L)] = lax.cumsum(revacc)
            red3[pl.ds(j * _L, _L)] = revacc

        carry_above = jnp.int32(0)
        for c in range(nch // _L + (1 if nch % _L else 0) - 1, -1, -1):
            tot = plsc.load_gather(red, [(lane + c * _L) * _L + (_L - 1)])
            tot = jnp.where((lane + c * _L) < nch, tot, 0)
            suf = lax.rev(lax.cumsum(lax.rev(tot, (0,))), (0,)) - tot
            red2[pl.ds(c * _L, _L)] = suf + carry_above
            carry_above = carry_above + jnp.sum(tot)

        init = (jnp.full((_L,), -1, jnp.int32),
                jnp.full((_L,), jnp.iinfo(jnp.int32).max, jnp.int32))

        @plsc.parallel_loop(0, nch, unroll=2, carry=init)
        def find(j, carry):
            bbest, cmin = carry
            racc = plsc.load_gather(red2, [jnp.zeros((_L,), jnp.int32) + j])
            cge = red[pl.ds(j * _L, _L)] + racc
            cgt = cge - red3[pl.ds(j * _L, _L)]
            mask = cge >= r_needed
            bvec = j * _L + (_L - 1) - lane
            bbest = jnp.maximum(bbest, jnp.where(mask, bvec, -1))
            cmin = jnp.minimum(cmin, jnp.where(mask, cgt,
                                               jnp.iinfo(jnp.int32).max))
            return bbest, cmin
        bbest_v, cmin_v = find
        return jnp.max(bbest_v), jnp.min(cmin_v)

    lane_cap = lane * _CAP

    def scatter_level(src, cnt_v, trips, shift, bmask):
        @plsc.parallel_loop(0, trips, unroll=4)
        def _(t):
            key = lax.bitcast_convert_type(
                plsc.load_gather(src, [lane_cap + t]), jnp.uint32)
            valid = cnt_v > t
            b = ((key >> jnp.uint32(shift))
                 & jnp.uint32(bmask)).astype(jnp.int32)
            plsc.addupdate_scatter(hist, [lane_base + b], ones, mask=valid)

    def partition(src, dst, cnt_v, bb, shift, bmask, s_acc, *, trips=None,
                  from_f32=False, unroll=1):
        def body(i, carry):
            cnt, s = carry
            if from_f32:
                x = src[pl.ds(i * _L, _L)]
                key = _f32_to_key(x)
                b = (key >> jnp.uint32(shift)).astype(jnp.int32)
                mgt = b > bb
                meq = b == bb
            else:
                key = lax.bitcast_convert_type(
                    plsc.load_gather(src, [lane_cap + i]), jnp.uint32)
                x = _key_to_f32(key)
                valid = cnt_v > i
                b = ((key >> jnp.uint32(shift))
                     & jnp.uint32(bmask)).astype(jnp.int32)
                mgt = valid & (b > bb)
                meq = valid & (b == bb)
            s = s + jnp.where(mgt, x, jnp.float32(0.0))
            plsc.store_scatter(dst, [lane_cap + cnt],
                               lax.bitcast_convert_type(key, jnp.int32),
                               mask=meq)
            return cnt + meq.astype(jnp.int32), s
        new_cnt, s_acc = plsc.parallel_loop(
            0, trips, unroll=unroll,
            carry=(jnp.zeros((_L,), jnp.int32), s_acc))(
                lambda i, carry: body(i, carry))
        return new_cnt, s_acc

    def row_body(rloc, res_acc):
        pltpu.sync_copy(x_hbm.at[wid * rows_per_w + rloc], xrow)

        @plsc.parallel_loop(0, n // _L, unroll=8)
        def _(i):
            x = xrow[pl.ds(i * _L, _L)]
            key = _f32_to_key(x)
            b = (key >> jnp.uint32(_SHIFTS[0])).astype(jnp.int32)
            plsc.addupdate_scatter(hist, [lane_base + b], ones)

        b1, c1 = scan_level(jnp.int32(k), _NB1)
        cnt1, s = partition(xrow, bufb, None, b1, _SHIFTS[0], 0,
                            jnp.zeros((_L,), jnp.float32),
                            trips=n // _L, from_f32=True, unroll=8)
        a = c1

        t1 = jnp.max(cnt1)
        m2 = (1 << _BITS[1]) - 1
        scatter_level(bufb, cnt1, t1, _SHIFTS[1], m2)
        b2, c2 = scan_level(k - a, 1 << _BITS[1])
        cnt2, s = partition(bufb, bufa, cnt1, b2, _SHIFTS[1], m2, s, trips=t1,
                            unroll=2)
        a = a + c2

        t2 = jnp.max(cnt2)
        m3 = (1 << _BITS[2]) - 1
        scatter_level(bufa, cnt2, t2, _SHIFTS[2], m3)
        b3, c3 = scan_level(k - a, 1 << _BITS[2])
        cnt3, s = partition(bufa, bufb, cnt2, b3, _SHIFTS[2], m3, s, trips=t2)
        a = a + c3

        t3 = jnp.max(cnt3)
        m4 = (1 << _BITS[3]) - 1
        scatter_level(bufb, cnt3, t3, _SHIFTS[3], m4)
        b4, c4 = scan_level(k - a, 1 << _BITS[3])
        _, s = partition(bufb, bufa, cnt3, b4, _SHIFTS[3], m4, s, trips=t3)
        a = a + c4

        tu = ((b1.astype(jnp.uint32) << jnp.uint32(_SHIFTS[0]))
              | (b2.astype(jnp.uint32) << jnp.uint32(_SHIFTS[1]))
              | (b3.astype(jnp.uint32) << jnp.uint32(_SHIFTS[2]))
              | b4.astype(jnp.uint32))
        tx = _key_to_f32(jnp.zeros((_L,), jnp.uint32) + tu)
        r_v = (jnp.full((_L,), k, jnp.int32) - a).astype(jnp.float32)
        s_tot = jnp.zeros((_L,), jnp.float32) + jnp.sum(s)
        val_v = (s_tot + r_v * tx) / kf
        return jnp.where(lane == rloc, val_v, res_acc)

    zero_hist()
    res = lax.fori_loop(0, rows_per_w, row_body, jnp.zeros((_L,), jnp.float32))
    resv[...] = res
    pltpu.sync_copy(resv, out_hbm.at[pl.ds(wid * _L, _L)])


def kernel(patch_logits):
    if patch_logits.ndim == 4:
        b = patch_logits.shape[0]
        patch_logits = patch_logits.reshape(b, -1)
    rows, n = patch_logits.shape
    k = max(_MIN_K, int(-(-n * _K_RATIO // 1)))
    rows_per_w = rows // _NW
    mesh = plsc.VectorSubcoreMesh(core_axis_name="c", subcore_axis_name="s",
                                  num_cores=_NC, num_subcores=_NS)
    body = functools.partial(_sc_body, n=n, k=k, rows_per_w=rows_per_w)
    out = pl.kernel(
        body,
        out_type=jax.ShapeDtypeStruct((_NW * _L,), jnp.float32),
        mesh=mesh,
        compiler_params=pltpu.CompilerParams(needs_layout_passes=False),
        scratch_types=[
            pltpu.VMEM((n,), jnp.float32),
            pltpu.VMEM((_CAP * _L,), jnp.int32),
            pltpu.VMEM((_CAP * _L,), jnp.int32),
            pltpu.VMEM((_HS * _L,), jnp.int32),
            pltpu.VMEM((_NB1,), jnp.int32),
            pltpu.VMEM((_NB1 // _L,), jnp.int32),
            pltpu.VMEM((_NB1,), jnp.int32),
            pltpu.VMEM((_L,), jnp.float32),
        ],
    )(patch_logits)
    return out.reshape(_NW, _L)[:, :rows_per_w].reshape(rows, 1)

# --- scband reference (transcript-rebuilt; emitter-appended) ---
"""Pipeline reference for scband-fixed-top-kpooling-50637664420179 (READ-ONLY COPY).

The authoritative reference and input builder live on the scoring server;
editing this copy changes nothing except your own understanding.
"""

import jax, jax.numpy as jnp
import numpy as np

K_RATIO = 0.1
MIN_K = 5


def setup_inputs(seed: int = 0) -> dict:
    key = jax.random.key(seed)
    patch_logits = jax.random.normal(key, (128, 32768), dtype=jnp.float32)
    return {"patch_logits": patch_logits}


def reference(patch_logits):
    if patch_logits.ndim == 4:
        batch_size = patch_logits.shape[0]
        patch_logits_flat = patch_logits.reshape(batch_size, -1)
    else:
        patch_logits_flat = patch_logits
    n_patches = patch_logits_flat.shape[1]
    k = max(MIN_K, int(np.ceil(K_RATIO * n_patches)))
    topk_values, _ = jax.lax.top_k(patch_logits_flat, k)
    image_logits = jnp.mean(topk_values, axis=1, keepdims=True)
    return image_logits

if __name__ == "__main__":
    import jax
    _d = setup_inputs()
    print(jax.jit(kernel)(*tuple(_d.values())))

</pallas_src>

<mosaic_0001>
#map = affine_map<(d0, d1) -> (0, 0)>
#map1 = affine_map<(d0, d1) -> (0)>
module attributes {stable_mosaic.version = 14 : i64} {
  func.func @_sc_body(%arg0: i32, %arg1: i32, %arg2: memref<128x32768xf32, #tpu.memory_space<hbm>>, %arg3: memref<512xf32, #tpu.memory_space<hbm>>, %arg4: memref<32768xf32, #tpu.memory_space<vmem>>, %arg5: memref<32784xi32, #tpu.memory_space<vmem>>, %arg6: memref<32784xi32, #tpu.memory_space<vmem>>, %arg7: memref<16400xi32, #tpu.memory_space<vmem>>, %arg8: memref<1024xi32, #tpu.memory_space<vmem>>, %arg9: memref<64xi32, #tpu.memory_space<vmem>>, %arg10: memref<1024xi32, #tpu.memory_space<vmem>>, %arg11: memref<16xf32, #tpu.memory_space<vmem>>) attributes {dimension_semantics = [#tpu.dimension_semantics<core_parallel>, #tpu.dimension_semantics<subcore_parallel>], iteration_bounds = array<i64: 2, 16>, scalar_prefetch = 0 : i64, scratch_operands = 8 : i64, tpu.core_type = #tpu.core_type<sc_vector_subcore>, window_params = [{transform_indices = #map}, {transform_indices = #map1}]} {
    %mul3A = arith.constant 16 : i32
    %mul3A_0 = arith.muli %arg0, %mul3A : i32
    %add3A = arith.addi %mul3A_0, %arg1 : i32
    %iota3A = tpu.iota {dimensions = array<i32: 0>} : vector<16xi32>
    %mul3A_1 = arith.constant 1025 : i32
    %mul3A_2 = vector.broadcast %mul3A_1 : i32 to vector<16xi32>
    %mul3A_3 = arith.muli %iota3A, %mul3A_2 : vector<16xi32>
    %broadcast_in_dim3A = arith.constant 1 : i32
    %broadcast_in_dim3A_4 = vector.broadcast %broadcast_in_dim3A : i32 to vector<16xi32>
    %mul3A_5 = arith.constant 2049 : i32
    %mul3A_6 = vector.broadcast %mul3A_5 : i32 to vector<16xi32>
    %mul3A_7 = arith.muli %iota3A, %mul3A_6 : vector<16xi32>
    %scan3A = arith.constant 0 : i32
    %scan3A_8 = arith.constant 0 : i32
    %scan3A_9 = arith.constant 1024 : i32
    %scan3A_10 = arith.addi %scan3A_8, %scan3A_9 : i32
    %scan3A_11 = arith.constant 8 : i32
    %scan3A_12 = scf.for %scan3A_35 = %scan3A_8 to %scan3A_10 step %scan3A_11 iter_args(%scan3A_36 = %scan3A) -> (i32)  : i32 {
      %broadcast_in_dim3A_37 = arith.constant 0 : i32
      %broadcast_in_dim3A_38 = vector.broadcast %broadcast_in_dim3A_37 : i32 to vector<16xi32>
      %mul3A_39 = arith.constant 16 : i32
      %mul3A_40 = arith.muli %scan3A_35, %mul3A_39 : i32
      %swap3A_41 = arith.index_cast %mul3A_40 : i32 to index
      %swap3A_42 = tpu.vector_load %arg7[%swap3A_41] {strides = array<i32>} : memref<16400xi32, #tpu.memory_space<vmem>>, vector<16xi32>,
      tpu.vector_store %arg7[%swap3A_41], %broadcast_in_dim3A_38 {strides = array<i32>} : memref<16400xi32, #tpu.memory_space<vmem>>, vector<16xi32>,
      %scan3A_43 = arith.constant 0 : i32
      %scan3A_44 = arith.constant 1 : i32
      %scan3A_45 = arith.addi %scan3A_35, %scan3A_44 : i32
      %broadcast_in_dim3A_46 = arith.constant 0 : i32
      %broadcast_in_dim3A_47 = vector.broadcast %broadcast_in_dim3A_46 : i32 to vector<16xi32>
      %mul3A_48 = arith.constant 16 : i32
      %mul3A_49 = arith.muli %scan3A_45, %mul3A_48 : i32
      %swap3A_50 = arith.index_cast %mul3A_49 : i32 to index
      %swap3A_51 = tpu.vector_load %arg7[%swap3A_50] {strides = array<i32>} : memref<16400xi32, #tpu.memory_space<vmem>>, vector<16xi32>,
      tpu.vector_store %arg7[%swap3A_50], %broadcast_in_dim3A_47 {strides = array<i32>} : memref<16400xi32, #tpu.memory_space<vmem>>, vector<16xi32>,
      %scan3A_52 = arith.constant 0 : i32
      %scan3A_53 = arith.constant 2 : i32
      %scan3A_54 = arith.addi %scan3A_35, %scan3A_53 : i32
      %broadcast_in_dim3A_55 = arith.constant 0 : i32
      %broadcast_in_dim3A_56 = vector.broadcast %broadcast_in_dim3A_55 : i32 to vector<16xi32>
      %mul3A_57 = arith.constant 16 : i32
      %mul3A_58 = arith.muli %scan3A_54, %mul3A_57 : i32
      %swap3A_59 = arith.index_cast %mul3A_58 : i32 to index
      %swap3A_60 = tpu.vector_load %arg7[%swap3A_59] {strides = array<i32>} : memref<16400xi32, #tpu.memory_space<vmem>>, vector<16xi32>,
      tpu.vector_store %arg7[%swap3A_59], %broadcast_in_dim3A_56 {strides = array<i32>} : memref<16400xi32, #tpu.memory_space<vmem>>, vector<16xi32>,
      %scan3A_61 = arith.constant 0 : i32
      %scan3A_62 = arith.constant 3 : i32
      %scan3A_63 = arith.addi %scan3A_35, %scan3A_62 : i32
      %broadcast_in_dim3A_64 = arith.constant 0 : i32
      %broadcast_in_dim3A_65 = vector.broadcast %broadcast_in_dim3A_64 : i32 to vector<16xi32>
      %mul3A_66 = arith.constant 16 : i32
      %mul3A_67 = arith.muli %scan3A_63, %mul3A_66 : i32
      %swap3A_68 = arith.index_cast %mul3A_67 : i32 to index
      %swap3A_69 = tpu.vector_load %arg7[%swap3A_68] {strides = array<i32>} : memref<16400xi32, #tpu.memory_space<vmem>>, vector<16xi32>,
      tpu.vector_store %arg7[%swap3A_68], %broadcast_in_dim3A_65 {strides = array<i32>} : memref<16400xi32, #tpu.memory_space<vmem>>, vector<16xi32>,
      %scan3A_70 = arith.constant 0 : i32
      %scan3A_71 = arith.constant 4 : i32
      %scan3A_72 = arith.addi %scan3A_35, %scan3A_71 : i32
      %broadcast_in_dim3A_73 = arith.constant 0 : i32
      %broadcast_in_dim3A_74 = vector.broadcast %broadcast_in_dim3A_73 : i32 to vector<16xi32>
      %mul3A_75 = arith.constant 16 : i32
      %mul3A_76 = arith.muli %scan3A_72, %mul3A_75 : i32
      %swap3A_77 = arith.index_cast %mul3A_76 : i32 to index
      %swap3A_78 = tpu.vector_load %arg7[%swap3A_77] {strides = array<i32>} : memref<16400xi32, #tpu.memory_space<vmem>>, vector<16xi32>,
      tpu.vector_store %arg7[%swap3A_77], %broadcast_in_dim3A_74 {strides = array<i32>} : memref<16400xi32, #tpu.memory_space<vmem>>, vector<16xi32>,
      %scan3A_79 = arith.constant 0 : i32
      %scan3A_80 = arith.constant 5 : i32
      %scan3A_81 = arith.addi %scan3A_35, %scan3A_80 : i32
      %broadcast_in_dim3A_82 = arith.constant 0 : i32
      %broadcast_in_dim3A_83 = vector.broadcast %broadcast_in_dim3A_82 : i32 to vector<16xi32>
      %mul3A_84 = arith.constant 16 : i32
      %mul3A_85 = arith.muli %scan3A_81, %mul3A_84 : i32
      %swap3A_86 = arith.index_cast %mul3A_85 : i32 to index
      %swap3A_87 = tpu.vector_load %arg7[%swap3A_86] {strides = array<i32>} : memref<16400xi32, #tpu.memory_space<vmem>>, vector<16xi32>,
      tpu.vector_store %arg7[%swap3A_86], %broadcast_in_dim3A_83 {strides = array<i32>} : memref<16400xi32, #tpu.memory_space<vmem>>, vector<16xi32>,
      %scan3A_88 = arith.constant 0 : i32
      %scan3A_89 = arith.constant 6 : i32
      %scan3A_90 = arith.addi %scan3A_35, %scan3A_89 : i32
      %broadcast_in_dim3A_91 = arith.constant 0 : i32
      %broadcast_in_dim3A_92 = vector.broadcast %broadcast_in_dim3A_91 : i32 to vector<16xi32>
      %mul3A_93 = arith.constant 16 : i32
      %mul3A_94 = arith.muli %scan3A_90, %mul3A_93 : i32
      %swap3A_95 = arith.index_cast %mul3A_94 : i32 to index
      %swap3A_96 = tpu.vector_load %arg7[%swap3A_95] {strides = array<i32>} : memref<16400xi32, #tpu.memory_space<vmem>>, vector<16xi32>,
      tpu.vector_store %arg7[%swap3A_95], %broadcast_in_dim3A_92 {strides = array<i32>} : memref<16400xi32, #tpu.memory_space<vmem>>, vector<16xi32>,
      %scan3A_97 = arith.constant 0 : i32
      %scan3A_98 = arith.constant 7 : i32
      %scan3A_99 = arith.addi %scan3A_35, %scan3A_98 : i32
      %broadcast_in_dim3A_100 = arith.constant 0 : i32
      %broadcast_in_dim3A_101 = vector.broadcast %broadcast_in_dim3A_100 : i32 to vector<16xi32>
      %mul3A_102 = arith.constant 16 : i32
      %mul3A_103 = arith.muli %scan3A_99, %mul3A_102 : i32
      %swap3A_104 = arith.index_cast %mul3A_103 : i32 to index
      %swap3A_105 = tpu.vector_load %arg7[%swap3A_104] {strides = array<i32>} : memref<16400xi32, #tpu.memory_space<vmem>>, vector<16xi32>,
      tpu.vector_store %arg7[%swap3A_104], %broadcast_in_dim3A_101 {strides = array<i32>} : memref<16400xi32, #tpu.memory_space<vmem>>, vector<16xi32>,
      %scan3A_106 = arith.constant 0 : i32
      scf.yield %scan3A_106 : i32
    }
    %scan3A_13 = arith.constant 1024 : i32
    %scan3A_14 = arith.addi %scan3A_8, %scan3A_13 : i32
    %broadcast_in_dim3A_15 = arith.constant 0 : i32
    %broadcast_in_dim3A_16 = vector.broadcast %broadcast_in_dim3A_15 : i32 to vector<16xi32>
    %mul3A_17 = arith.constant 16 : i32
    %mul3A_18 = arith.muli %scan3A_14, %mul3A_17 : i32
    %swap3A = arith.index_cast %mul3A_18 : i32 to index
    %swap3A_19 = tpu.vector_load %arg7[%swap3A] {strides = array<i32>} : memref<16400xi32, #tpu.memory_space<vmem>>, vector<16xi32>,
    tpu.vector_store %arg7[%swap3A], %broadcast_in_dim3A_16 {strides = array<i32>} : memref<16400xi32, #tpu.memory_space<vmem>>, vector<16xi32>,
    %scan3A_20 = arith.constant 0 : i32
    %scan3A_21 = arith.constant 1025 : i32
    %broadcast_in_dim3A_22 = arith.constant 0.000000e+00 : f32
    %broadcast_in_dim3A_23 = vector.broadcast %broadcast_in_dim3A_22 : f32 to vector<16xf32>
    %scan3A_24 = arith.constant 3.277000e+03 : f32
    %scan3A_25 = arith.constant 0 : i32
    %scan3A_26 = arith.constant 4 : i32
    %scan3A_27 = arith.addi %scan3A_25, %scan3A_26 : i32
    %scan3A_28 = arith.constant 1 : i32
    %scan3A_29 = scf.for %scan3A_35 = %scan3A_25 to %scan3A_27 step %scan3A_28 iter_args(%scan3A_36 = %broadcast_in_dim3A_23) -> (vector<16xf32>)  : i32 {
      %mul3A_37 = arith.constant 4 : i32
      %mul3A_38 = arith.muli %add3A, %mul3A_37 : i32
      %add3A_39 = arith.addi %mul3A_38, %scan3A_35 : i32
      "tpu.region"() ({
        %run_scoped3A = tpu.sem_alloc : memref<!tpu.dma_semaphore, #tpu.memory_space<semaphore_mem>>
        %dma_start3A = arith.constant 0 : i32
        %dma_start3A_539 = tpu.memref_slice %arg2[%add3A_39, %dma_start3A] : memref<128x32768xf32, #tpu.memory_space<hbm>> -> memref<1x32768xf32, #tpu.memory_space<hbm>>
        %dma_start3A_540 = tpu.memref_squeeze %dma_start3A_539 : memref<1x32768xf32, #tpu.memory_space<hbm>> -> memref<32768xf32, #tpu.memory_space<hbm>>
        %dma_start3A_541 = arith.constant 0 : i32
        %dma_start3A_542 = tpu.memref_slice %arg2[%add3A_39, %dma_start3A_541] : memref<128x32768xf32, #tpu.memory_space<hbm>> -> memref<1x32768xf32, #tpu.memory_space<hbm>>
        %dma_start3A_543 = tpu.memref_squeeze %dma_start3A_542 : memref<1x32768xf32, #tpu.memory_space<hbm>> -> memref<32768xf32, #tpu.memory_space<hbm>>
        tpu.enqueue_dma source(%dma_start3A_543 : memref<32768xf32, #tpu.memory_space<hbm>>) target(%arg4 : memref<32768xf32, #tpu.memory_space<vmem>>) target_semaphore(%run_scoped3A : memref<!tpu.dma_semaphore, #tpu.memory_space<semaphore_mem>>)
        %dma_wait3A = arith.constant 0 : i32
        %dma_wait3A_544 = tpu.memref_slice %arg2[%add3A_39, %dma_wait3A] : memref<128x32768xf32, #tpu.memory_space<hbm>> -> memref<1x32768xf32, #tpu.memory_space<hbm>>
        %dma_wait3A_545 = tpu.memref_squeeze %dma_wait3A_544 : memref<1x32768xf32, #tpu.memory_space<hbm>> -> memref<32768xf32, #tpu.memory_space<hbm>>
        %dma_wait3A_546 = arith.constant 0 : i32
        %dma_wait3A_547 = tpu.memref_slice %arg2[%add3A_39, %dma_wait3A_546] : memref<128x32768xf32, #tpu.memory_space<hbm>> -> memref<1x32768xf32, #tpu.memory_space<hbm>>
        %dma_wait3A_548 = tpu.memref_squeeze %dma_wait3A_547 : memref<1x32768xf32, #tpu.memory_space<hbm>> -> memref<32768xf32, #tpu.memory_space<hbm>>
        tpu.wait_dma2 semaphore(%run_scoped3A : memref<!tpu.dma_semaphore, #tpu.memory_space<semaphore_mem>>) src(%dma_wait3A_548 : memref<32768xf32, #tpu.memory_space<hbm>>) dst(%arg4 : memref<32768xf32, #tpu.memory_space<vmem>>)
        tpu.yield
      }) : () -> ()
      %parallel_loop3A = arith.constant 0 : i32
      %parallel_loop3A_40 = arith.constant 2048 : i32
      %parallel_loop3A_41 = arith.constant 1 : i32
      scf.for %parallel_loop3A_539 = %parallel_loop3A to %parallel_loop3A_40 step %parallel_loop3A_41  : i32 {
        %parallel_loop3A_540 = arith.constant 16 : i32
        %parallel_loop3A_541 = arith.muli %parallel_loop3A_539, %parallel_loop3A_540 : i32
        %parallel_loop3A_542 = arith.index_cast %parallel_loop3A_541 : i32 to index
        %parallel_loop3A_543 = tpu.vector_load %arg4[%parallel_loop3A_542] {strides = array<i32>} : memref<32768xf32, #tpu.memory_space<vmem>>, vector<16xf32>,
        %parallel_loop3A_544 = tpu.bitcast %parallel_loop3A_543 : vector<16xf32> -> vector<16xi32>
        %parallel_loop3A_545 = arith.constant 31 : i32
        %parallel_loop3A_546 = vector.broadcast %parallel_loop3A_545 : i32 to vector<16xi32>
        %parallel_loop3A_547 = arith.shrui %parallel_loop3A_544, %parallel_loop3A_546 : vector<16xi32>
        %parallel_loop3A_548 = arith.constant -1 : i32
        %parallel_loop3A_549 = vector.broadcast %parallel_loop3A_548 : i32 to vector<16xi32>
        %parallel_loop3A_550 = arith.muli %parallel_loop3A_547, %parallel_loop3A_549 : vector<16xi32>
        %parallel_loop3A_551 = arith.constant -2147483648 : i32
        %parallel_loop3A_552 = vector.broadcast %parallel_loop3A_551 : i32 to vector<16xi32>
        %parallel_loop3A_553 = arith.ori %parallel_loop3A_550, %parallel_loop3A_552 : vector<16xi32>
        %parallel_loop3A_554 = arith.xori %parallel_loop3A_544, %parallel_loop3A_553 : vector<16xi32>
        %parallel_loop3A_555 = arith.constant 22 : i32
        %parallel_loop3A_556 = vector.broadcast %parallel_loop3A_555 : i32 to vector<16xi32>
        %parallel_loop3A_557 = arith.shrui %parallel_loop3A_554, %parallel_loop3A_556 : vector<16xi32>
        %parallel_loop3A_558 = arith.addi %mul3A_3, %parallel_loop3A_557 : vector<16xi32>
        tpu.vector_store_idx %arg7[%parallel_loop3A_558], %broadcast_in_dim3A_4 {add = true} : memref<16400xi32, #tpu.memory_space<vmem>>[vector<16xi32>], vector<16xi32>,
      } {sc.loop_unroll_factor = 8 : i64, sc.parallel_access}
      %parallel_loop3A_42 = arith.constant 0 : i32
      %parallel_loop3A_43 = arith.constant 64 : i32
      %parallel_loop3A_44 = arith.constant 1 : i32
      scf.for %parallel_loop3A_539 = %parallel_loop3A_42 to %parallel_loop3A_43 step %parallel_loop3A_44  : i32 {
        %parallel_loop3A_540 = arith.constant 0 : i32
        %parallel_loop3A_541 = vector.broadcast %parallel_loop3A_540 : i32 to vector<16xi32>
        %parallel_loop3A_542 = arith.constant 16 : i32
        %parallel_loop3A_543 = arith.muli %parallel_loop3A_539, %parallel_loop3A_542 : i32
        %parallel_loop3A_544 = arith.index_cast %parallel_loop3A_543 : i32 to index
        %parallel_loop3A_545 = tpu.vector_load %arg7[%parallel_loop3A_544] {strides = array<i32>} : memref<16400xi32, #tpu.memory_space<vmem>>, vector<16xi32>,
        %parallel_loop3A_546 = arith.constant 16 : i32
        %parallel_loop3A_547 = arith.muli %parallel_loop3A_539, %parallel_loop3A_546 : i32
        %parallel_loop3A_548 = arith.index_cast %parallel_loop3A_547 : i32 to index
        %parallel_loop3A_549 = tpu.vector_load %arg7[%parallel_loop3A_548] {strides = array<i32>} : memref<16400xi32, #tpu.memory_space<vmem>>, vector<16xi32>,
        tpu.vector_store %arg7[%parallel_loop3A_548], %parallel_loop3A_541 {strides = array<i32>} : memref<16400xi32, #tpu.memory_space<vmem>>, vector<16xi32>,
        %parallel_loop3A_550 = arith.constant 16 : i32
        %parallel_loop3A_551 = arith.muli %parallel_loop3A_539, %parallel_loop3A_550 : i32
        %parallel_loop3A_552 = arith.constant 1025 : i32
        %parallel_loop3A_553 = arith.addi %parallel_loop3A_552, %parallel_loop3A_551 : i32
        %parallel_loop3A_554 = arith.index_cast %parallel_loop3A_553 : i32 to index
        %parallel_loop3A_555 = tpu.vector_load %arg7[%parallel_loop3A_554] {strides = array<i32>} : memref<16400xi32, #tpu.memory_space<vmem>>, vector<16xi32>,
        %parallel_loop3A_556 = arith.addi %parallel_loop3A_545, %parallel_loop3A_555 : vector<16xi32>
        %parallel_loop3A_557 = arith.constant 16 : i32
        %parallel_loop3A_558 = arith.muli %parallel_loop3A_539, %parallel_loop3A_557 : i32
        %parallel_loop3A_559 = arith.constant 1025 : i32
        %parallel_loop3A_560 = arith.addi %parallel_loop3A_559, %parallel_loop3A_558 : i32
        %parallel_loop3A_561 = arith.index_cast %parallel_loop3A_560 : i32 to index
        %parallel_loop3A_562 = tpu.vector_load %arg7[%parallel_loop3A_561] {strides = array<i32>} : memref<16400xi32, #tpu.memory_space<vmem>>, vector<16xi32>,
        tpu.vector_store %arg7[%parallel_loop3A_561], %parallel_loop3A_541 {strides = array<i32>} : memref<16400xi32, #tpu.memory_space<vmem>>, vector<16xi32>,
        %parallel_loop3A_563 = arith.constant 16 : i32
        %parallel_loop3A_564 = arith.muli %parallel_loop3A_539, %parallel_loop3A_563 : i32
        %parallel_loop3A_565 = arith.constant 2050 : i32
        %parallel_loop3A_566 = arith.addi %parallel_loop3A_565, %parallel_loop3A_564 : i32
        %parallel_loop3A_567 = arith.index_cast %parallel_loop3A_566 : i32 to index
        %parallel_loop3A_568 = tpu.vector_load %arg7[%parallel_loop3A_567] {strides = array<i32>} : memref<16400xi32, #tpu.memory_space<vmem>>, vector<16xi32>,
        %parallel_loop3A_569 = arith.addi %parallel_loop3A_556, %parallel_loop3A_568 : vector<16xi32>
        %parallel_loop3A_570 = arith.constant 16 : i32
        %parallel_loop3A_571 = arith.muli %parallel_loop3A_539, %parallel_loop3A_570 : i32
        %parallel_loop3A_572 = arith.constant 2050 : i32
        %parallel_loop3A_573 = arith.addi %parallel_loop3A_572, %parallel_loop3A_571 : i32
        %parallel_loop3A_574 = arith.index_cast %parallel_loop3A_573 : i32 to index
        %parallel_loop3A_575 = tpu.vector_load %arg7[%parallel_loop3A_574] {strides = array<i32>} : memref<16400xi32, #tpu.memory_space<vmem>>, vector<16xi32>,
        tpu.vector_store %arg7[%parallel_loop3A_574], %parallel_loop3A_541 {strides = array<i32>} : memref<16400xi32, #tpu.memory_space<vmem>>, vector<16xi32>,
        %parallel_loop3A_576 = arith.constant 16 : i32
        %parallel_loop3A_577 = arith.muli %parallel_loop3A_539, %parallel_loop3A_576 : i32
        %parallel_loop3A_578 = arith.constant 3075 : i32
        %parallel_loop3A_579 = arith.addi %parallel_loop3A_578, %parallel_loop3A_577 : i32
        %parallel_loop3A_580 = arith.index_cast %parallel_loop3A_579 : i32 to index
        %parallel_loop3A_581 = tpu.vector_load %arg7[%parallel_loop3A_580] {strides = array<i32>} : memref<16400xi32, #tpu.memory_space<vmem>>, vector<16xi32>,
        %parallel_loop3A_582 = arith.addi %parallel_loop3A_569, %parallel_loop3A_581 : vector<16xi32>
        %parallel_loop3A_583 = arith.constant 16 : i32
        %parallel_loop3A_584 = arith.muli %parallel_loop3A_539, %parallel_loop3A_583 : i32
        %parallel_loop3A_585 = arith.constant 3075 : i32
        %parallel_loop3A_586 = arith.addi %parallel_loop3A_585, %parallel_loop3A_584 : i32
        %parallel_loop3A_587 = arith.index_cast %parallel_loop3A_586 : i32 to index
        %parallel_loop3A_588 = tpu.vector_load %arg7[%parallel_loop3A_587] {strides = array<i32>} : memref<16400xi32, #tpu.memory_space<vmem>>, vector<16xi32>,
        tpu.vector_store %arg7[%parallel_loop3A_587], %parallel_loop3A_541 {strides = array<i32>} : memref<16400xi32, #tpu.memory_space<vmem>>, vector<16xi32>,
        %parallel_loop3A_589 = arith.constant 16 : i32
        %parallel_loop3A_590 = arith.muli %parallel_loop3A_539, %parallel_loop3A_589 : i32
        %parallel_loop3A_591 = arith.constant 4100 : i32
        %parallel_loop3A_592 = arith.addi %parallel_loop3A_591, %parallel_loop3A_590 : i32
        %parallel_loop3A_593 = arith.index_cast %parallel_loop3A_592 : i32 to index
        %parallel_loop3A_594 = tpu.vector_load %arg7[%parallel_loop3A_593] {strides = array<i32>} : memref<16400xi32, #tpu.memory_space<vmem>>, vector<16xi32>,
        %parallel_loop3A_595 = arith.addi %parallel_loop3A_582, %parallel_loop3A_594 : vector<16xi32>
        %parallel_loop3A_596 = arith.constant 16 : i32
        %parallel_loop3A_597 = arith.muli %parallel_loop3A_539, %parallel_loop3A_596 : i32
        %parallel_loop3A_598 = arith.constant 4100 : i32
        %parallel_loop3A_599 = arith.addi %parallel_loop3A_598, %parallel_loop3A_597 : i32
        %parallel_loop3A_600 = arith.index_cast %parallel_loop3A_599 : i32 to index
        %parallel_loop3A_601 = tpu.vector_load %arg7[%parallel_loop3A_600] {strides = array<i32>} : memref<16400xi32, #tpu.memory_space<vmem>>, vector<16xi32>,
        tpu.vector_store %arg7[%parallel_loop3A_600], %parallel_loop3A_541 {strides = array<i32>} : memref<16400xi32, #tpu.memory_space<vmem>>, vector<16xi32>,
        %parallel_loop3A_602 = arith.constant 16 : i32
        %parallel_loop3A_603 = arith.muli %parallel_loop3A_539, %parallel_loop3A_602 : i32
        %parallel_loop3A_604 = arith.constant 5125 : i32
        %parallel_loop3A_605 = arith.addi %parallel_loop3A_604, %parallel_loop3A_603 : i32
        %parallel_loop3A_606 = arith.index_cast %parallel_loop3A_605 : i32 to index
        %parallel_loop3A_607 = tpu.vector_load %arg7[%parallel_loop3A_606] {strides = array<i32>} : memref<16400xi32, #tpu.memory_space<vmem>>, vector<16xi32>,
        %parallel_loop3A_608 = arith.addi %parallel_loop3A_595, %parallel_loop3A_607 : vector<16xi32>
        %parallel_loop3A_609 = arith.constant 16 : i32
        %parallel_loop3A_610 = arith.muli %parallel_loop3A_539, %parallel_loop3A_609 : i32
        %parallel_loop3A_611 = arith.constant 5125 : i32
        %parallel_loop3A_612 = arith.addi %parallel_loop3A_611, %parallel_loop3A_610 : i32
        %parallel_loop3A_613 = arith.index_cast %parallel_loop3A_612 : i32 to index
        %parallel_loop3A_614 = tpu.vector_load %arg7[%parallel_loop3A_613] {strides = array<i32>} : memref<16400xi32, #tpu.memory_space<vmem>>, vector<16xi32>,
        tpu.vector_store %arg7[%parallel_loop3A_613], %parallel_loop3A_541 {strides = array<i32>} : memref<16400xi32, #tpu.memory_space<vmem>>, vector<16xi32>,
        %parallel_loop3A_615 = arith.constant 16 : i32
        %parallel_loop3A_616 = arith.muli %parallel_loop3A_539, %parallel_loop3A_615 : i32
        %parallel_loop3A_617 = arith.constant 6150 : i32
        %parallel_loop3A_618 = arith.addi %parallel_loop3A_617, %parallel_loop3A_616 : i32
        %parallel_loop3A_619 = arith.index_cast %parallel_loop3A_618 : i32 to index
        %parallel_loop3A_620 = tpu.vector_load %arg7[%parallel_loop3A_619] {strides = array<i32>} : memref<16400xi32, #tpu.memory_space<vmem>>, vector<16xi32>,
        %parallel_loop3A_621 = arith.addi %parallel_loop3A_608, %parallel_loop3A_620 : vector<16xi32>
        %parallel_loop3A_622 = arith.constant 16 : i32
        %parallel_loop3A_623 = arith.muli %parallel_loop3A_539, %parallel_loop3A_622 : i32
        %parallel_loop3A_624 = arith.constant 6150 : i32
        %parallel_loop3A_625 = arith.addi %parallel_loop3A_624, %parallel_loop3A_623 : i32
        %parallel_loop3A_626 = arith.index_cast %parallel_loop3A_625 : i32 to index
        %parallel_loop3A_627 = tpu.vector_load %arg7[%parallel_loop3A_626] {strides = array<i32>} : memref<16400xi32, #tpu.memory_space<vmem>>, vector<16xi32>,
        tpu.vector_store %arg7[%parallel_loop3A_626], %parallel_loop3A_541 {strides = array<i32>} : memref<16400xi32, #tpu.memory_space<vmem>>, vector<16xi32>,
        %parallel_loop3A_628 = arith.constant 16 : i32
        %parallel_loop3A_629 = arith.muli %parallel_loop3A_539, %parallel_loop3A_628 : i32
        %parallel_loop3A_630 = arith.constant 7175 : i32
        %parallel_loop3A_631 = arith.addi %parallel_loop3A_630, %parallel_loop3A_629 : i32
        %parallel_loop3A_632 = arith.index_cast %parallel_loop3A_631 : i32 to index
        %parallel_loop3A_633 = tpu.vector_load %arg7[%parallel_loop3A_632] {strides = array<i32>} : memref<16400xi32, #tpu.memory_space<vmem>>, vector<16xi32>,
        %parallel_loop3A_634 = arith.addi %parallel_loop3A_621, %parallel_loop3A_633 : vector<16xi32>
        %parallel_loop3A_635 = arith.constant 16 : i32
        %parallel_loop3A_636 = arith.muli %parallel_loop3A_539, %parallel_loop3A_635 : i32
        %parallel_loop3A_637 = arith.constant 7175 : i32
        %parallel_loop3A_638 = arith.addi %parallel_loop3A_637, %parallel_loop3A_636 : i32
        %parallel_loop3A_639 = arith.index_cast %parallel_loop3A_638 : i32 to index
        %parallel_loop3A_640 = tpu.vector_load %arg7[%parallel_loop3A_639] {strides = array<i32>} : memref<16400xi32, #tpu.memory_space<vmem>>, vector<16xi32>,
        tpu.vector_store %arg7[%parallel_loop3A_639], %parallel_loop3A_541 {strides = array<i32>} : memref<16400xi32, #tpu.memory_space<vmem>>, vector<16xi32>,
        %parallel_loop3A_641 = arith.constant 16 : i32
        %parallel_loop3A_642 = arith.muli %parallel_loop3A_539, %parallel_loop3A_641 : i32
        %parallel_loop3A_643 = arith.constant 8200 : i32
        %parallel_loop3A_644 = arith.addi %parallel_loop3A_643, %parallel_loop3A_642 : i32
        %parallel_loop3A_645 = arith.index_cast %parallel_loop3A_644 : i32 to index
        %parallel_loop3A_646 = tpu.vector_load %arg7[%parallel_loop3A_645] {strides = array<i32>} : memref<16400xi32, #tpu.memory_space<vmem>>, vector<16xi32>,
        %parallel_loop3A_647 = arith.addi %parallel_loop3A_634, %parallel_loop3A_646 : vector<16xi32>
        %parallel_loop3A_648 = arith.constant 16 : i32
        %parallel_loop3A_649 = arith.muli %parallel_loop3A_539, %parallel_loop3A_648 : i32
        %parallel_loop3A_650 = arith.constant 8200 : i32
        %parallel_loop3A_651 = arith.addi %parallel_loop3A_650, %parallel_loop3A_649 : i32
        %parallel_loop3A_652 = arith.index_cast %parallel_loop3A_651 : i32 to index
        %parallel_loop3A_653 = tpu.vector_load %arg7[%parallel_loop3A_652] {strides = array<i32>} : memref<16400xi32, #tpu.memory_space<vmem>>, vector<16xi32>,
        tpu.vector_store %arg7[%parallel_loop3A_652], %parallel_loop3A_541 {strides = array<i32>} : memref<16400xi32, #tpu.memory_space<vmem>>, vector<16xi32>,
        %parallel_loop3A_654 = arith.constant 16 : i32
        %parallel_loop3A_655 = arith.muli %parallel_loop3A_539, %parallel_loop3A_654 : i32
        %parallel_loop3A_656 = arith.constant 9225 : i32
        %parallel_loop3A_657 = arith.addi %parallel_loop3A_656, %parallel_loop3A_655 : i32
        %parallel_loop3A_658 = arith.index_cast %parallel_loop3A_657 : i32 to index
        %parallel_loop3A_659 = tpu.vector_load %arg7[%parallel_loop3A_658] {strides = array<i32>} : memref<16400xi32, #tpu.memory_space<vmem>>, vector<16xi32>,
        %parallel_loop3A_660 = arith.addi %parallel_loop3A_647, %parallel_loop3A_659 : vector<16xi32>
        %parallel_loop3A_661 = arith.constant 16 : i32
        %parallel_loop3A_662 = arith.muli %parallel_loop3A_539, %parallel_loop3A_661 : i32
        %parallel_loop3A_663 = arith.constant 9225 : i32
        %parallel_loop3A_664 = arith.addi %parallel_loop3A_663, %parallel_loop3A_662 : i32
        %parallel_loop3A_665 = arith.index_cast %parallel_loop3A_664 : i32 to index
        %parallel_loop3A_666 = tpu.vector_load %arg7[%parallel_loop3A_665] {strides = array<i32>} : memref<16400xi32, #tpu.memory_space<vmem>>, vector<16xi32>,
        tpu.vector_store %arg7[%parallel_loop3A_665], %parallel_loop3A_541 {strides = array<i32>} : memref<16400xi32, #tpu.memory_space<vmem>>, vector<16xi32>,
        %parallel_loop3A_667 = arith.constant 16 : i32
        %parallel_loop3A_668 = arith.muli %parallel_loop3A_539, %parallel_loop3A_667 : i32
        %parallel_loop3A_669 = arith.constant 10250 : i32
        %parallel_loop3A_670 = arith.addi %parallel_loop3A_669, %parallel_loop3A_668 : i32
        %parallel_loop3A_671 = arith.index_cast %parallel_loop3A_670 : i32 to index
        %parallel_loop3A_672 = tpu.vector_load %arg7[%parallel_loop3A_671] {strides = array<i32>} : memref<16400xi32, #tpu.memory_space<vmem>>, vector<16xi32>,
        %parallel_loop3A_673 = arith.addi %parallel_loop3A_660, %parallel_loop3A_672 : vector<16xi32>
        %parallel_loop3A_674 = arith.constant 16 : i32
        %parallel_loop3A_675 = arith.muli %parallel_loop3A_539, %parallel_loop3A_674 : i32
        %parallel_loop3A_676 = arith.constant 10250 : i32
        %parallel_loop3A_677 = arith.addi %parallel_loop3A_676, %parallel_loop3A_675 : i32
        %parallel_loop3A_678 = arith.index_cast %parallel_loop3A_677 : i32 to index
        %parallel_loop3A_679 = tpu.vector_load %arg7[%parallel_loop3A_678] {strides = array<i32>} : memref<16400xi32, #tpu.memory_space<vmem>>, vector<16xi32>,
        tpu.vector_store %arg7[%parallel_loop3A_678], %parallel_loop3A_541 {strides = array<i32>} : memref<16400xi32, #tpu.memory_space<vmem>>, vector<16xi32>,
        %parallel_loop3A_680 = arith.constant 16 : i32
        %parallel_loop3A_681 = arith.muli %parallel_loop3A_539, %parallel_loop3A_680 : i32
        %parallel_loop3A_682 = arith.constant 11275 : i32
        %parallel_loop3A_683 = arith.addi %parallel_loop3A_682, %parallel_loop3A_681 : i32
        %parallel_loop3A_684 = arith.index_cast %parallel_loop3A_683 : i32 to index
        %parallel_loop3A_685 = tpu.vector_load %arg7[%parallel_loop3A_684] {strides = array<i32>} : memref<16400xi32, #tpu.memory_space<vmem>>, vector<16xi32>,
        %parallel_loop3A_686 = arith.addi %parallel_loop3A_673, %parallel_loop3A_685 : vector<16xi32>
        %parallel_loop3A_687 = arith.constant 16 : i32
        %parallel_loop3A_688 = arith.muli %parallel_loop3A_539, %parallel_loop3A_687 : i32
        %parallel_loop3A_689 = arith.constant 11275 : i32
        %parallel_loop3A_690 = arith.addi %parallel_loop3A_689, %parallel_loop3A_688 : i32
        %parallel_loop3A_691 = arith.index_cast %parallel_loop3A_690 : i32 to index
        %parallel_loop3A_692 = tpu.vector_load %arg7[%parallel_loop3A_691] {strides = array<i32>} : memref<16400xi32, #tpu.memory_space<vmem>>, vector<16xi32>,
        tpu.vector_store %arg7[%parallel_loop3A_691], %parallel_loop3A_541 {strides = array<i32>} : memref<16400xi32, #tpu.memory_space<vmem>>, vector<16xi32>,
        %parallel_loop3A_693 = arith.constant 16 : i32
        %parallel_loop3A_694 = arith.muli %parallel_loop3A_539, %parallel_loop3A_693 : i32
        %parallel_loop3A_695 = arith.constant 12300 : i32
        %parallel_loop3A_696 = arith.addi %parallel_loop3A_695, %parallel_loop3A_694 : i32
        %parallel_loop3A_697 = arith.index_cast %parallel_loop3A_696 : i32 to index
        %parallel_loop3A_698 = tpu.vector_load %arg7[%parallel_loop3A_697] {strides = array<i32>} : memref<16400xi32, #tpu.memory_space<vmem>>, vector<16xi32>,
        %parallel_loop3A_699 = arith.addi %parallel_loop3A_686, %parallel_loop3A_698 : vector<16xi32>
        %parallel_loop3A_700 = arith.constant 16 : i32
        %parallel_loop3A_701 = arith.muli %parallel_loop3A_539, %parallel_loop3A_700 : i32
        %parallel_loop3A_702 = arith.constant 12300 : i32
        %parallel_loop3A_703 = arith.addi %parallel_loop3A_702, %parallel_loop3A_701 : i32
        %parallel_loop3A_704 = arith.index_cast %parallel_loop3A_703 : i32 to index
        %parallel_loop3A_705 = tpu.vector_load %arg7[%parallel_loop3A_704] {strides = array<i32>} : memref<16400xi32, #tpu.memory_space<vmem>>, vector<16xi32>,
        tpu.vector_store %arg7[%parallel_loop3A_704], %parallel_loop3A_541 {strides = array<i32>} : memref<16400xi32, #tpu.memory_space<vmem>>, vector<16xi32>,
        %parallel_loop3A_706 = arith.constant 16 : i32
        %parallel_loop3A_707 = arith.muli %parallel_loop3A_539, %parallel_loop3A_706 : i32
        %parallel_loop3A_708 = arith.constant 13325 : i32
        %parallel_loop3A_709 = arith.addi %parallel_loop3A_708, %parallel_loop3A_707 : i32
        %parallel_loop3A_710 = arith.index_cast %parallel_loop3A_709 : i32 to index
        %parallel_loop3A_711 = tpu.vector_load %arg7[%parallel_loop3A_710] {strides = array<i32>} : memref<16400xi32, #tpu.memory_space<vmem>>, vector<16xi32>,
        %parallel_loop3A_712 = arith.addi %parallel_loop3A_699, %parallel_loop3A_711 : vector<16xi32>
        %parallel_loop3A_713 = arith.constant 16 : i32
        %parallel_loop3A_714 = arith.muli %parallel_loop3A_539, %parallel_loop3A_713 : i32
        %parallel_loop3A_715 = arith.constant 13325 : i32
        %parallel_loop3A_716 = arith.addi %parallel_loop3A_715, %parallel_loop3A_714 : i32
        %parallel_loop3A_717 = arith.index_cast %parallel_loop3A_716 : i32 to index
        %parallel_loop3A_718 = tpu.vector_load %arg7[%parallel_loop3A_717] {strides = array<i32>} : memref<16400xi32, #tpu.memory_space<vmem>>, vector<16xi32>,
        tpu.vector_store %arg7[%parallel_loop3A_717], %parallel_loop3A_541 {strides = array<i32>} : memref<16400xi32, #tpu.memory_space<vmem>>, vector<16xi32>,
        %parallel_loop3A_719 = arith.constant 16 : i32
        %parallel_loop3A_720 = arith.muli %parallel_loop3A_539, %parallel_loop3A_719 : i32
        %parallel_loop3A_721 = arith.constant 14350 : i32
        %parallel_loop3A_722 = arith.addi %parallel_loop3A_721, %parallel_loop3A_720 : i32
        %parallel_loop3A_723 = arith.index_cast %parallel_loop3A_722 : i32 to index
        %parallel_loop3A_724 = tpu.vector_load %arg7[%parallel_loop3A_723] {strides = array<i32>} : memref<16400xi32, #tpu.memory_space<vmem>>, vector<16xi32>,
        %parallel_loop3A_725 = arith.addi %parallel_loop3A_712, %parallel_loop3A_724 : vector<16xi32>
        %parallel_loop3A_726 = arith.constant 16 : i32
        %parallel_loop3A_727 = arith.muli %parallel_loop3A_539, %parallel_loop3A_726 : i32
        %parallel_loop3A_728 = arith.constant 14350 : i32
        %parallel_loop3A_729 = arith.addi %parallel_loop3A_728, %parallel_loop3A_727 : i32
        %parallel_loop3A_730 = arith.index_cast %parallel_loop3A_729 : i32 to index
        %parallel_loop3A_731 = tpu.vector_load %arg7[%parallel_loop3A_730] {strides = array<i32>} : memref<16400xi32, #tpu.memory_space<vmem>>, vector<16xi32>,
        tpu.vector_store %arg7[%parallel_loop3A_730], %parallel_loop3A_541 {strides = array<i32>} : memref<16400xi32, #tpu.memory_space<vmem>>, vector<16xi32>,
        %parallel_loop3A_732 = arith.constant 16 : i32
        %parallel_loop3A_733 = arith.muli %parallel_loop3A_539, %parallel_loop3A_732 : i32
        %parallel_loop3A_734 = arith.constant 15375 : i32
        %parallel_loop3A_735 = arith.addi %parallel_loop3A_734, %parallel_loop3A_733 : i32
        %parallel_loop3A_736 = arith.index_cast %parallel_loop3A_735 : i32 to index
        %parallel_loop3A_737 = tpu.vector_load %arg7[%parallel_loop3A_736] {strides = array<i32>} : memref<16400xi32, #tpu.memory_space<vmem>>, vector<16xi32>,
        %parallel_loop3A_738 = arith.addi %parallel_loop3A_725, %parallel_loop3A_737 : vector<16xi32>
        %parallel_loop3A_739 = arith.constant 16 : i32
        %parallel_loop3A_740 = arith.muli %parallel_loop3A_539, %parallel_loop3A_739 : i32
        %parallel_loop3A_741 = arith.constant 15375 : i32
        %parallel_loop3A_742 = arith.addi %parallel_loop3A_741, %parallel_loop3A_740 : i32
        %parallel_loop3A_743 = arith.index_cast %parallel_loop3A_742 : i32 to index
        %parallel_loop3A_744 = tpu.vector_load %arg7[%parallel_loop3A_743] {strides = array<i32>} : memref<16400xi32, #tpu.memory_space<vmem>>, vector<16xi32>,
        tpu.vector_store %arg7[%parallel_loop3A_743], %parallel_loop3A_541 {strides = array<i32>} : memref<16400xi32, #tpu.memory_space<vmem>>, vector<16xi32>,
        %parallel_loop3A_745 = arith.constant 15 : i32
        %parallel_loop3A_746 = vector.broadcast %parallel_loop3A_745 : i32 to vector<16xi32>
        %parallel_loop3A_747 = tpu.iota {dimensions = array<i32: 0>} : vector<16xi32>
        %parallel_loop3A_748 = arith.subi %parallel_loop3A_746, %parallel_loop3A_747 : vector<16xi32>
        %parallel_loop3A_749 = tpu.dynamic_gather %parallel_loop3A_738[%parallel_loop3A_748] in [0] : vector<16xi32>, vector<16xi32> -> vector<16xi32>
        %parallel_loop3A_750 = arith.constant true
        %parallel_loop3A_751 = vector.broadcast %parallel_loop3A_750 : i1 to vector<16xi1>
        %parallel_loop3A_752 = tpu.scan <sum>, %parallel_loop3A_749 masked %parallel_loop3A_751 : vector<16xi32>, vector<16xi1> -> vector<16xi32>
        %parallel_loop3A_753 = arith.constant 16 : i32
        %parallel_loop3A_754 = arith.muli %parallel_loop3A_539, %parallel_loop3A_753 : i32
        %parallel_loop3A_755 = arith.index_cast %parallel_loop3A_754 : i32 to index
        %parallel_loop3A_756 = tpu.vector_load %arg8[%parallel_loop3A_755] {strides = array<i32>} : memref<1024xi32, #tpu.memory_space<vmem>>, vector<16xi32>,
        tpu.vector_store %arg8[%parallel_loop3A_755], %parallel_loop3A_752 {strides = array<i32>} : memref<1024xi32, #tpu.memory_space<vmem>>, vector<16xi32>,
        %parallel_loop3A_757 = arith.constant 16 : i32
        %parallel_loop3A_758 = arith.muli %parallel_loop3A_539, %parallel_loop3A_757 : i32
        %parallel_loop3A_759 = arith.index_cast %parallel_loop3A_758 : i32 to index
        %parallel_loop3A_760 = tpu.vector_load %arg10[%parallel_loop3A_759] {strides = array<i32>} : memref<1024xi32, #tpu.memory_space<vmem>>, vector<16xi32>,
        tpu.vector_store %arg10[%parallel_loop3A_759], %parallel_loop3A_749 {strides = array<i32>} : memref<1024xi32, #tpu.memory_space<vmem>>, vector<16xi32>,
      } {sc.loop_unroll_factor = 2 : i64, sc.parallel_access}
      %add3A_45 = arith.constant 48 : i32
      %add3A_46 = vector.broadcast %add3A_45 : i32 to vector<16xi32>
      %add3A_47 = arith.addi %iota3A, %add3A_46 : vector<16xi32>
      %mul3A_48 = arith.constant 16 : i32
      %mul3A_49 = vector.broadcast %mul3A_48 : i32 to vector<16xi32>
      %mul3A_50 = arith.muli %add3A_47, %mul3A_49 : vector<16xi32>
      %add3A_51 = arith.constant 15 : i32
      %add3A_52 = vector.broadcast %add3A_51 : i32 to vector<16xi32>
      %add3A_53 = arith.addi %mul3A_50, %add3A_52 : vector<16xi32>
      %gather3A = tpu.vector_load_idx %arg8[%add3A_53] : memref<1024xi32, #tpu.memory_space<vmem>>[vector<16xi32>], vector<16xi32>,
      %add3A_54 = arith.constant 48 : i32
      %add3A_55 = vector.broadcast %add3A_54 : i32 to vector<16xi32>
      %add3A_56 = arith.addi %iota3A, %add3A_55 : vector<16xi32>
      %lt3A = arith.constant 64 : i32
      %lt3A_57 = vector.broadcast %lt3A : i32 to vector<16xi32>
      %lt3A_58 = arith.cmpi slt, %add3A_56, %lt3A_57 : vector<16xi32>
      %jit3A = arith.constant 0 : i32
      %broadcast_in_dim3A_59 = vector.broadcast %jit3A : i32 to vector<16xi32>
      %select_n3A = arith.select %lt3A_58, %gather3A, %broadcast_in_dim3A_59 : vector<16xi1>, vector<16xi32>
      %rev3A = arith.constant 15 : i32
      %rev3A_60 = vector.broadcast %rev3A : i32 to vector<16xi32>
      %rev3A_61 = tpu.iota {dimensions = array<i32: 0>} : vector<16xi32>
      %rev3A_62 = arith.subi %rev3A_60, %rev3A_61 : vector<16xi32>
      %rev3A_63 = tpu.dynamic_gather %select_n3A[%rev3A_62] in [0] : vector<16xi32>, vector<16xi32> -> vector<16xi32>
      %cumsum3A = arith.constant true
      %cumsum3A_64 = vector.broadcast %cumsum3A : i1 to vector<16xi1>
      %cumsum3A_65 = tpu.scan <sum>, %rev3A_63 masked %cumsum3A_64 : vector<16xi32>, vector<16xi1> -> vector<16xi32>
      %rev3A_66 = arith.constant 15 : i32
      %rev3A_67 = vector.broadcast %rev3A_66 : i32 to vector<16xi32>
      %rev3A_68 = tpu.iota {dimensions = array<i32: 0>} : vector<16xi32>
      %rev3A_69 = arith.subi %rev3A_67, %rev3A_68 : vector<16xi32>
      %rev3A_70 = tpu.dynamic_gather %cumsum3A_65[%rev3A_69] in [0] : vector<16xi32>, vector<16xi32> -> vector<16xi32>
      %sub3A = arith.subi %rev3A_70, %select_n3A : vector<16xi32>
      %add3A_71 = arith.constant 0 : i32
      %add3A_72 = vector.broadcast %add3A_71 : i32 to vector<16xi32>
      %add3A_73 = arith.addi %sub3A, %add3A_72 : vector<16xi32>
      %swap3A_74 = arith.constant 48 : index
      %swap3A_75 = tpu.vector_load %arg9[%swap3A_74] {strides = array<i32>} : memref<64xi32, #tpu.memory_space<vmem>>, vector<16xi32>,
      tpu.vector_store %arg9[%swap3A_74], %add3A_73 {strides = array<i32>} : memref<64xi32, #tpu.memory_space<vmem>>, vector<16xi32>,
      %reduce_sum3A = arith.constant true
      %reduce_sum3A_76 = vector.broadcast %reduce_sum3A : i1 to vector<16xi1>
      %reduce_sum3A_77 = tpu.scan <sum>, %select_n3A masked %reduce_sum3A_76 : vector<16xi32>, vector<16xi1> -> vector<16xi32>
      %reduce_sum3A_78 = vector.extract %reduce_sum3A_77[15] : i32 from vector<16xi32>
      %add3A_79 = arith.constant 0 : i32
      %add3A_80 = arith.addi %add3A_79, %reduce_sum3A_78 : i32
      %add3A_81 = arith.constant 32 : i32
      %add3A_82 = vector.broadcast %add3A_81 : i32 to vector<16xi32>
      %add3A_83 = arith.addi %iota3A, %add3A_82 : vector<16xi32>
      %mul3A_84 = arith.constant 16 : i32
      %mul3A_85 = vector.broadcast %mul3A_84 : i32 to vector<16xi32>
      %mul3A_86 = arith.muli %add3A_83, %mul3A_85 : vector<16xi32>
      %add3A_87 = arith.constant 15 : i32
      %add3A_88 = vector.broadcast %add3A_87 : i32 to vector<16xi32>
      %add3A_89 = arith.addi %mul3A_86, %add3A_88 : vector<16xi32>
      %gather3A_90 = tpu.vector_load_idx %arg8[%add3A_89] : memref<1024xi32, #tpu.memory_space<vmem>>[vector<16xi32>], vector<16xi32>,
      %add3A_91 = arith.constant 32 : i32
      %add3A_92 = vector.broadcast %add3A_91 : i32 to vector<16xi32>
      %add3A_93 = arith.addi %iota3A, %add3A_92 : vector<16xi32>
      %lt3A_94 = arith.constant 64 : i32
      %lt3A_95 = vector.broadcast %lt3A_94 : i32 to vector<16xi32>
      %lt3A_96 = arith.cmpi slt, %add3A_93, %lt3A_95 : vector<16xi32>
      %jit3A_97 = arith.constant 0 : i32
      %broadcast_in_dim3A_98 = vector.broadcast %jit3A_97 : i32 to vector<16xi32>
      %select_n3A_99 = arith.select %lt3A_96, %gather3A_90, %broadcast_in_dim3A_98 : vector<16xi1>, vector<16xi32>
      %rev3A_100 = arith.constant 15 : i32
      %rev3A_101 = vector.broadcast %rev3A_100 : i32 to vector<16xi32>
      %rev3A_102 = tpu.iota {dimensions = array<i32: 0>} : vector<16xi32>
      %rev3A_103 = arith.subi %rev3A_101, %rev3A_102 : vector<16xi32>
      %rev3A_104 = tpu.dynamic_gather %select_n3A_99[%rev3A_103] in [0] : vector<16xi32>, vector<16xi32> -> vector<16xi32>
      %cumsum3A_105 = arith.constant true
      %cumsum3A_106 = vector.broadcast %cumsum3A_105 : i1 to vector<16xi1>
      %cumsum3A_107 = tpu.scan <sum>, %rev3A_104 masked %cumsum3A_106 : vector<16xi32>, vector<16xi1> -> vector<16xi32>
      %rev3A_108 = arith.constant 15 : i32
      %rev3A_109 = vector.broadcast %rev3A_108 : i32 to vector<16xi32>
      %rev3A_110 = tpu.iota {dimensions = array<i32: 0>} : vector<16xi32>
      %rev3A_111 = arith.subi %rev3A_109, %rev3A_110 : vector<16xi32>
      %rev3A_112 = tpu.dynamic_gather %cumsum3A_107[%rev3A_111] in [0] : vector<16xi32>, vector<16xi32> -> vector<16xi32>
      %sub3A_113 = arith.subi %rev3A_112, %select_n3A_99 : vector<16xi32>
      %add3A_114 = vector.broadcast %add3A_80 : i32 to vector<16xi32>
      %add3A_115 = arith.addi %sub3A_113, %add3A_114 : vector<16xi32>
      %swap3A_116 = arith.constant 32 : index
      %swap3A_117 = tpu.vector_load %arg9[%swap3A_116] {strides = array<i32>} : memref<64xi32, #tpu.memory_space<vmem>>, vector<16xi32>,
      tpu.vector_store %arg9[%swap3A_116], %add3A_115 {strides = array<i32>} : memref<64xi32, #tpu.memory_space<vmem>>, vector<16xi32>,
      %reduce_sum3A_118 = arith.constant true
      %reduce_sum3A_119 = vector.broadcast %reduce_sum3A_118 : i1 to vector<16xi1>
      %reduce_sum3A_120 = tpu.scan <sum>, %select_n3A_99 masked %reduce_sum3A_119 : vector<16xi32>, vector<16xi1> -> vector<16xi32>
      %reduce_sum3A_121 = vector.extract %reduce_sum3A_120[15] : i32 from vector<16xi32>
      %add3A_122 = arith.addi %add3A_80, %reduce_sum3A_121 : i32
      %add3A_123 = arith.constant 16 : i32
      %add3A_124 = vector.broadcast %add3A_123 : i32 to vector<16xi32>
      %add3A_125 = arith.addi %iota3A, %add3A_124 : vector<16xi32>
      %mul3A_126 = arith.constant 16 : i32
      %mul3A_127 = vector.broadcast %mul3A_126 : i32 to vector<16xi32>
      %mul3A_128 = arith.muli %add3A_125, %mul3A_127 : vector<16xi32>
      %add3A_129 = arith.constant 15 : i32
      %add3A_130 = vector.broadcast %add3A_129 : i32 to vector<16xi32>
      %add3A_131 = arith.addi %mul3A_128, %add3A_130 : vector<16xi32>
      %gather3A_132 = tpu.vector_load_idx %arg8[%add3A_131] : memref<1024xi32, #tpu.memory_space<vmem>>[vector<16xi32>], vector<16xi32>,
      %add3A_133 = arith.constant 16 : i32
      %add3A_134 = vector.broadcast %add3A_133 : i32 to vector<16xi32>
      %add3A_135 = arith.addi %iota3A, %add3A_134 : vector<16xi32>
      %lt3A_136 = arith.constant 64 : i32
      %lt3A_137 = vector.broadcast %lt3A_136 : i32 to vector<16xi32>
      %lt3A_138 = arith.cmpi slt, %add3A_135, %lt3A_137 : vector<16xi32>
      %jit3A_139 = arith.constant 0 : i32
      %broadcast_in_dim3A_140 = vector.broadcast %jit3A_139 : i32 to vector<16xi32>
      %select_n3A_141 = arith.select %lt3A_138, %gather3A_132, %broadcast_in_dim3A_140 : vector<16xi1>, vector<16xi32>
      %rev3A_142 = arith.constant 15 : i32
      %rev3A_143 = vector.broadcast %rev3A_142 : i32 to vector<16xi32>
      %rev3A_144 = tpu.iota {dimensions = array<i32: 0>} : vector<16xi32>
      %rev3A_145 = arith.subi %rev3A_143, %rev3A_144 : vector<16xi32>
      %rev3A_146 = tpu.dynamic_gather %select_n3A_141[%rev3A_145] in [0] : vector<16xi32>, vector<16xi32> -> vector<16xi32>
      %cumsum3A_147 = arith.constant true
      %cumsum3A_148 = vector.broadcast %cumsum3A_147 : i1 to vector<16xi1>
      %cumsum3A_149 = tpu.scan <sum>, %rev3A_146 masked %cumsum3A_148 : vector<16xi32>, vector<16xi1> -> vector<16xi32>
      %rev3A_150 = arith.constant 15 : i32
      %rev3A_151 = vector.broadcast %rev3A_150 : i32 to vector<16xi32>
      %rev3A_152 = tpu.iota {dimensions = array<i32: 0>} : vector<16xi32>
      %rev3A_153 = arith.subi %rev3A_151, %rev3A_152 : vector<16xi32>
      %rev3A_154 = tpu.dynamic_gather %cumsum3A_149[%rev3A_153] in [0] : vector<16xi32>, vector<16xi32> -> vector<16xi32>
      %sub3A_155 = arith.subi %rev3A_154, %select_n3A_141 : vector<16xi32>
      %add3A_156 = vector.broadcast %add3A_122 : i32 to vector<16xi32>
      %add3A_157 = arith.addi %sub3A_155, %add3A_156 : vector<16xi32>
      %swap3A_158 = arith.constant 16 : index
      %swap3A_159 = tpu.vector_load %arg9[%swap3A_158] {strides = array<i32>} : memref<64xi32, #tpu.memory_space<vmem>>, vector<16xi32>,
      tpu.vector_store %arg9[%swap3A_158], %add3A_157 {strides = array<i32>} : memref<64xi32, #tpu.memory_space<vmem>>, vector<16xi32>,
      %reduce_sum3A_160 = arith.constant true
      %reduce_sum3A_161 = vector.broadcast %reduce_sum3A_160 : i1 to vector<16xi1>
      %reduce_sum3A_162 = tpu.scan <sum>, %select_n3A_141 masked %reduce_sum3A_161 : vector<16xi32>, vector<16xi1> -> vector<16xi32>
      %reduce_sum3A_163 = vector.extract %reduce_sum3A_162[15] : i32 from vector<16xi32>
      %add3A_164 = arith.addi %add3A_122, %reduce_sum3A_163 : i32
      %add3A_165 = arith.constant 0 : i32
      %add3A_166 = vector.broadcast %add3A_165 : i32 to vector<16xi32>
      %add3A_167 = arith.addi %iota3A, %add3A_166 : vector<16xi32>
      %mul3A_168 = arith.constant 16 : i32
      %mul3A_169 = vector.broadcast %mul3A_168 : i32 to vector<16xi32>
      %mul3A_170 = arith.muli %add3A_167, %mul3A_169 : vector<16xi32>
      %add3A_171 = arith.constant 15 : i32
      %add3A_172 = vector.broadcast %add3A_171 : i32 to vector<16xi32>
      %add3A_173 = arith.addi %mul3A_170, %add3A_172 : vector<16xi32>
      %gather3A_174 = tpu.vector_load_idx %arg8[%add3A_173] : memref<1024xi32, #tpu.memory_space<vmem>>[vector<16xi32>], vector<16xi32>,
      %add3A_175 = arith.constant 0 : i32
      %add3A_176 = vector.broadcast %add3A_175 : i32 to vector<16xi32>
      %add3A_177 = arith.addi %iota3A, %add3A_176 : vector<16xi32>
      %lt3A_178 = arith.constant 64 : i32
      %lt3A_179 = vector.broadcast %lt3A_178 : i32 to vector<16xi32>
      %lt3A_180 = arith.cmpi slt, %add3A_177, %lt3A_179 : vector<16xi32>
      %jit3A_181 = arith.constant 0 : i32
      %broadcast_in_dim3A_182 = vector.broadcast %jit3A_181 : i32 to vector<16xi32>
      %select_n3A_183 = arith.select %lt3A_180, %gather3A_174, %broadcast_in_dim3A_182 : vector<16xi1>, vector<16xi32>
      %rev3A_184 = arith.constant 15 : i32
      %rev3A_185 = vector.broadcast %rev3A_184 : i32 to vector<16xi32>
      %rev3A_186 = tpu.iota {dimensions = array<i32: 0>} : vector<16xi32>
      %rev3A_187 = arith.subi %rev3A_185, %rev3A_186 : vector<16xi32>
      %rev3A_188 = tpu.dynamic_gather %select_n3A_183[%rev3A_187] in [0] : vector<16xi32>, vector<16xi32> -> vector<16xi32>
      %cumsum3A_189 = arith.constant true
      %cumsum3A_190 = vector.broadcast %cumsum3A_189 : i1 to vector<16xi1>
      %cumsum3A_191 = tpu.scan <sum>, %rev3A_188 masked %cumsum3A_190 : vector<16xi32>, vector<16xi1> -> vector<16xi32>
      %rev3A_192 = arith.constant 15 : i32
      %rev3A_193 = vector.broadcast %rev3A_192 : i32 to vector<16xi32>
      %rev3A_194 = tpu.iota {dimensions = array<i32: 0>} : vector<16xi32>
      %rev3A_195 = arith.subi %rev3A_193, %rev3A_194 : vector<16xi32>
      %rev3A_196 = tpu.dynamic_gather %cumsum3A_191[%rev3A_195] in [0] : vector<16xi32>, vector<16xi32> -> vector<16xi32>
      %sub3A_197 = arith.subi %rev3A_196, %select_n3A_183 : vector<16xi32>
      %add3A_198 = vector.broadcast %add3A_164 : i32 to vector<16xi32>
      %add3A_199 = arith.addi %sub3A_197, %add3A_198 : vector<16xi32>
      %swap3A_200 = arith.constant 0 : index
      %swap3A_201 = tpu.vector_load %arg9[%swap3A_200] {strides = array<i32>} : memref<64xi32, #tpu.memory_space<vmem>>, vector<16xi32>,
      tpu.vector_store %arg9[%swap3A_200], %add3A_199 {strides = array<i32>} : memref<64xi32, #tpu.memory_space<vmem>>, vector<16xi32>,
      %reduce_sum3A_202 = arith.constant true
      %reduce_sum3A_203 = vector.broadcast %reduce_sum3A_202 : i1 to vector<16xi1>
      %reduce_sum3A_204 = tpu.scan <sum>, %select_n3A_183 masked %reduce_sum3A_203 : vector<16xi32>, vector<16xi1> -> vector<16xi32>
      %reduce_sum3A_205 = vector.extract %reduce_sum3A_204[15] : i32 from vector<16xi32>
      %add3A_206 = arith.addi %add3A_164, %reduce_sum3A_205 : i32
      %broadcast_in_dim3A_207 = arith.constant -1 : i32
      %broadcast_in_dim3A_208 = vector.broadcast %broadcast_in_dim3A_207 : i32 to vector<16xi32>
      %broadcast_in_dim3A_209 = arith.constant 2147483647 : i32
      %broadcast_in_dim3A_210 = vector.broadcast %broadcast_in_dim3A_209 : i32 to vector<16xi32>
      %parallel_loop3A_211 = arith.constant 0 : i32
      %parallel_loop3A_212 = arith.constant 64 : i32
      %parallel_loop3A_213 = arith.constant 1 : i32
      %parallel_loop3A_214 = arith.constant 3277 : i32
      %parallel_loop3A_215:2 = scf.for %parallel_loop3A_539 = %parallel_loop3A_211 to %parallel_loop3A_212 step %parallel_loop3A_213 iter_args(%parallel_loop3A_540 = %broadcast_in_dim3A_208, %parallel_loop3A_541 = %broadcast_in_dim3A_210) -> (vector<16xi32>, vector<16xi32>)  : i32 {
        %parallel_loop3A_542 = arith.constant 0 : i32
        %parallel_loop3A_543 = vector.broadcast %parallel_loop3A_542 : i32 to vector<16xi32>
        %parallel_loop3A_544 = vector.broadcast %parallel_loop3A_539 : i32 to vector<16xi32>
        %parallel_loop3A_545 = arith.addi %parallel_loop3A_543, %parallel_loop3A_544 : vector<16xi32>
        %parallel_loop3A_546 = tpu.vector_load_idx %arg9[%parallel_loop3A_545] : memref<64xi32, #tpu.memory_space<vmem>>[vector<16xi32>], vector<16xi32>,
        %parallel_loop3A_547 = arith.constant 16 : i32
        %parallel_loop3A_548 = arith.muli %parallel_loop3A_539, %parallel_loop3A_547 : i32
        %parallel_loop3A_549 = arith.index_cast %parallel_loop3A_548 : i32 to index
        %parallel_loop3A_550 = tpu.vector_load %arg8[%parallel_loop3A_549] {strides = array<i32>} : memref<1024xi32, #tpu.memory_space<vmem>>, vector<16xi32>,
        %parallel_loop3A_551 = arith.addi %parallel_loop3A_550, %parallel_loop3A_546 : vector<16xi32>
        %parallel_loop3A_552 = arith.constant 16 : i32
        %parallel_loop3A_553 = arith.muli %parallel_loop3A_539, %parallel_loop3A_552 : i32
        %parallel_loop3A_554 = arith.index_cast %parallel_loop3A_553 : i32 to index
        %parallel_loop3A_555 = tpu.vector_load %arg10[%parallel_loop3A_554] {strides = array<i32>} : memref<1024xi32, #tpu.memory_space<vmem>>, vector<16xi32>,
        %parallel_loop3A_556 = arith.subi %parallel_loop3A_551, %parallel_loop3A_555 : vector<16xi32>
        %parallel_loop3A_557 = vector.broadcast %parallel_loop3A_214 : i32 to vector<16xi32>
        %parallel_loop3A_558 = arith.cmpi sge, %parallel_loop3A_551, %parallel_loop3A_557 : vector<16xi32>
        %parallel_loop3A_559 = arith.constant 16 : i32
        %parallel_loop3A_560 = arith.muli %parallel_loop3A_539, %parallel_loop3A_559 : i32
        %parallel_loop3A_561 = arith.constant 15 : i32
        %parallel_loop3A_562 = arith.addi %parallel_loop3A_560, %parallel_loop3A_561 : i32
        %parallel_loop3A_563 = vector.broadcast %parallel_loop3A_562 : i32 to vector<16xi32>
        %parallel_loop3A_564 = arith.subi %parallel_loop3A_563, %iota3A : vector<16xi32>
        %parallel_loop3A_565 = arith.constant -1 : i32
        %parallel_loop3A_566 = vector.broadcast %parallel_loop3A_565 : i32 to vector<16xi32>
        %parallel_loop3A_567 = arith.select %parallel_loop3A_558, %parallel_loop3A_564, %parallel_loop3A_566 : vector<16xi1>, vector<16xi32>
        %parallel_loop3A_568 = arith.maxsi %parallel_loop3A_540, %parallel_loop3A_567 : vector<16xi32>
        %parallel_loop3A_569 = arith.constant 2147483647 : i32
        %parallel_loop3A_570 = vector.broadcast %parallel_loop3A_569 : i32 to vector<16xi32>
        %parallel_loop3A_571 = arith.select %parallel_loop3A_558, %parallel_loop3A_556, %parallel_loop3A_570 : vector<16xi1>, vector<16xi32>
        %parallel_loop3A_572 = arith.minsi %parallel_loop3A_541, %parallel_loop3A_571 : vector<16xi32>
        scf.yield %parallel_loop3A_568, %parallel_loop3A_572 : vector<16xi32>, vector<16xi32>
      } {sc.loop_unroll_factor = 2 : i64, sc.parallel_access}
      %reduce_max3A = arith.constant true
      %reduce_max3A_216 = vector.broadcast %reduce_max3A : i1 to vector<16xi1>
      %reduce_max3A_217 = arith.constant -2147483648 : i32
      %reduce_max3A_218 = vector.broadcast %reduce_max3A_217 : i32 to vector<16xi32>
      %reduce_max3A_219 = arith.xori %parallel_loop3A_215#0, %reduce_max3A_218 : vector<16xi32>
      %reduce_max3A_220 = tpu.scan <max>, %reduce_max3A_219 masked %reduce_max3A_216 : vector<16xi32>, vector<16xi1> -> vector<16xi32>
      %reduce_max3A_221 = arith.xori %reduce_max3A_220, %reduce_max3A_218 : vector<16xi32>
      %reduce_max3A_222 = vector.extract %reduce_max3A_221[15] : i32 from vector<16xi32>
      %reduce_min3A = arith.constant true
      %reduce_min3A_223 = vector.broadcast %reduce_min3A : i1 to vector<16xi1>
      %reduce_min3A_224 = arith.constant -2147483648 : i32
      %reduce_min3A_225 = vector.broadcast %reduce_min3A_224 : i32 to vector<16xi32>
      %reduce_min3A_226 = arith.xori %parallel_loop3A_215#1, %reduce_min3A_225 : vector<16xi32>
      %reduce_min3A_227 = tpu.scan <min>, %reduce_min3A_226 masked %reduce_min3A_223 : vector<16xi32>, vector<16xi1> -> vector<16xi32>
      %reduce_min3A_228 = arith.xori %reduce_min3A_227, %reduce_min3A_225 : vector<16xi32>
      %reduce_min3A_229 = vector.extract %reduce_min3A_228[15] : i32 from vector<16xi32>
      %broadcast_in_dim3A_230 = arith.constant 0.000000e+00 : f32
      %broadcast_in_dim3A_231 = vector.broadcast %broadcast_in_dim3A_230 : f32 to vector<16xf32>
      %broadcast_in_dim3A_232 = arith.constant 0 : i32
      %broadcast_in_dim3A_233 = vector.broadcast %broadcast_in_dim3A_232 : i32 to vector<16xi32>
      %parallel_loop3A_234 = arith.constant 0 : i32
      %parallel_loop3A_235 = arith.constant 2048 : i32
      %parallel_loop3A_236 = arith.constant 1 : i32
      %parallel_loop3A_237:2 = scf.for %parallel_loop3A_539 = %parallel_loop3A_234 to %parallel_loop3A_235 step %parallel_loop3A_236 iter_args(%parallel_loop3A_540 = %broadcast_in_dim3A_233, %parallel_loop3A_541 = %broadcast_in_dim3A_231) -> (vector<16xi32>, vector<16xf32>)  : i32 {
        %parallel_loop3A_542 = arith.constant 16 : i32
        %parallel_loop3A_543 = arith.muli %parallel_loop3A_539, %parallel_loop3A_542 : i32
        %parallel_loop3A_544 = arith.index_cast %parallel_loop3A_543 : i32 to index
        %parallel_loop3A_545 = tpu.vector_load %arg4[%parallel_loop3A_544] {strides = array<i32>} : memref<32768xf32, #tpu.memory_space<vmem>>, vector<16xf32>,
        %parallel_loop3A_546 = tpu.bitcast %parallel_loop3A_545 : vector<16xf32> -> vector<16xi32>
        %parallel_loop3A_547 = arith.constant 31 : i32
        %parallel_loop3A_548 = vector.broadcast %parallel_loop3A_547 : i32 to vector<16xi32>
        %parallel_loop3A_549 = arith.shrui %parallel_loop3A_546, %parallel_loop3A_548 : vector<16xi32>
        %parallel_loop3A_550 = arith.constant -1 : i32
        %parallel_loop3A_551 = vector.broadcast %parallel_loop3A_550 : i32 to vector<16xi32>
        %parallel_loop3A_552 = arith.muli %parallel_loop3A_549, %parallel_loop3A_551 : vector<16xi32>
        %parallel_loop3A_553 = arith.constant -2147483648 : i32
        %parallel_loop3A_554 = vector.broadcast %parallel_loop3A_553 : i32 to vector<16xi32>
        %parallel_loop3A_555 = arith.ori %parallel_loop3A_552, %parallel_loop3A_554 : vector<16xi32>
        %parallel_loop3A_556 = arith.xori %parallel_loop3A_546, %parallel_loop3A_555 : vector<16xi32>
        %parallel_loop3A_557 = arith.constant 22 : i32
        %parallel_loop3A_558 = vector.broadcast %parallel_loop3A_557 : i32 to vector<16xi32>
        %parallel_loop3A_559 = arith.shrui %parallel_loop3A_556, %parallel_loop3A_558 : vector<16xi32>
        %parallel_loop3A_560 = vector.broadcast %reduce_max3A_222 : i32 to vector<16xi32>
        %parallel_loop3A_561 = arith.cmpi sgt, %parallel_loop3A_559, %parallel_loop3A_560 : vector<16xi32>
        %parallel_loop3A_562 = vector.broadcast %reduce_max3A_222 : i32 to vector<16xi32>
        %parallel_loop3A_563 = arith.cmpi eq, %parallel_loop3A_559, %parallel_loop3A_562 : vector<16xi32>
        %parallel_loop3A_564 = arith.constant 0.000000e+00 : f32
        %parallel_loop3A_565 = vector.broadcast %parallel_loop3A_564 : f32 to vector<16xf32>
        %parallel_loop3A_566 = arith.select %parallel_loop3A_561, %parallel_loop3A_545, %parallel_loop3A_565 : vector<16xi1>, vector<16xf32>
        %parallel_loop3A_567 = arith.addf %parallel_loop3A_541, %parallel_loop3A_566 : vector<16xf32>
        %parallel_loop3A_568 = arith.addi %mul3A_7, %parallel_loop3A_540 : vector<16xi32>
        %parallel_loop3A_569 = tpu.bitcast %parallel_loop3A_556 : vector<16xi32> -> vector<16xi32>
        tpu.vector_store_idx %arg6[%parallel_loop3A_568], %parallel_loop3A_569 masked %parallel_loop3A_563 : memref<32784xi32, #tpu.memory_space<vmem>>[vector<16xi32>], vector<16xi32>, vector<16xi1>
        %parallel_loop3A_570 = arith.extui %parallel_loop3A_563 : vector<16xi1> to vector<16xi32>
        %parallel_loop3A_571 = arith.addi %parallel_loop3A_540, %parallel_loop3A_570 : vector<16xi32>
        scf.yield %parallel_loop3A_571, %parallel_loop3A_567 : vector<16xi32>, vector<16xf32>
      } {sc.loop_unroll_factor = 8 : i64, sc.parallel_access}
      %reduce_max3A_238 = arith.constant true
      %reduce_max3A_239 = vector.broadcast %reduce_max3A_238 : i1 to vector<16xi1>
      %reduce_max3A_240 = arith.constant -2147483648 : i32
      %reduce_max3A_241 = vector.broadcast %reduce_max3A_240 : i32 to vector<16xi32>
      %reduce_max3A_242 = arith.xori %parallel_loop3A_237#0, %reduce_max3A_241 : vector<16xi32>
      %reduce_max3A_243 = tpu.scan <max>, %reduce_max3A_242 masked %reduce_max3A_239 : vector<16xi32>, vector<16xi1> -> vector<16xi32>
      %reduce_max3A_244 = arith.xori %reduce_max3A_243, %reduce_max3A_241 : vector<16xi32>
      %reduce_max3A_245 = vector.extract %reduce_max3A_244[15] : i32 from vector<16xi32>
      %parallel_loop3A_246 = arith.constant 0 : i32
      %parallel_loop3A_247 = arith.constant 1 : i32
      scf.for %parallel_loop3A_539 = %parallel_loop3A_246 to %reduce_max3A_245 step %parallel_loop3A_247  : i32 {
        %parallel_loop3A_540 = vector.broadcast %parallel_loop3A_539 : i32 to vector<16xi32>
        %parallel_loop3A_541 = arith.addi %mul3A_7, %parallel_loop3A_540 : vector<16xi32>
        %parallel_loop3A_542 = tpu.vector_load_idx %arg6[%parallel_loop3A_541] : memref<32784xi32, #tpu.memory_space<vmem>>[vector<16xi32>], vector<16xi32>,
        %parallel_loop3A_543 = tpu.bitcast %parallel_loop3A_542 : vector<16xi32> -> vector<16xi32>
        %parallel_loop3A_544 = vector.broadcast %parallel_loop3A_539 : i32 to vector<16xi32>
        %parallel_loop3A_545 = arith.cmpi sgt, %parallel_loop3A_237#0, %parallel_loop3A_544 : vector<16xi32>
        %parallel_loop3A_546 = arith.constant 14 : i32
        %parallel_loop3A_547 = vector.broadcast %parallel_loop3A_546 : i32 to vector<16xi32>
        %parallel_loop3A_548 = arith.shrui %parallel_loop3A_543, %parallel_loop3A_547 : vector<16xi32>
        %parallel_loop3A_549 = arith.constant 255 : i32
        %parallel_loop3A_550 = vector.broadcast %parallel_loop3A_549 : i32 to vector<16xi32>
        %parallel_loop3A_551 = arith.andi %parallel_loop3A_548, %parallel_loop3A_550 : vector<16xi32>
        %parallel_loop3A_552 = arith.addi %mul3A_3, %parallel_loop3A_551 : vector<16xi32>
        tpu.vector_store_idx %arg7[%parallel_loop3A_552], %broadcast_in_dim3A_4 masked %parallel_loop3A_545 {add = true} : memref<16400xi32, #tpu.memory_space<vmem>>[vector<16xi32>], vector<16xi32>, vector<16xi1>
      } {sc.loop_unroll_factor = 4 : i64, sc.parallel_access}
      %sub3A_248 = arith.constant 3277 : i32
      %sub3A_249 = arith.subi %sub3A_248, %reduce_min3A_229 : i32
      %parallel_loop3A_250 = arith.constant 0 : i32
      %parallel_loop3A_251 = arith.constant 16 : i32
      %parallel_loop3A_252 = arith.constant 1 : i32
      scf.for %parallel_loop3A_539 = %parallel_loop3A_250 to %parallel_loop3A_251 step %parallel_loop3A_252  : i32 {
        %parallel_loop3A_540 = arith.constant 0 : i32
        %parallel_loop3A_541 = vector.broadcast %parallel_loop3A_540 : i32 to vector<16xi32>
        %parallel_loop3A_542 = arith.constant 16 : i32
        %parallel_loop3A_543 = arith.muli %parallel_loop3A_539, %parallel_loop3A_542 : i32
        %parallel_loop3A_544 = arith.index_cast %parallel_loop3A_543 : i32 to index
        %parallel_loop3A_545 = tpu.vector_load %arg7[%parallel_loop3A_544] {strides = array<i32>} : memref<16400xi32, #tpu.memory_space<vmem>>, vector<16xi32>,
        %parallel_loop3A_546 = arith.constant 16 : i32
        %parallel_loop3A_547 = arith.muli %parallel_loop3A_539, %parallel_loop3A_546 : i32
        %parallel_loop3A_548 = arith.index_cast %parallel_loop3A_547 : i32 to index
        %parallel_loop3A_549 = tpu.vector_load %arg7[%parallel_loop3A_548] {strides = array<i32>} : memref<16400xi32, #tpu.memory_space<vmem>>, vector<16xi32>,
        tpu.vector_store %arg7[%parallel_loop3A_548], %parallel_loop3A_541 {strides = array<i32>} : memref<16400xi32, #tpu.memory_space<vmem>>, vector<16xi32>,
        %parallel_loop3A_550 = arith.constant 16 : i32
        %parallel_loop3A_551 = arith.muli %parallel_loop3A_539, %parallel_loop3A_550 : i32
        %parallel_loop3A_552 = arith.constant 1025 : i32
        %parallel_loop3A_553 = arith.addi %parallel_loop3A_552, %parallel_loop3A_551 : i32
        %parallel_loop3A_554 = arith.index_cast %parallel_loop3A_553 : i32 to index
        %parallel_loop3A_555 = tpu.vector_load %arg7[%parallel_loop3A_554] {strides = array<i32>} : memref<16400xi32, #tpu.memory_space<vmem>>, vector<16xi32>,
        %parallel_loop3A_556 = arith.addi %parallel_loop3A_545, %parallel_loop3A_555 : vector<16xi32>
        %parallel_loop3A_557 = arith.constant 16 : i32
        %parallel_loop3A_558 = arith.muli %parallel_loop3A_539, %parallel_loop3A_557 : i32
        %parallel_loop3A_559 = arith.constant 1025 : i32
        %parallel_loop3A_560 = arith.addi %parallel_loop3A_559, %parallel_loop3A_558 : i32
        %parallel_loop3A_561 = arith.index_cast %parallel_loop3A_560 : i32 to index
        %parallel_loop3A_562 = tpu.vector_load %arg7[%parallel_loop3A_561] {strides = array<i32>} : memref<16400xi32, #tpu.memory_space<vmem>>, vector<16xi32>,
        tpu.vector_store %arg7[%parallel_loop3A_561], %parallel_loop3A_541 {strides = array<i32>} : memref<16400xi32, #tpu.memory_space<vmem>>, vector<16xi32>,
        %parallel_loop3A_563 = arith.constant 16 : i32
        %parallel_loop3A_564 = arith.muli %parallel_loop3A_539, %parallel_loop3A_563 : i32
        %parallel_loop3A_565 = arith.constant 2050 : i32
        %parallel_loop3A_566 = arith.addi %parallel_loop3A_565, %parallel_loop3A_564 : i32
        %parallel_loop3A_567 = arith.index_cast %parallel_loop3A_566 : i32 to index
        %parallel_loop3A_568 = tpu.vector_load %arg7[%parallel_loop3A_567] {strides = array<i32>} : memref<16400xi32, #tpu.memory_space<vmem>>, vector<16xi32>,
        %parallel_loop3A_569 = arith.addi %parallel_loop3A_556, %parallel_loop3A_568 : vector<16xi32>
        %parallel_loop3A_570 = arith.constant 16 : i32
        %parallel_loop3A_571 = arith.muli %parallel_loop3A_539, %parallel_loop3A_570 : i32
        %parallel_loop3A_572 = arith.constant 2050 : i32
        %parallel_loop3A_573 = arith.addi %parallel_loop3A_572, %parallel_loop3A_571 : i32
        %parallel_loop3A_574 = arith.index_cast %parallel_loop3A_573 : i32 to index
        %parallel_loop3A_575 = tpu.vector_load %arg7[%parallel_loop3A_574] {strides = array<i32>} : memref<16400xi32, #tpu.memory_space<vmem>>, vector<16xi32>,
        tpu.vector_store %arg7[%parallel_loop3A_574], %parallel_loop3A_541 {strides = array<i32>} : memref<16400xi32, #tpu.memory_space<vmem>>, vector<16xi32>,
        %parallel_loop3A_576 = arith.constant 16 : i32
        %parallel_loop3A_577 = arith.muli %parallel_loop3A_539, %parallel_loop3A_576 : i32
        %parallel_loop3A_578 = arith.constant 3075 : i32
        %parallel_loop3A_579 = arith.addi %parallel_loop3A_578, %parallel_loop3A_577 : i32
        %parallel_loop3A_580 = arith.index_cast %parallel_loop3A_579 : i32 to index
        %parallel_loop3A_581 = tpu.vector_load %arg7[%parallel_loop3A_580] {strides = array<i32>} : memref<16400xi32, #tpu.memory_space<vmem>>, vector<16xi32>,
        %parallel_loop3A_582 = arith.addi %parallel_loop3A_569, %parallel_loop3A_581 : vector<16xi32>
        %parallel_loop3A_583 = arith.constant 16 : i32
        %parallel_loop3A_584 = arith.muli %parallel_loop3A_539, %parallel_loop3A_583 : i32
        %parallel_loop3A_585 = arith.constant 3075 : i32
        %parallel_loop3A_586 = arith.addi %parallel_loop3A_585, %parallel_loop3A_584 : i32
        %parallel_loop3A_587 = arith.index_cast %parallel_loop3A_586 : i32 to index
        %parallel_loop3A_588 = tpu.vector_load %arg7[%parallel_loop3A_587] {strides = array<i32>} : memref<16400xi32, #tpu.memory_space<vmem>>, vector<16xi32>,
        tpu.vector_store %arg7[%parallel_loop3A_587], %parallel_loop3A_541 {strides = array<i32>} : memref<16400xi32, #tpu.memory_space<vmem>>, vector<16xi32>,
        %parallel_loop3A_589 = arith.constant 16 : i32
        %parallel_loop3A_590 = arith.muli %parallel_loop3A_539, %parallel_loop3A_589 : i32
        %parallel_loop3A_591 = arith.constant 4100 : i32
        %parallel_loop3A_592 = arith.addi %parallel_loop3A_591, %parallel_loop3A_590 : i32
        %parallel_loop3A_593 = arith.index_cast %parallel_loop3A_592 : i32 to index
        %parallel_loop3A_594 = tpu.vector_load %arg7[%parallel_loop3A_593] {strides = array<i32>} : memref<16400xi32, #tpu.memory_space<vmem>>, vector<16xi32>,
        %parallel_loop3A_595 = arith.addi %parallel_loop3A_582, %parallel_loop3A_594 : vector<16xi32>
        %parallel_loop3A_596 = arith.constant 16 : i32
        %parallel_loop3A_597 = arith.muli %parallel_loop3A_539, %parallel_loop3A_596 : i32
        %parallel_loop3A_598 = arith.constant 4100 : i32
        %parallel_loop3A_599 = arith.addi %parallel_loop3A_598, %parallel_loop3A_597 : i32
        %parallel_loop3A_600 = arith.index_cast %parallel_loop3A_599 : i32 to index
        %parallel_loop3A_601 = tpu.vector_load %arg7[%parallel_loop3A_600] {strides = array<i32>} : memref<16400xi32, #tpu.memory_space<vmem>>, vector<16xi32>,
        tpu.vector_store %arg7[%parallel_loop3A_600], %parallel_loop3A_541 {strides = array<i32>} : memref<16400xi32, #tpu.memory_space<vmem>>, vector<16xi32>,
        %parallel_loop3A_602 = arith.constant 16 : i32
        %parallel_loop3A_603 = arith.muli %parallel_loop3A_539, %parallel_loop3A_602 : i32
        %parallel_loop3A_604 = arith.constant 5125 : i32
        %parallel_loop3A_605 = arith.addi %parallel_loop3A_604, %parallel_loop3A_603 : i32
        %parallel_loop3A_606 = arith.index_cast %parallel_loop3A_605 : i32 to index
        %parallel_loop3A_607 = tpu.vector_load %arg7[%parallel_loop3A_606] {strides = array<i32>} : memref<16400xi32, #tpu.memory_space<vmem>>, vector<16xi32>,
        %parallel_loop3A_608 = arith.addi %parallel_loop3A_595, %parallel_loop3A_607 : vector<16xi32>
        %parallel_loop3A_609 = arith.constant 16 : i32
        %parallel_loop3A_610 = arith.muli %parallel_loop3A_539, %parallel_loop3A_609 : i32
        %parallel_loop3A_611 = arith.constant 5125 : i32
        %parallel_loop3A_612 = arith.addi %parallel_loop3A_611, %parallel_loop3A_610 : i32
        %parallel_loop3A_613 = arith.index_cast %parallel_loop3A_612 : i32 to index
        %parallel_loop3A_614 = tpu.vector_load %arg7[%parallel_loop3A_613] {strides = array<i32>} : memref<16400xi32, #tpu.memory_space<vmem>>, vector<16xi32>,
        tpu.vector_store %arg7[%parallel_loop3A_613], %parallel_loop3A_541 {strides = array<i32>} : memref<16400xi32, #tpu.memory_space<vmem>>, vector<16xi32>,
        %parallel_loop3A_615 = arith.constant 16 : i32
        %parallel_loop3A_616 = arith.muli %parallel_loop3A_539, %parallel_loop3A_615 : i32
        %parallel_loop3A_617 = arith.constant 6150 : i32
        %parallel_loop3A_618 = arith.addi %parallel_loop3A_617, %parallel_loop3A_616 : i32
        %parallel_loop3A_619 = arith.index_cast %parallel_loop3A_618 : i32 to index
        %parallel_loop3A_620 = tpu.vector_load %arg7[%parallel_loop3A_619] {strides = array<i32>} : memref<16400xi32, #tpu.memory_space<vmem>>, vector<16xi32>,
        %parallel_loop3A_621 = arith.addi %parallel_loop3A_608, %parallel_loop3A_620 : vector<16xi32>
        %parallel_loop3A_622 = arith.constant 16 : i32
        %parallel_loop3A_623 = arith.muli %parallel_loop3A_539, %parallel_loop3A_622 : i32
        %parallel_loop3A_624 = arith.constant 6150 : i32
        %parallel_loop3A_625 = arith.addi %parallel_loop3A_624, %parallel_loop3A_623 : i32
        %parallel_loop3A_626 = arith.index_cast %parallel_loop3A_625 : i32 to index
        %parallel_loop3A_627 = tpu.vector_load %arg7[%parallel_loop3A_626] {strides = array<i32>} : memref<16400xi32, #tpu.memory_space<vmem>>, vector<16xi32>,
        tpu.vector_store %arg7[%parallel_loop3A_626], %parallel_loop3A_541 {strides = array<i32>} : memref<16400xi32, #tpu.memory_space<vmem>>, vector<16xi32>,
        %parallel_loop3A_628 = arith.constant 16 : i32
        %parallel_loop3A_629 = arith.muli %parallel_loop3A_539, %parallel_loop3A_628 : i32
        %parallel_loop3A_630 = arith.constant 7175 : i32
        %parallel_loop3A_631 = arith.addi %parallel_loop3A_630, %parallel_loop3A_629 : i32
        %parallel_loop3A_632 = arith.index_cast %parallel_loop3A_631 : i32 to index
        %parallel_loop3A_633 = tpu.vector_load %arg7[%parallel_loop3A_632] {strides = array<i32>} : memref<16400xi32, #tpu.memory_space<vmem>>, vector<16xi32>,
        %parallel_loop3A_634 = arith.addi %parallel_loop3A_621, %parallel_loop3A_633 : vector<16xi32>
        %parallel_loop3A_635 = arith.constant 16 : i32
        %parallel_loop3A_636 = arith.muli %parallel_loop3A_539, %parallel_loop3A_635 : i32
        %parallel_loop3A_637 = arith.constant 7175 : i32
        %parallel_loop3A_638 = arith.addi %parallel_loop3A_637, %parallel_loop3A_636 : i32
        %parallel_loop3A_639 = arith.index_cast %parallel_loop3A_638 : i32 to index
        %parallel_loop3A_640 = tpu.vector_load %arg7[%parallel_loop3A_639] {strides = array<i32>} : memref<16400xi32, #tpu.memory_space<vmem>>, vector<16xi32>,
        tpu.vector_store %arg7[%parallel_loop3A_639], %parallel_loop3A_541 {strides = array<i32>} : memref<16400xi32, #tpu.memory_space<vmem>>, vector<16xi32>,
        %parallel_loop3A_641 = arith.constant 16 : i32
        %parallel_loop3A_642 = arith.muli %parallel_loop3A_539, %parallel_loop3A_641 : i32
        %parallel_loop3A_643 = arith.constant 8200 : i32
        %parallel_loop3A_644 = arith.addi %parallel_loop3A_643, %parallel_loop3A_642 : i32
        %parallel_loop3A_645 = arith.index_cast %parallel_loop3A_644 : i32 to index
        %parallel_loop3A_646 = tpu.vector_load %arg7[%parallel_loop3A_645] {strides = array<i32>} : memref<16400xi32, #tpu.memory_space<vmem>>, vector<16xi32>,
        %parallel_loop3A_647 = arith.addi %parallel_loop3A_634, %parallel_loop3A_646 : vector<16xi32>
        %parallel_loop3A_648 = arith.constant 16 : i32
        %parallel_loop3A_649 = arith.muli %parallel_loop3A_539, %parallel_loop3A_648 : i32
        %parallel_loop3A_650 = arith.constant 8200 : i32
        %parallel_loop3A_651 = arith.addi %parallel_loop3A_650, %parallel_loop3A_649 : i32
        %parallel_loop3A_652 = arith.index_cast %parallel_loop3A_651 : i32 to index
        %parallel_loop3A_653 = tpu.vector_load %arg7[%parallel_loop3A_652] {strides = array<i32>} : memref<16400xi32, #tpu.memory_space<vmem>>, vector<16xi32>,
        tpu.vector_store %arg7[%parallel_loop3A_652], %parallel_loop3A_541 {strides = array<i32>} : memref<16400xi32, #tpu.memory_space<vmem>>, vector<16xi32>,
        %parallel_loop3A_654 = arith.constant 16 : i32
        %parallel_loop3A_655 = arith.muli %parallel_loop3A_539, %parallel_loop3A_654 : i32
        %parallel_loop3A_656 = arith.constant 9225 : i32
        %parallel_loop3A_657 = arith.addi %parallel_loop3A_656, %parallel_loop3A_655 : i32
        %parallel_loop3A_658 = arith.index_cast %parallel_loop3A_657 : i32 to index
        %parallel_loop3A_659 = tpu.vector_load %arg7[%parallel_loop3A_658] {strides = array<i32>} : memref<16400xi32, #tpu.memory_space<vmem>>, vector<16xi32>,
        %parallel_loop3A_660 = arith.addi %parallel_loop3A_647, %parallel_loop3A_659 : vector<16xi32>
        %parallel_loop3A_661 = arith.constant 16 : i32
        %parallel_loop3A_662 = arith.muli %parallel_loop3A_539, %parallel_loop3A_661 : i32
        %parallel_loop3A_663 = arith.constant 9225 : i32
        %parallel_loop3A_664 = arith.addi %parallel_loop3A_663, %parallel_loop3A_662 : i32
        %parallel_loop3A_665 = arith.index_cast %parallel_loop3A_664 : i32 to index
        %parallel_loop3A_666 = tpu.vector_load %arg7[%parallel_loop3A_665] {strides = array<i32>} : memref<16400xi32, #tpu.memory_space<vmem>>, vector<16xi32>,
        tpu.vector_store %arg7[%parallel_loop3A_665], %parallel_loop3A_541 {strides = array<i32>} : memref<16400xi32, #tpu.memory_space<vmem>>, vector<16xi32>,
        %parallel_loop3A_667 = arith.constant 16 : i32
        %parallel_loop3A_668 = arith.muli %parallel_loop3A_539, %parallel_loop3A_667 : i32
        %parallel_loop3A_669 = arith.constant 10250 : i32
        %parallel_loop3A_670 = arith.addi %parallel_loop3A_669, %parallel_loop3A_668 : i32
        %parallel_loop3A_671 = arith.index_cast %parallel_loop3A_670 : i32 to index
        %parallel_loop3A_672 = tpu.vector_load %arg7[%parallel_loop3A_671] {strides = array<i32>} : memref<16400xi32, #tpu.memory_space<vmem>>, vector<16xi32>,
        %parallel_loop3A_673 = arith.addi %parallel_loop3A_660, %parallel_loop3A_672 : vector<16xi32>
        %parallel_loop3A_674 = arith.constant 16 : i32
        %parallel_loop3A_675 = arith.muli %parallel_loop3A_539, %parallel_loop3A_674 : i32
        %parallel_loop3A_676 = arith.constant 10250 : i32
        %parallel_loop3A_677 = arith.addi %parallel_loop3A_676, %parallel_loop3A_675 : i32
        %parallel_loop3A_678 = arith.index_cast %parallel_loop3A_677 : i32 to index
        %parallel_loop3A_679 = tpu.vector_load %arg7[%parallel_loop3A_678] {strides = array<i32>} : memref<16400xi32, #tpu.memory_space<vmem>>, vector<16xi32>,
        tpu.vector_store %arg7[%parallel_loop3A_678], %parallel_loop3A_541 {strides = array<i32>} : memref<16400xi32, #tpu.memory_space<vmem>>, vector<16xi32>,
        %parallel_loop3A_680 = arith.constant 16 : i32
        %parallel_loop3A_681 = arith.muli %parallel_loop3A_539, %parallel_loop3A_680 : i32
        %parallel_loop3A_682 = arith.constant 11275 : i32
        %parallel_loop3A_683 = arith.addi %parallel_loop3A_682, %parallel_loop3A_681 : i32
        %parallel_loop3A_684 = arith.index_cast %parallel_loop3A_683 : i32 to index
        %parallel_loop3A_685 = tpu.vector_load %arg7[%parallel_loop3A_684] {strides = array<i32>} : memref<16400xi32, #tpu.memory_space<vmem>>, vector<16xi32>,
        %parallel_loop3A_686 = arith.addi %parallel_loop3A_673, %parallel_loop3A_685 : vector<16xi32>
        %parallel_loop3A_687 = arith.constant 16 : i32
        %parallel_loop3A_688 = arith.muli %parallel_loop3A_539, %parallel_loop3A_687 : i32
        %parallel_loop3A_689 = arith.constant 11275 : i32
        %parallel_loop3A_690 = arith.addi %parallel_loop3A_689, %parallel_loop3A_688 : i32
        %parallel_loop3A_691 = arith.index_cast %parallel_loop3A_690 : i32 to index
        %parallel_loop3A_692 = tpu.vector_load %arg7[%parallel_loop3A_691] {strides = array<i32>} : memref<16400xi32, #tpu.memory_space<vmem>>, vector<16xi32>,
        tpu.vector_store %arg7[%parallel_loop3A_691], %parallel_loop3A_541 {strides = array<i32>} : memref<16400xi32, #tpu.memory_space<vmem>>, vector<16xi32>,
        %parallel_loop3A_693 = arith.constant 16 : i32
        %parallel_loop3A_694 = arith.muli %parallel_loop3A_539, %parallel_loop3A_693 : i32
        %parallel_loop3A_695 = arith.constant 12300 : i32
        %parallel_loop3A_696 = arith.addi %parallel_loop3A_695, %parallel_loop3A_694 : i32
        %parallel_loop3A_697 = arith.index_cast %parallel_loop3A_696 : i32 to index
        %parallel_loop3A_698 = tpu.vector_load %arg7[%parallel_loop3A_697] {strides = array<i32>} : memref<16400xi32, #tpu.memory_space<vmem>>, vector<16xi32>,
        %parallel_loop3A_699 = arith.addi %parallel_loop3A_686, %parallel_loop3A_698 : vector<16xi32>
        %parallel_loop3A_700 = arith.constant 16 : i32
        %parallel_loop3A_701 = arith.muli %parallel_loop3A_539, %parallel_loop3A_700 : i32
        %parallel_loop3A_702 = arith.constant 12300 : i32
        %parallel_loop3A_703 = arith.addi %parallel_loop3A_702, %parallel_loop3A_701 : i32
        %parallel_loop3A_704 = arith.index_cast %parallel_loop3A_703 : i32 to index
        %parallel_loop3A_705 = tpu.vector_load %arg7[%parallel_loop3A_704] {strides = array<i32>} : memref<16400xi32, #tpu.memory_space<vmem>>, vector<16xi32>,
        tpu.vector_store %arg7[%parallel_loop3A_704], %parallel_loop3A_541 {strides = array<i32>} : memref<16400xi32, #tpu.memory_space<vmem>>, vector<16xi32>,
        %parallel_loop3A_706 = arith.constant 16 : i32
        %parallel_loop3A_707 = arith.muli %parallel_loop3A_539, %parallel_loop3A_706 : i32
        %parallel_loop3A_708 = arith.constant 13325 : i32
        %parallel_loop3A_709 = arith.addi %parallel_loop3A_708, %parallel_loop3A_707 : i32
        %parallel_loop3A_710 = arith.index_cast %parallel_loop3A_709 : i32 to index
        %parallel_loop3A_711 = tpu.vector_load %arg7[%parallel_loop3A_710] {strides = array<i32>} : memref<16400xi32, #tpu.memory_space<vmem>>, vector<16xi32>,
        %parallel_loop3A_712 = arith.addi %parallel_loop3A_699, %parallel_loop3A_711 : vector<16xi32>
        %parallel_loop3A_713 = arith.constant 16 : i32
        %parallel_loop3A_714 = arith.muli %parallel_loop3A_539, %parallel_loop3A_713 : i32
        %parallel_loop3A_715 = arith.constant 13325 : i32
        %parallel_loop3A_716 = arith.addi %parallel_loop3A_715, %parallel_loop3A_714 : i32
        %parallel_loop3A_717 = arith.index_cast %parallel_loop3A_716 : i32 to index
        %parallel_loop3A_718 = tpu.vector_load %arg7[%parallel_loop3A_717] {strides = array<i32>} : memref<16400xi32, #tpu.memory_space<vmem>>, vector<16xi32>,
        tpu.vector_store %arg7[%parallel_loop3A_717], %parallel_loop3A_541 {strides = array<i32>} : memref<16400xi32, #tpu.memory_space<vmem>>, vector<16xi32>,
        %parallel_loop3A_719 = arith.constant 16 : i32
        %parallel_loop3A_720 = arith.muli %parallel_loop3A_539, %parallel_loop3A_719 : i32
        %parallel_loop3A_721 = arith.constant 14350 : i32
        %parallel_loop3A_722 = arith.addi %parallel_loop3A_721, %parallel_loop3A_720 : i32
        %parallel_loop3A_723 = arith.index_cast %parallel_loop3A_722 : i32 to index
        %parallel_loop3A_724 = tpu.vector_load %arg7[%parallel_loop3A_723] {strides = array<i32>} : memref<16400xi32, #tpu.memory_space<vmem>>, vector<16xi32>,
        %parallel_loop3A_725 = arith.addi %parallel_loop3A_712, %parallel_loop3A_724 : vector<16xi32>
        %parallel_loop3A_726 = arith.constant 16 : i32
        %parallel_loop3A_727 = arith.muli %parallel_loop3A_539, %parallel_loop3A_726 : i32
        %parallel_loop3A_728 = arith.constant 14350 : i32
        %parallel_loop3A_729 = arith.addi %parallel_loop3A_728, %parallel_loop3A_727 : i32
        %parallel_loop3A_730 = arith.index_cast %parallel_loop3A_729 : i32 to index
        %parallel_loop3A_731 = tpu.vector_load %arg7[%parallel_loop3A_730] {strides = array<i32>} : memref<16400xi32, #tpu.memory_space<vmem>>, vector<16xi32>,
        tpu.vector_store %arg7[%parallel_loop3A_730], %parallel_loop3A_541 {strides = array<i32>} : memref<16400xi32, #tpu.memory_space<vmem>>, vector<16xi32>,
        %parallel_loop3A_732 = arith.constant 16 : i32
        %parallel_loop3A_733 = arith.muli %parallel_loop3A_539, %parallel_loop3A_732 : i32
        %parallel_loop3A_734 = arith.constant 15375 : i32
        %parallel_loop3A_735 = arith.addi %parallel_loop3A_734, %parallel_loop3A_733 : i32
        %parallel_loop3A_736 = arith.index_cast %parallel_loop3A_735 : i32 to index
        %parallel_loop3A_737 = tpu.vector_load %arg7[%parallel_loop3A_736] {strides = array<i32>} : memref<16400xi32, #tpu.memory_space<vmem>>, vector<16xi32>,
        %parallel_loop3A_738 = arith.addi %parallel_loop3A_725, %parallel_loop3A_737 : vector<16xi32>
        %parallel_loop3A_739 = arith.constant 16 : i32
        %parallel_loop3A_740 = arith.muli %parallel_loop3A_539, %parallel_loop3A_739 : i32
        %parallel_loop3A_741 = arith.constant 15375 : i32
        %parallel_loop3A_742 = arith.addi %parallel_loop3A_741, %parallel_loop3A_740 : i32
        %parallel_loop3A_743 = arith.index_cast %parallel_loop3A_742 : i32 to index
        %parallel_loop3A_744 = tpu.vector_load %arg7[%parallel_loop3A_743] {strides = array<i32>} : memref<16400xi32, #tpu.memory_space<vmem>>, vector<16xi32>,
        tpu.vector_store %arg7[%parallel_loop3A_743], %parallel_loop3A_541 {strides = array<i32>} : memref<16400xi32, #tpu.memory_space<vmem>>, vector<16xi32>,
        %parallel_loop3A_745 = arith.constant 15 : i32
        %parallel_loop3A_746 = vector.broadcast %parallel_loop3A_745 : i32 to vector<16xi32>
        %parallel_loop3A_747 = tpu.iota {dimensions = array<i32: 0>} : vector<16xi32>
        %parallel_loop3A_748 = arith.subi %parallel_loop3A_746, %parallel_loop3A_747 : vector<16xi32>
        %parallel_loop3A_749 = tpu.dynamic_gather %parallel_loop3A_738[%parallel_loop3A_748] in [0] : vector<16xi32>, vector<16xi32> -> vector<16xi32>
        %parallel_loop3A_750 = arith.constant true
        %parallel_loop3A_751 = vector.broadcast %parallel_loop3A_750 : i1 to vector<16xi1>
        %parallel_loop3A_752 = tpu.scan <sum>, %parallel_loop3A_749 masked %parallel_loop3A_751 : vector<16xi32>, vector<16xi1> -> vector<16xi32>
        %parallel_loop3A_753 = arith.constant 16 : i32
        %parallel_loop3A_754 = arith.muli %parallel_loop3A_539, %parallel_loop3A_753 : i32
        %parallel_loop3A_755 = arith.index_cast %parallel_loop3A_754 : i32 to index
        %parallel_loop3A_756 = tpu.vector_load %arg8[%parallel_loop3A_755] {strides = array<i32>} : memref<1024xi32, #tpu.memory_space<vmem>>, vector<16xi32>,
        tpu.vector_store %arg8[%parallel_loop3A_755], %parallel_loop3A_752 {strides = array<i32>} : memref<1024xi32, #tpu.memory_space<vmem>>, vector<16xi32>,
        %parallel_loop3A_757 = arith.constant 16 : i32
        %parallel_loop3A_758 = arith.muli %parallel_loop3A_539, %parallel_loop3A_757 : i32
        %parallel_loop3A_759 = arith.index_cast %parallel_loop3A_758 : i32 to index
        %parallel_loop3A_760 = tpu.vector_load %arg10[%parallel_loop3A_759] {strides = array<i32>} : memref<1024xi32, #tpu.memory_space<vmem>>, vector<16xi32>,
        tpu.vector_store %arg10[%parallel_loop3A_759], %parallel_loop3A_749 {strides = array<i32>} : memref<1024xi32, #tpu.memory_space<vmem>>, vector<16xi32>,
      } {sc.loop_unroll_factor = 2 : i64, sc.parallel_access}
      %add3A_253 = arith.constant 0 : i32
      %add3A_254 = vector.broadcast %add3A_253 : i32 to vector<16xi32>
      %add3A_255 = arith.addi %iota3A, %add3A_254 : vector<16xi32>
      %mul3A_256 = arith.constant 16 : i32
      %mul3A_257 = vector.broadcast %mul3A_256 : i32 to vector<16xi32>
      %mul3A_258 = arith.muli %add3A_255, %mul3A_257 : vector<16xi32>
      %add3A_259 = arith.constant 15 : i32
      %add3A_260 = vector.broadcast %add3A_259 : i32 to vector<16xi32>
      %add3A_261 = arith.addi %mul3A_258, %add3A_260 : vector<16xi32>
      %gather3A_262 = tpu.vector_load_idx %arg8[%add3A_261] : memref<1024xi32, #tpu.memory_space<vmem>>[vector<16xi32>], vector<16xi32>,
      %add3A_263 = arith.constant 0 : i32
      %add3A_264 = vector.broadcast %add3A_263 : i32 to vector<16xi32>
      %add3A_265 = arith.addi %iota3A, %add3A_264 : vector<16xi32>
      %lt3A_266 = arith.constant 16 : i32
      %lt3A_267 = vector.broadcast %lt3A_266 : i32 to vector<16xi32>
      %lt3A_268 = arith.cmpi slt, %add3A_265, %lt3A_267 : vector<16xi32>
      %jit3A_269 = arith.constant 0 : i32
      %broadcast_in_dim3A_270 = vector.broadcast %jit3A_269 : i32 to vector<16xi32>
      %select_n3A_271 = arith.select %lt3A_268, %gather3A_262, %broadcast_in_dim3A_270 : vector<16xi1>, vector<16xi32>
      %rev3A_272 = arith.constant 15 : i32
      %rev3A_273 = vector.broadcast %rev3A_272 : i32 to vector<16xi32>
      %rev3A_274 = tpu.iota {dimensions = array<i32: 0>} : vector<16xi32>
      %rev3A_275 = arith.subi %rev3A_273, %rev3A_274 : vector<16xi32>
      %rev3A_276 = tpu.dynamic_gather %select_n3A_271[%rev3A_275] in [0] : vector<16xi32>, vector<16xi32> -> vector<16xi32>
      %cumsum3A_277 = arith.constant true
      %cumsum3A_278 = vector.broadcast %cumsum3A_277 : i1 to vector<16xi1>
      %cumsum3A_279 = tpu.scan <sum>, %rev3A_276 masked %cumsum3A_278 : vector<16xi32>, vector<16xi1> -> vector<16xi32>
      %rev3A_280 = arith.constant 15 : i32
      %rev3A_281 = vector.broadcast %rev3A_280 : i32 to vector<16xi32>
      %rev3A_282 = tpu.iota {dimensions = array<i32: 0>} : vector<16xi32>
      %rev3A_283 = arith.subi %rev3A_281, %rev3A_282 : vector<16xi32>
      %rev3A_284 = tpu.dynamic_gather %cumsum3A_279[%rev3A_283] in [0] : vector<16xi32>, vector<16xi32> -> vector<16xi32>
      %sub3A_285 = arith.subi %rev3A_284, %select_n3A_271 : vector<16xi32>
      %add3A_286 = arith.constant 0 : i32
      %add3A_287 = vector.broadcast %add3A_286 : i32 to vector<16xi32>
      %add3A_288 = arith.addi %sub3A_285, %add3A_287 : vector<16xi32>
      %swap3A_289 = arith.constant 0 : index
      %swap3A_290 = tpu.vector_load %arg9[%swap3A_289] {strides = array<i32>} : memref<64xi32, #tpu.memory_space<vmem>>, vector<16xi32>,
      tpu.vector_store %arg9[%swap3A_289], %add3A_288 {strides = array<i32>} : memref<64xi32, #tpu.memory_space<vmem>>, vector<16xi32>,
      %reduce_sum3A_291 = arith.constant true
      %reduce_sum3A_292 = vector.broadcast %reduce_sum3A_291 : i1 to vector<16xi1>
      %reduce_sum3A_293 = tpu.scan <sum>, %select_n3A_271 masked %reduce_sum3A_292 : vector<16xi32>, vector<16xi1> -> vector<16xi32>
      %reduce_sum3A_294 = vector.extract %reduce_sum3A_293[15] : i32 from vector<16xi32>
      %add3A_295 = arith.constant 0 : i32
      %add3A_296 = arith.addi %add3A_295, %reduce_sum3A_294 : i32
      %broadcast_in_dim3A_297 = arith.constant -1 : i32
      %broadcast_in_dim3A_298 = vector.broadcast %broadcast_in_dim3A_297 : i32 to vector<16xi32>
      %broadcast_in_dim3A_299 = arith.constant 2147483647 : i32
      %broadcast_in_dim3A_300 = vector.broadcast %broadcast_in_dim3A_299 : i32 to vector<16xi32>
      %parallel_loop3A_301 = arith.constant 0 : i32
      %parallel_loop3A_302 = arith.constant 16 : i32
      %parallel_loop3A_303 = arith.constant 1 : i32
      %parallel_loop3A_304:2 = scf.for %parallel_loop3A_539 = %parallel_loop3A_301 to %parallel_loop3A_302 step %parallel_loop3A_303 iter_args(%parallel_loop3A_540 = %broadcast_in_dim3A_298, %parallel_loop3A_541 = %broadcast_in_dim3A_300) -> (vector<16xi32>, vector<16xi32>)  : i32 {
        %parallel_loop3A_542 = arith.constant 0 : i32
        %parallel_loop3A_543 = vector.broadcast %parallel_loop3A_542 : i32 to vector<16xi32>
        %parallel_loop3A_544 = vector.broadcast %parallel_loop3A_539 : i32 to vector<16xi32>
        %parallel_loop3A_545 = arith.addi %parallel_loop3A_543, %parallel_loop3A_544 : vector<16xi32>
        %parallel_loop3A_546 = tpu.vector_load_idx %arg9[%parallel_loop3A_545] : memref<64xi32, #tpu.memory_space<vmem>>[vector<16xi32>], vector<16xi32>,
        %parallel_loop3A_547 = arith.constant 16 : i32
        %parallel_loop3A_548 = arith.muli %parallel_loop3A_539, %parallel_loop3A_547 : i32
        %parallel_loop3A_549 = arith.index_cast %parallel_loop3A_548 : i32 to index
        %parallel_loop3A_550 = tpu.vector_load %arg8[%parallel_loop3A_549] {strides = array<i32>} : memref<1024xi32, #tpu.memory_space<vmem>>, vector<16xi32>,
        %parallel_loop3A_551 = arith.addi %parallel_loop3A_550, %parallel_loop3A_546 : vector<16xi32>
        %parallel_loop3A_552 = arith.constant 16 : i32
        %parallel_loop3A_553 = arith.muli %parallel_loop3A_539, %parallel_loop3A_552 : i32
        %parallel_loop3A_554 = arith.index_cast %parallel_loop3A_553 : i32 to index
        %parallel_loop3A_555 = tpu.vector_load %arg10[%parallel_loop3A_554] {strides = array<i32>} : memref<1024xi32, #tpu.memory_space<vmem>>, vector<16xi32>,
        %parallel_loop3A_556 = arith.subi %parallel_loop3A_551, %parallel_loop3A_555 : vector<16xi32>
        %parallel_loop3A_557 = vector.broadcast %sub3A_249 : i32 to vector<16xi32>
        %parallel_loop3A_558 = arith.cmpi sge, %parallel_loop3A_551, %parallel_loop3A_557 : vector<16xi32>
        %parallel_loop3A_559 = arith.constant 16 : i32
        %parallel_loop3A_560 = arith.muli %parallel_loop3A_539, %parallel_loop3A_559 : i32
        %parallel_loop3A_561 = arith.constant 15 : i32
        %parallel_loop3A_562 = arith.addi %parallel_loop3A_560, %parallel_loop3A_561 : i32
        %parallel_loop3A_563 = vector.broadcast %parallel_loop3A_562 : i32 to vector<16xi32>
        %parallel_loop3A_564 = arith.subi %parallel_loop3A_563, %iota3A : vector<16xi32>
        %parallel_loop3A_565 = arith.constant -1 : i32
        %parallel_loop3A_566 = vector.broadcast %parallel_loop3A_565 : i32 to vector<16xi32>
        %parallel_loop3A_567 = arith.select %parallel_loop3A_558, %parallel_loop3A_564, %parallel_loop3A_566 : vector<16xi1>, vector<16xi32>
        %parallel_loop3A_568 = arith.maxsi %parallel_loop3A_540, %parallel_loop3A_567 : vector<16xi32>
        %parallel_loop3A_569 = arith.constant 2147483647 : i32
        %parallel_loop3A_570 = vector.broadcast %parallel_loop3A_569 : i32 to vector<16xi32>
        %parallel_loop3A_571 = arith.select %parallel_loop3A_558, %parallel_loop3A_556, %parallel_loop3A_570 : vector<16xi1>, vector<16xi32>
        %parallel_loop3A_572 = arith.minsi %parallel_loop3A_541, %parallel_loop3A_571 : vector<16xi32>
        scf.yield %parallel_loop3A_568, %parallel_loop3A_572 : vector<16xi32>, vector<16xi32>
      } {sc.loop_unroll_factor = 2 : i64, sc.parallel_access}
      %reduce_max3A_305 = arith.constant true
      %reduce_max3A_306 = vector.broadcast %reduce_max3A_305 : i1 to vector<16xi1>
      %reduce_max3A_307 = arith.constant -2147483648 : i32
      %reduce_max3A_308 = vector.broadcast %reduce_max3A_307 : i32 to vector<16xi32>
      %reduce_max3A_309 = arith.xori %parallel_loop3A_304#0, %reduce_max3A_308 : vector<16xi32>
      %reduce_max3A_310 = tpu.scan <max>, %reduce_max3A_309 masked %reduce_max3A_306 : vector<16xi32>, vector<16xi1> -> vector<16xi32>
      %reduce_max3A_311 = arith.xori %reduce_max3A_310, %reduce_max3A_308 : vector<16xi32>
      %reduce_max3A_312 = vector.extract %reduce_max3A_311[15] : i32 from vector<16xi32>
      %reduce_min3A_313 = arith.constant true
      %reduce_min3A_314 = vector.broadcast %reduce_min3A_313 : i1 to vector<16xi1>
      %reduce_min3A_315 = arith.constant -2147483648 : i32
      %reduce_min3A_316 = vector.broadcast %reduce_min3A_315 : i32 to vector<16xi32>
      %reduce_min3A_317 = arith.xori %parallel_loop3A_304#1, %reduce_min3A_316 : vector<16xi32>
      %reduce_min3A_318 = tpu.scan <min>, %reduce_min3A_317 masked %reduce_min3A_314 : vector<16xi32>, vector<16xi1> -> vector<16xi32>
      %reduce_min3A_319 = arith.xori %reduce_min3A_318, %reduce_min3A_316 : vector<16xi32>
      %reduce_min3A_320 = vector.extract %reduce_min3A_319[15] : i32 from vector<16xi32>
      %broadcast_in_dim3A_321 = arith.constant 0 : i32
      %broadcast_in_dim3A_322 = vector.broadcast %broadcast_in_dim3A_321 : i32 to vector<16xi32>
      %parallel_loop3A_323 = arith.constant 0 : i32
      %parallel_loop3A_324 = arith.constant 1 : i32
      %parallel_loop3A_325:2 = scf.for %parallel_loop3A_539 = %parallel_loop3A_323 to %reduce_max3A_245 step %parallel_loop3A_324 iter_args(%parallel_loop3A_540 = %broadcast_in_dim3A_322, %parallel_loop3A_541 = %parallel_loop3A_237#1) -> (vector<16xi32>, vector<16xf32>)  : i32 {
        %parallel_loop3A_542 = vector.broadcast %parallel_loop3A_539 : i32 to vector<16xi32>
        %parallel_loop3A_543 = arith.addi %mul3A_7, %parallel_loop3A_542 : vector<16xi32>
        %parallel_loop3A_544 = tpu.vector_load_idx %arg6[%parallel_loop3A_543] : memref<32784xi32, #tpu.memory_space<vmem>>[vector<16xi32>], vector<16xi32>,
        %parallel_loop3A_545 = tpu.bitcast %parallel_loop3A_544 : vector<16xi32> -> vector<16xi32>
        %parallel_loop3A_546 = arith.constant -2147483648 : i32
        %parallel_loop3A_547 = vector.broadcast %parallel_loop3A_546 : i32 to vector<16xi32>
        %parallel_loop3A_548 = arith.cmpi uge, %parallel_loop3A_545, %parallel_loop3A_547 : vector<16xi32>
        %parallel_loop3A_549 = arith.constant -2147483648 : i32
        %parallel_loop3A_550 = vector.broadcast %parallel_loop3A_549 : i32 to vector<16xi32>
        %parallel_loop3A_551 = arith.xori %parallel_loop3A_545, %parallel_loop3A_550 : vector<16xi32>
        %parallel_loop3A_552 = arith.constant dense<-1> : vector<16xi32>
        %parallel_loop3A_553 = arith.xori %parallel_loop3A_545, %parallel_loop3A_552 : vector<16xi32>
        %parallel_loop3A_554 = arith.select %parallel_loop3A_548, %parallel_loop3A_551, %parallel_loop3A_553 : vector<16xi1>, vector<16xi32>
        %parallel_loop3A_555 = tpu.bitcast %parallel_loop3A_554 : vector<16xi32> -> vector<16xf32>
        %parallel_loop3A_556 = vector.broadcast %parallel_loop3A_539 : i32 to vector<16xi32>
        %parallel_loop3A_557 = arith.cmpi sgt, %parallel_loop3A_237#0, %parallel_loop3A_556 : vector<16xi32>
        %parallel_loop3A_558 = arith.constant 14 : i32
        %parallel_loop3A_559 = vector.broadcast %parallel_loop3A_558 : i32 to vector<16xi32>
        %parallel_loop3A_560 = arith.shrui %parallel_loop3A_545, %parallel_loop3A_559 : vector<16xi32>
        %parallel_loop3A_561 = arith.constant 255 : i32
        %parallel_loop3A_562 = vector.broadcast %parallel_loop3A_561 : i32 to vector<16xi32>
        %parallel_loop3A_563 = arith.andi %parallel_loop3A_560, %parallel_loop3A_562 : vector<16xi32>
        %parallel_loop3A_564 = vector.broadcast %reduce_max3A_312 : i32 to vector<16xi32>
        %parallel_loop3A_565 = arith.cmpi sgt, %parallel_loop3A_563, %parallel_loop3A_564 : vector<16xi32>
        %parallel_loop3A_566 = arith.andi %parallel_loop3A_557, %parallel_loop3A_565 : vector<16xi1>
        %parallel_loop3A_567 = vector.broadcast %reduce_max3A_312 : i32 to vector<16xi32>
        %parallel_loop3A_568 = arith.cmpi eq, %parallel_loop3A_563, %parallel_loop3A_567 : vector<16xi32>
        %parallel_loop3A_569 = arith.andi %parallel_loop3A_557, %parallel_loop3A_568 : vector<16xi1>
        %parallel_loop3A_570 = arith.constant 0.000000e+00 : f32
        %parallel_loop3A_571 = vector.broadcast %parallel_loop3A_570 : f32 to vector<16xf32>
        %parallel_loop3A_572 = arith.select %parallel_loop3A_566, %parallel_loop3A_555, %parallel_loop3A_571 : vector<16xi1>, vector<16xf32>
        %parallel_loop3A_573 = arith.addf %parallel_loop3A_541, %parallel_loop3A_572 : vector<16xf32>
        %parallel_loop3A_574 = arith.addi %mul3A_7, %parallel_loop3A_540 : vector<16xi32>
        %parallel_loop3A_575 = tpu.bitcast %parallel_loop3A_545 : vector<16xi32> -> vector<16xi32>
        tpu.vector_store_idx %arg5[%parallel_loop3A_574], %parallel_loop3A_575 masked %parallel_loop3A_569 : memref<32784xi32, #tpu.memory_space<vmem>>[vector<16xi32>], vector<16xi32>, vector<16xi1>
        %parallel_loop3A_576 = arith.extui %parallel_loop3A_569 : vector<16xi1> to vector<16xi32>
        %parallel_loop3A_577 = arith.addi %parallel_loop3A_540, %parallel_loop3A_576 : vector<16xi32>
        scf.yield %parallel_loop3A_577, %parallel_loop3A_573 : vector<16xi32>, vector<16xf32>
      } {sc.loop_unroll_factor = 2 : i64, sc.parallel_access}
      %add3A_326 = arith.addi %reduce_min3A_229, %reduce_min3A_320 : i32
      %reduce_max3A_327 = arith.constant true
      %reduce_max3A_328 = vector.broadcast %reduce_max3A_327 : i1 to vector<16xi1>
      %reduce_max3A_329 = arith.constant -2147483648 : i32
      %reduce_max3A_330 = vector.broadcast %reduce_max3A_329 : i32 to vector<16xi32>
      %reduce_max3A_331 = arith.xori %parallel_loop3A_325#0, %reduce_max3A_330 : vector<16xi32>
      %reduce_max3A_332 = tpu.scan <max>, %reduce_max3A_331 masked %reduce_max3A_328 : vector<16xi32>, vector<16xi1> -> vector<16xi32>
      %reduce_max3A_333 = arith.xori %reduce_max3A_332, %reduce_max3A_330 : vector<16xi32>
      %reduce_max3A_334 = vector.extract %reduce_max3A_333[15] : i32 from vector<16xi32>
      %parallel_loop3A_335 = arith.constant 0 : i32
      %parallel_loop3A_336 = arith.constant 1 : i32
      scf.for %parallel_loop3A_539 = %parallel_loop3A_335 to %reduce_max3A_334 step %parallel_loop3A_336  : i32 {
        %parallel_loop3A_540 = vector.broadcast %parallel_loop3A_539 : i32 to vector<16xi32>
        %parallel_loop3A_541 = arith.addi %mul3A_7, %parallel_loop3A_540 : vector<16xi32>
        %parallel_loop3A_542 = tpu.vector_load_idx %arg5[%parallel_loop3A_541] : memref<32784xi32, #tpu.memory_space<vmem>>[vector<16xi32>], vector<16xi32>,
        %parallel_loop3A_543 = tpu.bitcast %parallel_loop3A_542 : vector<16xi32> -> vector<16xi32>
        %parallel_loop3A_544 = vector.broadcast %parallel_loop3A_539 : i32 to vector<16xi32>
        %parallel_loop3A_545 = arith.cmpi sgt, %parallel_loop3A_325#0, %parallel_loop3A_544 : vector<16xi32>
        %parallel_loop3A_546 = arith.constant 6 : i32
        %parallel_loop3A_547 = vector.broadcast %parallel_loop3A_546 : i32 to vector<16xi32>
        %parallel_loop3A_548 = arith.shrui %parallel_loop3A_543, %parallel_loop3A_547 : vector<16xi32>
        %parallel_loop3A_549 = arith.constant 255 : i32
        %parallel_loop3A_550 = vector.broadcast %parallel_loop3A_549 : i32 to vector<16xi32>
        %parallel_loop3A_551 = arith.andi %parallel_loop3A_548, %parallel_loop3A_550 : vector<16xi32>
        %parallel_loop3A_552 = arith.addi %mul3A_3, %parallel_loop3A_551 : vector<16xi32>
        tpu.vector_store_idx %arg7[%parallel_loop3A_552], %broadcast_in_dim3A_4 masked %parallel_loop3A_545 {add = true} : memref<16400xi32, #tpu.memory_space<vmem>>[vector<16xi32>], vector<16xi32>, vector<16xi1>
      } {sc.loop_unroll_factor = 4 : i64, sc.parallel_access}
      %sub3A_337 = arith.constant 3277 : i32
      %sub3A_338 = arith.subi %sub3A_337, %add3A_326 : i32
      %parallel_loop3A_339 = arith.constant 0 : i32
      %parallel_loop3A_340 = arith.constant 16 : i32
      %parallel_loop3A_341 = arith.constant 1 : i32
      scf.for %parallel_loop3A_539 = %parallel_loop3A_339 to %parallel_loop3A_340 step %parallel_loop3A_341  : i32 {
        %parallel_loop3A_540 = arith.constant 0 : i32
        %parallel_loop3A_541 = vector.broadcast %parallel_loop3A_540 : i32 to vector<16xi32>
        %parallel_loop3A_542 = arith.constant 16 : i32
        %parallel_loop3A_543 = arith.muli %parallel_loop3A_539, %parallel_loop3A_542 : i32
        %parallel_loop3A_544 = arith.index_cast %parallel_loop3A_543 : i32 to index
        %parallel_loop3A_545 = tpu.vector_load %arg7[%parallel_loop3A_544] {strides = array<i32>} : memref<16400xi32, #tpu.memory_space<vmem>>, vector<16xi32>,
        %parallel_loop3A_546 = arith.constant 16 : i32
        %parallel_loop3A_547 = arith.muli %parallel_loop3A_539, %parallel_loop3A_546 : i32
        %parallel_loop3A_548 = arith.index_cast %parallel_loop3A_547 : i32 to index
        %parallel_loop3A_549 = tpu.vector_load %arg7[%parallel_loop3A_548] {strides = array<i32>} : memref<16400xi32, #tpu.memory_space<vmem>>, vector<16xi32>,
        tpu.vector_store %arg7[%parallel_loop3A_548], %parallel_loop3A_541 {strides = array<i32>} : memref<16400xi32, #tpu.memory_space<vmem>>, vector<16xi32>,
        %parallel_loop3A_550 = arith.constant 16 : i32
        %parallel_loop3A_551 = arith.muli %parallel_loop3A_539, %parallel_loop3A_550 : i32
        %parallel_loop3A_552 = arith.constant 1025 : i32
        %parallel_loop3A_553 = arith.addi %parallel_loop3A_552, %parallel_loop3A_551 : i32
        %parallel_loop3A_554 = arith.index_cast %parallel_loop3A_553 : i32 to index
        %parallel_loop3A_555 = tpu.vector_load %arg7[%parallel_loop3A_554] {strides = array<i32>} : memref<16400xi32, #tpu.memory_space<vmem>>, vector<16xi32>,
        %parallel_loop3A_556 = arith.addi %parallel_loop3A_545, %parallel_loop3A_555 : vector<16xi32>
        %parallel_loop3A_557 = arith.constant 16 : i32
        %parallel_loop3A_558 = arith.muli %parallel_loop3A_539, %parallel_loop3A_557 : i32
        %parallel_loop3A_559 = arith.constant 1025 : i32
        %parallel_loop3A_560 = arith.addi %parallel_loop3A_559, %parallel_loop3A_558 : i32
        %parallel_loop3A_561 = arith.index_cast %parallel_loop3A_560 : i32 to index
        %parallel_loop3A_562 = tpu.vector_load %arg7[%parallel_loop3A_561] {strides = array<i32>} : memref<16400xi32, #tpu.memory_space<vmem>>, vector<16xi32>,
        tpu.vector_store %arg7[%parallel_loop3A_561], %parallel_loop3A_541 {strides = array<i32>} : memref<16400xi32, #tpu.memory_space<vmem>>, vector<16xi32>,
        %parallel_loop3A_563 = arith.constant 16 : i32
        %parallel_loop3A_564 = arith.muli %parallel_loop3A_539, %parallel_loop3A_563 : i32
        %parallel_loop3A_565 = arith.constant 2050 : i32
        %parallel_loop3A_566 = arith.addi %parallel_loop3A_565, %parallel_loop3A_564 : i32
        %parallel_loop3A_567 = arith.index_cast %parallel_loop3A_566 : i32 to index
        %parallel_loop3A_568 = tpu.vector_load %arg7[%parallel_loop3A_567] {strides = array<i32>} : memref<16400xi32, #tpu.memory_space<vmem>>, vector<16xi32>,
        %parallel_loop3A_569 = arith.addi %parallel_loop3A_556, %parallel_loop3A_568 : vector<16xi32>
        %parallel_loop3A_570 = arith.constant 16 : i32
        %parallel_loop3A_571 = arith.muli %parallel_loop3A_539, %parallel_loop3A_570 : i32
        %parallel_loop3A_572 = arith.constant 2050 : i32
        %parallel_loop3A_573 = arith.addi %parallel_loop3A_572, %parallel_loop3A_571 : i32
        %parallel_loop3A_574 = arith.index_cast %parallel_loop3A_573 : i32 to index
        %parallel_loop3A_575 = tpu.vector_load %arg7[%parallel_loop3A_574] {strides = array<i32>} : memref<16400xi32, #tpu.memory_space<vmem>>, vector<16xi32>,
        tpu.vector_store %arg7[%parallel_loop3A_574], %parallel_loop3A_541 {strides = array<i32>} : memref<16400xi32, #tpu.memory_space<vmem>>, vector<16xi32>,
        %parallel_loop3A_576 = arith.constant 16 : i32
        %parallel_loop3A_577 = arith.muli %parallel_loop3A_539, %parallel_loop3A_576 : i32
        %parallel_loop3A_578 = arith.constant 3075 : i32
        %parallel_loop3A_579 = arith.addi %parallel_loop3A_578, %parallel_loop3A_577 : i32
        %parallel_loop3A_580 = arith.index_cast %parallel_loop3A_579 : i32 to index
        %parallel_loop3A_581 = tpu.vector_load %arg7[%parallel_loop3A_580] {strides = array<i32>} : memref<16400xi32, #tpu.memory_space<vmem>>, vector<16xi32>,
        %parallel_loop3A_582 = arith.addi %parallel_loop3A_569, %parallel_loop3A_581 : vector<16xi32>
        %parallel_loop3A_583 = arith.constant 16 : i32
        %parallel_loop3A_584 = arith.muli %parallel_loop3A_539, %parallel_loop3A_583 : i32
        %parallel_loop3A_585 = arith.constant 3075 : i32
        %parallel_loop3A_586 = arith.addi %parallel_loop3A_585, %parallel_loop3A_584 : i32
        %parallel_loop3A_587 = arith.index_cast %parallel_loop3A_586 : i32 to index
        %parallel_loop3A_588 = tpu.vector_load %arg7[%parallel_loop3A_587] {strides = array<i32>} : memref<16400xi32, #tpu.memory_space<vmem>>, vector<16xi32>,
        tpu.vector_store %arg7[%parallel_loop3A_587], %parallel_loop3A_541 {strides = array<i32>} : memref<16400xi32, #tpu.memory_space<vmem>>, vector<16xi32>,
        %parallel_loop3A_589 = arith.constant 16 : i32
        %parallel_loop3A_590 = arith.muli %parallel_loop3A_539, %parallel_loop3A_589 : i32
        %parallel_loop3A_591 = arith.constant 4100 : i32
        %parallel_loop3A_592 = arith.addi %parallel_loop3A_591, %parallel_loop3A_590 : i32
        %parallel_loop3A_593 = arith.index_cast %parallel_loop3A_592 : i32 to index
        %parallel_loop3A_594 = tpu.vector_load %arg7[%parallel_loop3A_593] {strides = array<i32>} : memref<16400xi32, #tpu.memory_space<vmem>>, vector<16xi32>,
        %parallel_loop3A_595 = arith.addi %parallel_loop3A_582, %parallel_loop3A_594 : vector<16xi32>
        %parallel_loop3A_596 = arith.constant 16 : i32
        %parallel_loop3A_597 = arith.muli %parallel_loop3A_539, %parallel_loop3A_596 : i32
        %parallel_loop3A_598 = arith.constant 4100 : i32
        %parallel_loop3A_599 = arith.addi %parallel_loop3A_598, %parallel_loop3A_597 : i32
        %parallel_loop3A_600 = arith.index_cast %parallel_loop3A_599 : i32 to index
        %parallel_loop3A_601 = tpu.vector_load %arg7[%parallel_loop3A_600] {strides = array<i32>} : memref<16400xi32, #tpu.memory_space<vmem>>, vector<16xi32>,
        tpu.vector_store %arg7[%parallel_loop3A_600], %parallel_loop3A_541 {strides = array<i32>} : memref<16400xi32, #tpu.memory_space<vmem>>, vector<16xi32>,
        %parallel_loop3A_602 = arith.constant 16 : i32
        %parallel_loop3A_603 = arith.muli %parallel_loop3A_539, %parallel_loop3A_602 : i32
        %parallel_loop3A_604 = arith.constant 5125 : i32
        %parallel_loop3A_605 = arith.addi %parallel_loop3A_604, %parallel_loop3A_603 : i32
        %parallel_loop3A_606 = arith.index_cast %parallel_loop3A_605 : i32 to index
        %parallel_loop3A_607 = tpu.vector_load %arg7[%parallel_loop3A_606] {strides = array<i32>} : memref<16400xi32, #tpu.memory_space<vmem>>, vector<16xi32>,
        %parallel_loop3A_608 = arith.addi %parallel_loop3A_595, %parallel_loop3A_607 : vector<16xi32>
        %parallel_loop3A_609 = arith.constant 16 : i32
        %parallel_loop3A_610 = arith.muli %parallel_loop3A_539, %parallel_loop3A_609 : i32
        %parallel_loop3A_611 = arith.constant 5125 : i32
        %parallel_loop3A_612 = arith.addi %parallel_loop3A_611, %parallel_loop3A_610 : i32
        %parallel_loop3A_613 = arith.index_cast %parallel_loop3A_612 : i32 to index
        %parallel_loop3A_614 = tpu.vector_load %arg7[%parallel_loop3A_613] {strides = array<i32>} : memref<16400xi32, #tpu.memory_space<vmem>>, vector<16xi32>,
        tpu.vector_store %arg7[%parallel_loop3A_613], %parallel_loop3A_541 {strides = array<i32>} : memref<16400xi32, #tpu.memory_space<vmem>>, vector<16xi32>,
        %parallel_loop3A_615 = arith.constant 16 : i32
        %parallel_loop3A_616 = arith.muli %parallel_loop3A_539, %parallel_loop3A_615 : i32
        %parallel_loop3A_617 = arith.constant 6150 : i32
        %parallel_loop3A_618 = arith.addi %parallel_loop3A_617, %parallel_loop3A_616 : i32
        %parallel_loop3A_619 = arith.index_cast %parallel_loop3A_618 : i32 to index
        %parallel_loop3A_620 = tpu.vector_load %arg7[%parallel_loop3A_619] {strides = array<i32>} : memref<16400xi32, #tpu.memory_space<vmem>>, vector<16xi32>,
        %parallel_loop3A_621 = arith.addi %parallel_loop3A_608, %parallel_loop3A_620 : vector<16xi32>
        %parallel_loop3A_622 = arith.constant 16 : i32
        %parallel_loop3A_623 = arith.muli %parallel_loop3A_539, %parallel_loop3A_622 : i32
        %parallel_loop3A_624 = arith.constant 6150 : i32
        %parallel_loop3A_625 = arith.addi %parallel_loop3A_624, %parallel_loop3A_623 : i32
        %parallel_loop3A_626 = arith.index_cast %parallel_loop3A_625 : i32 to index
        %parallel_loop3A_627 = tpu.vector_load %arg7[%parallel_loop3A_626] {strides = array<i32>} : memref<16400xi32, #tpu.memory_space<vmem>>, vector<16xi32>,
        tpu.vector_store %arg7[%parallel_loop3A_626], %parallel_loop3A_541 {strides = array<i32>} : memref<16400xi32, #tpu.memory_space<vmem>>, vector<16xi32>,
        %parallel_loop3A_628 = arith.constant 16 : i32
        %parallel_loop3A_629 = arith.muli %parallel_loop3A_539, %parallel_loop3A_628 : i32
        %parallel_loop3A_630 = arith.constant 7175 : i32
        %parallel_loop3A_631 = arith.addi %parallel_loop3A_630, %parallel_loop3A_629 : i32
        %parallel_loop3A_632 = arith.index_cast %parallel_loop3A_631 : i32 to index
        %parallel_loop3A_633 = tpu.vector_load %arg7[%parallel_loop3A_632] {strides = array<i32>} : memref<16400xi32, #tpu.memory_space<vmem>>, vector<16xi32>,
        %parallel_loop3A_634 = arith.addi %parallel_loop3A_621, %parallel_loop3A_633 : vector<16xi32>
        %parallel_loop3A_635 = arith.constant 16 : i32
        %parallel_loop3A_636 = arith.muli %parallel_loop3A_539, %parallel_loop3A_635 : i32
        %parallel_loop3A_637 = arith.constant 7175 : i32
        %parallel_loop3A_638 = arith.addi %parallel_loop3A_637, %parallel_loop3A_636 : i32
        %parallel_loop3A_639 = arith.index_cast %parallel_loop3A_638 : i32 to index
        %parallel_loop3A_640 = tpu.vector_load %arg7[%parallel_loop3A_639] {strides = array<i32>} : memref<16400xi32, #tpu.memory_space<vmem>>, vector<16xi32>,
        tpu.vector_store %arg7[%parallel_loop3A_639], %parallel_loop3A_541 {strides = array<i32>} : memref<16400xi32, #tpu.memory_space<vmem>>, vector<16xi32>,
        %parallel_loop3A_641 = arith.constant 16 : i32
        %parallel_loop3A_642 = arith.muli %parallel_loop3A_539, %parallel_loop3A_641 : i32
        %parallel_loop3A_643 = arith.constant 8200 : i32
        %parallel_loop3A_644 = arith.addi %parallel_loop3A_643, %parallel_loop3A_642 : i32
        %parallel_loop3A_645 = arith.index_cast %parallel_loop3A_644 : i32 to index
        %parallel_loop3A_646 = tpu.vector_load %arg7[%parallel_loop3A_645] {strides = array<i32>} : memref<16400xi32, #tpu.memory_space<vmem>>, vector<16xi32>,
        %parallel_loop3A_647 = arith.addi %parallel_loop3A_634, %parallel_loop3A_646 : vector<16xi32>
        %parallel_loop3A_648 = arith.constant 16 : i32
        %parallel_loop3A_649 = arith.muli %parallel_loop3A_539, %parallel_loop3A_648 : i32
        %parallel_loop3A_650 = arith.constant 8200 : i32
        %parallel_loop3A_651 = arith.addi %parallel_loop3A_650, %parallel_loop3A_649 : i32
        %parallel_loop3A_652 = arith.index_cast %parallel_loop3A_651 : i32 to index
        %parallel_loop3A_653 = tpu.vector_load %arg7[%parallel_loop3A_652] {strides = array<i32>} : memref<16400xi32, #tpu.memory_space<vmem>>, vector<16xi32>,
        tpu.vector_store %arg7[%parallel_loop3A_652], %parallel_loop3A_541 {strides = array<i32>} : memref<16400xi32, #tpu.memory_space<vmem>>, vector<16xi32>,
        %parallel_loop3A_654 = arith.constant 16 : i32
        %parallel_loop3A_655 = arith.muli %parallel_loop3A_539, %parallel_loop3A_654 : i32
        %parallel_loop3A_656 = arith.constant 9225 : i32
        %parallel_loop3A_657 = arith.addi %parallel_loop3A_656, %parallel_loop3A_655 : i32
        %parallel_loop3A_658 = arith.index_cast %parallel_loop3A_657 : i32 to index
        %parallel_loop3A_659 = tpu.vector_load %arg7[%parallel_loop3A_658] {strides = array<i32>} : memref<16400xi32, #tpu.memory_space<vmem>>, vector<16xi32>,
        %parallel_loop3A_660 = arith.addi %parallel_loop3A_647, %parallel_loop3A_659 : vector<16xi32>
        %parallel_loop3A_661 = arith.constant 16 : i32
        %parallel_loop3A_662 = arith.muli %parallel_loop3A_539, %parallel_loop3A_661 : i32
        %parallel_loop3A_663 = arith.constant 9225 : i32
        %parallel_loop3A_664 = arith.addi %parallel_loop3A_663, %parallel_loop3A_662 : i32
        %parallel_loop3A_665 = arith.index_cast %parallel_loop3A_664 : i32 to index
        %parallel_loop3A_666 = tpu.vector_load %arg7[%parallel_loop3A_665] {strides = array<i32>} : memref<16400xi32, #tpu.memory_space<vmem>>, vector<16xi32>,
        tpu.vector_store %arg7[%parallel_loop3A_665], %parallel_loop3A_541 {strides = array<i32>} : memref<16400xi32, #tpu.memory_space<vmem>>, vector<16xi32>,
        %parallel_loop3A_667 = arith.constant 16 : i32
        %parallel_loop3A_668 = arith.muli %parallel_loop3A_539, %parallel_loop3A_667 : i32
        %parallel_loop3A_669 = arith.constant 10250 : i32
        %parallel_loop3A_670 = arith.addi %parallel_loop3A_669, %parallel_loop3A_668 : i32
        %parallel_loop3A_671 = arith.index_cast %parallel_loop3A_670 : i32 to index
        %parallel_loop3A_672 = tpu.vector_load %arg7[%parallel_loop3A_671] {strides = array<i32>} : memref<16400xi32, #tpu.memory_space<vmem>>, vector<16xi32>,
        %parallel_loop3A_673 = arith.addi %parallel_loop3A_660, %parallel_loop3A_672 : vector<16xi32>
        %parallel_loop3A_674 = arith.constant 16 : i32
        %parallel_loop3A_675 = arith.muli %parallel_loop3A_539, %parallel_loop3A_674 : i32
        %parallel_loop3A_676 = arith.constant 10250 : i32
        %parallel_loop3A_677 = arith.addi %parallel_loop3A_676, %parallel_loop3A_675 : i32
        %parallel_loop3A_678 = arith.index_cast %parallel_loop3A_677 : i32 to index
        %parallel_loop3A_679 = tpu.vector_load %arg7[%parallel_loop3A_678] {strides = array<i32>} : memref<16400xi32, #tpu.memory_space<vmem>>, vector<16xi32>,
        tpu.vector_store %arg7[%parallel_loop3A_678], %parallel_loop3A_541 {strides = array<i32>} : memref<16400xi32, #tpu.memory_space<vmem>>, vector<16xi32>,
        %parallel_loop3A_680 = arith.constant 16 : i32
        %parallel_loop3A_681 = arith.muli %parallel_loop3A_539, %parallel_loop3A_680 : i32
        %parallel_loop3A_682 = arith.constant 11275 : i32
        %parallel_loop3A_683 = arith.addi %parallel_loop3A_682, %parallel_loop3A_681 : i32
        %parallel_loop3A_684 = arith.index_cast %parallel_loop3A_683 : i32 to index
        %parallel_loop3A_685 = tpu.vector_load %arg7[%parallel_loop3A_684] {strides = array<i32>} : memref<16400xi32, #tpu.memory_space<vmem>>, vector<16xi32>,
        %parallel_loop3A_686 = arith.addi %parallel_loop3A_673, %parallel_loop3A_685 : vector<16xi32>
        %parallel_loop3A_687 = arith.constant 16 : i32
        %parallel_loop3A_688 = arith.muli %parallel_loop3A_539, %parallel_loop3A_687 : i32
        %parallel_loop3A_689 = arith.constant 11275 : i32
        %parallel_loop3A_690 = arith.addi %parallel_loop3A_689, %parallel_loop3A_688 : i32
        %parallel_loop3A_691 = arith.index_cast %parallel_loop3A_690 : i32 to index
        %parallel_loop3A_692 = tpu.vector_load %arg7[%parallel_loop3A_691] {strides = array<i32>} : memref<16400xi32, #tpu.memory_space<vmem>>, vector<16xi32>,
        tpu.vector_store %arg7[%parallel_loop3A_691], %parallel_loop3A_541 {strides = array<i32>} : memref<16400xi32, #tpu.memory_space<vmem>>, vector<16xi32>,
        %parallel_loop3A_693 = arith.constant 16 : i32
        %parallel_loop3A_694 = arith.muli %parallel_loop3A_539, %parallel_loop3A_693 : i32
        %parallel_loop3A_695 = arith.constant 12300 : i32
        %parallel_loop3A_696 = arith.addi %parallel_loop3A_695, %parallel_loop3A_694 : i32
        %parallel_loop3A_697 = arith.index_cast %parallel_loop3A_696 : i32 to index
        %parallel_loop3A_698 = tpu.vector_load %arg7[%parallel_loop3A_697] {strides = array<i32>} : memref<16400xi32, #tpu.memory_space<vmem>>, vector<16xi32>,
        %parallel_loop3A_699 = arith.addi %parallel_loop3A_686, %parallel_loop3A_698 : vector<16xi32>
        %parallel_loop3A_700 = arith.constant 16 : i32
        %parallel_loop3A_701 = arith.muli %parallel_loop3A_539, %parallel_loop3A_700 : i32
        %parallel_loop3A_702 = arith.constant 12300 : i32
        %parallel_loop3A_703 = arith.addi %parallel_loop3A_702, %parallel_loop3A_701 : i32
        %parallel_loop3A_704 = arith.index_cast %parallel_loop3A_703 : i32 to index
        %parallel_loop3A_705 = tpu.vector_load %arg7[%parallel_loop3A_704] {strides = array<i32>} : memref<16400xi32, #tpu.memory_space<vmem>>, vector<16xi32>,
        tpu.vector_store %arg7[%parallel_loop3A_704], %parallel_loop3A_541 {strides = array<i32>} : memref<16400xi32, #tpu.memory_space<vmem>>, vector<16xi32>,
        %parallel_loop3A_706 = arith.constant 16 : i32
        %parallel_loop3A_707 = arith.muli %parallel_loop3A_539, %parallel_loop3A_706 : i32
        %parallel_loop3A_708 = arith.constant 13325 : i32
        %parallel_loop3A_709 = arith.addi %parallel_loop3A_708, %parallel_loop3A_707 : i32
        %parallel_loop3A_710 = arith.index_cast %parallel_loop3A_709 : i32 to index
        %parallel_loop3A_711 = tpu.vector_load %arg7[%parallel_loop3A_710] {strides = array<i32>} : memref<16400xi32, #tpu.memory_space<vmem>>, vector<16xi32>,
        %parallel_loop3A_712 = arith.addi %parallel_loop3A_699, %parallel_loop3A_711 : vector<16xi32>
        %parallel_loop3A_713 = arith.constant 16 : i32
        %parallel_loop3A_714 = arith.muli %parallel_loop3A_539, %parallel_loop3A_713 : i32
        %parallel_loop3A_715 = arith.constant 13325 : i32
        %parallel_loop3A_716 = arith.addi %parallel_loop3A_715, %parallel_loop3A_714 : i32
        %parallel_loop3A_717 = arith.index_cast %parallel_loop3A_716 : i32 to index
        %parallel_loop3A_718 = tpu.vector_load %arg7[%parallel_loop3A_717] {strides = array<i32>} : memref<16400xi32, #tpu.memory_space<vmem>>, vector<16xi32>,
        tpu.vector_store %arg7[%parallel_loop3A_717], %parallel_loop3A_541 {strides = array<i32>} : memref<16400xi32, #tpu.memory_space<vmem>>, vector<16xi32>,
        %parallel_loop3A_719 = arith.constant 16 : i32
        %parallel_loop3A_720 = arith.muli %parallel_loop3A_539, %parallel_loop3A_719 : i32
        %parallel_loop3A_721 = arith.constant 14350 : i32
        %parallel_loop3A_722 = arith.addi %parallel_loop3A_721, %parallel_loop3A_720 : i32
        %parallel_loop3A_723 = arith.index_cast %parallel_loop3A_722 : i32 to index
        %parallel_loop3A_724 = tpu.vector_load %arg7[%parallel_loop3A_723] {strides = array<i32>} : memref<16400xi32, #tpu.memory_space<vmem>>, vector<16xi32>,
        %parallel_loop3A_725 = arith.addi %parallel_loop3A_712, %parallel_loop3A_724 : vector<16xi32>
        %parallel_loop3A_726 = arith.constant 16 : i32
        %parallel_loop3A_727 = arith.muli %parallel_loop3A_539, %parallel_loop3A_726 : i32
        %parallel_loop3A_728 = arith.constant 14350 : i32
        %parallel_loop3A_729 = arith.addi %parallel_loop3A_728, %parallel_loop3A_727 : i32
        %parallel_loop3A_730 = arith.index_cast %parallel_loop3A_729 : i32 to index
        %parallel_loop3A_731 = tpu.vector_load %arg7[%parallel_loop3A_730] {strides = array<i32>} : memref<16400xi32, #tpu.memory_space<vmem>>, vector<16xi32>,
        tpu.vector_store %arg7[%parallel_loop3A_730], %parallel_loop3A_541 {strides = array<i32>} : memref<16400xi32, #tpu.memory_space<vmem>>, vector<16xi32>,
        %parallel_loop3A_732 = arith.constant 16 : i32
        %parallel_loop3A_733 = arith.muli %parallel_loop3A_539, %parallel_loop3A_732 : i32
        %parallel_loop3A_734 = arith.constant 15375 : i32
        %parallel_loop3A_735 = arith.addi %parallel_loop3A_734, %parallel_loop3A_733 : i32
        %parallel_loop3A_736 = arith.index_cast %parallel_loop3A_735 : i32 to index
        %parallel_loop3A_737 = tpu.vector_load %arg7[%parallel_loop3A_736] {strides = array<i32>} : memref<16400xi32, #tpu.memory_space<vmem>>, vector<16xi32>,
        %parallel_loop3A_738 = arith.addi %parallel_loop3A_725, %parallel_loop3A_737 : vector<16xi32>
        %parallel_loop3A_739 = arith.constant 16 : i32
        %parallel_loop3A_740 = arith.muli %parallel_loop3A_539, %parallel_loop3A_739 : i32
        %parallel_loop3A_741 = arith.constant 15375 : i32
        %parallel_loop3A_742 = arith.addi %parallel_loop3A_741, %parallel_loop3A_740 : i32
        %parallel_loop3A_743 = arith.index_cast %parallel_loop3A_742 : i32 to index
        %parallel_loop3A_744 = tpu.vector_load %arg7[%parallel_loop3A_743] {strides = array<i32>} : memref<16400xi32, #tpu.memory_space<vmem>>, vector<16xi32>,
        tpu.vector_store %arg7[%parallel_loop3A_743], %parallel_loop3A_541 {strides = array<i32>} : memref<16400xi32, #tpu.memory_space<vmem>>, vector<16xi32>,
        %parallel_loop3A_745 = arith.constant 15 : i32
        %parallel_loop3A_746 = vector.broadcast %parallel_loop3A_745 : i32 to vector<16xi32>
        %parallel_loop3A_747 = tpu.iota {dimensions = array<i32: 0>} : vector<16xi32>
        %parallel_loop3A_748 = arith.subi %parallel_loop3A_746, %parallel_loop3A_747 : vector<16xi32>
        %parallel_loop3A_749 = tpu.dynamic_gather %parallel_loop3A_738[%parallel_loop3A_748] in [0] : vector<16xi32>, vector<16xi32> -> vector<16xi32>
        %parallel_loop3A_750 = arith.constant true
        %parallel_loop3A_751 = vector.broadcast %parallel_loop3A_750 : i1 to vector<16xi1>
        %parallel_loop3A_752 = tpu.scan <sum>, %parallel_loop3A_749 masked %parallel_loop3A_751 : vector<16xi32>, vector<16xi1> -> vector<16xi32>
        %parallel_loop3A_753 = arith.constant 16 : i32
        %parallel_loop3A_754 = arith.muli %parallel_loop3A_539, %parallel_loop3A_753 : i32
        %parallel_loop3A_755 = arith.index_cast %parallel_loop3A_754 : i32 to index
        %parallel_loop3A_756 = tpu.vector_load %arg8[%parallel_loop3A_755] {strides = array<i32>} : memref<1024xi32, #tpu.memory_space<vmem>>, vector<16xi32>,
        tpu.vector_store %arg8[%parallel_loop3A_755], %parallel_loop3A_752 {strides = array<i32>} : memref<1024xi32, #tpu.memory_space<vmem>>, vector<16xi32>,
        %parallel_loop3A_757 = arith.constant 16 : i32
        %parallel_loop3A_758 = arith.muli %parallel_loop3A_539, %parallel_loop3A_757 : i32
        %parallel_loop3A_759 = arith.index_cast %parallel_loop3A_758 : i32 to index
        %parallel_loop3A_760 = tpu.vector_load %arg10[%parallel_loop3A_759] {strides = array<i32>} : memref<1024xi32, #tpu.memory_space<vmem>>, vector<16xi32>,
        tpu.vector_store %arg10[%parallel_loop3A_759], %parallel_loop3A_749 {strides = array<i32>} : memref<1024xi32, #tpu.memory_space<vmem>>, vector<16xi32>,
      } {sc.loop_unroll_factor = 2 : i64, sc.parallel_access}
      %add3A_342 = arith.constant 0 : i32
      %add3A_343 = vector.broadcast %add3A_342 : i32 to vector<16xi32>
      %add3A_344 = arith.addi %iota3A, %add3A_343 : vector<16xi32>
      %mul3A_345 = arith.constant 16 : i32
      %mul3A_346 = vector.broadcast %mul3A_345 : i32 to vector<16xi32>
      %mul3A_347 = arith.muli %add3A_344, %mul3A_346 : vector<16xi32>
      %add3A_348 = arith.constant 15 : i32
      %add3A_349 = vector.broadcast %add3A_348 : i32 to vector<16xi32>
      %add3A_350 = arith.addi %mul3A_347, %add3A_349 : vector<16xi32>
      %gather3A_351 = tpu.vector_load_idx %arg8[%add3A_350] : memref<1024xi32, #tpu.memory_space<vmem>>[vector<16xi32>], vector<16xi32>,
      %add3A_352 = arith.constant 0 : i32
      %add3A_353 = vector.broadcast %add3A_352 : i32 to vector<16xi32>
      %add3A_354 = arith.addi %iota3A, %add3A_353 : vector<16xi32>
      %lt3A_355 = arith.constant 16 : i32
      %lt3A_356 = vector.broadcast %lt3A_355 : i32 to vector<16xi32>
      %lt3A_357 = arith.cmpi slt, %add3A_354, %lt3A_356 : vector<16xi32>
      %jit3A_358 = arith.constant 0 : i32
      %broadcast_in_dim3A_359 = vector.broadcast %jit3A_358 : i32 to vector<16xi32>
      %select_n3A_360 = arith.select %lt3A_357, %gather3A_351, %broadcast_in_dim3A_359 : vector<16xi1>, vector<16xi32>
      %rev3A_361 = arith.constant 15 : i32
      %rev3A_362 = vector.broadcast %rev3A_361 : i32 to vector<16xi32>
      %rev3A_363 = tpu.iota {dimensions = array<i32: 0>} : vector<16xi32>
      %rev3A_364 = arith.subi %rev3A_362, %rev3A_363 : vector<16xi32>
      %rev3A_365 = tpu.dynamic_gather %select_n3A_360[%rev3A_364] in [0] : vector<16xi32>, vector<16xi32> -> vector<16xi32>
      %cumsum3A_366 = arith.constant true
      %cumsum3A_367 = vector.broadcast %cumsum3A_366 : i1 to vector<16xi1>
      %cumsum3A_368 = tpu.scan <sum>, %rev3A_365 masked %cumsum3A_367 : vector<16xi32>, vector<16xi1> -> vector<16xi32>
      %rev3A_369 = arith.constant 15 : i32
      %rev3A_370 = vector.broadcast %rev3A_369 : i32 to vector<16xi32>
      %rev3A_371 = tpu.iota {dimensions = array<i32: 0>} : vector<16xi32>
      %rev3A_372 = arith.subi %rev3A_370, %rev3A_371 : vector<16xi32>
      %rev3A_373 = tpu.dynamic_gather %cumsum3A_368[%rev3A_372] in [0] : vector<16xi32>, vector<16xi32> -> vector<16xi32>
      %sub3A_374 = arith.subi %rev3A_373, %select_n3A_360 : vector<16xi32>
      %add3A_375 = arith.constant 0 : i32
      %add3A_376 = vector.broadcast %add3A_375 : i32 to vector<16xi32>
      %add3A_377 = arith.addi %sub3A_374, %add3A_376 : vector<16xi32>
      %swap3A_378 = arith.constant 0 : index
      %swap3A_379 = tpu.vector_load %arg9[%swap3A_378] {strides = array<i32>} : memref<64xi32, #tpu.memory_space<vmem>>, vector<16xi32>,
      tpu.vector_store %arg9[%swap3A_378], %add3A_377 {strides = array<i32>} : memref<64xi32, #tpu.memory_space<vmem>>, vector<16xi32>,
      %reduce_sum3A_380 = arith.constant true
      %reduce_sum3A_381 = vector.broadcast %reduce_sum3A_380 : i1 to vector<16xi1>
      %reduce_sum3A_382 = tpu.scan <sum>, %select_n3A_360 masked %reduce_sum3A_381 : vector<16xi32>, vector<16xi1> -> vector<16xi32>
      %reduce_sum3A_383 = vector.extract %reduce_sum3A_382[15] : i32 from vector<16xi32>
      %add3A_384 = arith.constant 0 : i32
      %add3A_385 = arith.addi %add3A_384, %reduce_sum3A_383 : i32
      %broadcast_in_dim3A_386 = arith.constant -1 : i32
      %broadcast_in_dim3A_387 = vector.broadcast %broadcast_in_dim3A_386 : i32 to vector<16xi32>
      %broadcast_in_dim3A_388 = arith.constant 2147483647 : i32
      %broadcast_in_dim3A_389 = vector.broadcast %broadcast_in_dim3A_388 : i32 to vector<16xi32>
      %parallel_loop3A_390 = arith.constant 0 : i32
      %parallel_loop3A_391 = arith.constant 16 : i32
      %parallel_loop3A_392 = arith.constant 1 : i32
      %parallel_loop3A_393:2 = scf.for %parallel_loop3A_539 = %parallel_loop3A_390 to %parallel_loop3A_391 step %parallel_loop3A_392 iter_args(%parallel_loop3A_540 = %broadcast_in_dim3A_387, %parallel_loop3A_541 = %broadcast_in_dim3A_389) -> (vector<16xi32>, vector<16xi32>)  : i32 {
        %parallel_loop3A_542 = arith.constant 0 : i32
        %parallel_loop3A_543 = vector.broadcast %parallel_loop3A_542 : i32 to vector<16xi32>
        %parallel_loop3A_544 = vector.broadcast %parallel_loop3A_539 : i32 to vector<16xi32>
        %parallel_loop3A_545 = arith.addi %parallel_loop3A_543, %parallel_loop3A_544 : vector<16xi32>
        %parallel_loop3A_546 = tpu.vector_load_idx %arg9[%parallel_loop3A_545] : memref<64xi32, #tpu.memory_space<vmem>>[vector<16xi32>], vector<16xi32>,
        %parallel_loop3A_547 = arith.constant 16 : i32
        %parallel_loop3A_548 = arith.muli %parallel_loop3A_539, %parallel_loop3A_547 : i32
        %parallel_loop3A_549 = arith.index_cast %parallel_loop3A_548 : i32 to index
        %parallel_loop3A_550 = tpu.vector_load %arg8[%parallel_loop3A_549] {strides = array<i32>} : memref<1024xi32, #tpu.memory_space<vmem>>, vector<16xi32>,
        %parallel_loop3A_551 = arith.addi %parallel_loop3A_550, %parallel_loop3A_546 : vector<16xi32>
        %parallel_loop3A_552 = arith.constant 16 : i32
        %parallel_loop3A_553 = arith.muli %parallel_loop3A_539, %parallel_loop3A_552 : i32
        %parallel_loop3A_554 = arith.index_cast %parallel_loop3A_553 : i32 to index
        %parallel_loop3A_555 = tpu.vector_load %arg10[%parallel_loop3A_554] {strides = array<i32>} : memref<1024xi32, #tpu.memory_space<vmem>>, vector<16xi32>,
        %parallel_loop3A_556 = arith.subi %parallel_loop3A_551, %parallel_loop3A_555 : vector<16xi32>
        %parallel_loop3A_557 = vector.broadcast %sub3A_338 : i32 to vector<16xi32>
        %parallel_loop3A_558 = arith.cmpi sge, %parallel_loop3A_551, %parallel_loop3A_557 : vector<16xi32>
        %parallel_loop3A_559 = arith.constant 16 : i32
        %parallel_loop3A_560 = arith.muli %parallel_loop3A_539, %parallel_loop3A_559 : i32
        %parallel_loop3A_561 = arith.constant 15 : i32
        %parallel_loop3A_562 = arith.addi %parallel_loop3A_560, %parallel_loop3A_561 : i32
        %parallel_loop3A_563 = vector.broadcast %parallel_loop3A_562 : i32 to vector<16xi32>
        %parallel_loop3A_564 = arith.subi %parallel_loop3A_563, %iota3A : vector<16xi32>
        %parallel_loop3A_565 = arith.constant -1 : i32
        %parallel_loop3A_566 = vector.broadcast %parallel_loop3A_565 : i32 to vector<16xi32>
        %parallel_loop3A_567 = arith.select %parallel_loop3A_558, %parallel_loop3A_564, %parallel_loop3A_566 : vector<16xi1>, vector<16xi32>
        %parallel_loop3A_568 = arith.maxsi %parallel_loop3A_540, %parallel_loop3A_567 : vector<16xi32>
        %parallel_loop3A_569 = arith.constant 2147483647 : i32
        %parallel_loop3A_570 = vector.broadcast %parallel_loop3A_569 : i32 to vector<16xi32>
        %parallel_loop3A_571 = arith.select %parallel_loop3A_558, %parallel_loop3A_556, %parallel_loop3A_570 : vector<16xi1>, vector<16xi32>
        %parallel_loop3A_572 = arith.minsi %parallel_loop3A_541, %parallel_loop3A_571 : vector<16xi32>
        scf.yield %parallel_loop3A_568, %parallel_loop3A_572 : vector<16xi32>, vector<16xi32>
      } {sc.loop_unroll_factor = 2 : i64, sc.parallel_access}
      %reduce_max3A_394 = arith.constant true
      %reduce_max3A_395 = vector.broadcast %reduce_max3A_394 : i1 to vector<16xi1>
      %reduce_max3A_396 = arith.constant -2147483648 : i32
      %reduce_max3A_397 = vector.broadcast %reduce_max3A_396 : i32 to vector<16xi32>
      %reduce_max3A_398 = arith.xori %parallel_loop3A_393#0, %reduce_max3A_397 : vector<16xi32>
      %reduce_max3A_399 = tpu.scan <max>, %reduce_max3A_398 masked %reduce_max3A_395 : vector<16xi32>, vector<16xi1> -> vector<16xi32>
      %reduce_max3A_400 = arith.xori %reduce_max3A_399, %reduce_max3A_397 : vector<16xi32>
      %reduce_max3A_401 = vector.extract %reduce_max3A_400[15] : i32 from vector<16xi32>
      %reduce_min3A_402 = arith.constant true
      %reduce_min3A_403 = vector.broadcast %reduce_min3A_402 : i1 to vector<16xi1>
      %reduce_min3A_404 = arith.constant -2147483648 : i32
      %reduce_min3A_405 = vector.broadcast %reduce_min3A_404 : i32 to vector<16xi32>
      %reduce_min3A_406 = arith.xori %parallel_loop3A_393#1, %reduce_min3A_405 : vector<16xi32>
      %reduce_min3A_407 = tpu.scan <min>, %reduce_min3A_406 masked %reduce_min3A_403 : vector<16xi32>, vector<16xi1> -> vector<16xi32>
      %reduce_min3A_408 = arith.xori %reduce_min3A_407, %reduce_min3A_405 : vector<16xi32>
      %reduce_min3A_409 = vector.extract %reduce_min3A_408[15] : i32 from vector<16xi32>
      %broadcast_in_dim3A_410 = arith.constant 0 : i32
      %broadcast_in_dim3A_411 = vector.broadcast %broadcast_in_dim3A_410 : i32 to vector<16xi32>
      %parallel_loop3A_412 = arith.constant 0 : i32
      %parallel_loop3A_413 = arith.constant 1 : i32
      %parallel_loop3A_414:2 = scf.for %parallel_loop3A_539 = %parallel_loop3A_412 to %reduce_max3A_334 step %parallel_loop3A_413 iter_args(%parallel_loop3A_540 = %broadcast_in_dim3A_411, %parallel_loop3A_541 = %parallel_loop3A_325#1) -> (vector<16xi32>, vector<16xf32>)  : i32 {
        %parallel_loop3A_542 = vector.broadcast %parallel_loop3A_539 : i32 to vector<16xi32>
        %parallel_loop3A_543 = arith.addi %mul3A_7, %parallel_loop3A_542 : vector<16xi32>
        %parallel_loop3A_544 = tpu.vector_load_idx %arg5[%parallel_loop3A_543] : memref<32784xi32, #tpu.memory_space<vmem>>[vector<16xi32>], vector<16xi32>,
        %parallel_loop3A_545 = tpu.bitcast %parallel_loop3A_544 : vector<16xi32> -> vector<16xi32>
        %parallel_loop3A_546 = arith.constant -2147483648 : i32
        %parallel_loop3A_547 = vector.broadcast %parallel_loop3A_546 : i32 to vector<16xi32>
        %parallel_loop3A_548 = arith.cmpi uge, %parallel_loop3A_545, %parallel_loop3A_547 : vector<16xi32>
        %parallel_loop3A_549 = arith.constant -2147483648 : i32
        %parallel_loop3A_550 = vector.broadcast %parallel_loop3A_549 : i32 to vector<16xi32>
        %parallel_loop3A_551 = arith.xori %parallel_loop3A_545, %parallel_loop3A_550 : vector<16xi32>
        %parallel_loop3A_552 = arith.constant dense<-1> : vector<16xi32>
        %parallel_loop3A_553 = arith.xori %parallel_loop3A_545, %parallel_loop3A_552 : vector<16xi32>
        %parallel_loop3A_554 = arith.select %parallel_loop3A_548, %parallel_loop3A_551, %parallel_loop3A_553 : vector<16xi1>, vector<16xi32>
        %parallel_loop3A_555 = tpu.bitcast %parallel_loop3A_554 : vector<16xi32> -> vector<16xf32>
        %parallel_loop3A_556 = vector.broadcast %parallel_loop3A_539 : i32 to vector<16xi32>
        %parallel_loop3A_557 = arith.cmpi sgt, %parallel_loop3A_325#0, %parallel_loop3A_556 : vector<16xi32>
        %parallel_loop3A_558 = arith.constant 6 : i32
        %parallel_loop3A_559 = vector.broadcast %parallel_loop3A_558 : i32 to vector<16xi32>
        %parallel_loop3A_560 = arith.shrui %parallel_loop3A_545, %parallel_loop3A_559 : vector<16xi32>
        %parallel_loop3A_561 = arith.constant 255 : i32
        %parallel_loop3A_562 = vector.broadcast %parallel_loop3A_561 : i32 to vector<16xi32>
        %parallel_loop3A_563 = arith.andi %parallel_loop3A_560, %parallel_loop3A_562 : vector<16xi32>
        %parallel_loop3A_564 = vector.broadcast %reduce_max3A_401 : i32 to vector<16xi32>
        %parallel_loop3A_565 = arith.cmpi sgt, %parallel_loop3A_563, %parallel_loop3A_564 : vector<16xi32>
        %parallel_loop3A_566 = arith.andi %parallel_loop3A_557, %parallel_loop3A_565 : vector<16xi1>
        %parallel_loop3A_567 = vector.broadcast %reduce_max3A_401 : i32 to vector<16xi32>
        %parallel_loop3A_568 = arith.cmpi eq, %parallel_loop3A_563, %parallel_loop3A_567 : vector<16xi32>
        %parallel_loop3A_569 = arith.andi %parallel_loop3A_557, %parallel_loop3A_568 : vector<16xi1>
        %parallel_loop3A_570 = arith.constant 0.000000e+00 : f32
        %parallel_loop3A_571 = vector.broadcast %parallel_loop3A_570 : f32 to vector<16xf32>
        %parallel_loop3A_572 = arith.select %parallel_loop3A_566, %parallel_loop3A_555, %parallel_loop3A_571 : vector<16xi1>, vector<16xf32>
        %parallel_loop3A_573 = arith.addf %parallel_loop3A_541, %parallel_loop3A_572 : vector<16xf32>
        %parallel_loop3A_574 = arith.addi %mul3A_7, %parallel_loop3A_540 : vector<16xi32>
        %parallel_loop3A_575 = tpu.bitcast %parallel_loop3A_545 : vector<16xi32> -> vector<16xi32>
        tpu.vector_store_idx %arg6[%parallel_loop3A_574], %parallel_loop3A_575 masked %parallel_loop3A_569 : memref<32784xi32, #tpu.memory_space<vmem>>[vector<16xi32>], vector<16xi32>, vector<16xi1>
        %parallel_loop3A_576 = arith.extui %parallel_loop3A_569 : vector<16xi1> to vector<16xi32>
        %parallel_loop3A_577 = arith.addi %parallel_loop3A_540, %parallel_loop3A_576 : vector<16xi32>
        scf.yield %parallel_loop3A_577, %parallel_loop3A_573 : vector<16xi32>, vector<16xf32>
      } {sc.loop_unroll_factor = 1 : i64, sc.parallel_access}
      %add3A_415 = arith.addi %add3A_326, %reduce_min3A_409 : i32
      %reduce_max3A_416 = arith.constant true
      %reduce_max3A_417 = vector.broadcast %reduce_max3A_416 : i1 to vector<16xi1>
      %reduce_max3A_418 = arith.constant -2147483648 : i32
      %reduce_max3A_419 = vector.broadcast %reduce_max3A_418 : i32 to vector<16xi32>
      %reduce_max3A_420 = arith.xori %parallel_loop3A_414#0, %reduce_max3A_419 : vector<16xi32>
      %reduce_max3A_421 = tpu.scan <max>, %reduce_max3A_420 masked %reduce_max3A_417 : vector<16xi32>, vector<16xi1> -> vector<16xi32>
      %reduce_max3A_422 = arith.xori %reduce_max3A_421, %reduce_max3A_419 : vector<16xi32>
      %reduce_max3A_423 = vector.extract %reduce_max3A_422[15] : i32 from vector<16xi32>
      %parallel_loop3A_424 = arith.constant 0 : i32
      %parallel_loop3A_425 = arith.constant 1 : i32
      scf.for %parallel_loop3A_539 = %parallel_loop3A_424 to %reduce_max3A_423 step %parallel_loop3A_425  : i32 {
        %parallel_loop3A_540 = vector.broadcast %parallel_loop3A_539 : i32 to vector<16xi32>
        %parallel_loop3A_541 = arith.addi %mul3A_7, %parallel_loop3A_540 : vector<16xi32>
        %parallel_loop3A_542 = tpu.vector_load_idx %arg6[%parallel_loop3A_541] : memref<32784xi32, #tpu.memory_space<vmem>>[vector<16xi32>], vector<16xi32>,
        %parallel_loop3A_543 = tpu.bitcast %parallel_loop3A_542 : vector<16xi32> -> vector<16xi32>
        %parallel_loop3A_544 = vector.broadcast %parallel_loop3A_539 : i32 to vector<16xi32>
        %parallel_loop3A_545 = arith.cmpi sgt, %parallel_loop3A_414#0, %parallel_loop3A_544 : vector<16xi32>
        %parallel_loop3A_546 = arith.constant 0 : i32
        %parallel_loop3A_547 = vector.broadcast %parallel_loop3A_546 : i32 to vector<16xi32>
        %parallel_loop3A_548 = arith.shrui %parallel_loop3A_543, %parallel_loop3A_547 : vector<16xi32>
        %parallel_loop3A_549 = arith.constant 63 : i32
        %parallel_loop3A_550 = vector.broadcast %parallel_loop3A_549 : i32 to vector<16xi32>
        %parallel_loop3A_551 = arith.andi %parallel_loop3A_548, %parallel_loop3A_550 : vector<16xi32>
        %parallel_loop3A_552 = arith.addi %mul3A_3, %parallel_loop3A_551 : vector<16xi32>
        tpu.vector_store_idx %arg7[%parallel_loop3A_552], %broadcast_in_dim3A_4 masked %parallel_loop3A_545 {add = true} : memref<16400xi32, #tpu.memory_space<vmem>>[vector<16xi32>], vector<16xi32>, vector<16xi1>
      } {sc.loop_unroll_factor = 4 : i64, sc.parallel_access}
      %sub3A_426 = arith.constant 3277 : i32
      %sub3A_427 = arith.subi %sub3A_426, %add3A_415 : i32
      %parallel_loop3A_428 = arith.constant 0 : i32
      %parallel_loop3A_429 = arith.constant 4 : i32
      %parallel_loop3A_430 = arith.constant 1 : i32
      scf.for %parallel_loop3A_539 = %parallel_loop3A_428 to %parallel_loop3A_429 step %parallel_loop3A_430  : i32 {
        %parallel_loop3A_540 = arith.constant 0 : i32
        %parallel_loop3A_541 = vector.broadcast %parallel_loop3A_540 : i32 to vector<16xi32>
        %parallel_loop3A_542 = arith.constant 16 : i32
        %parallel_loop3A_543 = arith.muli %parallel_loop3A_539, %parallel_loop3A_542 : i32
        %parallel_loop3A_544 = arith.index_cast %parallel_loop3A_543 : i32 to index
        %parallel_loop3A_545 = tpu.vector_load %arg7[%parallel_loop3A_544] {strides = array<i32>} : memref<16400xi32, #tpu.memory_space<vmem>>, vector<16xi32>,
        %parallel_loop3A_546 = arith.constant 16 : i32
        %parallel_loop3A_547 = arith.muli %parallel_loop3A_539, %parallel_loop3A_546 : i32
        %parallel_loop3A_548 = arith.index_cast %parallel_loop3A_547 : i32 to index
        %parallel_loop3A_549 = tpu.vector_load %arg7[%parallel_loop3A_548] {strides = array<i32>} : memref<16400xi32, #tpu.memory_space<vmem>>, vector<16xi32>,
        tpu.vector_store %arg7[%parallel_loop3A_548], %parallel_loop3A_541 {strides = array<i32>} : memref<16400xi32, #tpu.memory_space<vmem>>, vector<16xi32>,
        %parallel_loop3A_550 = arith.constant 16 : i32
        %parallel_loop3A_551 = arith.muli %parallel_loop3A_539, %parallel_loop3A_550 : i32
        %parallel_loop3A_552 = arith.constant 1025 : i32
        %parallel_loop3A_553 = arith.addi %parallel_loop3A_552, %parallel_loop3A_551 : i32
        %parallel_loop3A_554 = arith.index_cast %parallel_loop3A_553 : i32 to index
        %parallel_loop3A_555 = tpu.vector_load %arg7[%parallel_loop3A_554] {strides = array<i32>} : memref<16400xi32, #tpu.memory_space<vmem>>, vector<16xi32>,
        %parallel_loop3A_556 = arith.addi %parallel_loop3A_545, %parallel_loop3A_555 : vector<16xi32>
        %parallel_loop3A_557 = arith.constant 16 : i32
        %parallel_loop3A_558 = arith.muli %parallel_loop3A_539, %parallel_loop3A_557 : i32
        %parallel_loop3A_559 = arith.constant 1025 : i32
        %parallel_loop3A_560 = arith.addi %parallel_loop3A_559, %parallel_loop3A_558 : i32
        %parallel_loop3A_561 = arith.index_cast %parallel_loop3A_560 : i32 to index
        %parallel_loop3A_562 = tpu.vector_load %arg7[%parallel_loop3A_561] {strides = array<i32>} : memref<16400xi32, #tpu.memory_space<vmem>>, vector<16xi32>,
        tpu.vector_store %arg7[%parallel_loop3A_561], %parallel_loop3A_541 {strides = array<i32>} : memref<16400xi32, #tpu.memory_space<vmem>>, vector<16xi32>,
        %parallel_loop3A_563 = arith.constant 16 : i32
        %parallel_loop3A_564 = arith.muli %parallel_loop3A_539, %parallel_loop3A_563 : i32
        %parallel_loop3A_565 = arith.constant 2050 : i32
        %parallel_loop3A_566 = arith.addi %parallel_loop3A_565, %parallel_loop3A_564 : i32
        %parallel_loop3A_567 = arith.index_cast %parallel_loop3A_566 : i32 to index
        %parallel_loop3A_568 = tpu.vector_load %arg7[%parallel_loop3A_567] {strides = array<i32>} : memref<16400xi32, #tpu.memory_space<vmem>>, vector<16xi32>,
        %parallel_loop3A_569 = arith.addi %parallel_loop3A_556, %parallel_loop3A_568 : vector<16xi32>
        %parallel_loop3A_570 = arith.constant 16 : i32
        %parallel_loop3A_571 = arith.muli %parallel_loop3A_539, %parallel_loop3A_570 : i32
        %parallel_loop3A_572 = arith.constant 2050 : i32
        %parallel_loop3A_573 = arith.addi %parallel_loop3A_572, %parallel_loop3A_571 : i32
        %parallel_loop3A_574 = arith.index_cast %parallel_loop3A_573 : i32 to index
        %parallel_loop3A_575 = tpu.vector_load %arg7[%parallel_loop3A_574] {strides = array<i32>} : memref<16400xi32, #tpu.memory_space<vmem>>, vector<16xi32>,
        tpu.vector_store %arg7[%parallel_loop3A_574], %parallel_loop3A_541 {strides = array<i32>} : memref<16400xi32, #tpu.memory_space<vmem>>, vector<16xi32>,
        %parallel_loop3A_576 = arith.constant 16 : i32
        %parallel_loop3A_577 = arith.muli %parallel_loop3A_539, %parallel_loop3A_576 : i32
        %parallel_loop3A_578 = arith.constant 3075 : i32
        %parallel_loop3A_579 = arith.addi %parallel_loop3A_578, %parallel_loop3A_577 : i32
        %parallel_loop3A_580 = arith.index_cast %parallel_loop3A_579 : i32 to index
        %parallel_loop3A_581 = tpu.vector_load %arg7[%parallel_loop3A_580] {strides = array<i32>} : memref<16400xi32, #tpu.memory_space<vmem>>, vector<16xi32>,
        %parallel_loop3A_582 = arith.addi %parallel_loop3A_569, %parallel_loop3A_581 : vector<16xi32>
        %parallel_loop3A_583 = arith.constant 16 : i32
        %parallel_loop3A_584 = arith.muli %parallel_loop3A_539, %parallel_loop3A_583 : i32
        %parallel_loop3A_585 = arith.constant 3075 : i32
        %parallel_loop3A_586 = arith.addi %parallel_loop3A_585, %parallel_loop3A_584 : i32
        %parallel_loop3A_587 = arith.index_cast %parallel_loop3A_586 : i32 to index
        %parallel_loop3A_588 = tpu.vector_load %arg7[%parallel_loop3A_587] {strides = array<i32>} : memref<16400xi32, #tpu.memory_space<vmem>>, vector<16xi32>,
        tpu.vector_store %arg7[%parallel_loop3A_587], %parallel_loop3A_541 {strides = array<i32>} : memref<16400xi32, #tpu.memory_space<vmem>>, vector<16xi32>,
        %parallel_loop3A_589 = arith.constant 16 : i32
        %parallel_loop3A_590 = arith.muli %parallel_loop3A_539, %parallel_loop3A_589 : i32
        %parallel_loop3A_591 = arith.constant 4100 : i32
        %parallel_loop3A_592 = arith.addi %parallel_loop3A_591, %parallel_loop3A_590 : i32
        %parallel_loop3A_593 = arith.index_cast %parallel_loop3A_592 : i32 to index
        %parallel_loop3A_594 = tpu.vector_load %arg7[%parallel_loop3A_593] {strides = array<i32>} : memref<16400xi32, #tpu.memory_space<vmem>>, vector<16xi32>,
        %parallel_loop3A_595 = arith.addi %parallel_loop3A_582, %parallel_loop3A_594 : vector<16xi32>
        %parallel_loop3A_596 = arith.constant 16 : i32
        %parallel_loop3A_597 = arith.muli %parallel_loop3A_539, %parallel_loop3A_596 : i32
        %parallel_loop3A_598 = arith.constant 4100 : i32
        %parallel_loop3A_599 = arith.addi %parallel_loop3A_598, %parallel_loop3A_597 : i32
        %parallel_loop3A_600 = arith.index_cast %parallel_loop3A_599 : i32 to index
        %parallel_loop3A_601 = tpu.vector_load %arg7[%parallel_loop3A_600] {strides = array<i32>} : memref<16400xi32, #tpu.memory_space<vmem>>, vector<16xi32>,
        tpu.vector_store %arg7[%parallel_loop3A_600], %parallel_loop3A_541 {strides = array<i32>} : memref<16400xi32, #tpu.memory_space<vmem>>, vector<16xi32>,
        %parallel_loop3A_602 = arith.constant 16 : i32
        %parallel_loop3A_603 = arith.muli %parallel_loop3A_539, %parallel_loop3A_602 : i32
        %parallel_loop3A_604 = arith.constant 5125 : i32
        %parallel_loop3A_605 = arith.addi %parallel_loop3A_604, %parallel_loop3A_603 : i32
        %parallel_loop3A_606 = arith.index_cast %parallel_loop3A_605 : i32 to index
        %parallel_loop3A_607 = tpu.vector_load %arg7[%parallel_loop3A_606] {strides = array<i32>} : memref<16400xi32, #tpu.memory_space<vmem>>, vector<16xi32>,
        %parallel_loop3A_608 = arith.addi %parallel_loop3A_595, %parallel_loop3A_607 : vector<16xi32>
        %parallel_loop3A_609 = arith.constant 16 : i32
        %parallel_loop3A_610 = arith.muli %parallel_loop3A_539, %parallel_loop3A_609 : i32
        %parallel_loop3A_611 = arith.constant 5125 : i32
        %parallel_loop3A_612 = arith.addi %parallel_loop3A_611, %parallel_loop3A_610 : i32
        %parallel_loop3A_613 = arith.index_cast %parallel_loop3A_612 : i32 to index
        %parallel_loop3A_614 = tpu.vector_load %arg7[%parallel_loop3A_613] {strides = array<i32>} : memref<16400xi32, #tpu.memory_space<vmem>>, vector<16xi32>,
        tpu.vector_store %arg7[%parallel_loop3A_613], %parallel_loop3A_541 {strides = array<i32>} : memref<16400xi32, #tpu.memory_space<vmem>>, vector<16xi32>,
        %parallel_loop3A_615 = arith.constant 16 : i32
        %parallel_loop3A_616 = arith.muli %parallel_loop3A_539, %parallel_loop3A_615 : i32
        %parallel_loop3A_617 = arith.constant 6150 : i32
        %parallel_loop3A_618 = arith.addi %parallel_loop3A_617, %parallel_loop3A_616 : i32
        %parallel_loop3A_619 = arith.index_cast %parallel_loop3A_618 : i32 to index
        %parallel_loop3A_620 = tpu.vector_load %arg7[%parallel_loop3A_619] {strides = array<i32>} : memref<16400xi32, #tpu.memory_space<vmem>>, vector<16xi32>,
        %parallel_loop3A_621 = arith.addi %parallel_loop3A_608, %parallel_loop3A_620 : vector<16xi32>
        %parallel_loop3A_622 = arith.constant 16 : i32
        %parallel_loop3A_623 = arith.muli %parallel_loop3A_539, %parallel_loop3A_622 : i32
        %parallel_loop3A_624 = arith.constant 6150 : i32
        %parallel_loop3A_625 = arith.addi %parallel_loop3A_624, %parallel_loop3A_623 : i32
        %parallel_loop3A_626 = arith.index_cast %parallel_loop3A_625 : i32 to index
        %parallel_loop3A_627 = tpu.vector_load %arg7[%parallel_loop3A_626] {strides = array<i32>} : memref<16400xi32, #tpu.memory_space<vmem>>, vector<16xi32>,
        tpu.vector_store %arg7[%parallel_loop3A_626], %parallel_loop3A_541 {strides = array<i32>} : memref<16400xi32, #tpu.memory_space<vmem>>, vector<16xi32>,
        %parallel_loop3A_628 = arith.constant 16 : i32
        %parallel_loop3A_629 = arith.muli %parallel_loop3A_539, %parallel_loop3A_628 : i32
        %parallel_loop3A_630 = arith.constant 7175 : i32
        %parallel_loop3A_631 = arith.addi %parallel_loop3A_630, %parallel_loop3A_629 : i32
        %parallel_loop3A_632 = arith.index_cast %parallel_loop3A_631 : i32 to index
        %parallel_loop3A_633 = tpu.vector_load %arg7[%parallel_loop3A_632] {strides = array<i32>} : memref<16400xi32, #tpu.memory_space<vmem>>, vector<16xi32>,
        %parallel_loop3A_634 = arith.addi %parallel_loop3A_621, %parallel_loop3A_633 : vector<16xi32>
        %parallel_loop3A_635 = arith.constant 16 : i32
        %parallel_loop3A_636 = arith.muli %parallel_loop3A_539, %parallel_loop3A_635 : i32
        %parallel_loop3A_637 = arith.constant 7175 : i32
        %parallel_loop3A_638 = arith.addi %parallel_loop3A_637, %parallel_loop3A_636 : i32
        %parallel_loop3A_639 = arith.index_cast %parallel_loop3A_638 : i32 to index
        %parallel_loop3A_640 = tpu.vector_load %arg7[%parallel_loop3A_639] {strides = array<i32>} : memref<16400xi32, #tpu.memory_space<vmem>>, vector<16xi32>,
        tpu.vector_store %arg7[%parallel_loop3A_639], %parallel_loop3A_541 {strides = array<i32>} : memref<16400xi32, #tpu.memory_space<vmem>>, vector<16xi32>,
        %parallel_loop3A_641 = arith.constant 16 : i32
        %parallel_loop3A_642 = arith.muli %parallel_loop3A_539, %parallel_loop3A_641 : i32
        %parallel_loop3A_643 = arith.constant 8200 : i32
        %parallel_loop3A_644 = arith.addi %parallel_loop3A_643, %parallel_loop3A_642 : i32
        %parallel_loop3A_645 = arith.index_cast %parallel_loop3A_644 : i32 to index
        %parallel_loop3A_646 = tpu.vector_load %arg7[%parallel_loop3A_645] {strides = array<i32>} : memref<16400xi32, #tpu.memory_space<vmem>>, vector<16xi32>,
        %parallel_loop3A_647 = arith.addi %parallel_loop3A_634, %parallel_loop3A_646 : vector<16xi32>
        %parallel_loop3A_648 = arith.constant 16 : i32
        %parallel_loop3A_649 = arith.muli %parallel_loop3A_539, %parallel_loop3A_648 : i32
        %parallel_loop3A_650 = arith.constant 8200 : i32
        %parallel_loop3A_651 = arith.addi %parallel_loop3A_650, %parallel_loop3A_649 : i32
        %parallel_loop3A_652 = arith.index_cast %parallel_loop3A_651 : i32 to index
        %parallel_loop3A_653 = tpu.vector_load %arg7[%parallel_loop3A_652] {strides = array<i32>} : memref<16400xi32, #tpu.memory_space<vmem>>, vector<16xi32>,
        tpu.vector_store %arg7[%parallel_loop3A_652], %parallel_loop3A_541 {strides = array<i32>} : memref<16400xi32, #tpu.memory_space<vmem>>, vector<16xi32>,
        %parallel_loop3A_654 = arith.constant 16 : i32
        %parallel_loop3A_655 = arith.muli %parallel_loop3A_539, %parallel_loop3A_654 : i32
        %parallel_loop3A_656 = arith.constant 9225 : i32
        %parallel_loop3A_657 = arith.addi %parallel_loop3A_656, %parallel_loop3A_655 : i32
        %parallel_loop3A_658 = arith.index_cast %parallel_loop3A_657 : i32 to index
        %parallel_loop3A_659 = tpu.vector_load %arg7[%parallel_loop3A_658] {strides = array<i32>} : memref<16400xi32, #tpu.memory_space<vmem>>, vector<16xi32>,
        %parallel_loop3A_660 = arith.addi %parallel_loop3A_647, %parallel_loop3A_659 : vector<16xi32>
        %parallel_loop3A_661 = arith.constant 16 : i32
        %parallel_loop3A_662 = arith.muli %parallel_loop3A_539, %parallel_loop3A_661 : i32
        %parallel_loop3A_663 = arith.constant 9225 : i32
        %parallel_loop3A_664 = arith.addi %parallel_loop3A_663, %parallel_loop3A_662 : i32
        %parallel_loop3A_665 = arith.index_cast %parallel_loop3A_664 : i32 to index
        %parallel_loop3A_666 = tpu.vector_load %arg7[%parallel_loop3A_665] {strides = array<i32>} : memref<16400xi32, #tpu.memory_space<vmem>>, vector<16xi32>,
        tpu.vector_store %arg7[%parallel_loop3A_665], %parallel_loop3A_541 {strides = array<i32>} : memref<16400xi32, #tpu.memory_space<vmem>>, vector<16xi32>,
        %parallel_loop3A_667 = arith.constant 16 : i32
        %parallel_loop3A_668 = arith.muli %parallel_loop3A_539, %parallel_loop3A_667 : i32
        %parallel_loop3A_669 = arith.constant 10250 : i32
        %parallel_loop3A_670 = arith.addi %parallel_loop3A_669, %parallel_loop3A_668 : i32
        %parallel_loop3A_671 = arith.index_cast %parallel_loop3A_670 : i32 to index
        %parallel_loop3A_672 = tpu.vector_load %arg7[%parallel_loop3A_671] {strides = array<i32>} : memref<16400xi32, #tpu.memory_space<vmem>>, vector<16xi32>,
        %parallel_loop3A_673 = arith.addi %parallel_loop3A_660, %parallel_loop3A_672 : vector<16xi32>
        %parallel_loop3A_674 = arith.constant 16 : i32
        %parallel_loop3A_675 = arith.muli %parallel_loop3A_539, %parallel_loop3A_674 : i32
        %parallel_loop3A_676 = arith.constant 10250 : i32
        %parallel_loop3A_677 = arith.addi %parallel_loop3A_676, %parallel_loop3A_675 : i32
        %parallel_loop3A_678 = arith.index_cast %parallel_loop3A_677 : i32 to index
        %parallel_loop3A_679 = tpu.vector_load %arg7[%parallel_loop3A_678] {strides = array<i32>} : memref<16400xi32, #tpu.memory_space<vmem>>, vector<16xi32>,
        tpu.vector_store %arg7[%parallel_loop3A_678], %parallel_loop3A_541 {strides = array<i32>} : memref<16400xi32, #tpu.memory_space<vmem>>, vector<16xi32>,
        %parallel_loop3A_680 = arith.constant 16 : i32
        %parallel_loop3A_681 = arith.muli %parallel_loop3A_539, %parallel_loop3A_680 : i32
        %parallel_loop3A_682 = arith.constant 11275 : i32
        %parallel_loop3A_683 = arith.addi %parallel_loop3A_682, %parallel_loop3A_681 : i32
        %parallel_loop3A_684 = arith.index_cast %parallel_loop3A_683 : i32 to index
        %parallel_loop3A_685 = tpu.vector_load %arg7[%parallel_loop3A_684] {strides = array<i32>} : memref<16400xi32, #tpu.memory_space<vmem>>, vector<16xi32>,
        %parallel_loop3A_686 = arith.addi %parallel_loop3A_673, %parallel_loop3A_685 : vector<16xi32>
        %parallel_loop3A_687 = arith.constant 16 : i32
        %parallel_loop3A_688 = arith.muli %parallel_loop3A_539, %parallel_loop3A_687 : i32
        %parallel_loop3A_689 = arith.constant 11275 : i32
        %parallel_loop3A_690 = arith.addi %parallel_loop3A_689, %parallel_loop3A_688 : i32
        %parallel_loop3A_691 = arith.index_cast %parallel_loop3A_690 : i32 to index
        %parallel_loop3A_692 = tpu.vector_load %arg7[%parallel_loop3A_691] {strides = array<i32>} : memref<16400xi32, #tpu.memory_space<vmem>>, vector<16xi32>,
        tpu.vector_store %arg7[%parallel_loop3A_691], %parallel_loop3A_541 {strides = array<i32>} : memref<16400xi32, #tpu.memory_space<vmem>>, vector<16xi32>,
        %parallel_loop3A_693 = arith.constant 16 : i32
        %parallel_loop3A_694 = arith.muli %parallel_loop3A_539, %parallel_loop3A_693 : i32
        %parallel_loop3A_695 = arith.constant 12300 : i32
        %parallel_loop3A_696 = arith.addi %parallel_loop3A_695, %parallel_loop3A_694 : i32
        %parallel_loop3A_697 = arith.index_cast %parallel_loop3A_696 : i32 to index
        %parallel_loop3A_698 = tpu.vector_load %arg7[%parallel_loop3A_697] {strides = array<i32>} : memref<16400xi32, #tpu.memory_space<vmem>>, vector<16xi32>,
        %parallel_loop3A_699 = arith.addi %parallel_loop3A_686, %parallel_loop3A_698 : vector<16xi32>
        %parallel_loop3A_700 = arith.constant 16 : i32
        %parallel_loop3A_701 = arith.muli %parallel_loop3A_539, %parallel_loop3A_700 : i32
        %parallel_loop3A_702 = arith.constant 12300 : i32
        %parallel_loop3A_703 = arith.addi %parallel_loop3A_702, %parallel_loop3A_701 : i32
        %parallel_loop3A_704 = arith.index_cast %parallel_loop3A_703 : i32 to index
        %parallel_loop3A_705 = tpu.vector_load %arg7[%parallel_loop3A_704] {strides = array<i32>} : memref<16400xi32, #tpu.memory_space<vmem>>, vector<16xi32>,
        tpu.vector_store %arg7[%parallel_loop3A_704], %parallel_loop3A_541 {strides = array<i32>} : memref<16400xi32, #tpu.memory_space<vmem>>, vector<16xi32>,
        %parallel_loop3A_706 = arith.constant 16 : i32
        %parallel_loop3A_707 = arith.muli %parallel_loop3A_539, %parallel_loop3A_706 : i32
        %parallel_loop3A_708 = arith.constant 13325 : i32
        %parallel_loop3A_709 = arith.addi %parallel_loop3A_708, %parallel_loop3A_707 : i32
        %parallel_loop3A_710 = arith.index_cast %parallel_loop3A_709 : i32 to index
        %parallel_loop3A_711 = tpu.vector_load %arg7[%parallel_loop3A_710] {strides = array<i32>} : memref<16400xi32, #tpu.memory_space<vmem>>, vector<16xi32>,
        %parallel_loop3A_712 = arith.addi %parallel_loop3A_699, %parallel_loop3A_711 : vector<16xi32>
        %parallel_loop3A_713 = arith.constant 16 : i32
        %parallel_loop3A_714 = arith.muli %parallel_loop3A_539, %parallel_loop3A_713 : i32
        %parallel_loop3A_715 = arith.constant 13325 : i32
        %parallel_loop3A_716 = arith.addi %parallel_loop3A_715, %parallel_loop3A_714 : i32
        %parallel_loop3A_717 = arith.index_cast %parallel_loop3A_716 : i32 to index
        %parallel_loop3A_718 = tpu.vector_load %arg7[%parallel_loop3A_717] {strides = array<i32>} : memref<16400xi32, #tpu.memory_space<vmem>>, vector<16xi32>,
        tpu.vector_store %arg7[%parallel_loop3A_717], %parallel_loop3A_541 {strides = array<i32>} : memref<16400xi32, #tpu.memory_space<vmem>>, vector<16xi32>,
        %parallel_loop3A_719 = arith.constant 16 : i32
        %parallel_loop3A_720 = arith.muli %parallel_loop3A_539, %parallel_loop3A_719 : i32
        %parallel_loop3A_721 = arith.constant 14350 : i32
        %parallel_loop3A_722 = arith.addi %parallel_loop3A_721, %parallel_loop3A_720 : i32
        %parallel_loop3A_723 = arith.index_cast %parallel_loop3A_722 : i32 to index
        %parallel_loop3A_724 = tpu.vector_load %arg7[%parallel_loop3A_723] {strides = array<i32>} : memref<16400xi32, #tpu.memory_space<vmem>>, vector<16xi32>,
        %parallel_loop3A_725 = arith.addi %parallel_loop3A_712, %parallel_loop3A_724 : vector<16xi32>
        %parallel_loop3A_726 = arith.constant 16 : i32
        %parallel_loop3A_727 = arith.muli %parallel_loop3A_539, %parallel_loop3A_726 : i32
        %parallel_loop3A_728 = arith.constant 14350 : i32
        %parallel_loop3A_729 = arith.addi %parallel_loop3A_728, %parallel_loop3A_727 : i32
        %parallel_loop3A_730 = arith.index_cast %parallel_loop3A_729 : i32 to index
        %parallel_loop3A_731 = tpu.vector_load %arg7[%parallel_loop3A_730] {strides = array<i32>} : memref<16400xi32, #tpu.memory_space<vmem>>, vector<16xi32>,
        tpu.vector_store %arg7[%parallel_loop3A_730], %parallel_loop3A_541 {strides = array<i32>} : memref<16400xi32, #tpu.memory_space<vmem>>, vector<16xi32>,
        %parallel_loop3A_732 = arith.constant 16 : i32
        %parallel_loop3A_733 = arith.muli %parallel_loop3A_539, %parallel_loop3A_732 : i32
        %parallel_loop3A_734 = arith.constant 15375 : i32
        %parallel_loop3A_735 = arith.addi %parallel_loop3A_734, %parallel_loop3A_733 : i32
        %parallel_loop3A_736 = arith.index_cast %parallel_loop3A_735 : i32 to index
        %parallel_loop3A_737 = tpu.vector_load %arg7[%parallel_loop3A_736] {strides = array<i32>} : memref<16400xi32, #tpu.memory_space<vmem>>, vector<16xi32>,
        %parallel_loop3A_738 = arith.addi %parallel_loop3A_725, %parallel_loop3A_737 : vector<16xi32>
        %parallel_loop3A_739 = arith.constant 16 : i32
        %parallel_loop3A_740 = arith.muli %parallel_loop3A_539, %parallel_loop3A_739 : i32
        %parallel_loop3A_741 = arith.constant 15375 : i32
        %parallel_loop3A_742 = arith.addi %parallel_loop3A_741, %parallel_loop3A_740 : i32
        %parallel_loop3A_743 = arith.index_cast %parallel_loop3A_742 : i32 to index
        %parallel_loop3A_744 = tpu.vector_load %arg7[%parallel_loop3A_743] {strides = array<i32>} : memref<16400xi32, #tpu.memory_space<vmem>>, vector<16xi32>,
        tpu.vector_store %arg7[%parallel_loop3A_743], %parallel_loop3A_541 {strides = array<i32>} : memref<16400xi32, #tpu.memory_space<vmem>>, vector<16xi32>,
        %parallel_loop3A_745 = arith.constant 15 : i32
        %parallel_loop3A_746 = vector.broadcast %parallel_loop3A_745 : i32 to vector<16xi32>
        %parallel_loop3A_747 = tpu.iota {dimensions = array<i32: 0>} : vector<16xi32>
        %parallel_loop3A_748 = arith.subi %parallel_loop3A_746, %parallel_loop3A_747 : vector<16xi32>
        %parallel_loop3A_749 = tpu.dynamic_gather %parallel_loop3A_738[%parallel_loop3A_748] in [0] : vector<16xi32>, vector<16xi32> -> vector<16xi32>
        %parallel_loop3A_750 = arith.constant true
        %parallel_loop3A_751 = vector.broadcast %parallel_loop3A_750 : i1 to vector<16xi1>
        %parallel_loop3A_752 = tpu.scan <sum>, %parallel_loop3A_749 masked %parallel_loop3A_751 : vector<16xi32>, vector<16xi1> -> vector<16xi32>
        %parallel_loop3A_753 = arith.constant 16 : i32
        %parallel_loop3A_754 = arith.muli %parallel_loop3A_539, %parallel_loop3A_753 : i32
        %parallel_loop3A_755 = arith.index_cast %parallel_loop3A_754 : i32 to index
        %parallel_loop3A_756 = tpu.vector_load %arg8[%parallel_loop3A_755] {strides = array<i32>} : memref<1024xi32, #tpu.memory_space<vmem>>, vector<16xi32>,
        tpu.vector_store %arg8[%parallel_loop3A_755], %parallel_loop3A_752 {strides = array<i32>} : memref<1024xi32, #tpu.memory_space<vmem>>, vector<16xi32>,
        %parallel_loop3A_757 = arith.constant 16 : i32
        %parallel_loop3A_758 = arith.muli %parallel_loop3A_539, %parallel_loop3A_757 : i32
        %parallel_loop3A_759 = arith.index_cast %parallel_loop3A_758 : i32 to index
        %parallel_loop3A_760 = tpu.vector_load %arg10[%parallel_loop3A_759] {strides = array<i32>} : memref<1024xi32, #tpu.memory_space<vmem>>, vector<16xi32>,
        tpu.vector_store %arg10[%parallel_loop3A_759], %parallel_loop3A_749 {strides = array<i32>} : memref<1024xi32, #tpu.memory_space<vmem>>, vector<16xi32>,
      } {sc.loop_unroll_factor = 2 : i64, sc.parallel_access}
      %add3A_431 = arith.constant 0 : i32
      %add3A_432 = vector.broadcast %add3A_431 : i32 to vector<16xi32>
      %add3A_433 = arith.addi %iota3A, %add3A_432 : vector<16xi32>
      %mul3A_434 = arith.constant 16 : i32
      %mul3A_435 = vector.broadcast %mul3A_434 : i32 to vector<16xi32>
      %mul3A_436 = arith.muli %add3A_433, %mul3A_435 : vector<16xi32>
      %add3A_437 = arith.constant 15 : i32
      %add3A_438 = vector.broadcast %add3A_437 : i32 to vector<16xi32>
      %add3A_439 = arith.addi %mul3A_436, %add3A_438 : vector<16xi32>
      %gather3A_440 = tpu.vector_load_idx %arg8[%add3A_439] : memref<1024xi32, #tpu.memory_space<vmem>>[vector<16xi32>], vector<16xi32>,
      %add3A_441 = arith.constant 0 : i32
      %add3A_442 = vector.broadcast %add3A_441 : i32 to vector<16xi32>
      %add3A_443 = arith.addi %iota3A, %add3A_442 : vector<16xi32>
      %lt3A_444 = arith.constant 4 : i32
      %lt3A_445 = vector.broadcast %lt3A_444 : i32 to vector<16xi32>
      %lt3A_446 = arith.cmpi slt, %add3A_443, %lt3A_445 : vector<16xi32>
      %jit3A_447 = arith.constant 0 : i32
      %broadcast_in_dim3A_448 = vector.broadcast %jit3A_447 : i32 to vector<16xi32>
      %select_n3A_449 = arith.select %lt3A_446, %gather3A_440, %broadcast_in_dim3A_448 : vector<16xi1>, vector<16xi32>
      %rev3A_450 = arith.constant 15 : i32
      %rev3A_451 = vector.broadcast %rev3A_450 : i32 to vector<16xi32>
      %rev3A_452 = tpu.iota {dimensions = array<i32: 0>} : vector<16xi32>
      %rev3A_453 = arith.subi %rev3A_451, %rev3A_452 : vector<16xi32>
      %rev3A_454 = tpu.dynamic_gather %select_n3A_449[%rev3A_453] in [0] : vector<16xi32>, vector<16xi32> -> vector<16xi32>
      %cumsum3A_455 = arith.constant true
      %cumsum3A_456 = vector.broadcast %cumsum3A_455 : i1 to vector<16xi1>
      %cumsum3A_457 = tpu.scan <sum>, %rev3A_454 masked %cumsum3A_456 : vector<16xi32>, vector<16xi1> -> vector<16xi32>
      %rev3A_458 = arith.constant 15 : i32
      %rev3A_459 = vector.broadcast %rev3A_458 : i32 to vector<16xi32>
      %rev3A_460 = tpu.iota {dimensions = array<i32: 0>} : vector<16xi32>
      %rev3A_461 = arith.subi %rev3A_459, %rev3A_460 : vector<16xi32>
      %rev3A_462 = tpu.dynamic_gather %cumsum3A_457[%rev3A_461] in [0] : vector<16xi32>, vector<16xi32> -> vector<16xi32>
      %sub3A_463 = arith.subi %rev3A_462, %select_n3A_449 : vector<16xi32>
      %add3A_464 = arith.constant 0 : i32
      %add3A_465 = vector.broadcast %add3A_464 : i32 to vector<16xi32>
      %add3A_466 = arith.addi %sub3A_463, %add3A_465 : vector<16xi32>
      %swap3A_467 = arith.constant 0 : index
      %swap3A_468 = tpu.vector_load %arg9[%swap3A_467] {strides = array<i32>} : memref<64xi32, #tpu.memory_space<vmem>>, vector<16xi32>,
      tpu.vector_store %arg9[%swap3A_467], %add3A_466 {strides = array<i32>} : memref<64xi32, #tpu.memory_space<vmem>>, vector<16xi32>,
      %reduce_sum3A_469 = arith.constant true
      %reduce_sum3A_470 = vector.broadcast %reduce_sum3A_469 : i1 to vector<16xi1>
      %reduce_sum3A_471 = tpu.scan <sum>, %select_n3A_449 masked %reduce_sum3A_470 : vector<16xi32>, vector<16xi1> -> vector<16xi32>
      %reduce_sum3A_472 = vector.extract %reduce_sum3A_471[15] : i32 from vector<16xi32>
      %add3A_473 = arith.constant 0 : i32
      %add3A_474 = arith.addi %add3A_473, %reduce_sum3A_472 : i32
      %broadcast_in_dim3A_475 = arith.constant -1 : i32
      %broadcast_in_dim3A_476 = vector.broadcast %broadcast_in_dim3A_475 : i32 to vector<16xi32>
      %broadcast_in_dim3A_477 = arith.constant 2147483647 : i32
      %broadcast_in_dim3A_478 = vector.broadcast %broadcast_in_dim3A_477 : i32 to vector<16xi32>
      %parallel_loop3A_479 = arith.constant 0 : i32
      %parallel_loop3A_480 = arith.constant 4 : i32
      %parallel_loop3A_481 = arith.constant 1 : i32
      %parallel_loop3A_482:2 = scf.for %parallel_loop3A_539 = %parallel_loop3A_479 to %parallel_loop3A_480 step %parallel_loop3A_481 iter_args(%parallel_loop3A_540 = %broadcast_in_dim3A_476, %parallel_loop3A_541 = %broadcast_in_dim3A_478) -> (vector<16xi32>, vector<16xi32>)  : i32 {
        %parallel_loop3A_542 = arith.constant 0 : i32
        %parallel_loop3A_543 = vector.broadcast %parallel_loop3A_542 : i32 to vector<16xi32>
        %parallel_loop3A_544 = vector.broadcast %parallel_loop3A_539 : i32 to vector<16xi32>
        %parallel_loop3A_545 = arith.addi %parallel_loop3A_543, %parallel_loop3A_544 : vector<16xi32>
        %parallel_loop3A_546 = tpu.vector_load_idx %arg9[%parallel_loop3A_545] : memref<64xi32, #tpu.memory_space<vmem>>[vector<16xi32>], vector<16xi32>,
        %parallel_loop3A_547 = arith.constant 16 : i32
        %parallel_loop3A_548 = arith.muli %parallel_loop3A_539, %parallel_loop3A_547 : i32
        %parallel_loop3A_549 = arith.index_cast %parallel_loop3A_548 : i32 to index
        %parallel_loop3A_550 = tpu.vector_load %arg8[%parallel_loop3A_549] {strides = array<i32>} : memref<1024xi32, #tpu.memory_space<vmem>>, vector<16xi32>,
        %parallel_loop3A_551 = arith.addi %parallel_loop3A_550, %parallel_loop3A_546 : vector<16xi32>
        %parallel_loop3A_552 = arith.constant 16 : i32
        %parallel_loop3A_553 = arith.muli %parallel_loop3A_539, %parallel_loop3A_552 : i32
        %parallel_loop3A_554 = arith.index_cast %parallel_loop3A_553 : i32 to index
        %parallel_loop3A_555 = tpu.vector_load %arg10[%parallel_loop3A_554] {strides = array<i32>} : memref<1024xi32, #tpu.memory_space<vmem>>, vector<16xi32>,
        %parallel_loop3A_556 = arith.subi %parallel_loop3A_551, %parallel_loop3A_555 : vector<16xi32>
        %parallel_loop3A_557 = vector.broadcast %sub3A_427 : i32 to vector<16xi32>
        %parallel_loop3A_558 = arith.cmpi sge, %parallel_loop3A_551, %parallel_loop3A_557 : vector<16xi32>
        %parallel_loop3A_559 = arith.constant 16 : i32
        %parallel_loop3A_560 = arith.muli %parallel_loop3A_539, %parallel_loop3A_559 : i32
        %parallel_loop3A_561 = arith.constant 15 : i32
        %parallel_loop3A_562 = arith.addi %parallel_loop3A_560, %parallel_loop3A_561 : i32
        %parallel_loop3A_563 = vector.broadcast %parallel_loop3A_562 : i32 to vector<16xi32>
        %parallel_loop3A_564 = arith.subi %parallel_loop3A_563, %iota3A : vector<16xi32>
        %parallel_loop3A_565 = arith.constant -1 : i32
        %parallel_loop3A_566 = vector.broadcast %parallel_loop3A_565 : i32 to vector<16xi32>
        %parallel_loop3A_567 = arith.select %parallel_loop3A_558, %parallel_loop3A_564, %parallel_loop3A_566 : vector<16xi1>, vector<16xi32>
        %parallel_loop3A_568 = arith.maxsi %parallel_loop3A_540, %parallel_loop3A_567 : vector<16xi32>
        %parallel_loop3A_569 = arith.constant 2147483647 : i32
        %parallel_loop3A_570 = vector.broadcast %parallel_loop3A_569 : i32 to vector<16xi32>
        %parallel_loop3A_571 = arith.select %parallel_loop3A_558, %parallel_loop3A_556, %parallel_loop3A_570 : vector<16xi1>, vector<16xi32>
        %parallel_loop3A_572 = arith.minsi %parallel_loop3A_541, %parallel_loop3A_571 : vector<16xi32>
        scf.yield %parallel_loop3A_568, %parallel_loop3A_572 : vector<16xi32>, vector<16xi32>
      } {sc.loop_unroll_factor = 2 : i64, sc.parallel_access}
      %reduce_max3A_483 = arith.constant true
      %reduce_max3A_484 = vector.broadcast %reduce_max3A_483 : i1 to vector<16xi1>
      %reduce_max3A_485 = arith.constant -2147483648 : i32
      %reduce_max3A_486 = vector.broadcast %reduce_max3A_485 : i32 to vector<16xi32>
      %reduce_max3A_487 = arith.xori %parallel_loop3A_482#0, %reduce_max3A_486 : vector<16xi32>
      %reduce_max3A_488 = tpu.scan <max>, %reduce_max3A_487 masked %reduce_max3A_484 : vector<16xi32>, vector<16xi1> -> vector<16xi32>
      %reduce_max3A_489 = arith.xori %reduce_max3A_488, %reduce_max3A_486 : vector<16xi32>
      %reduce_max3A_490 = vector.extract %reduce_max3A_489[15] : i32 from vector<16xi32>
      %reduce_min3A_491 = arith.constant true
      %reduce_min3A_492 = vector.broadcast %reduce_min3A_491 : i1 to vector<16xi1>
      %reduce_min3A_493 = arith.constant -2147483648 : i32
      %reduce_min3A_494 = vector.broadcast %reduce_min3A_493 : i32 to vector<16xi32>
      %reduce_min3A_495 = arith.xori %parallel_loop3A_482#1, %reduce_min3A_494 : vector<16xi32>
      %reduce_min3A_496 = tpu.scan <min>, %reduce_min3A_495 masked %reduce_min3A_492 : vector<16xi32>, vector<16xi1> -> vector<16xi32>
      %reduce_min3A_497 = arith.xori %reduce_min3A_496, %reduce_min3A_494 : vector<16xi32>
      %reduce_min3A_498 = vector.extract %reduce_min3A_497[15] : i32 from vector<16xi32>
      %broadcast_in_dim3A_499 = arith.constant 0 : i32
      %broadcast_in_dim3A_500 = vector.broadcast %broadcast_in_dim3A_499 : i32 to vector<16xi32>
      %parallel_loop3A_501 = arith.constant 0 : i32
      %parallel_loop3A_502 = arith.constant 1 : i32
      %parallel_loop3A_503:2 = scf.for %parallel_loop3A_539 = %parallel_loop3A_501 to %reduce_max3A_423 step %parallel_loop3A_502 iter_args(%parallel_loop3A_540 = %broadcast_in_dim3A_500, %parallel_loop3A_541 = %parallel_loop3A_414#1) -> (vector<16xi32>, vector<16xf32>)  : i32 {
        %parallel_loop3A_542 = vector.broadcast %parallel_loop3A_539 : i32 to vector<16xi32>
        %parallel_loop3A_543 = arith.addi %mul3A_7, %parallel_loop3A_542 : vector<16xi32>
        %parallel_loop3A_544 = tpu.vector_load_idx %arg6[%parallel_loop3A_543] : memref<32784xi32, #tpu.memory_space<vmem>>[vector<16xi32>], vector<16xi32>,
        %parallel_loop3A_545 = tpu.bitcast %parallel_loop3A_544 : vector<16xi32> -> vector<16xi32>
        %parallel_loop3A_546 = arith.constant -2147483648 : i32
        %parallel_loop3A_547 = vector.broadcast %parallel_loop3A_546 : i32 to vector<16xi32>
        %parallel_loop3A_548 = arith.cmpi uge, %parallel_loop3A_545, %parallel_loop3A_547 : vector<16xi32>
        %parallel_loop3A_549 = arith.constant -2147483648 : i32
        %parallel_loop3A_550 = vector.broadcast %parallel_loop3A_549 : i32 to vector<16xi32>
        %parallel_loop3A_551 = arith.xori %parallel_loop3A_545, %parallel_loop3A_550 : vector<16xi32>
        %parallel_loop3A_552 = arith.constant dense<-1> : vector<16xi32>
        %parallel_loop3A_553 = arith.xori %parallel_loop3A_545, %parallel_loop3A_552 : vector<16xi32>
        %parallel_loop3A_554 = arith.select %parallel_loop3A_548, %parallel_loop3A_551, %parallel_loop3A_553 : vector<16xi1>, vector<16xi32>
        %parallel_loop3A_555 = tpu.bitcast %parallel_loop3A_554 : vector<16xi32> -> vector<16xf32>
        %parallel_loop3A_556 = vector.broadcast %parallel_loop3A_539 : i32 to vector<16xi32>
        %parallel_loop3A_557 = arith.cmpi sgt, %parallel_loop3A_414#0, %parallel_loop3A_556 : vector<16xi32>
        %parallel_loop3A_558 = arith.constant 0 : i32
        %parallel_loop3A_559 = vector.broadcast %parallel_loop3A_558 : i32 to vector<16xi32>
        %parallel_loop3A_560 = arith.shrui %parallel_loop3A_545, %parallel_loop3A_559 : vector<16xi32>
        %parallel_loop3A_561 = arith.constant 63 : i32
        %parallel_loop3A_562 = vector.broadcast %parallel_loop3A_561 : i32 to vector<16xi32>
        %parallel_loop3A_563 = arith.andi %parallel_loop3A_560, %parallel_loop3A_562 : vector<16xi32>
        %parallel_loop3A_564 = vector.broadcast %reduce_max3A_490 : i32 to vector<16xi32>
        %parallel_loop3A_565 = arith.cmpi sgt, %parallel_loop3A_563, %parallel_loop3A_564 : vector<16xi32>
        %parallel_loop3A_566 = arith.andi %parallel_loop3A_557, %parallel_loop3A_565 : vector<16xi1>
        %parallel_loop3A_567 = vector.broadcast %reduce_max3A_490 : i32 to vector<16xi32>
        %parallel_loop3A_568 = arith.cmpi eq, %parallel_loop3A_563, %parallel_loop3A_567 : vector<16xi32>
        %parallel_loop3A_569 = arith.andi %parallel_loop3A_557, %parallel_loop3A_568 : vector<16xi1>
        %parallel_loop3A_570 = arith.constant 0.000000e+00 : f32
        %parallel_loop3A_571 = vector.broadcast %parallel_loop3A_570 : f32 to vector<16xf32>
        %parallel_loop3A_572 = arith.select %parallel_loop3A_566, %parallel_loop3A_555, %parallel_loop3A_571 : vector<16xi1>, vector<16xf32>
        %parallel_loop3A_573 = arith.addf %parallel_loop3A_541, %parallel_loop3A_572 : vector<16xf32>
        %parallel_loop3A_574 = arith.addi %mul3A_7, %parallel_loop3A_540 : vector<16xi32>
        %parallel_loop3A_575 = tpu.bitcast %parallel_loop3A_545 : vector<16xi32> -> vector<16xi32>
        tpu.vector_store_idx %arg5[%parallel_loop3A_574], %parallel_loop3A_575 masked %parallel_loop3A_569 : memref<32784xi32, #tpu.memory_space<vmem>>[vector<16xi32>], vector<16xi32>, vector<16xi1>
        %parallel_loop3A_576 = arith.extui %parallel_loop3A_569 : vector<16xi1> to vector<16xi32>
        %parallel_loop3A_577 = arith.addi %parallel_loop3A_540, %parallel_loop3A_576 : vector<16xi32>
        scf.yield %parallel_loop3A_577, %parallel_loop3A_573 : vector<16xi32>, vector<16xf32>
      } {sc.loop_unroll_factor = 1 : i64, sc.parallel_access}
      %add3A_504 = arith.addi %add3A_415, %reduce_min3A_498 : i32
      %shift_left3A = arith.constant 22 : i32
      %shift_left3A_505 = arith.shli %reduce_max3A_222, %shift_left3A : i32
      %shift_left3A_506 = arith.constant 14 : i32
      %shift_left3A_507 = arith.shli %reduce_max3A_312, %shift_left3A_506 : i32
      %or3A = arith.ori %shift_left3A_505, %shift_left3A_507 : i32
      %shift_left3A_508 = arith.constant 6 : i32
      %shift_left3A_509 = arith.shli %reduce_max3A_401, %shift_left3A_508 : i32
      %or3A_510 = arith.ori %or3A, %shift_left3A_509 : i32
      %or3A_511 = arith.ori %or3A_510, %reduce_max3A_490 : i32
      %broadcast_in_dim3A_512 = arith.constant 0 : i32
      %broadcast_in_dim3A_513 = vector.broadcast %broadcast_in_dim3A_512 : i32 to vector<16xi32>
      %add3A_514 = vector.broadcast %or3A_511 : i32 to vector<16xi32>
      %add3A_515 = arith.addi %broadcast_in_dim3A_513, %add3A_514 : vector<16xi32>
      %ge3A = arith.constant -2147483648 : i32
      %ge3A_516 = vector.broadcast %ge3A : i32 to vector<16xi32>
      %ge3A_517 = arith.cmpi uge, %add3A_515, %ge3A_516 : vector<16xi32>
      %xor3A = arith.constant -2147483648 : i32
      %xor3A_518 = vector.broadcast %xor3A : i32 to vector<16xi32>
      %xor3A_519 = arith.xori %add3A_515, %xor3A_518 : vector<16xi32>
      %not3A = arith.constant dense<-1> : vector<16xi32>
      %not3A_520 = arith.xori %add3A_515, %not3A : vector<16xi32>
      %select_n3A_521 = arith.select %ge3A_517, %xor3A_519, %not3A_520 : vector<16xi1>, vector<16xi32>
      %bitcast_convert_type3A = tpu.bitcast %select_n3A_521 : vector<16xi32> -> vector<16xf32>
      %broadcast_in_dim3A_522 = arith.constant 3277 : i32
      %broadcast_in_dim3A_523 = vector.broadcast %broadcast_in_dim3A_522 : i32 to vector<16xi32>
      %sub3A_524 = vector.broadcast %add3A_504 : i32 to vector<16xi32>
      %sub3A_525 = arith.subi %broadcast_in_dim3A_523, %sub3A_524 : vector<16xi32>
      %convert_element_type3A = arith.sitofp %sub3A_525 : vector<16xi32> to vector<16xf32>
      %broadcast_in_dim3A_526 = arith.constant 0.000000e+00 : f32
      %broadcast_in_dim3A_527 = vector.broadcast %broadcast_in_dim3A_526 : f32 to vector<16xf32>
      %reduce_sum3A_528 = arith.constant true
      %reduce_sum3A_529 = vector.broadcast %reduce_sum3A_528 : i1 to vector<16xi1>
      %reduce_sum3A_530 = tpu.scan <sum>, %parallel_loop3A_503#1 masked %reduce_sum3A_529 : vector<16xf32>, vector<16xi1> -> vector<16xf32>
      %reduce_sum3A_531 = vector.extract %reduce_sum3A_530[15] : f32 from vector<16xf32>
      %add3A_532 = vector.broadcast %reduce_sum3A_531 : f32 to vector<16xf32>
      %add3A_533 = arith.addf %broadcast_in_dim3A_527, %add3A_532 : vector<16xf32>
      %mul3A_534 = arith.mulf %convert_element_type3A, %bitcast_convert_type3A : vector<16xf32>
      %add3A_535 = arith.addf %add3A_533, %mul3A_534 : vector<16xf32>
      %div3A = vector.broadcast %scan3A_24 : f32 to vector<16xf32>
      %div3A_536 = arith.divf %add3A_535, %div3A : vector<16xf32>
      %eq3A = vector.broadcast %scan3A_35 : i32 to vector<16xi32>
      %eq3A_537 = arith.cmpi eq, %iota3A, %eq3A : vector<16xi32>
      %select_n3A_538 = arith.select %eq3A_537, %div3A_536, %scan3A_36 : vector<16xi1>, vector<16xf32>
      scf.yield %select_n3A_538 : vector<16xf32>
    }
    %scan3A_30 = arith.constant 4 : i32
    %swap3A_31 = arith.constant 0 : index
    %swap3A_32 = tpu.vector_load %arg11[%swap3A_31] {strides = array<i32>} : memref<16xf32, #tpu.memory_space<vmem>>, vector<16xf32>,
    tpu.vector_store %arg11[%swap3A_31], %scan3A_29 {strides = array<i32>} : memref<16xf32, #tpu.memory_space<vmem>>, vector<16xf32>,
    %mul3A_33 = arith.constant 16 : i32
    %mul3A_34 = arith.muli %add3A, %mul3A_33 : i32
    "tpu.region"() ({
      %run_scoped3A = tpu.sem_alloc : memref<!tpu.dma_semaphore, #tpu.memory_space<semaphore_mem>>
      %dma_start3A = tpu.memref_slice %arg3[%mul3A_34] : memref<512xf32, #tpu.memory_space<hbm>> -> memref<16xf32, #tpu.memory_space<hbm>>
      %dma_start3A_35 = tpu.memref_slice %arg3[%mul3A_34] : memref<512xf32, #tpu.memory_space<hbm>> -> memref<16xf32, #tpu.memory_space<hbm>>
      tpu.enqueue_dma source(%arg11 : memref<16xf32, #tpu.memory_space<vmem>>) target(%dma_start3A_35 : memref<16xf32, #tpu.memory_space<hbm>>) target_semaphore(%run_scoped3A : memref<!tpu.dma_semaphore, #tpu.memory_space<semaphore_mem>>)
      %dma_wait3A = tpu.memref_slice %arg3[%mul3A_34] : memref<512xf32, #tpu.memory_space<hbm>> -> memref<16xf32, #tpu.memory_space<hbm>>
      %dma_wait3A_36 = tpu.memref_slice %arg3[%mul3A_34] : memref<512xf32, #tpu.memory_space<hbm>> -> memref<16xf32, #tpu.memory_space<hbm>>
      tpu.wait_dma2 semaphore(%run_scoped3A : memref<!tpu.dma_semaphore, #tpu.memory_space<semaphore_mem>>) src(%arg11 : memref<16xf32, #tpu.memory_space<vmem>>) dst(%dma_wait3A_36 : memref<16xf32, #tpu.memory_space<hbm>>)
      tpu.yield
    }) : () -> ()
    return
  }
}

</mosaic_0001>

<sc_bundles>
// kernel: kernel.3.cloned.1.call-start
scs
__scs_entry_jumppad:
0x0: {  	(pc) =	sbr.rel $0x88, $3  }
0x1: {  	(tag) =	ssettag $0x0;
	lr =	simm.s32 $0x1  }
0x2: {  	[smem:$0x3FA0] =	sst lr;
	_ =	strace $0xD0000000  }
0x3: {  	_ = 	snop  }
0x4: {  	_ = 	snop  }
0x5: {  	_ = 	snop  }
0x6: {  	_ = 	snop  }
0x7: {  	_ = 	snop  }
__scs_overlays_trampoline_lowered:
0x8: {  	[smem:$0x3FAF] =	sst s0  }
0x9: {  	[smem:$0x3FB0] =	sst s1  }
0xa: {  	[smem:$0x3FB1] =	sst s2  }
0xb: {  	[smem:$0x3FB2] =	sst s3  }
0xc: {  	[smem:$0x3FB3] =	sst s4  }
0xd: {  	[smem:$0x3FB4] =	sst s5  }
0xe: {  	[smem:$0x3FB5] =	sst s6  }
0xf: {  	[smem:$0x3FB6] =	sst s7  }
0x10: {  	[smem:$0x3FB7] =	sst s8  }
0x11: {  	[smem:$0x3FB8] =	sst s9;
	s0 =	simm.s32 @!p0 $0x0  }
0x12: {  	s1 =	sld [smem:$0x3F9E];
	s0 =	simm.s32 @p0 $0x1  }
0x13: {  	[smem:$0x3FB9] =	sst s0;
	s0 =	simm.s32 @!p1 $0x0  }
0x14: {  	s2 =	sld [smem:$0x3F9D];
	s0 =	simm.s32 @p1 $0x1  }
0x15: {  	[smem:$0x3FBA] =	sst s0;
	s0 =	simm.s32 @!p2 $0x0  }
0x16: {  	s3 =	sld [smem:$0x3FDB];
	s0 =	simm.s32 @p2 $0x1  }
0x17: {  	s4 =	simm.s32 $0x1BF5;
	[smem:$0x3FBC] =	sst s0  }
0x18: {  	s0 =	sld [smem:$0x3F9F];
	_ =	swait.ge [sflag:s4], $0x0  }
0x19: {  	s7 =	sld [smem:$0x3FA0]  }
0x1a: {  	s8 =	sadd.s32 $0xFFFFE003, lr  }
0x1b: {  	s9 =	sadd.s32 $0xFFFFFEF7, lr;
	s5 =	simm.s32 $0xFFFFFFFF;
	p2 =	slt.u32 s8, $0xFFFFF086  }
0x1c: {  	p1 =	slt.u32 s9, $0xF7A;
	s5 =	simm.s32 @!p2 $0x0  }
0x1d: {  	s5 =	simm.s32 @p1 $0x1;
	p0 =	seq.s32 s7, s2  }
0x1e: {  	s7 =	smul.u32 @!p0 $0xF7A, s2;
	p2 =	seq.s32 @!p0 s5, $0x0  }
0x1f: {  	s9 =	smul.u32 $0xF7A, s1;
	s8 =	simm.s32 @!p0 $0x1BF5;
	p2 =	por !p2, p0  }
0x20: {  	[sflag:s8] =	ssyncset.s32 @!p0 $0xFFFFF086;
	s6 =	sadd.s32 @!p0 s3, s7;
	s7 =	simm.s32 @!p0 $0x108  }
0x21: {  	s3 =	sadd.s32 s3, s9;
	s6 =	sadd.s32 @!p0 $0x88, s6;
	s7 =	simm.s32 @p2 $0x1082  }
0x22: {  	[simem:s7], [sflag:s8] =	dma.local @!p0 [hbm:s6], $0xF7A  }
0x23: {  	s9 =	sor.u32 $0xD0000000, s2;
	s6 =	simm.s32 $0x108;
	_ =	swait.ge @!p0 [sflag:s8], $0x0  }
0x24: {  	s3 =	sadd.s32 $0x88, s3;
	s6 =	simm.s32 @!p1 $0x1082;
	[sflag:s4] =	ssyncset.s32 $0xFFFFF086  }
0x25: {  	[simem:s6], [sflag:s4] =	dma.local [hbm:s3], $0xF7A  }
0x26: {  	[smem:$0x3FA0] =	sst s1;
	(tag) =	ssettag s2;
	_ =	strace s9  }
0x27: {  	s1 =	sld [smem:$0x3FB0]  }
0x28: {  	s2 =	sld [smem:$0x3FB1]  }
0x29: {  	s4 =	sld [smem:$0x3FB3]  }
0x2a: {  	p0 =	seq.s32 s5, $0x0;
	s5 =	sld [smem:$0x3FB4]  }
0x2b: {  	s6 =	sld [smem:$0x3FB5]  }
0x2c: {  	s7 =	sld [smem:$0x3FB6]  }
0x2d: {  	s3 =	simm.s32 $0x108;
	s8 =	sld [smem:$0x3FB7]  }
0x2e: {  	s3 =	simm.s32 @!p0 $0x1082;
	s9 =	sld [smem:$0x3FB8]  }
0x2f: {  	lr =	sadd.s32 s0, s3;
	s0 =	sld [smem:$0x3FAF]  }
0x30: {  	s3 =	sld [smem:$0x3FB2]  }
0x31: {  	[smem:$0x3FBB] =	sst s10  }
0x32: {  	s10 =	sld [smem:$0x3FB9];
	_ =	sdelay $0x3  }
0x33: {  	p0 =	seq.s32 s10, $0x1;
	s10 =	sld [smem:$0x3FBB];
	_ =	sdelay $0x3  }
0x34: {  	[smem:$0x3FBB] =	sst s10  }
0x35: {  	s10 =	sld [smem:$0x3FBA];
	_ =	sdelay $0x3  }
0x36: {  	p1 =	seq.s32 s10, $0x1;
	s10 =	sld [smem:$0x3FBB];
	_ =	sdelay $0x3  }
0x37: {  	[smem:$0x3FBB] =	sst s10  }
0x38: {  	s10 =	sld [smem:$0x3FBC]  }
0x39: {  	_ = 	snop;
	(pc) =	sbr.ind lr, $3  }
0x3a: {  	_ = 	snop  }
0x3b: {  	_ = 	snop  }
0x3c: {  	p2 =	seq.s32 s10, $0x1;
	s10 =	sld [smem:$0x3FBB]  }
0x3d: {  	_ =	shalt  }
0x3e: {  	_ =	shalt  }
0x3f: {  	_ =	shalt  }
0x40: {  	_ =	shalt  }
0x41: {  	_ =	shalt  }
0x42: {  	_ =	shalt  }
0x43: {  	_ =	shalt  }
0x44: {  	_ =	shalt  }
0x45: {  	_ =	shalt  }
0x46: {  	_ =	shalt  }
0x47: {  	_ =	shalt  }
0x48: {  	_ =	shalt  }
0x49: {  	_ =	shalt  }
0x4a: {  	_ =	shalt  }
0x4b: {  	_ =	shalt  }
0x4c: {  	_ =	shalt  }
0x4d: {  	_ =	shalt  }
0x4e: {  	_ =	shalt  }
0x4f: {  	_ =	shalt  }
0x50: {  	_ =	shalt  }
0x51: {  	_ =	shalt  }
0x52: {  	_ =	shalt  }
0x53: {  	_ =	shalt  }
0x54: {  	_ =	shalt  }
0x55: {  	_ =	shalt  }
0x56: {  	_ =	shalt  }
0x57: {  	_ =	shalt  }
0x58: {  	_ =	shalt  }
0x59: {  	_ =	shalt  }
0x5a: {  	_ =	shalt  }
0x5b: {  	_ =	shalt  }
0x5c: {  	_ =	shalt  }
0x5d: {  	_ =	shalt  }
0x5e: {  	_ =	shalt  }
0x5f: {  	_ =	shalt  }
0x60: {  	_ =	shalt  }
0x61: {  	_ =	shalt  }
0x62: {  	_ =	shalt  }
0x63: {  	_ =	shalt  }
0x64: {  	_ =	shalt  }
0x65: {  	_ =	shalt  }
0x66: {  	_ =	shalt  }
0x67: {  	_ =	shalt  }
0x68: {  	_ =	shalt  }
0x69: {  	_ =	shalt  }
0x6a: {  	_ =	shalt  }
0x6b: {  	_ =	shalt  }
0x6c: {  	_ =	shalt  }
0x6d: {  	_ =	shalt  }
0x6e: {  	_ =	shalt  }
0x6f: {  	_ =	shalt  }
0x70: {  	_ =	shalt  }
0x71: {  	_ =	shalt  }
0x72: {  	_ =	shalt  }
0x73: {  	_ =	shalt  }
0x74: {  	_ =	shalt  }
0x75: {  	_ =	shalt  }
0x76: {  	_ =	shalt  }
0x77: {  	_ =	shalt  }
0x78: {  	_ =	shalt  }
0x79: {  	_ =	shalt  }
0x7a: {  	_ =	shalt  }
0x7b: {  	_ =	shalt  }
0x7c: {  	_ =	shalt  }
0x7d: {  	_ =	shalt  }
0x7e: {  	_ =	shalt  }
0x7f: {  	_ =	shalt  }
0x80: {  	_ =	shalt  }
0x81: {  	_ =	shalt  }
0x82: {  	_ =	shalt  }
0x83: {  	_ =	shalt  }
0x84: {  	_ =	shalt  }
0x85: {  	_ =	shalt  }
0x86: {  	_ =	shalt  }
0x87: {  	_ =	shalt  }
.Lfunc_end0:
.L_simem_size_0:
called_computation_lowered:
.L_overlay_start_0:
0x88: {  	s2 =	sld [smem:$0x3FD9]  }
0x89: {  	s3 =	sld [smem:$0x3FFE];
	_ =	sdelay $0x1  }
0x8a: {  	s1 =	srdreg.scid  }
0x8b: {  	s0 =	sand.u32 $0x1, s1  }
0x8c: {  	s17 =	sshll.u32 s0, $0xA;
	s2 =	sadd.s32 s3, s2  }
0x8d: {  	s2 =	sadd.s32 s2, s17  }
0x8e: {  	[smem:$0x3FC7] =	sst s2  }
0x8f: {  	_ = 	snop  }
0x90: {  	s2 =	sld [smem:$0x3FC9];
	(tm) =	ssettm $0x1  }
0x91: {  	s18 =	sld [smem:$0x3FFB];
	_ =	sdelay $0x3  }
0x92: {  	_ =	strace s18  }
0x93: {  	s3 =	sld [smem:$0x3FFC];
	_ =	sdelay $0x3  }
0x94: {  	_ =	strace s3  }
0x95: {  	s3 =	sld [smem:$0x3FFD];
	_ =	sdelay $0x3  }
0x96: {  	_ =	strace s3  }
0x97: {  	_ =	strace $0x8FFFFFFF  }
0x98: {  	s19 =	sld [smem:$0x3FDB];
	_ =	sdelay $0x1  }
0x99: {  	s4 =	simm.s32 $_scs_section_size  }
0x9a: {  	s5 =	simm.s32 $_size__tile_overlayer_lowered;
	s6 =	simm.s32 $_tile_overlayer_lowered  }
0x9b: {  	s22 =	simm.s32 $0x1BFF;
	s21 =	sshll.u32 s6, $0x1;
	s3 =	sadd.s32 s4, s19  }
0x9c: {  	s7 =	simm.s32 $0x0;
	s20 =	sshll.u32 s5, $0x1;
	s5 =	sadd.s32 s21, s3  }
0x9d: {  	[timem:s7], [sflag:s22] =	dma.local [hbm:s5], s20  }
0x9e: {  	_ =	swait.ge [sflag:s22], s20  }
0x9f: {  	s4 =	ssub.s32 $0x0, s20;
	[sflag:s22] =	ssyncset.done $0x0  }
0xa0: {  	[sflag:s22] =	ssyncadd.s32 s4;
	_ =	sdelay $0x1  }
0xa1: {  	s23 =	simm.s32 $0x1B8B  }
0xa2: {  	_ =	swait.ge [sflag:s23], $0x1  }
0xa3: {  	[sflag:s23] =	ssyncset.done $0x0  }
0xa4: {  	s25 =	simm.s32 $0x1B8E;
	s24 =	sld [smem:$0x3FFE];
	[sflag:s23] =	ssyncadd.s32 $0xFFFFFFFF  }
0xa5: {  	s26 =	simm.s32 $execute0_lowered;
	[smem:$0x3FD2] =	sst s25  }
0xa6: {  	s5 =	sshll.u32 s26, $0x1;
	_ =	strace $0x80000046;
	[dreg:$0x1] =	wrdreg $0xFFFFFFFF  }
0xa7: {  	s28 =	simm.s32 $_size_execute0_lowered;
	s3 =	sadd.s32 s3, s5;
	[dreg:$0x0] =	wrdreg $0x0  }
0xa8: {  	s5 =	sshll.u32 s28, $0x1;
	[dreg:$0x2] =	wrdreg s3  }
0xa9: {  	[dreg:$0x3] =	wrdreg s5  }
0xaa: {  	[dreg:$0x4] =	wrdreg $0xC0  }
0xab: {  	_ =	task [dreg:s7], $0x5FFFF  }
0xac: {  	[dreg:$0x1] =	wrdreg $0xFFFFFFFF  }
0xad: {  	[dreg:$0x0] =	wrdreg $0x60  }
0xae: {  	[dreg:$0x2] =	wrdreg s2  }
0xaf: {  	[dreg:$0x3] =	wrdreg s24  }
0xb0: {  	[dreg:$0x4] =	wrdreg $0x9  }
0xb1: {  	_ =	task.clear_ibuf [dreg:s7], $0x5FFFF;
	_ =	strace $0x90000046  }
0xb2: {  	s29 =	simm.s32 $0x9;
	_ =	strace $0x80000048  }
0xb3: {  	_ =	swait.ge [sflag:s29], $0x1  }
0xb4: {  	[sflag:s29] =	ssyncadd.s32 $0xFFFFFFFF  }
0xb5: {  	_ =	strace $0x90000048  }
0xb6: {  	_ =	sfence  }
0xb7: {  	s30 =	sld [smem:$0x0];
	_ =	sdelay $0x2  }
0xb8: {  	s31 =	sshll.u32 s1, $0xD;
	s1 =	sshrl.u32 s1, $0x2  }
0xb9: {  	s3 =	sand.u32 $0x4000, s31;
	s1 =	sadd.s32 s1, s30  }
0xba: {  	s0 =	sor.u32 s3, s0;
	s1 =	sshll.u32 s1, $0x11  }
0xbb: {  	s0 =	sor.u32 s1, s0  }
0xbc: {  	s0 =	sadd.s32 $0x8F2B, s0  }
0xbd: {  	[sflag:s0] =	ssyncadd.remote.s32 $0x1  }
0xbe: {  	_ =	sfence.sel $0xFFFF  }
0xbf: {  	[dreg:$0x0] =	wrdreg $0xFFFFFFFF;
	(pc) =	sbr.abs _section_cstart, $3  }
0xc0: {  	[dreg:$0x1] =	wrdreg $0xFFFFFFFF  }
0xc1: {  	_ =	task.clear_ibuf [dreg:s7], $0x2FFFF;
	_ =	strace $0x9FFFFFFF  }
0xc2: {  	(tm) =	ssettm $0x7FFFFFFF  }
0xc3: {  	_ =	shalt  }
tec
execute0_lowered:
.L_overlay_start_1:
0x0: {  	(tag) =	ssettag $0x1  }
0x1: {  	s0 =	rddreg [dreg:$0x0];
	s1 =	simm.s32 $0x0  }
0x2: {  	[smem:$0x7FF] =	sst s1  }
0x3: {  	s3 =	rddreg [dreg:$0x1];
	v0 =	vimm.f32 $3.277000000e+03;
	_ =	strace $0x80000047  }
0x4: {  	s2 =	srdreg.scid;
	s30 =	stileid.u32;
	(erf) = vrcp.f32 v0  }
0x5: {  	s9 =	simm.s32 $0x18100;
	s10 =	simm.s32 $0x1C180;
	s11 =	simm.s32 $0x1C580  }
0x6: {  	s12 =	simm.s32 $0x10080;
	s13 =	simm.s32 $0x8000;
	s14 =	simm.s32 $0x1CA00  }
0x7: {  	s15 =	simm.s32 $0x0;
	s4 =	sand.u32 $0x1, s2;
	s7 =	sshll.u32 s30, $0x6  }
0x8: {  	s5 =	sshll.u32 s4, $0x4;
	s4 =	ssub.s32 $0x2, s4;
	s7 =	sand.u32 $0x40, s7  }
.Ltmp0:
0x9: {  	s5 =	sor.u32 s30, s5;
	s8 =	sshrl.u32 s4, $0x1;
	v0 =	vlaneseq.u32;
	(pc) =	sbr.rel .LBB2_1-.Ltmp0, $4  }
0xa: {  	v2 =	vimm.s32 $0x0;
	s0 =	sadd.s32 s0, s7;
	s6 =	sshll.u32 s5, $0x1;
	s5 =	sshll.u32 s5, $0xE;
	v1 =	vmul.u32 $0xFFFFFFFF, v0;
	v10 =	vmul.u32 $0x10, v0  }
0xb: {  	v4 =	vimm.s32 $0x1;
	v12 =	vimm.s32 $0x80000000;
	s7 =	simm.s32 $0x400;
	s31 =	ssub.s32 s4, s8;
	v3 =	vmul.u32 $0x401, v0;
	s5 =	sand.u32 $0x78000, s5  }
0xc: {  	s8 =	simm.s32 $0x1;
	v11 =	vmul.u32 $0x801, v0;
	s6 =	sadd.s32 s6, s3;
	s3 =	sadd.s32 s5, s0;
	v5 =	vadd.s32 $0xF, v1;
	v6 =	vor.u32 $0x30F, v10  }
0xd: {  	s4 =	sadd.s32 $0x400, s6;
	s5 =	smax.u32 s31, $0x1;
	s6 =	simm.s32 $0x80;
	v7 =	vor.u32 $0x20F, v10;
	v8 =	vor.u32 $0x10F, v10;
	v10 =	vor.u32 $0xF, v10;
	v9 =	vpop (erf)  }
.LBB2_99:
0xe: {  	s15 =	sadd.s32 $0x1, s15  }
0xf: {  	p0 =	sne.s32 s15, s5  }
.Ltmp1:
0x10: {  	[tilespmem:$0x1CA00] =	vst v13;
	(pc) =	sbr.rel @!p0 .LBB2_100-.Ltmp1, $4  }
0x11: {  	[hbm4b:s4+s1] =	stream.linear.scatter [tilespmem:s14], [sflag:$0x1], $0x10, $0x38;
	[tilespmem:$0x1CA80] =	vst v63  }
0x12: {  	_ =	swait.ge [sflag:s8], $0x10  }
0x13: {  	[sflag:s8] =	ssyncset.done $0x0  }
0x14: {  	[sflag:s8] =	ssyncadd.s32 $0xFFFFFFF0  }
.LBB2_1:
0x15: {  	s0 =	simm.s32 $0x18140  }
0x16: {  	[tilespmem:s0+$0xFFFFFFC0] =	vst v2  }
0x17: {  	[tilespmem:s0+$0x30] =	vst v2  }
0x18: {  	[tilespmem:s0+$0x20] =	vst v2  }
0x19: {  	[tilespmem:s0+$0x10] =	vst v2  }
0x1a: {  	[tilespmem:s0+$0x0] =	vst v2  }
0x1b: {  	[tilespmem:s0+$0xFFFFFFF0] =	vst v2  }
0x1c: {  	s16 =	simm.s32 $0x0;
	[tilespmem:s0+$0xFFFFFFE0] =	vst v2  }
.LBB2_2:
0x1d: {  	s16 =	sadd.s32 $0x8, s16;
	[tilespmem:s0+$0xFFFFFFD0] =	vst v2;
	s0 =	sadd.s32 $0x80, s0  }
0x1e: {  	[tilespmem:s0+$0xFFFFFFC0] =	vst v2;
	p0 =	slt.u32 s16, $0x3F8  }
0x1f: {  	[tilespmem:s0+$0x30] =	vst v2  }
.Ltmp2:
0x20: {  	[tilespmem:s0+$0x20] =	vst v2;
	(pc) =	sbr.rel @p0 .LBB2_2-.Ltmp2, $4  }
0x21: {  	[tilespmem:s0+$0x10] =	vst v2  }
0x22: {  	[tilespmem:s0+$0x0] =	vst v2  }
0x23: {  	[tilespmem:s0+$0xFFFFFFF0] =	vst v2  }
0x24: {  	[tilespmem:s0+$0xFFFFFFE0] =	vst v2  }
.Ltmp3:
0x25: {  	(pc) =	sbr.rel .LBB2_4-.Ltmp3, $3  }
0x26: {  	_ =	sdelay $0x1  }
0x27: {  	[tilespmem:s0+$0xFFFFFFD0] =	vst v2  }
0x28: {  	s16 =	simm.s32 $0x0;
	v13 =	vimm.f32 $0.0e+00;
	[tilespmem:$0x1C100] =	vst v2  }
.LBB2_83:
0x29: {  	_ = 	snop  }
0x2a: {  	v25 =	vimm.s32 $0x0;
	s24 =	simm.s32 $0x0;
	v26 =	vmov v14  }
.LBB2_97:
0x2b: {  	_ = 	snop  }
0x2c: {  	vm5 =	vgt.s32 @p1 v27, v16;
	v27 =	vmov @p1 v30;
	v21 =	vpsel p0, v23, v21  }
0x2d: {  	vm12 =	vgt.s32 v15, s24;
	v28 =	vxor.u32 @p1 v27, v28;
	vm5 =	vmand @p1 vm3, vm5  }
0x2e: {  	vm3 =	vmand @p1 vm3, vm4;
	vm4 =	vgt.s32 @p0 v15, s25;
	v28 =	vnsel @p1 vm5, $0x0, v28  }
0x2f: {  	v18 =	vld.idx.msk [tilespmem:v18+s12+$0x0], $0xffff;
	v29 =	vsel @p1 vm3, $0x1, v2;
	vm1 =	vmmov @p0 vm4;
	vm4 =	vgt.s32 @p0 v23, $0xFFFFFFFF  }
0x30: {  	v26 =	vadd.f32 @p1 v28, v26;
	v28 =	vadd.s32 @p1 v29, v25;
	v29 =	vand.u32 @p0 $0x3F, v23  }
0x31: {  	vm3 =	vmmov @p1 vm3;
	v25 =	vadd.s32 @p1 v11, v25;
	v22 =	vpsel p0, v29, v22  }
0x32: {  	vm5 =	veq.s32 @p0 v29, v16;
	v29 =	vsel @p0 vm4, $0xFFFFFFFF, v12;
	v25 =	vpsel p1, v25, v0  }
0x33: {  	vm2 =	vmmov @p0 vm5;
	v23 =	vpsel p0, v29, v24;
	vm4 =	vgt.s32 @p0 v22, v16  }
0x34: {  	v22 =	vpsel p1, v28, v17;
	v60 =	vand.u32 $0x3F, v18;
	vm2 =	vmand @p0 vm1, vm2  }
0x35: {  	vm14 =	vgt.s32 v18, $0xFFFFFFFF;
	v28 =	vadd.s32 @p0 v11, v22;
	v24 =	vsel @p0 vm2, $0x1, v2  }
0x36: {  	vm13 =	veq.s32 v60, v16;
	vm2 =	vmmov @p0 vm2;
	v22 =	vadd.s32 @p0 v24, v22  }
0x37: {  	v15 =	vmovc @p0 v21;
	v21 =	vpsel p0, v28, v0;
	vm5 =	vmand vm12, vm13;
	v61 =	vpsel p0, v22, v17  }
0x38: {  	vm1 =	vmand @p0 vm1, vm4;
	v23 =	vxor.u32 @p0 v15, v23;
	v17 =	vadd.s32 v11, v61  }
0x39: {  	[tilespmem:v19+s13+$0x0] =	vst.idx.msk @p2 vm0, v20;
	v26 =	vpsel p1, v26, v14;
	v62 =	vsel vm14, $0xFFFFFFFF, v12;
	v23 =	vnsel @p0 vm1, $0x0, v23  }
0x3a: {  	vm15 =	vgt.s32 v60, v16;
	v19 =	vadd.f32 @p0 v23, v26;
	v22 =	vpsel p1, v27, v0  }
0x3b: {  	v15 =	vpsel p0, v15, v0;
	v63 =	vxor.u32 v18, v62;
	vm0 =	vmand vm12, vm15;
	[tilespmem:v25+s13+$0x0] =	vst.idx.msk @p1 vm3, v22  }
0x3c: {  	v14 =	vpsel p0, v19, v14;
	[tilespmem:v21+s13+$0x0] =	vst.idx.msk @p0 vm2, v15;
	v15 =	vnsel vm0, $0x0, v63  }
0x3d: {  	v14 =	vadd.f32 v15, v14;
	[tilespmem:v17+s13+$0x0] =	vst.idx.msk vm5, v18  }
.LBB2_98:
0x3e: {  	_ = 	snop  }
0x3f: {  	(xrf2) =	vadd.scan.msk.f32 $0xffff, v14;
	_ =	sdelay $0x2  }
0x40: {  	s2 =	sshll.u32 s17, $0x16;
	s29 =	sshll.u32 s18, $0xE  }
0x41: {  	s30 =	sshll.u32 s19, $0x6;
	s2 =	sor.u32 s2, s29  }
0x42: {  	s0 =	sxor.u32 $0x80000000, s23;
	s2 =	sor.u32 s30, s2  }
0x43: {  	s0 =	sadd.s32 s20, s0;
	s31 =	sor.u32 s22, s2  }
0x44: {  	v14 =	vmov s0;
	v15 =	vmov s31  }
0x45: {  	v14 =	vsub.s32 $0xCCD, v14  }
0x46: {  	v14 =	vcvt.s32.f32 v14  }
0x47: {  	vm0 =	vgt.s32 v15, $0xFFFFFFFF;
	v15, _, _ =	vpop (xrf2)  }
0x48: {  	v16 =	vsel vm0, $0xFFFFFFFF, v12;
	v14 =	vbroadcast v14, $0x0;
	v15 =	vadd.f32 $0.0e+00, v15  }
0x49: {  	v16 =	vxor.u32 s31, v16  }
0x4a: {  	v14 =	vmul.f32 v16, v14;
	v15 =	vbroadcast v15, $0xF;
	_ =	sdelay $0x1  }
0x4b: {  	v14 =	vadd.f32 v15, v14;
	v15 =	vmov s16;
	s16 =	sadd.s32 $0x1, s16  }
0x4c: {  	p0 =	seq.s32 s16, $0x4  }
.Ltmp4:
0x4d: {  	_ = 	snop;
	(pc) =	sbr.rel @p0 .LBB2_99-.Ltmp4, $4  }
0x4e: {  	_ = 	snop  }
0x4f: {  	v14 =	vmul.f32 v14, v9  }
0x50: {  	vm15 =	veq.s32 v15, v0  }
0x51: {  	v13 =	vsel vm15, v14, v13  }
.LBB2_4:
0x52: {  	s0 =	sshll.u32 s16, $0x4  }
0x53: {  	s0 =	sadd.s32 s0, s3  }
0x54: {  	[tilespmem:s1], [sflag:$0x1] =	stream.strided.gather [hbm4b:s0+s6], $0x8000, s7, s6, $0x38;
	[tilespmem:$0x1CA80] =	vst v63  }
0x55: {  	_ =	swait.ge [sflag:s8], $0x8000  }
0x56: {  	[sflag:s8] =	ssyncset.done $0x0  }
0x57: {  	s31 =	simm.s32 $0x40;
	[sflag:s8] =	ssyncadd.s32 $0xFFFF8000  }
0x58: {  	v14 =	vld [tilespmem:s31+$0x30]  }
0x59: {  	v15 =	vld [tilespmem:s31+$0xFFFFFFD0]  }
0x5a: {  	v16 =	vld [tilespmem:s31+$0xFFFFFFE0]  }
0x5b: {  	v17 =	vld [tilespmem:s31+$0xFFFFFFF0]  }
0x5c: {  	v18 =	vld [tilespmem:s31+$0x0];
	_ =	sdelay $0x1  }
0x5d: {  	v19 =	vld [tilespmem:s31+$0x10]  }
0x5e: {  	v22 =	vld [tilespmem:s31+$0x20]  }
0x5f: {  	v23 =	vld [tilespmem:s31+$0xFFFFFFC0];
	v20 =	vshra.s32 v14, $0x1F;
	v21 =	vshra.s32 v15, $0x1F;
	v24 =	vshra.s32 v16, $0x1F  }
0x60: {  	v62 =	vshra.s32 v17, $0x1F;
	v25 =	vshra.s32 v18, $0x1F;
	v20 =	vor.u32 $0x80000000, v20  }
0x61: {  	v21 =	vor.u32 $0x80000000, v21;
	v14 =	vxor.u32 v14, v20;
	v20 =	vor.u32 $0x80000000, v24  }
0x62: {  	v24 =	vor.u32 $0x80000000, v62;
	v21 =	vxor.u32 v15, v21;
	v14 =	vshrl.u32 v14, $0x16  }
0x63: {  	v15 =	vshra.s32 v19, $0x1F;
	v63 =	vxor.u32 v16, v20;
	v26 =	vadd.s32 v3, v14  }
0x64: {  	v16 =	vor.u32 $0x80000000, v15;
	v15 =	vshra.s32 v22, $0x1F;
	v20 =	vshra.s32 v23, $0x1F  }
0x65: {  	v24 =	vxor.u32 v17, v24;
	v14 =	vor.u32 $0x80000000, v25;
	v17 =	vor.u32 $0x80000000, v15  }
0x66: {  	v20 =	vor.u32 $0x80000000, v20;
	v15 =	vxor.u32 v18, v14;
	v14 =	vxor.u32 v19, v16  }
0x67: {  	s20 =	simm.s32 $0x0;
	s17 =	simm.s32 $0x1C610;
	v18 =	vxor.u32 v23, v20;
	v16 =	vshrl.u32 v21, $0x16;
	v17 =	vxor.u32 v22, v17  }
0x68: {  	s19 =	simm.s32 $0x1A108;
	s18 =	simm.s32 $0x1C190;
	s21 =	simm.s32 $0xC0;
	v19 =	vshrl.u32 v63, $0x16;
	v20 =	vshrl.u32 v18, $0x16;
	v18 =	vshrl.u32 v24, $0x16;
	[tilespmem:v26+s9+$0x0] =	vst.idx.add.s32.msk $0xffff, v4  }
.LBB2_5:
0x69: {  	v21 =	vld [tilespmem:s21+$0x30];
	s20 =	sadd.s32 $0x8, s20;
	v15 =	vshrl.u32 v15, $0x16;
	v14 =	vshrl.u32 v14, $0x16;
	v17 =	vshrl.u32 v17, $0x16  }
0x6a: {  	v20 =	vadd.s32 v3, v20;
	v16 =	vadd.s32 v3, v16;
	v19 =	vadd.s32 v3, v19;
	v22 =	vld [tilespmem:s21+$0xFFFFFFD0];
	p0 =	slt.u32 s20, $0x7F8  }
0x6b: {  	v18 =	vadd.s32 v3, v18;
	v15 =	vadd.s32 v3, v15;
	v24 =	vadd.s32 v3, v14;
	v23 =	vld [tilespmem:s21+$0xFFFFFFE0]  }
0x6c: {  	v25 =	vadd.s32 v3, v17;
	v14 =	vld [tilespmem:s21+$0xFFFFFFF0]  }
0x6d: {  	v17 =	vld [tilespmem:s21+$0x0]  }
0x6e: {  	v26 =	vld [tilespmem:s21+$0x10];
	v27 =	vshra.s32 v21, $0x1F  }
0x6f: {  	v28 =	vshra.s32 v22, $0x1F;
	v29 =	vld [tilespmem:s21+$0x20];
	v27 =	vor.u32 $0x80000000, v27  }
0x70: {  	v30 =	vld [tilespmem:s21+$0xFFFFFFC0];
	v28 =	vor.u32 $0x80000000, v28;
	v31 =	vshra.s32 v23, $0x1F;
	v21 =	vxor.u32 v21, v27  }
0x71: {  	v27 =	vor.u32 $0x80000000, v31;
	v31 =	vshra.s32 v14, $0x1F;
	v21 =	vshrl.u32 v21, $0x16;
	[tilespmem:v20+s9+$0x0] =	vst.idx.add.s32.msk $0xffff, v4  }
0x72: {  	v20 =	vor.u32 $0x80000000, v31;
	v31 =	vshra.s32 v17, $0x1F;
	v21 =	vadd.s32 v3, v21;
	[tilespmem:v16+s9+$0x0] =	vst.idx.add.s32.msk $0xffff, v4  }
0x73: {  	v16 =	vxor.u32 v22, v28;
	v22 =	vor.u32 $0x80000000, v31;
	v28 =	vshra.s32 v26, $0x1F;
	[tilespmem:v19+s9+$0x0] =	vst.idx.add.s32.msk $0xffff, v4  }
.Ltmp5:
0x74: {  	v19 =	vxor.u32 v23, v27;
	v23 =	vor.u32 $0x80000000, v28;
	v27 =	vshra.s32 v29, $0x1F;
	[tilespmem:v18+s9+$0x0] =	vst.idx.add.s32.msk $0xffff, v4;
	(pc) =	sbr.rel @p0 .LBB2_5-.Ltmp5, $4  }
0x75: {  	v28 =	vxor.u32 v14, v20;
	v18 =	vshra.s32 v30, $0x1F;
	v20 =	vor.u32 $0x80000000, v27;
	[tilespmem:v15+s9+$0x0] =	vst.idx.add.s32.msk $0xffff, v4  }
0x76: {  	v15 =	vxor.u32 v17, v22;
	v14 =	vxor.u32 v26, v23;
	v18 =	vor.u32 $0x80000000, v18;
	[tilespmem:v24+s9+$0x0] =	vst.idx.add.s32.msk $0xffff, v4  }
0x77: {  	v16 =	vshrl.u32 v16, $0x16;
	v17 =	vxor.u32 v29, v20;
	v18 =	vxor.u32 v30, v18;
	[tilespmem:v21+s9+$0x0] =	vst.idx.add.s32.msk $0xffff, v4  }
0x78: {  	s21 =	sadd.s32 $0x80, s21;
	v19 =	vshrl.u32 v19, $0x16;
	v20 =	vshrl.u32 v18, $0x16;
	v18 =	vshrl.u32 v28, $0x16;
	[tilespmem:v25+s9+$0x0] =	vst.idx.add.s32.msk $0xffff, v4  }
0x79: {  	v20 =	vadd.s32 v3, v20  }
0x7a: {  	v16 =	vadd.s32 v3, v16  }
0x7b: {  	v19 =	vadd.s32 v3, v19  }
0x7c: {  	v15 =	vshrl.u32 v15, $0x16;
	v18 =	vadd.s32 v3, v18  }
0x7d: {  	v14 =	vshrl.u32 v14, $0x16;
	v15 =	vadd.s32 v3, v15  }
0x7e: {  	v17 =	vshrl.u32 v17, $0x16;
	v14 =	vadd.s32 v3, v14;
	[tilespmem:v20+s9+$0x0] =	vst.idx.add.s32.msk $0xffff, v4  }
0x7f: {  	v17 =	vadd.s32 v3, v17;
	[tilespmem:v16+s9+$0x0] =	vst.idx.add.s32.msk $0xffff, v4  }
0x80: {  	[tilespmem:v19+s9+$0x0] =	vst.idx.add.s32.msk $0xffff, v4  }
0x81: {  	[tilespmem:v18+s9+$0x0] =	vst.idx.add.s32.msk $0xffff, v4  }
0x82: {  	[tilespmem:v15+s9+$0x0] =	vst.idx.add.s32.msk $0xffff, v4  }
0x83: {  	[tilespmem:v14+s9+$0x0] =	vst.idx.add.s32.msk $0xffff, v4  }
0x84: {  	[tilespmem:v17+s9+$0x0] =	vst.idx.add.s32.msk $0xffff, v4  }
0x85: {  	v14 =	vld [tilespmem:s19+$0xFFFFE008]  }
0x86: {  	v15 =	vld [tilespmem:s19+$0xFFFFE409]  }
0x87: {  	v16 =	vld [tilespmem:s19+$0xFFFFE80A]  }
0x88: {  	v17 =	vld [tilespmem:s19+$0xFFFFEC0B]  }
0x89: {  	v18 =	vld [tilespmem:s19+$0xFFFFF00C]  }
0x8a: {  	v19 =	vld [tilespmem:s19+$0xFFFFF40D]  }
0x8b: {  	[tilespmem:s19+$0xFFFFE008] =	vst v2;
	v20 =	vld [tilespmem:s19+$0xFFFFF80E]  }
0x8c: {  	[tilespmem:s19+$0xFFFFE409] =	vst v2;
	v60 =	vld [tilespmem:s19+$0x1014]  }
0x8d: {  	[tilespmem:s19+$0xFFFFE80A] =	vst v2;
	v61 =	vld [tilespmem:s19+$0xFFFFE7FA]  }
0x8e: {  	[tilespmem:s19+$0xFFFFEC0B] =	vst v2;
	v62 =	vld [tilespmem:s19+$0xFFFFFBFF]  }
0x8f: {  	[tilespmem:s19+$0xFFFFF00C] =	vst v2;
	v63 =	vld [tilespmem:s19+$0x1004];
	v14 =	vadd.s32 v14, v15  }
0x90: {  	[tilespmem:s19+$0xFFFFF40D] =	vst v2;
	v15 =	vld [tilespmem:s19+$0xFFFFFC0F];
	v14 =	vadd.s32 v16, v14  }
0x91: {  	[tilespmem:s19+$0xFFFFF80E] =	vst v2;
	v16 =	vld [tilespmem:s19+$0x10];
	v14 =	vadd.s32 v17, v14  }
0x92: {  	[tilespmem:s19+$0x1014] =	vst v2;
	v17 =	vld [tilespmem:s19+$0x411];
	v14 =	vadd.s32 v18, v14  }
0x93: {  	[tilespmem:s19+$0xFFFFE7FA] =	vst v2;
	v18 =	vld [tilespmem:s19+$0x812];
	v14 =	vadd.s32 v19, v14  }
0x94: {  	[tilespmem:s19+$0xFFFFFBFF] =	vst v2;
	v19 =	vld [tilespmem:s19+$0xC13];
	v14 =	vadd.s32 v20, v14  }
0x95: {  	[tilespmem:s19+$0x1004] =	vst v2;
	v14 =	vadd.s32 v15, v14;
	v15 =	vld [tilespmem:s19+$0x1415]  }
0x96: {  	[tilespmem:s19+$0xFFFFFC0F] =	vst v2;
	v14 =	vadd.s32 v16, v14;
	v16 =	vld [tilespmem:s19+$0x1816]  }
0x97: {  	[tilespmem:s19+$0x10] =	vst v2;
	v14 =	vadd.s32 v17, v14;
	v17 =	vld [tilespmem:s19+$0x1C17]  }
0x98: {  	[tilespmem:s19+$0x411] =	vst v2;
	v14 =	vadd.s32 v18, v14;
	v18 =	vld [tilespmem:s19+$0xFFFFE3F9]  }
0x99: {  	[tilespmem:s19+$0x812] =	vst v2;
	v14 =	vadd.s32 v19, v14;
	v19 =	vld [tilespmem:s19+$0xFFFFDFF8]  }
0x9a: {  	[tilespmem:s19+$0xC13] =	vst v2;
	v14 =	vadd.s32 v60, v14  }
0x9b: {  	[tilespmem:s19+$0x1415] =	vst v2;
	v14 =	vadd.s32 v15, v14;
	v15 =	vld [tilespmem:s19+$0xFFFFEBFB]  }
0x9c: {  	[tilespmem:s19+$0x1816] =	vst v2;
	v14 =	vadd.s32 v16, v14;
	v16 =	vld [tilespmem:s19+$0xFFFFEFFC]  }
0x9d: {  	[tilespmem:s19+$0x1C17] =	vst v2;
	v14 =	vadd.s32 v17, v14;
	v17 =	vld [tilespmem:s19+$0xFFFFF3FD]  }
0x9e: {  	[tilespmem:s19+$0xFFFFE3F9] =	vst v2;
	v14 =	vperm.xlane v14, v5;
	v18 =	vadd.s32 v19, v18;
	v19 =	vld [tilespmem:s19+$0xFFFFF7FE]  }
0x9f: {  	[tilespmem:s19+$0xFFFFDFF8] =	vst v2;
	v18 =	vadd.s32 v61, v18  }
0xa0: {  	[tilespmem:s19+$0xFFFFEBFB] =	vst v2;
	(xrf0) =	vadd.scan.msk.s32 $0xffff, v14;
	v15 =	vadd.s32 v15, v18;
	v18 =	vld [tilespmem:s19+$0x0]  }
0xa1: {  	[tilespmem:s19+$0xFFFFEFFC] =	vst v2;
	v15 =	vadd.s32 v16, v15;
	v16 =	vld [tilespmem:s19+$0x401]  }
0xa2: {  	[tilespmem:s19+$0xFFFFF3FD] =	vst v2;
	v15 =	vadd.s32 v17, v15;
	v17 =	vld [tilespmem:s19+$0x802]  }
0xa3: {  	[tilespmem:s19+$0xFFFFF7FE] =	vst v2;
	v15 =	vadd.s32 v19, v15;
	v19 =	vld [tilespmem:s19+$0xC03]  }
0xa4: {  	[tilespmem:s19+$0x0] =	vst v2;
	v15 =	vadd.s32 v62, v15  }
0xa5: {  	[tilespmem:s19+$0x401] =	vst v2;
	v15 =	vadd.s32 v18, v15  }
0xa6: {  	[tilespmem:s19+$0x802] =	vst v2;
	v18 =	vld [tilespmem:s19+$0x1405];
	v21, _, _ =	vpop (xrf0);
	v15 =	vadd.s32 v16, v15  }
0xa7: {  	v16 =	vld [tilespmem:s19+$0x1806];
	[tilespmem:s18+$0x0] =	vst v21;
	v15 =	vadd.s32 v17, v15  }
0xa8: {  	[tilespmem:s17+$0x0] =	vst v14;
	v14 =	vadd.s32 v19, v15;
	v15 =	vld [tilespmem:s19+$0x1C07]  }
0xa9: {  	[tilespmem:s19+$0xC03] =	vst v2  }
0xaa: {  	[tilespmem:s19+$0x1405] =	vst v2;
	v14 =	vadd.s32 v63, v14  }
0xab: {  	[tilespmem:s19+$0x1806] =	vst v2;
	v14 =	vadd.s32 v18, v14  }
0xac: {  	s20 =	simm.s32 $0x0;
	s21 =	simm.s32 $0x1A128;
	[tilespmem:s19+$0x1C07] =	vst v2;
	s19 =	simm.s32 $0x1C610;
	v16 =	vadd.s32 v16, v14  }
.LBB2_7:
0xad: {  	v17 =	vld [tilespmem:s21+$0xFFFFE008];
	[tilespmem:s21+$0xFFFFE008] =	vst v2;
	v14 =	vadd.s32 v15, v16  }
0xae: {  	v15 =	vld [tilespmem:s21+$0xFFFFE409];
	[tilespmem:s21+$0xFFFFE409] =	vst v2;
	v14 =	vperm.xlane v14, v5  }
0xaf: {  	s20 =	sadd.s32 $0x2, s20;
	v16 =	vld [tilespmem:s21+$0xFFFFE80A];
	[tilespmem:s21+$0xFFFFE80A] =	vst v2  }
0xb0: {  	p0 =	slt.u32 s20, $0x3E;
	v18 =	vld [tilespmem:s21+$0xFFFFEC0B];
	[tilespmem:s21+$0xFFFFEC0B] =	vst v2;
	(xrf0) =	vadd.scan.msk.s32 $0xffff, v14  }
0xb1: {  	v19 =	vld [tilespmem:s21+$0xFFFFF00C];
	[tilespmem:s21+$0xFFFFF00C] =	vst v2  }
0xb2: {  	v20 =	vld [tilespmem:s21+$0xFFFFF40D];
	[tilespmem:s21+$0xFFFFF40D] =	vst v2  }
0xb3: {  	v15 =	vadd.s32 v17, v15;
	v17 =	vld [tilespmem:s21+$0xFFFFF80E];
	[tilespmem:s21+$0xFFFFF80E] =	vst v2  }
0xb4: {  	v15 =	vadd.s32 v16, v15;
	v16 =	vld [tilespmem:s21+$0xFFFFFC0F];
	[tilespmem:s21+$0xFFFFFC0F] =	vst v2  }
0xb5: {  	v15 =	vadd.s32 v18, v15;
	v18 =	vld [tilespmem:s21+$0x10];
	[tilespmem:s21+$0x10] =	vst v2  }
0xb6: {  	v15 =	vadd.s32 v19, v15;
	v19 =	vld [tilespmem:s21+$0x411];
	[tilespmem:s21+$0x411] =	vst v2;
	v21, _, _ =	vpop (xrf0)  }
0xb7: {  	v15 =	vadd.s32 v20, v15;
	v20 =	vld [tilespmem:s21+$0x812];
	[tilespmem:s21+$0x812] =	vst v2  }
0xb8: {  	v15 =	vadd.s32 v17, v15;
	v17 =	vld [tilespmem:s21+$0xC13];
	[tilespmem:s21+$0xC13] =	vst v2  }
0xb9: {  	v15 =	vadd.s32 v16, v15;
	v16 =	vld [tilespmem:s21+$0x1014];
	[tilespmem:s21+$0x1014] =	vst v2  }
0xba: {  	v15 =	vadd.s32 v18, v15;
	v18 =	vld [tilespmem:s21+$0x1415];
	[tilespmem:s21+$0x1415] =	vst v2  }
0xbb: {  	v15 =	vadd.s32 v19, v15;
	v19 =	vld [tilespmem:s21+$0x1816];
	[tilespmem:s21+$0x1816] =	vst v2  }
0xbc: {  	v15 =	vadd.s32 v20, v15;
	v20 =	vld [tilespmem:s21+$0x1C17];
	[tilespmem:s18+$0xFFFFFFF0] =	vst v21  }
0xbd: {  	v21 =	vld [tilespmem:s21+$0xFFFFE3F9];
	[tilespmem:s21+$0xFFFFE3F9] =	vst v2;
	v15 =	vadd.s32 v17, v15  }
0xbe: {  	v17 =	vld [tilespmem:s21+$0xFFFFDFF8];
	[tilespmem:s21+$0xFFFFDFF8] =	vst v2;
	v15 =	vadd.s32 v16, v15  }
0xbf: {  	v16 =	vld [tilespmem:s21+$0xFFFFE7FA];
	[tilespmem:s21+$0xFFFFE7FA] =	vst v2;
	v15 =	vadd.s32 v18, v15  }
0xc0: {  	v18 =	vld [tilespmem:s21+$0xFFFFEBFB];
	[tilespmem:s21+$0xFFFFEBFB] =	vst v2;
	v15 =	vadd.s32 v19, v15  }
0xc1: {  	v19 =	vld [tilespmem:s21+$0xFFFFEFFC];
	[tilespmem:s21+$0xFFFFEFFC] =	vst v2;
	v15 =	vadd.s32 v20, v15  }
0xc2: {  	v20 =	vld [tilespmem:s21+$0xFFFFF3FD];
	[tilespmem:s21+$0xFFFFF3FD] =	vst v2;
	v22 =	vperm.xlane v15, v5  }
0xc3: {  	v15 =	vadd.s32 v17, v21;
	v17 =	vld [tilespmem:s21+$0xFFFFF7FE];
	[tilespmem:s21+$0xFFFFF7FE] =	vst v2  }
0xc4: {  	v15 =	vadd.s32 v16, v15;
	v16 =	vld [tilespmem:s21+$0xFFFFFBFF];
	[tilespmem:s21+$0xFFFFFBFF] =	vst v2;
	(xrf0) =	vadd.scan.msk.s32 $0xffff, v22  }
0xc5: {  	v15 =	vadd.s32 v18, v15;
	v18 =	vld [tilespmem:s21+$0x0];
	[tilespmem:s21+$0x0] =	vst v2  }
0xc6: {  	v15 =	vadd.s32 v19, v15;
	v19 =	vld [tilespmem:s21+$0x401];
	[tilespmem:s21+$0x401] =	vst v2  }
0xc7: {  	v15 =	vadd.s32 v20, v15;
	v20 =	vld [tilespmem:s21+$0x802];
	[tilespmem:s21+$0x802] =	vst v2  }
0xc8: {  	v15 =	vadd.s32 v17, v15;
	v17 =	vld [tilespmem:s21+$0xC03];
	[tilespmem:s21+$0xC03] =	vst v2  }
0xc9: {  	v15 =	vadd.s32 v16, v15;
	v16 =	vld [tilespmem:s21+$0x1004];
	[tilespmem:s21+$0x1004] =	vst v2  }
0xca: {  	s18 =	sadd.s32 $0x20, s18;
	v15 =	vadd.s32 v18, v15;
	v18 =	vld [tilespmem:s21+$0x1405];
	[tilespmem:s21+$0x1C17] =	vst v2;
	v21, _, _ =	vpop (xrf0)  }
0xcb: {  	s17 =	sadd.s32 $0x20, s17;
	v15 =	vadd.s32 v19, v15;
	v19 =	vld [tilespmem:s21+$0x1806];
	[tilespmem:s18+$0x0] =	vst v21  }
.Ltmp6:
0xcc: {  	v20 =	vadd.s32 v20, v15;
	v15 =	vld [tilespmem:s21+$0x1C07];
	[tilespmem:s17+$0x0] =	vst v22;
	(pc) =	sbr.rel @p0 .LBB2_7-.Ltmp6, $4  }
0xcd: {  	v17 =	vadd.s32 v17, v20;
	[tilespmem:s21+$0x1405] =	vst v2  }
0xce: {  	v16 =	vadd.s32 v16, v17;
	[tilespmem:s21+$0x1806] =	vst v2  }
0xcf: {  	v16 =	vadd.s32 v18, v16;
	[tilespmem:s21+$0x1C07] =	vst v2  }
0xd0: {  	s21 =	sadd.s32 $0x20, s21;
	v16 =	vadd.s32 v19, v16;
	[tilespmem:s19+$0xFFFFFFF0] =	vst v14;
	s19 =	smov.u32 s17  }
0xd1: {  	v14 =	vadd.s32 v15, v16  }
0xd2: {  	v14 =	vperm.xlane v14, v5;
	_ =	sdelay $0x1  }
0xd3: {  	(xrf0) =	vadd.scan.msk.s32 $0xffff, v14;
	_ =	sdelay $0x5  }
0xd4: {  	v15, _, _ =	vpop (xrf0)  }
0xd5: {  	[tilespmem:s18+$0xFFFFFFF0] =	vst v15  }
0xd6: {  	[tilespmem:s19+$0xFFFFFFF0] =	vst v14  }
0xd7: {  	v14 =	vld.idx.msk [tilespmem:v6+s10+$0x0], $0xffff;
	_ =	sdelay $0x4  }
0xd8: {  	v15 =	vperm.xlane v14, v5;
	_ =	sdelay $0x1  }
0xd9: {  	(xrf0) =	vadd.scan.msk.s32 $0xffff, v15;
	_ =	sdelay $0x5  }
0xda: {  	v15, _, _ =	vpop (xrf0)  }
0xdb: {  	v15 =	vperm.xlane v15, v5;
	_ =	sdelay $0x1  }
0xdc: {  	v15 =	vsub.s32 v15, v14  }
0xdd: {  	[tilespmem:$0x1C5B0] =	vst v15  }
0xde: {  	v15 =	vld.idx.msk [tilespmem:v7+s10+$0x0], $0xffff;
	_ =	sdelay $0x4  }
0xdf: {  	v16 =	vperm.xlane v15, v5  }
0xe0: {  	(xrf0) =	vadd.scan.msk.s32 $0xffff, v14  }
0xe1: {  	(xrf0) =	vadd.scan.msk.s32 $0xffff, v16;
	_ =	sdelay $0x3  }
0xe2: {  	(xrf0) =	vadd.scan.msk.s32 $0xffff, v15  }
0xe3: {  	v14, _, _ =	vpop (xrf0)  }
0xe4: {  	v17 =	vbroadcast v14, $0xF;
	v16, _, _ =	vpop (xrf0)  }
0xe5: {  	v16 =	vperm.xlane v16, v5  }
0xe6: {  	v15 =	vsub.s32 v17, v15  }
0xe7: {  	v15 =	vadd.s32 v16, v15  }
0xe8: {  	(v2sf) =	vpush v14, $0xF;
	v14, _, _ =	vpop (xrf0);
	[tilespmem:$0x1C5A0] =	vst v15  }
0xe9: {  	(v2sf) =	vpush v14, $0xF;
	v14 =	vld.idx.msk [tilespmem:v8+s10+$0x0], $0xffff;
	_ =	sdelay $0x4  }
0xea: {  	v15 =	vperm.xlane v14, v5;
	_ =	sdelay $0x1  }
0xeb: {  	(xrf0) =	vadd.scan.msk.s32 $0xffff, v15;
	_ =	sdelay $0x5  }
0xec: {  	v15, _, _ =	vpop (xrf0)  }
0xed: {  	s0 =	spop (v2sf);
	(xrf0) =	vadd.scan.msk.s32 $0xffff, v14;
	v15 =	vperm.xlane v15, v5  }
0xee: {  	s17 =	spop (v2sf)  }
0xef: {  	s0 =	sadd.s32 s0, s17;
	v14 =	vsub.s32 v15, v14  }
0xf0: {  	v14 =	vadd.s32 s0, v14;
	_ =	sdelay $0x2  }
0xf1: {  	[tilespmem:$0x1C590] =	vst v14;
	v14, _, _ =	vpop (xrf0)  }
0xf2: {  	(v2sf) =	vpush v14, $0xF;
	v14 =	vld.idx.msk [tilespmem:v10+s10+$0x0], $0xffff;
	_ =	sdelay $0x4  }
0xf3: {  	v15 =	vperm.xlane v14, v5;
	_ =	sdelay $0x1  }
0xf4: {  	(xrf0) =	vadd.scan.msk.s32 $0xffff, v15;
	_ =	sdelay $0x3  }
0xf5: {  	s23 =	simm.s32 $0x0  }
0xf6: {  	v15 =	vmov s23  }
0xf7: {  	v15 =	vand.u32 $0xFFFFFFFE, v15;
	v16, _, _ =	vpop (xrf0)  }
0xf8: {  	v15 =	vbroadcast v15, $0x0;
	v16 =	vperm.xlane v16, v5  }
0xf9: {  	s24 =	spop (v2sf)  }
0xfa: {  	s0 =	sadd.s32 s0, s24;
	v14 =	vsub.s32 v16, v14  }
0xfb: {  	s25 =	simm.s32 $0x1;
	v14 =	vadd.s32 s0, v14  }
0xfc: {  	s26 =	simm.s32 $0x1C610;
	v16 =	vmov s25;
	[tilespmem:$0x1C580] =	vst v14  }
0xfd: {  	s28 =	simm.s32 $0x2;
	v17 =	vld [tilespmem:s26+$0xFFFFFFF0]  }
0xfe: {  	s29 =	simm.s32 $0x1C190;
	v14 =	vmov s28;
	v19 =	vld.idx.msk [tilespmem:v15+s11+$0x0], $0xffff  }
0xff: {  	v14 =	vand.u32 $0xFFFFFFFE, v14;
	v20 =	vld [tilespmem:s29+$0xFFFFFFF0]  }
0x100: {  	v27 =	vld [tilespmem:s29+$0x0];
	v25 =	vbroadcast v14, $0x0  }
0x101: {  	v26 =	vld.idx.msk [tilespmem:v16+s11+$0x0], $0xffff  }
0x102: {  	v18 =	vimm.s32 $0xFFFFFFFF;
	s30 =	simm.s32 $0x3;
	s31 =	simm.s32 $0xF;
	s19 =	simm.s32 $0x4;
	v16 =	vld [tilespmem:s26+$0x0]  }
0x103: {  	v22 =	vmov s30;
	v24 =	vadd.s32 s31, v1;
	s18 =	simm.s32 $0x1F;
	v14 =	vmov s19  }
0x104: {  	v21 =	vadd.s32 s18, v1;
	s17 =	simm.s32 $0x1C630;
	v14 =	vand.u32 $0xFFFFFFFE, v14;
	v19 =	vadd.s32 v19, v20  }
0x105: {  	v15 =	vimm.s32 $0x7FFFFFFF;
	v23 =	vbroadcast v14, $0x0;
	v14 =	vld [tilespmem:s17+$0xFFFFFFF0];
	v17 =	vsub.s32 v19, v17  }
0x106: {  	s21 =	simm.s32 $0x6;
	s20 =	simm.s32 $0x1C1B0;
	vm0 =	vgt.s32 v19, $0xCCC;
	v20 =	vld.idx.msk [tilespmem:v25+s11+$0x0], $0xffff;
	vm1 =	vlt.s32 v15, v17;
	v19 =	vadd.s32 v26, v27  }
.LBB2_9:
0x107: {  	p0 =	slt.u32 s21, $0x3E;
	v25 =	vld [tilespmem:s20+$0xFFFFFFF0];
	v24 =	vnsel vm0, $0xFFFFFFFF, v24;
	v17 =	vsel vm1, v15, v17;
	v26 =	vsub.s32 v19, v16;
	v27 =	vmovc v23  }
0x108: {  	v28 =	vld.idx.msk [tilespmem:v22+s11+$0x0], $0xffff;
	vm1 =	vgt.s32 v18, v24;
	v15 =	vsel vm0, v17, v15;
	vm0 =	vgt.s32 v19, $0xCCC  }
0x109: {  	v19 =	vld [tilespmem:s20+$0x0];
	v17 =	vsel vm1, v18, v24;
	v18 =	vnsel vm0, $0xFFFFFFFF, v21;
	vm1 =	vlt.s32 v15, v26  }
.Ltmp7:
0x10a: {  	s0 =	sadd.s32 $0x1, s19;
	s19 =	smov.u32 s21;
	v21 =	vmov s21;
	v16 =	vld [tilespmem:s17+$0x0];
	vm2 =	vgt.s32 v17, v18;
	v23 =	vsel vm1, v15, v26;
	(pc) =	sbr.rel @p0 .LBB2_9-.Ltmp7, $4  }
0x10b: {  	s18 =	sadd.s32 $0x20, s18;
	v22 =	vmov s0;
	v18 =	vsel vm2, v17, v18;
	v15 =	vsel vm0, v23, v15  }
0x10c: {  	s0 =	sadd.s32 $0xFFFFFFF0, s18;
	s17 =	sadd.s32 $0x20, s17;
	v17 =	vand.u32 $0xFFFFFFFE, v21;
	v21 =	vadd.s32 s18, v1;
	v25 =	vadd.s32 v20, v25  }
0x10d: {  	v24 =	vadd.s32 s0, v1;
	v23 =	vbroadcast v17, $0x0;
	v17 =	vsub.s32 v25, v14;
	v14 =	vld [tilespmem:s17+$0xFFFFFFF0]  }
0x10e: {  	s21 =	sadd.s32 $0x2, s21;
	s20 =	sadd.s32 $0x20, s20;
	vm0 =	vgt.s32 v25, $0xCCC;
	v20 =	vld.idx.msk [tilespmem:v27+s11+$0x0], $0xffff;
	vm1 =	vlt.s32 v15, v17;
	v19 =	vadd.s32 v28, v19  }
0x10f: {  	_ =	sdelay $0x1  }
0x110: {  	s0 =	sadd.s32 $0x1, s19  }
0x111: {  	v25 =	vld [tilespmem:s20+$0xFFFFFFF0];
	v26 =	vmov s0  }
0x112: {  	v22 =	vld.idx.msk [tilespmem:v22+s11+$0x0], $0xffff  }
0x113: {  	v27 =	vld [tilespmem:s20+$0x0]  }
0x114: {  	v24 =	vnsel vm0, $0xFFFFFFFF, v24;
	v23 =	vld.idx.msk [tilespmem:v23+s11+$0x0], $0xffff;
	s25 =	sadd.s32 $0x20, s20  }
0x115: {  	vm2 =	vgt.s32 v19, $0xCCC;
	s18 =	sadd.s32 $0x20, s18;
	vm3 =	vgt.s32 v18, v24;
	v28 =	vld [tilespmem:s25+$0xFFFFFFF0]  }
0x116: {  	v21 =	vnsel vm2, $0xFFFFFFFF, v21;
	s26 =	sadd.s32 $0xFFFFFFF0, s18;
	v18 =	vsel vm3, v18, v24;
	v20 =	vadd.s32 v20, v25;
	v24 =	vld.idx.msk [tilespmem:v26+s11+$0x0], $0xffff  }
0x117: {  	vm3 =	vgt.s32 v18, v21;
	v25 =	vadd.s32 s26, v1;
	vm6 =	vgt.s32 v20, $0xCCC;
	v26 =	vld [tilespmem:s25+$0x0]  }
0x118: {  	v18 =	vsel vm3, v18, v21;
	v21 =	vadd.s32 v22, v27;
	v22 =	vnsel vm6, $0xFFFFFFFF, v25  }
0x119: {  	s28 =	sadd.s32 $0x20, s18;
	vm4 =	vgt.s32 v21, $0xCCC;
	v25 =	vadd.s32 s18, v1;
	vm3 =	vgt.s32 v18, v22  }
0x11a: {  	v23 =	vadd.s32 v23, v28;
	s18 =	sadd.s32 $0xFFFFFFF0, s28;
	v18 =	vsel vm3, v18, v22;
	v22 =	vnsel vm4, $0xFFFFFFFF, v25  }
0x11b: {  	vm5 =	vgt.s32 v23, $0xCCC;
	v25 =	vadd.s32 s18, v1;
	vm3 =	vgt.s32 v18, v22  }
0x11c: {  	v18 =	vsel vm3, v18, v22;
	v22 =	vadd.s32 v24, v26;
	v24 =	vnsel vm5, $0xFFFFFFFF, v25  }
0x11d: {  	v25 =	vadd.s32 s28, v1;
	vm7 =	vgt.s32 v18, v24;
	vm3 =	vgt.s32 v22, $0xCCC  }
0x11e: {  	v18 =	vsel vm7, v18, v24;
	v24 =	vnsel vm3, $0xFFFFFFFF, v25  }
0x11f: {  	vm7 =	vgt.s32 v18, v24  }
0x120: {  	v18 =	vsel vm7, v18, v24  }
0x121: {  	v18 =	vxor.u32 $0x80000000, v18  }
0x122: {  	(xrf0) =	vmax.scan.msk.u32 $0xffff, v18;
	_ =	sdelay $0x1  }
0x123: {  	v17 =	vsel vm1, v15, v17  }
0x124: {  	v16 =	vsub.s32 v19, v16;
	v15 =	vsel vm0, v17, v15  }
0x125: {  	s30 =	simm.s32 $0x40;
	v17 =	vld [tilespmem:s17+$0x0];
	vm0 =	vlt.s32 v15, v16  }
0x126: {  	v31 =	vld [tilespmem:s30+$0xFFFFFFD0];
	v16 =	vsel vm0, v15, v16  }
0x127: {  	s29 =	sadd.s32 $0x20, s17;
	v32 =	vld [tilespmem:s30+$0xFFFFFFC0];
	v15 =	vsel vm2, v16, v15;
	v14 =	vsub.s32 v20, v14;
	v18, _, _ =	vpop (xrf0)  }
0x128: {  	v16 =	vld [tilespmem:s29+$0xFFFFFFF0];
	vm0 =	vlt.s32 v15, v14;
	(v2sf) =	vpush v18, $0xF  }
0x129: {  	v28 =	vld [tilespmem:s30+$0xFFFFFFF0];
	v14 =	vsel vm0, v15, v14  }
0x12a: {  	v30 =	vld [tilespmem:s30+$0x0];
	v17 =	vsub.s32 v21, v17;
	v15 =	vsel vm6, v14, v15  }
0x12b: {  	v33 =	vimm.s32 $0x0;
	v27 =	vshra.s32 v31, $0x1F;
	v14 =	vld [tilespmem:s30+$0x30];
	vm0 =	vlt.s32 v15, v17  }
0x12c: {  	v34 =	vimm.f32 $0.0e+00;
	v35 =	vor.u32 $0x80000000, v27;
	v19 =	vsel vm0, v15, v17;
	v17 =	vld [tilespmem:s30+$0x20]  }
0x12d: {  	v29 =	vld [tilespmem:s30+$0xFFFFFFE0];
	v16 =	vsub.s32 v23, v16;
	v26 =	vshra.s32 v32, $0x1F;
	v19 =	vsel vm4, v19, v15  }
0x12e: {  	v23 =	vshra.s32 v28, $0x1F;
	v27 =	vor.u32 $0x80000000, v26;
	vm0 =	vlt.s32 v19, v16;
	v18 =	vld [tilespmem:s29+$0x0]  }
0x12f: {  	v25 =	vadd.s32 v11, v33;
	v27 =	vxor.u32 v32, v27;
	v16 =	vsel vm0, v19, v16  }
0x130: {  	v20 =	vshra.s32 v14, $0x1F;
	v38 =	vshrl.u32 v27, $0x16;
	v16 =	vsel vm5, v16, v19  }
0x131: {  	v24 =	vshra.s32 v30, $0x1F;
	v20 =	vor.u32 $0x80000000, v20;
	v19 =	vshra.s32 v17, $0x1F  }
0x132: {  	v15 =	vld [tilespmem:s30+$0x10];
	v24 =	vor.u32 $0x80000000, v24;
	v26 =	vxor.u32 v14, v20;
	v19 =	vor.u32 $0x80000000, v19  }
0x133: {  	v37 =	vshrl.u32 v26, $0x16;
	v18 =	vsub.s32 v22, v18;
	v22 =	vshra.s32 v29, $0x1F  }
0x134: {  	vm0 =	vlt.s32 v16, v18;
	v36 =	vor.u32 $0x80000000, v22;
	v22 =	vor.u32 $0x80000000, v23  }
0x135: {  	v23 =	vxor.u32 v17, v19;
	v18 =	vsel vm0, v16, v18;
	v19 =	vxor.u32 v28, v22  }
0x136: {  	v22 =	vxor.u32 v30, v24;
	v20 =	vxor.u32 v29, v36;
	v63 =	vshrl.u32 v23, $0x16  }
0x137: {  	v21 =	vsel vm3, v18, v16;
	v18 =	vshra.s32 v15, $0x1F;
	v39 =	vshrl.u32 v19, $0x16;
	s17 =	spop (v2sf)  }
0x138: {  	v40 =	vshrl.u32 v22, $0x16;
	v42 =	vshrl.u32 v20, $0x16;
	v18 =	vor.u32 $0x80000000, v18;
	s31 =	sxor.u32 $0x80000000, s17  }
0x139: {  	v24 =	vxor.u32 v15, v18;
	v18 =	vxor.u32 v31, v35;
	v16 =	vmov s31  }
0x13a: {  	v62 =	vshrl.u32 v24, $0x16;
	v41 =	vshrl.u32 v18, $0x16;
	vm0 =	vgt.s32 v38, v16  }
0x13b: {  	vm8 =	vgt.s32 v63, v16;
	vm6 =	vgt.s32 v37, v16;
	v32 =	vnsel vm0, $0x0, v32  }
0x13c: {  	vm9 =	vgt.s32 v62, v16;
	vm0 =	vgt.s32 v41, v16;
	v32 =	vadd.f32 v32, v34  }
0x13d: {  	vm11 =	vgt.s32 v40, v16;
	vm7 =	veq.s32 v37, v16;
	v31 =	vnsel vm0, $0x0, v31  }
0x13e: {  	vm5 =	veq.s32 v63, v16;
	vm0 =	vgt.s32 v42, v16;
	v31 =	vadd.f32 v31, v32  }
0x13f: {  	vm4 =	veq.s32 v62, v16;
	vm2 =	veq.s32 v39, v16;
	v29 =	vnsel vm0, $0x0, v29  }
0x140: {  	vm3 =	veq.s32 v40, v16;
	vm0 =	vgt.s32 v39, v16;
	v29 =	vadd.f32 v29, v31  }
0x141: {  	vm10 =	veq.s32 v38, v16;
	vm1 =	veq.s32 v42, v16;
	v28 =	vnsel vm0, $0x0, v28  }
0x142: {  	vm0 =	veq.s32 v41, v16;
	v31 =	vsel vm10, $0x1, v2;
	v29 =	vadd.f32 v28, v29  }
0x143: {  	s19 =	simm.s32 $0xC0;
	s18 =	simm.s32 $0x0;
	v30 =	vnsel vm11, $0x0, v30;
	v28 =	vadd.s32 v31, v33;
	v31 =	vsel vm0, $0x1, v2  }
.LBB2_11:
0x144: {  	v32 =	vld [tilespmem:s19+$0x30];
	v31 =	vadd.s32 v31, v28;
	v33 =	vsel vm1, $0x1, v2;
	v29 =	vadd.f32 v30, v29  }
0x145: {  	v34 =	vsel vm2, $0x1, v2;
	v35 =	vnsel vm9, $0x0, v15;
	v30 =	vld [tilespmem:s19+$0x20];
	v33 =	vadd.s32 v33, v31  }
0x146: {  	v36 =	vsel vm3, $0x1, v2;
	v15 =	vld [tilespmem:s19+$0x10];
	v34 =	vadd.s32 v34, v33;
	v29 =	vadd.f32 v35, v29  }
0x147: {  	v17 =	vnsel vm8, $0x0, v17;
	v35 =	vld [tilespmem:s19+$0x0];
	[tilespmem:v25+s12+$0x0] =	vst.idx.msk vm10, v27;
	v25 =	vadd.s32 v36, v34;
	v27 =	vsel vm4, $0x1, v2  }
0x148: {  	v36 =	vld [tilespmem:s19+$0xFFFFFFF0];
	v27 =	vadd.s32 v27, v25;
	v41 =	vadd.f32 v17, v29;
	v29 =	vsel vm5, $0x1, v2  }
0x149: {  	v38 =	vnsel vm6, $0x0, v14;
	v39 =	vsel vm7, $0x1, v2;
	v37 =	vld [tilespmem:s19+$0xFFFFFFE0];
	v29 =	vadd.s32 v29, v27;
	v14 =	vmovc v32  }
0x14a: {  	v32 =	vld [tilespmem:s19+$0xFFFFFFD0];
	v38 =	vadd.f32 v38, v41;
	v40 =	vadd.s32 v11, v29;
	v39 =	vadd.s32 v39, v29;
	v17 =	vmovc v30  }
0x14b: {  	v27 =	vadd.s32 v11, v27;
	v30 =	vadd.s32 v11, v34;
	v34 =	vadd.s32 v11, v25;
	v29 =	vld [tilespmem:s19+$0xFFFFFFC0]  }
0x14c: {  	v28 =	vadd.s32 v11, v28;
	v31 =	vadd.s32 v11, v31;
	v33 =	vadd.s32 v11, v33  }
0x14d: {  	v25 =	vadd.s32 v11, v39  }
0x14e: {  	v43 =	vshra.s32 v14, $0x1F;
	v41 =	vshra.s32 v15, $0x1F;
	v42 =	vshra.s32 v17, $0x1F  }
0x14f: {  	s18 =	sadd.s32 $0x8, s18;
	v46 =	vshra.s32 v35, $0x1F;
	v45 =	vshra.s32 v36, $0x1F;
	v44 =	vshra.s32 v37, $0x1F;
	[tilespmem:v40+s12+$0x0] =	vst.idx.msk vm7, v26  }
0x150: {  	p0 =	slt.u32 s18, $0x7F8;
	v43 =	vor.u32 $0x80000000, v43;
	v40 =	vshra.s32 v32, $0x1F;
	v26 =	vshra.s32 v29, $0x1F;
	[tilespmem:v27+s12+$0x0] =	vst.idx.msk vm5, v23  }
0x151: {  	v41 =	vor.u32 $0x80000000, v41;
	v27 =	vor.u32 $0x80000000, v46;
	v23 =	vor.u32 $0x80000000, v42;
	[tilespmem:v34+s12+$0x0] =	vst.idx.msk vm4, v24  }
0x152: {  	v34 =	vor.u32 $0x80000000, v40;
	v40 =	vor.u32 $0x80000000, v44;
	v24 =	vor.u32 $0x80000000, v45;
	[tilespmem:v30+s12+$0x0] =	vst.idx.msk vm3, v22  }
0x153: {  	v23 =	vxor.u32 v17, v23;
	v30 =	vor.u32 $0x80000000, v26;
	v26 =	vxor.u32 v14, v43;
	[tilespmem:v33+s12+$0x0] =	vst.idx.msk vm2, v19  }
0x154: {  	v22 =	vxor.u32 v35, v27;
	v19 =	vxor.u32 v36, v24;
	v24 =	vxor.u32 v15, v41  }
0x155: {  	v27 =	vxor.u32 v29, v30;
	v30 =	vxor.u32 v32, v34;
	v33 =	vxor.u32 v37, v40  }
0x156: {  	v40 =	vshrl.u32 v23, $0x16;
	v41 =	vshrl.u32 v26, $0x16;
	v34 =	vshrl.u32 v24, $0x16;
	[tilespmem:v31+s12+$0x0] =	vst.idx.msk vm1, v20;
	v20 =	vmovc v33  }
0x157: {  	v42 =	vshrl.u32 v22, $0x16;
	v31 =	vshrl.u32 v27, $0x16;
	v33 =	vshrl.u32 v19, $0x16;
	[tilespmem:v28+s12+$0x0] =	vst.idx.msk vm0, v18;
	v18 =	vmovc v30  }
0x158: {  	vm0 =	vgt.s32 v31, v16;
	v30 =	vshrl.u32 v20, $0x16;
	v28 =	vshrl.u32 v18, $0x16  }
0x159: {  	vm8 =	vgt.s32 v40, v16;
	vm6 =	vgt.s32 v41, v16;
	v29 =	vnsel vm0, $0x0, v29  }
0x15a: {  	vm9 =	vgt.s32 v34, v16;
	v29 =	vadd.f32 v29, v38;
	vm0 =	vgt.s32 v28, v16  }
0x15b: {  	vm11 =	vgt.s32 v42, v16;
	vm7 =	veq.s32 v41, v16;
	v32 =	vnsel vm0, $0x0, v32  }
0x15c: {  	vm5 =	veq.s32 v40, v16;
	vm0 =	vgt.s32 v30, v16;
	v29 =	vadd.f32 v32, v29  }
.Ltmp8:
0x15d: {  	vm4 =	veq.s32 v34, v16;
	v32 =	vnsel vm0, $0x0, v37;
	vm0 =	vgt.s32 v33, v16;
	(pc) =	sbr.rel @p0 .LBB2_11-.Ltmp8, $4  }
0x15e: {  	vm3 =	veq.s32 v42, v16;
	vm2 =	veq.s32 v33, v16;
	v29 =	vadd.f32 v32, v29  }
0x15f: {  	vm10 =	veq.s32 v31, v16;
	vm1 =	veq.s32 v30, v16;
	v30 =	vnsel vm0, $0x0, v36  }
0x160: {  	v31 =	vsel vm10, $0x1, v2;
	vm0 =	veq.s32 v28, v16;
	v29 =	vadd.f32 v30, v29  }
0x161: {  	s19 =	sadd.s32 $0x80, s19;
	v28 =	vadd.s32 v31, v39;
	v31 =	vsel vm0, $0x1, v2;
	v30 =	vnsel vm11, $0x0, v35  }
0x162: {  	v31 =	vadd.s32 v31, v28;
	v16 =	vsel vm1, $0x1, v2  }
0x163: {  	v32 =	vadd.s32 v16, v31;
	v16 =	vsel vm2, $0x1, v2  }
0x164: {  	v33 =	vadd.s32 v16, v32;
	v16 =	vsel vm3, $0x1, v2  }
0x165: {  	v34 =	vadd.s32 v16, v33;
	v16 =	vsel vm4, $0x1, v2  }
0x166: {  	v35 =	vadd.s32 v16, v34;
	v16 =	vsel vm5, $0x1, v2  }
0x167: {  	v36 =	vadd.s32 v16, v35;
	v16 =	vsel vm7, $0x1, v2  }
0x168: {  	v21 =	vxor.u32 $0x80000000, v21;
	v16 =	vadd.s32 v16, v36  }
0x169: {  	(xrf0) =	vmin.scan.msk.u32 $0xffff, v21;
	v56 =	vxor.u32 $0x80000000, v16  }
0x16a: {  	(xrf0) =	vmax.scan.msk.u32 $0xffff, v56;
	_ =	sdelay $0x4  }
0x16b: {  	v57, _, _ =	vpop (xrf0)  }
0x16c: {  	(v2sf) =	vpush v57, $0xF;
	v58, _, _ =	vpop (xrf0)  }
0x16d: {  	(v2sf) =	vpush v58, $0xF;
	_ =	sdelay $0xd  }
0x16e: {  	s18 =	spop (v2sf)  }
0x16f: {  	v63 =	vadd.s32 v11, v28;
	s0 =	spop (v2sf)  }
0x170: {  	v62 =	vadd.s32 v11, v31;
	s19 =	sxor.u32 $0x80000000, s0  }
0x171: {  	v60 =	vadd.s32 v11, v32;
	s0 =	sshra.s32 s19, $0x1F  }
0x172: {  	v33 =	vadd.s32 v11, v33;
	s0 =	sshrl.u32 s0, $0x1E  }
0x173: {  	[tilespmem:v25+s12+$0x0] =	vst.idx.msk vm10, v27;
	v34 =	vadd.s32 v11, v34;
	s0 =	sadd.s32 s0, s19  }
0x174: {  	v61 =	vadd.f32 v30, v29;
	v35 =	vadd.s32 v11, v35;
	[tilespmem:v63+s12+$0x0] =	vst.idx.msk vm0, v18;
	s20 =	sand.u32 $0xFFFFFFFC, s0  }
0x175: {  	v15 =	vnsel vm9, $0x0, v15;
	v59 =	vadd.s32 v11, v36;
	[tilespmem:v62+s12+$0x0] =	vst.idx.msk vm1, v20;
	p0 =	slt.s32 s20, $0x1  }
.Ltmp9:
0x176: {  	v15 =	vadd.f32 v15, v61;
	[tilespmem:v60+s12+$0x0] =	vst.idx.msk vm2, v19;
	(pc) =	sbr.rel @p0 .LBB2_15-.Ltmp9, $4  }
0x177: {  	v17 =	vnsel vm8, $0x0, v17;
	[tilespmem:v33+s12+$0x0] =	vst.idx.msk vm3, v22  }
0x178: {  	v15 =	vadd.f32 v17, v15;
	[tilespmem:v34+s12+$0x0] =	vst.idx.msk vm4, v24  }
0x179: {  	v14 =	vnsel vm6, $0x0, v14;
	[tilespmem:v35+s12+$0x0] =	vst.idx.msk vm5, v23  }
0x17a: {  	v14 =	vadd.f32 v14, v15;
	[tilespmem:v59+s12+$0x0] =	vst.idx.msk vm7, v26  }
0x17b: {  	s23 =	simm.s32 $0x1  }
0x17c: {  	s24 =	simm.s32 $0x2;
	v15 =	vadd.s32 s23, v11  }
0x17d: {  	p2 =	sgt.s32 s20, $0x4;
	v17 =	vadd.s32 s24, v11  }
.Ltmp10:
0x17e: {  	_ = 	snop;
	(pc) =	sbr.rel @!p2 .LBB2_14-.Ltmp10, $3  }
0x17f: {  	_ =	sdelay $0x1  }
0x180: {  	s25 =	simm.s32 $0x0;
	s21 =	simm.s32 $0x3;
	v15 =	vld.idx.msk [tilespmem:v15+s12+$0x0], $0xffff  }
0x181: {  	s22 =	simm.s32 $0x4;
	p0 =	por $0x0, $0x0;
	p1 =	por $0x0, $0x0;
	v20 =	vadd.s32 s21, v11;
	v19 =	vadd.s32 s25, v11;
	v17 =	vld.idx.msk [tilespmem:v17+s12+$0x0], $0xffff  }
0x182: {  	_ =	sdelay $0x2  }
0x183: {  	s0 =	simm.s32 $0x5  }
0x184: {  	v22 =	vld.idx.msk [tilespmem:v20+s12+$0x0], $0xffff;
	s29 =	simm.s32 $0x6;
	v21 =	vadd.s32 s0, v11  }
0x185: {  	p2 =	sgt.s32 s20, $0x8;
	v23 =	vadd.s32 s29, v11  }
.Ltmp11:
0x186: {  	vm0 =	vgt.s32 v16, s23;
	(pc) =	sbr.rel @!p2 .LBB2_31-.Ltmp11, $4  }
0x187: {  	v18 =	vld.idx.msk [tilespmem:v19+s12+$0x0], $0xffff;
	vm3 =	vgt.s32 v16, s24;
	v19 =	vadd.s32 s22, v11;
	v15 =	vshrl.u32 v15, $0xE  }
0x188: {  	vm1 =	vgt.s32 v16, s21;
	v24 =	vand.u32 $0xFF, v15;
	v17 =	vshrl.u32 v17, $0xE  }
0x189: {  	s28 =	simm.s32 $0x7;
	v25 =	vshrl.u32 v22, $0xE;
	v15 =	vld.idx.msk [tilespmem:v21+s12+$0x0], $0xffff;
	v21 =	vadd.s32 v3, v24;
	v24 =	vand.u32 $0xFF, v17  }
0x18a: {  	s26 =	simm.s32 $0x8;
	p0 =	por $0x1, $0x1;
	v20 =	vadd.s32 s28, v11;
	v17 =	vld.idx.msk [tilespmem:v23+s12+$0x0], $0xffff;
	v22 =	vadd.s32 v3, v24;
	v24 =	vand.u32 $0xFF, v25  }
0x18b: {  	_ =	sdelay $0x2  }
0x18c: {  	s23 =	simm.s32 $0x9;
	v24 =	vadd.s32 v3, v24  }
0x18d: {  	v25 =	vld.idx.msk [tilespmem:v20+s12+$0x0], $0xffff;
	s24 =	simm.s32 $0xA;
	v26 =	vadd.s32 s23, v11  }
0x18e: {  	s21 =	simm.s32 $0xB;
	vm2 =	vgt.s32 v16, s25;
	[tilespmem:v21+s9+$0x0] =	vst.idx.add.s32.msk vm0, v4;
	p2 =	sgt.s32 s20, $0xC;
	v20 =	vshrl.u32 v18, $0xE;
	v27 =	vadd.s32 s24, v11  }
.Ltmp12:
0x18f: {  	vm0 =	vgt.s32 v16, s0;
	v18 =	vld.idx.msk [tilespmem:v19+s12+$0x0], $0xffff;
	v19 =	vand.u32 $0xFF, v20;
	v20 =	vadd.s32 s21, v11;
	(pc) =	sbr.rel @!p2 .LBB2_33-.Ltmp12, $4  }
0x190: {  	vm4 =	vgt.s32 v16, s29;
	[tilespmem:v22+s9+$0x0] =	vst.idx.add.s32.msk vm3, v4;
	v23 =	vadd.s32 v3, v19;
	v15 =	vshrl.u32 v15, $0xE  }
0x191: {  	v19 =	vadd.s32 s26, v11;
	v21 =	vand.u32 $0xFF, v15;
	v17 =	vshrl.u32 v17, $0xE;
	[tilespmem:v24+s9+$0x0] =	vst.idx.add.s32.msk vm1, v4  }
0x192: {  	v21 =	vadd.s32 v3, v21;
	v22 =	vand.u32 $0xFF, v17;
	v24 =	vshrl.u32 v25, $0xE;
	v15 =	vld.idx.msk [tilespmem:v26+s12+$0x0], $0xffff  }
0x193: {  	s25 =	simm.s32 $0xC;
	p1 =	por $0x1, $0x1;
	vm1 =	vgt.s32 v16, s28;
	v17 =	vld.idx.msk [tilespmem:v27+s12+$0x0], $0xffff;
	v22 =	vadd.s32 v3, v22;
	v24 =	vand.u32 $0xFF, v24  }
.LBB2_34:
0x194: {  	s0 =	sadd.s32 $0x1, s25;
	v25 =	vld.idx.msk [tilespmem:v20+s12+$0x0], $0xffff;
	v24 =	vadd.s32 v3, v24;
	s28 =	smov.u32 s25;
	s25 =	sadd.s32 $0x4, s25  }
0x195: {  	v20 =	vshrl.u32 v18, $0xE;
	v26 =	vadd.s32 s0, v11;
	s29 =	sadd.s32 $0x2, s28;
	p2 =	slt.s32 s25, s20;
	[tilespmem:v23+s9+$0x0] =	vst.idx.add.s32.msk vm2, v4  }
0x196: {  	s30 =	sadd.s32 $0x3, s28;
	vm2 =	vgt.s32 v16, s22;
	s22 =	smov.u32 s26;
	s26 =	smov.u32 s28;
	v27 =	vadd.s32 s29, v11;
	v18 =	vld.idx.msk [tilespmem:v19+s12+$0x0], $0xffff;
	v19 =	vand.u32 $0xFF, v20  }
.Ltmp13:
0x197: {  	v20 =	vadd.s32 s30, v11;
	v23 =	vadd.s32 v3, v19;
	[tilespmem:v21+s9+$0x0] =	vst.idx.add.s32.msk vm0, v4;
	(pc) =	sbr.rel @p2 .LBB2_34-.Ltmp13, $4  }
0x198: {  	vm0 =	vgt.s32 v16, s23;
	v15 =	vshrl.u32 v15, $0xE;
	s23 =	smov.u32 s0;
	[tilespmem:v22+s9+$0x0] =	vst.idx.add.s32.msk vm4, v4;
	vm4 =	vgt.s32 v16, s24;
	s24 =	smov.u32 s29  }
0x199: {  	v19 =	vadd.s32 s26, v11;
	v21 =	vand.u32 $0xFF, v15;
	v17 =	vshrl.u32 v17, $0xE;
	[tilespmem:v24+s9+$0x0] =	vst.idx.add.s32.msk vm1, v4  }
0x19a: {  	v21 =	vadd.s32 v3, v21;
	v22 =	vand.u32 $0xFF, v17;
	v24 =	vshrl.u32 v25, $0xE;
	v15 =	vld.idx.msk [tilespmem:v26+s12+$0x0], $0xffff  }
0x19b: {  	vm1 =	vgt.s32 v16, s21;
	s21 =	smov.u32 s30;
	v22 =	vadd.s32 v3, v22;
	v24 =	vand.u32 $0xFF, v24;
	v17 =	vld.idx.msk [tilespmem:v27+s12+$0x0], $0xffff  }
0x19c: {  	s25 =	smov.u32 s26;
	vm3 =	vmmov vm4  }
.LBB2_36:
0x19d: {  	_ =	sdelay $0x3  }
0x19e: {  	v20 =	vld.idx.msk [tilespmem:v20+s12+$0x0], $0xffff;
	v18 =	vshrl.u32 @p0 v18, $0xE  }
0x19f: {  	v24 =	vadd.s32 @p0 v3, v24;
	v19 =	vld.idx.msk [tilespmem:v19+s12+$0x0], $0xffff;
	vm4 =	vgt.s32 @p0 v16, s22;
	vm5 =	vgt.s32 v16, s23  }
0x1a0: {  	vm6 =	vgt.s32 v16, s24;
	vm14 =	vgt.s32 v16, s21;
	v18 =	vand.u32 @p0 $0xFF, v18  }
0x1a1: {  	vm4 =	vmmov @p0 vm4;
	v18 =	vadd.s32 @p0 v3, v18;
	v15 =	vshrl.u32 v15, $0xE  }
0x1a2: {  	v17 =	vshrl.u32 v17, $0xE;
	v15 =	vand.u32 $0xFF, v15;
	v18 =	vpsel p0, v18, v0  }
0x1a3: {  	[tilespmem:v23+s9+$0x0] =	vst.idx.add.s32.msk @p1 vm2, v4;
	v17 =	vand.u32 $0xFF, v17;
	v15 =	vadd.s32 v3, v15;
	v20 =	vshrl.u32 v20, $0xE  }
0x1a4: {  	[tilespmem:v21+s9+$0x0] =	vst.idx.add.s32.msk @p0 vm0, v4;
	v17 =	vadd.s32 v3, v17;
	v19 =	vshrl.u32 v19, $0xE;
	v20 =	vand.u32 $0xFF, v20  }
0x1a5: {  	[tilespmem:v22+s9+$0x0] =	vst.idx.add.s32.msk @p0 vm3, v4;
	vm15 =	vgt.s32 v16, s25;
	v19 =	vand.u32 $0xFF, v19;
	v20 =	vadd.s32 v3, v20  }
0x1a6: {  	[tilespmem:v24+s9+$0x0] =	vst.idx.add.s32.msk @p0 vm1, v4;
	v19 =	vadd.s32 v3, v19  }
0x1a7: {  	[tilespmem:v18+s9+$0x0] =	vst.idx.add.s32.msk @p0 vm4, v4  }
0x1a8: {  	[tilespmem:v15+s9+$0x0] =	vst.idx.add.s32.msk vm5, v4  }
0x1a9: {  	[tilespmem:v17+s9+$0x0] =	vst.idx.add.s32.msk vm6, v4  }
0x1aa: {  	[tilespmem:v20+s9+$0x0] =	vst.idx.add.s32.msk vm14, v4  }
0x1ab: {  	[tilespmem:v19+s9+$0x0] =	vst.idx.add.s32.msk vm15, v4  }
.LBB2_15:
0x1ac: {  	p0 =	sge.s32 s20, s19  }
.Ltmp14:
0x1ad: {  	_ = 	snop;
	(pc) =	sbr.rel @p0 .LBB2_18-.Ltmp14, $1  }
0x1ae: {  	_ =	sdelay $0x3  }
0x1af: {  	s0 =	ssub.s32 s19, s20  }
0x1b0: {  	s0 =	ssub.s32 $0x0, s0  }
.LBB2_17:
0x1b1: {  	s20 =	sadd.s32 s0, s19  }
0x1b2: {  	v15 =	vadd.s32 s20, v11;
	_ =	sdelay $0x4  }
0x1b3: {  	v15 =	vld.idx.msk [tilespmem:v15+s12+$0x0], $0xffff;
	_ =	sdelay $0x4  }
0x1b4: {  	v15 =	vshrl.u32 v15, $0xE  }
0x1b5: {  	s0 =	sadd.s32 $0x1, s0;
	vm0 =	vgt.s32 v16, s20;
	v15 =	vand.u32 $0xFF, v15  }
0x1b6: {  	p0 =	seq.s32 s0, $0x0;
	v15 =	vadd.s32 v3, v15  }
.Ltmp15:
0x1b7: {  	_ = 	snop;
	(pc) =	sbr.rel @!p0 .LBB2_17-.Ltmp15, $2  }
0x1b8: {  	_ =	sdelay $0x2  }
0x1b9: {  	[tilespmem:v15+s9+$0x0] =	vst.idx.add.s32.msk vm0, v4  }
.LBB2_18:
0x1ba: {  	s24 =	simm.s32 $0x1A108  }
0x1bb: {  	v15 =	vld [tilespmem:s24+$0xFFFFE008]  }
0x1bc: {  	v17 =	vld [tilespmem:s24+$0xFFFFE409]  }
0x1bd: {  	v18 =	vld [tilespmem:s24+$0xFFFFE80A]  }
0x1be: {  	v19 =	vld [tilespmem:s24+$0xFFFFEC0B]  }
0x1bf: {  	v20 =	vld [tilespmem:s24+$0xFFFFF00C]  }
0x1c0: {  	v21 =	vld [tilespmem:s24+$0xFFFFF40D]  }
0x1c1: {  	v22 =	vld [tilespmem:s24+$0xFFFFF80E]  }
0x1c2: {  	v56 =	vld [tilespmem:s24+$0xC13]  }
0x1c3: {  	[tilespmem:s24+$0xFFFFE008] =	vst v2;
	v57 =	vld [tilespmem:s24+$0x1014]  }
0x1c4: {  	[tilespmem:s24+$0xFFFFE409] =	vst v2;
	v58 =	vld [tilespmem:s24+$0xFFFFDFF8]  }
0x1c5: {  	[tilespmem:s24+$0xFFFFE80A] =	vst v2;
	v59 =	vld [tilespmem:s24+$0xFFFFE7FA]  }
0x1c6: {  	[tilespmem:s24+$0xFFFFEC0B] =	vst v2;
	v60 =	vld [tilespmem:s24+$0xFFFFF7FE]  }
0x1c7: {  	[tilespmem:s24+$0xFFFFF00C] =	vst v2;
	v61 =	vld [tilespmem:s24+$0xFFFFFBFF];
	v15 =	vadd.s32 v15, v17  }
0x1c8: {  	[tilespmem:s24+$0xFFFFF40D] =	vst v2;
	v17 =	vld [tilespmem:s24+$0xFFFFFC0F];
	v15 =	vadd.s32 v18, v15  }
0x1c9: {  	[tilespmem:s24+$0xFFFFF80E] =	vst v2;
	v18 =	vld [tilespmem:s24+$0x10];
	v15 =	vadd.s32 v19, v15  }
0x1ca: {  	[tilespmem:s24+$0xC13] =	vst v2;
	v19 =	vld [tilespmem:s24+$0x411];
	v15 =	vadd.s32 v20, v15  }
0x1cb: {  	[tilespmem:s24+$0x1014] =	vst v2;
	v20 =	vld [tilespmem:s24+$0x812];
	v15 =	vadd.s32 v21, v15  }
0x1cc: {  	[tilespmem:s24+$0xFFFFDFF8] =	vst v2;
	v62 =	vld [tilespmem:s24+$0xC03];
	v15 =	vadd.s32 v22, v15  }
0x1cd: {  	[tilespmem:s24+$0xFFFFE7FA] =	vst v2;
	v63 =	vld [tilespmem:s24+$0x1004];
	v15 =	vadd.s32 v17, v15  }
0x1ce: {  	[tilespmem:s24+$0xFFFFF7FE] =	vst v2;
	v17 =	vld [tilespmem:s24+$0x1415];
	v15 =	vadd.s32 v18, v15  }
0x1cf: {  	[tilespmem:s24+$0xFFFFFBFF] =	vst v2;
	v18 =	vld [tilespmem:s24+$0x1816];
	v15 =	vadd.s32 v19, v15  }
0x1d0: {  	[tilespmem:s24+$0xC03] =	vst v2;
	v19 =	vld [tilespmem:s24+$0x1C17];
	v15 =	vadd.s32 v20, v15  }
0x1d1: {  	[tilespmem:s24+$0x1004] =	vst v2;
	v20 =	vld [tilespmem:s24+$0xFFFFE3F9];
	v15 =	vadd.s32 v56, v15  }
0x1d2: {  	[tilespmem:s24+$0xFFFFFC0F] =	vst v2;
	v15 =	vadd.s32 v57, v15  }
0x1d3: {  	[tilespmem:s24+$0x10] =	vst v2;
	v15 =	vadd.s32 v17, v15;
	v17 =	vld [tilespmem:s24+$0xFFFFEBFB]  }
0x1d4: {  	[tilespmem:s24+$0x411] =	vst v2;
	v15 =	vadd.s32 v18, v15;
	v18 =	vld [tilespmem:s24+$0xFFFFEFFC]  }
0x1d5: {  	[tilespmem:s24+$0x812] =	vst v2;
	v15 =	vadd.s32 v19, v15;
	v19 =	vld [tilespmem:s24+$0xFFFFF3FD]  }
0x1d6: {  	[tilespmem:s24+$0x1415] =	vst v2;
	v20 =	vadd.s32 v58, v20;
	v15 =	vperm.xlane v15, v5  }
0x1d7: {  	[tilespmem:s24+$0x1816] =	vst v2;
	v20 =	vadd.s32 v59, v20  }
0x1d8: {  	[tilespmem:s24+$0x1C17] =	vst v2;
	(xrf0) =	vadd.scan.msk.s32 $0xffff, v15;
	v17 =	vadd.s32 v17, v20;
	v20 =	vld [tilespmem:s24+$0x0]  }
0x1d9: {  	[tilespmem:s24+$0xFFFFE3F9] =	vst v2;
	v17 =	vadd.s32 v18, v17;
	v18 =	vld [tilespmem:s24+$0x401]  }
0x1da: {  	[tilespmem:s24+$0xFFFFEBFB] =	vst v2;
	v17 =	vadd.s32 v19, v17;
	v19 =	vld [tilespmem:s24+$0x802]  }
0x1db: {  	[tilespmem:s24+$0xFFFFEFFC] =	vst v2;
	v17 =	vadd.s32 v60, v17  }
0x1dc: {  	[tilespmem:s24+$0xFFFFF3FD] =	vst v2;
	v17 =	vadd.s32 v61, v17  }
0x1dd: {  	[tilespmem:s24+$0x0] =	vst v2;
	v17 =	vadd.s32 v20, v17  }
0x1de: {  	s21 =	simm.s32 $0x1C190;
	[tilespmem:s24+$0x401] =	vst v2;
	v20 =	vld [tilespmem:s24+$0x1405];
	v23, _, _ =	vpop (xrf0);
	v17 =	vadd.s32 v18, v17  }
0x1df: {  	s22 =	simm.s32 $0x1C610;
	v18 =	vld [tilespmem:s24+$0x1806];
	[tilespmem:s21+$0x0] =	vst v23;
	v17 =	vadd.s32 v19, v17  }
0x1e0: {  	[tilespmem:s22+$0x0] =	vst v15;
	v15 =	vadd.s32 v62, v17;
	v17 =	vld [tilespmem:s24+$0x1C07]  }
0x1e1: {  	[tilespmem:s24+$0x802] =	vst v2  }
0x1e2: {  	[tilespmem:s24+$0x1405] =	vst v2;
	v15 =	vadd.s32 v63, v15  }
0x1e3: {  	s20 =	sxor.u32 $0x80000000, s18;
	[tilespmem:s24+$0x1806] =	vst v2;
	v15 =	vadd.s32 v20, v15  }
0x1e4: {  	s23 =	simm.s32 $0x0;
	s18 =	simm.s32 $0x1C610;
	[tilespmem:s24+$0x1C07] =	vst v2;
	s24 =	simm.s32 $0x1A128;
	v18 =	vadd.s32 v18, v15  }
.LBB2_19:
0x1e5: {  	v19 =	vld [tilespmem:s24+$0xFFFFE008];
	[tilespmem:s24+$0xFFFFE008] =	vst v2;
	v15 =	vadd.s32 v17, v18  }
0x1e6: {  	v17 =	vld [tilespmem:s24+$0xFFFFE409];
	[tilespmem:s24+$0xFFFFE409] =	vst v2;
	v15 =	vperm.xlane v15, v5  }
0x1e7: {  	s23 =	sadd.s32 $0x2, s23;
	v18 =	vld [tilespmem:s24+$0xFFFFE80A];
	[tilespmem:s24+$0xFFFFE80A] =	vst v2  }
0x1e8: {  	p0 =	slt.u32 s23, $0xE;
	v20 =	vld [tilespmem:s24+$0xFFFFEC0B];
	[tilespmem:s24+$0xFFFFEC0B] =	vst v2;
	(xrf0) =	vadd.scan.msk.s32 $0xffff, v15  }
0x1e9: {  	v21 =	vld [tilespmem:s24+$0xFFFFF00C];
	[tilespmem:s24+$0xFFFFF00C] =	vst v2  }
0x1ea: {  	v22 =	vld [tilespmem:s24+$0xFFFFF40D];
	[tilespmem:s24+$0xFFFFF40D] =	vst v2  }
0x1eb: {  	v17 =	vadd.s32 v19, v17;
	v19 =	vld [tilespmem:s24+$0xFFFFF80E];
	[tilespmem:s24+$0xFFFFF80E] =	vst v2  }
0x1ec: {  	v17 =	vadd.s32 v18, v17;
	v18 =	vld [tilespmem:s24+$0xFFFFFC0F];
	[tilespmem:s24+$0xFFFFFC0F] =	vst v2  }
0x1ed: {  	v17 =	vadd.s32 v20, v17;
	v20 =	vld [tilespmem:s24+$0x10];
	[tilespmem:s24+$0x10] =	vst v2  }
0x1ee: {  	v17 =	vadd.s32 v21, v17;
	v21 =	vld [tilespmem:s24+$0x411];
	[tilespmem:s24+$0x411] =	vst v2;
	v23, _, _ =	vpop (xrf0)  }
0x1ef: {  	v17 =	vadd.s32 v22, v17;
	v22 =	vld [tilespmem:s24+$0x812];
	[tilespmem:s24+$0x812] =	vst v2  }
0x1f0: {  	v17 =	vadd.s32 v19, v17;
	v19 =	vld [tilespmem:s24+$0xC13];
	[tilespmem:s24+$0xC13] =	vst v2  }
0x1f1: {  	v17 =	vadd.s32 v18, v17;
	v18 =	vld [tilespmem:s24+$0x1014];
	[tilespmem:s24+$0x1014] =	vst v2  }
0x1f2: {  	v17 =	vadd.s32 v20, v17;
	v20 =	vld [tilespmem:s24+$0x1415];
	[tilespmem:s24+$0x1415] =	vst v2  }
0x1f3: {  	v17 =	vadd.s32 v21, v17;
	v21 =	vld [tilespmem:s24+$0x1816];
	[tilespmem:s24+$0x1816] =	vst v2  }
0x1f4: {  	v17 =	vadd.s32 v22, v17;
	v22 =	vld [tilespmem:s24+$0x1C17];
	[tilespmem:s21+$0xFFFFFFF0] =	vst v23  }
0x1f5: {  	v23 =	vld [tilespmem:s24+$0xFFFFE3F9];
	[tilespmem:s24+$0xFFFFE3F9] =	vst v2;
	v17 =	vadd.s32 v19, v17  }
0x1f6: {  	v19 =	vld [tilespmem:s24+$0xFFFFDFF8];
	[tilespmem:s24+$0xFFFFDFF8] =	vst v2;
	v17 =	vadd.s32 v18, v17  }
0x1f7: {  	v18 =	vld [tilespmem:s24+$0xFFFFE7FA];
	[tilespmem:s24+$0xFFFFE7FA] =	vst v2;
	v17 =	vadd.s32 v20, v17  }
0x1f8: {  	v20 =	vld [tilespmem:s24+$0xFFFFEBFB];
	[tilespmem:s24+$0xFFFFEBFB] =	vst v2;
	v17 =	vadd.s32 v21, v17  }
0x1f9: {  	v21 =	vld [tilespmem:s24+$0xFFFFEFFC];
	[tilespmem:s24+$0xFFFFEFFC] =	vst v2;
	v17 =	vadd.s32 v22, v17  }
0x1fa: {  	v22 =	vld [tilespmem:s24+$0xFFFFF3FD];
	[tilespmem:s24+$0xFFFFF3FD] =	vst v2;
	v24 =	vperm.xlane v17, v5  }
0x1fb: {  	v17 =	vadd.s32 v19, v23;
	v19 =	vld [tilespmem:s24+$0xFFFFF7FE];
	[tilespmem:s24+$0xFFFFF7FE] =	vst v2  }
0x1fc: {  	v17 =	vadd.s32 v18, v17;
	v18 =	vld [tilespmem:s24+$0xFFFFFBFF];
	[tilespmem:s24+$0xFFFFFBFF] =	vst v2;
	(xrf0) =	vadd.scan.msk.s32 $0xffff, v24  }
0x1fd: {  	v17 =	vadd.s32 v20, v17;
	v20 =	vld [tilespmem:s24+$0x0];
	[tilespmem:s24+$0x0] =	vst v2  }
0x1fe: {  	v17 =	vadd.s32 v21, v17;
	v21 =	vld [tilespmem:s24+$0x401];
	[tilespmem:s24+$0x401] =	vst v2  }
0x1ff: {  	v17 =	vadd.s32 v22, v17;
	v22 =	vld [tilespmem:s24+$0x802];
	[tilespmem:s24+$0x802] =	vst v2  }
0x200: {  	v17 =	vadd.s32 v19, v17;
	v19 =	vld [tilespmem:s24+$0xC03];
	[tilespmem:s24+$0xC03] =	vst v2  }
0x201: {  	v17 =	vadd.s32 v18, v17;
	v18 =	vld [tilespmem:s24+$0x1004];
	[tilespmem:s24+$0x1004] =	vst v2  }
0x202: {  	s21 =	sadd.s32 $0x20, s21;
	v17 =	vadd.s32 v20, v17;
	v20 =	vld [tilespmem:s24+$0x1405];
	[tilespmem:s24+$0x1C17] =	vst v2;
	v23, _, _ =	vpop (xrf0)  }
0x203: {  	s22 =	sadd.s32 $0x20, s22;
	v17 =	vadd.s32 v21, v17;
	v21 =	vld [tilespmem:s24+$0x1806];
	[tilespmem:s21+$0x0] =	vst v23  }
.Ltmp16:
0x204: {  	v22 =	vadd.s32 v22, v17;
	v17 =	vld [tilespmem:s24+$0x1C07];
	[tilespmem:s22+$0x0] =	vst v24;
	(pc) =	sbr.rel @p0 .LBB2_19-.Ltmp16, $4  }
0x205: {  	v19 =	vadd.s32 v19, v22;
	[tilespmem:s24+$0x1405] =	vst v2  }
0x206: {  	v18 =	vadd.s32 v18, v19;
	[tilespmem:s24+$0x1806] =	vst v2  }
0x207: {  	v18 =	vadd.s32 v20, v18;
	[tilespmem:s24+$0x1C07] =	vst v2  }
0x208: {  	s24 =	sadd.s32 $0x20, s24;
	v18 =	vadd.s32 v21, v18;
	[tilespmem:s18+$0xFFFFFFF0] =	vst v15;
	s18 =	smov.u32 s22  }
0x209: {  	v15 =	vadd.s32 v17, v18  }
0x20a: {  	v15 =	vperm.xlane v15, v5;
	_ =	sdelay $0x1  }
0x20b: {  	(xrf0) =	vadd.scan.msk.s32 $0xffff, v15;
	_ =	sdelay $0x5  }
0x20c: {  	v17, _, _ =	vpop (xrf0)  }
0x20d: {  	[tilespmem:s21+$0xFFFFFFF0] =	vst v17  }
0x20e: {  	[tilespmem:s18+$0xFFFFFFF0] =	vst v15  }
0x20f: {  	v15 =	vld.idx.msk [tilespmem:v10+s10+$0x0], $0xffff;
	_ =	sdelay $0x4  }
0x210: {  	v17 =	vperm.xlane v15, v5;
	_ =	sdelay $0x1  }
0x211: {  	(xrf0) =	vadd.scan.msk.s32 $0xffff, v17;
	_ =	sdelay $0x2  }
0x212: {  	s0 =	simm.s32 $0x0  }
0x213: {  	v17 =	vmov s0  }
0x214: {  	v17 =	vand.u32 $0xFFFFFFFE, v17  }
0x215: {  	v17 =	vbroadcast v17, $0x0;
	v18, _, _ =	vpop (xrf0)  }
0x216: {  	v18 =	vperm.xlane v18, v5;
	_ =	sdelay $0x1  }
0x217: {  	s24 =	simm.s32 $0x1;
	v15 =	vsub.s32 v18, v15  }
0x218: {  	s25 =	simm.s32 $0x1C610;
	v18 =	vmov s24;
	[tilespmem:$0x1C580] =	vst v15  }
0x219: {  	s26 =	simm.s32 $0x2;
	v19 =	vld [tilespmem:s25+$0xFFFFFFF0]  }
0x21a: {  	s28 =	simm.s32 $0x1C190;
	v15 =	vmov s26;
	v17 =	vld.idx.msk [tilespmem:v17+s11+$0x0], $0xffff  }
0x21b: {  	v15 =	vand.u32 $0xFFFFFFFE, v15;
	v21 =	vld [tilespmem:s28+$0xFFFFFFF0]  }
0x21c: {  	v29 =	vld [tilespmem:s28+$0x0];
	v26 =	vbroadcast v15, $0x0  }
0x21d: {  	s23 =	simm.s32 $0x4;
	v28 =	vld.idx.msk [tilespmem:v18+s11+$0x0], $0xffff  }
0x21e: {  	s30 =	simm.s32 $0x3;
	v20 =	vimm.s32 $0x7FFFFFFF;
	s31 =	simm.s32 $0xF;
	v22 =	vmov s23;
	v23 =	vld [tilespmem:s25+$0x0]  }
0x21f: {  	s29 =	ssub.s32 $0xCCD, s20;
	v24 =	vmov s30;
	v27 =	vadd.s32 s31, v1;
	v25 =	vand.u32 $0xFFFFFFFE, v22;
	s18 =	simm.s32 $0x1F  }
0x220: {  	s22 =	simm.s32 $0x1C630;
	v22 =	vadd.s32 s18, v1;
	v15 =	vmov s29;
	v30 =	vadd.s32 v17, v21  }
0x221: {  	v18 =	vimm.s32 $0xFFFFFFFF;
	v21 =	vbroadcast v25, $0x0;
	v17 =	vld [tilespmem:s22+$0xFFFFFFF0];
	v25 =	vsub.s32 v30, v19  }
0x222: {  	s21 =	simm.s32 $0x1C1B0;
	s24 =	simm.s32 $0x6;
	vm0 =	vlt.s32 v30, v15;
	v19 =	vld.idx.msk [tilespmem:v26+s11+$0x0], $0xffff;
	vm1 =	vlt.s32 v20, v25;
	v26 =	vadd.s32 v28, v29  }
.LBB2_21:
0x223: {  	p0 =	slt.u32 s24, $0xE;
	v28 =	vld [tilespmem:s21+$0xFFFFFFF0];
	v27 =	vsel vm0, $0xFFFFFFFF, v27;
	v25 =	vsel vm1, v20, v25;
	v29 =	vsub.s32 v26, v23;
	v30 =	vmovc v21  }
0x224: {  	v31 =	vld.idx.msk [tilespmem:v24+s11+$0x0], $0xffff;
	vm1 =	vgt.s32 v18, v27;
	v20 =	vsel vm0, v20, v25;
	vm0 =	vlt.s32 v26, v15  }
0x225: {  	v26 =	vld [tilespmem:s21+$0x0];
	v18 =	vsel vm1, v18, v27;
	v21 =	vsel vm0, $0xFFFFFFFF, v22;
	vm1 =	vlt.s32 v20, v29  }
.Ltmp17:
0x226: {  	s0 =	sadd.s32 $0x1, s23;
	s23 =	smov.u32 s24;
	v22 =	vmov s24;
	v23 =	vld [tilespmem:s22+$0x0];
	vm2 =	vgt.s32 v18, v21;
	v25 =	vsel vm1, v20, v29;
	(pc) =	sbr.rel @p0 .LBB2_21-.Ltmp17, $4  }
0x227: {  	s18 =	sadd.s32 $0x20, s18;
	v24 =	vmov s0;
	v18 =	vsel vm2, v18, v21;
	v20 =	vsel vm0, v20, v25  }
0x228: {  	s0 =	sadd.s32 $0xFFFFFFF0, s18;
	s22 =	sadd.s32 $0x20, s22;
	v21 =	vand.u32 $0xFFFFFFFE, v22;
	v22 =	vadd.s32 s18, v1;
	v28 =	vadd.s32 v19, v28  }
0x229: {  	v27 =	vadd.s32 s0, v1;
	v21 =	vbroadcast v21, $0x0;
	v25 =	vsub.s32 v28, v17;
	v17 =	vld [tilespmem:s22+$0xFFFFFFF0]  }
0x22a: {  	s24 =	sadd.s32 $0x2, s24;
	s21 =	sadd.s32 $0x20, s21;
	vm0 =	vlt.s32 v28, v15;
	v19 =	vld.idx.msk [tilespmem:v30+s11+$0x0], $0xffff;
	vm1 =	vlt.s32 v20, v25;
	v26 =	vadd.s32 v31, v26  }
0x22b: {  	_ =	sdelay $0x2  }
0x22c: {  	v28 =	vld [tilespmem:s21+$0xFFFFFFF0]  }
0x22d: {  	v24 =	vld.idx.msk [tilespmem:v24+s11+$0x0], $0xffff  }
0x22e: {  	v27 =	vsel vm0, $0xFFFFFFFF, v27;
	v25 =	vsel vm1, v20, v25;
	v48 =	vld [tilespmem:s21+$0x0]  }
0x22f: {  	v23 =	vsub.s32 v26, v23;
	vm4 =	vlt.s32 v26, v15;
	s0 =	sadd.s32 $0x1, s23;
	v21 =	vld.idx.msk [tilespmem:v21+s11+$0x0], $0xffff;
	s28 =	sadd.s32 $0x20, s21;
	vm15 =	vgt.s32 v18, v27  }
0x230: {  	s24 =	sadd.s32 $0x20, s18;
	v20 =	vsel vm0, v20, v25;
	v22 =	vsel vm4, $0xFFFFFFFF, v22;
	v50 =	vmov s0;
	v54 =	vld [tilespmem:s28+$0xFFFFFFF0]  }
0x231: {  	v49 =	vld [tilespmem:s22+$0x0];
	s26 =	sadd.s32 $0xFFFFFFF0, s24;
	v52 =	vadd.s32 s24, v1;
	s0 =	sadd.s32 $0x20, s24;
	v18 =	vsel vm15, v18, v27;
	vm5 =	vlt.s32 v20, v23  }
0x232: {  	v53 =	vadd.s32 s26, v1;
	s29 =	sadd.s32 $0xFFFFFFF0, s0;
	v60 =	vadd.s32 s0, v1;
	v23 =	vsel vm5, v20, v23  }
0x233: {  	s25 =	sadd.s32 $0x20, s22;
	vm6 =	vgt.s32 v18, v22;
	v61 =	vadd.s32 s29, v1;
	v19 =	vadd.s32 v19, v28  }
0x234: {  	v51 =	vld [tilespmem:s25+$0xFFFFFFF0];
	v18 =	vsel vm6, v18, v22;
	v20 =	vsel vm4, v20, v23;
	v17 =	vsub.s32 v19, v17  }
0x235: {  	vm7 =	vlt.s32 v19, v15;
	v19 =	vadd.s32 v24, v48;
	v27 =	vld.idx.msk [tilespmem:v50+s11+$0x0], $0xffff;
	v59 =	vadd.s32 v21, v54  }
0x236: {  	vm8 =	vlt.s32 v20, v17;
	v26 =	vsub.s32 v19, v49;
	vm10 =	vlt.s32 v19, v15;
	v19 =	vld [tilespmem:s28+$0x0]  }
0x237: {  	v55 =	vsel vm7, $0xFFFFFFFF, v53;
	vm12 =	vlt.s32 v59, v15;
	v17 =	vsel vm8, v20, v17  }
0x238: {  	vm9 =	vgt.s32 v18, v55;
	v56 =	vsel vm10, $0xFFFFFFFF, v52;
	v17 =	vsel vm7, v20, v17  }
0x239: {  	v58 =	vld [tilespmem:s25+$0x0];
	v62 =	vsel vm12, $0xFFFFFFFF, v61;
	v18 =	vsel vm9, v18, v55;
	vm11 =	vlt.s32 v17, v26  }
0x23a: {  	v20 =	vsub.s32 v59, v51;
	vm2 =	vgt.s32 v18, v56;
	v57 =	vsel vm11, v17, v26  }
0x23b: {  	v18 =	vsel vm2, v18, v56;
	v17 =	vsel vm10, v17, v57;
	v19 =	vadd.s32 v27, v19  }
0x23c: {  	vm2 =	vgt.s32 v18, v62;
	vm13 =	vlt.s32 v17, v20;
	vm3 =	vlt.s32 v19, v15  }
0x23d: {  	v18 =	vsel vm2, v18, v62;
	v15 =	vsel vm13, v17, v20;
	v63 =	vsel vm3, $0xFFFFFFFF, v60  }
0x23e: {  	v19 =	vsub.s32 v19, v58;
	v15 =	vsel vm12, v17, v15;
	vm14 =	vgt.s32 v18, v63  }
0x23f: {  	vm15 =	vlt.s32 v15, v19;
	v17 =	vsel vm14, v18, v63  }
0x240: {  	v18 =	vsel vm15, v15, v19;
	v17 =	vxor.u32 $0x80000000, v17  }
0x241: {  	v15 =	vsel vm3, v15, v18;
	(xrf0) =	vmax.scan.msk.u32 $0xffff, v17  }
0x242: {  	v15 =	vxor.u32 $0x80000000, v15  }
0x243: {  	(xrf0) =	vmin.scan.msk.u32 $0xffff, v15;
	_ =	sdelay $0x3  }
0x244: {  	v15, _, _ =	vpop (xrf0)  }
0x245: {  	(v2sf) =	vpush v15, $0xF  }
0x246: {  	v15, _, _ =	vpop (xrf0)  }
0x247: {  	(v2sf) =	vpush v15, $0xF;
	_ =	sdelay $0x6  }
0x248: {  	s30 =	sshrl.u32 s19, $0x1F  }
0x249: {  	s0 =	sadd.s32 s30, s19  }
0x24a: {  	s21 =	sand.u32 $0xFFFFFFFE, s0  }
0x24b: {  	p0 =	slt.s32 s21, $0x1  }
.Ltmp18:
0x24c: {  	_ = 	snop;
	(pc) =	sbr.rel @p0 .LBB2_23-.Ltmp18, $4  }
0x24d: {  	_ = 	snop  }
0x24e: {  	s18 =	spop (v2sf)  }
0x24f: {  	s31 =	sxor.u32 $0x80000000, s18  }
0x250: {  	s22 =	spop (v2sf);
	v17 =	vmov s31  }
0x251: {  	s25 =	simm.s32 $0x0  }
0x252: {  	s0 =	simm.s32 $0x1;
	v15 =	vadd.s32 s25, v11  }
0x253: {  	p1 =	sgt.s32 s21, $0x2;
	v18 =	vadd.s32 s0, v11  }
.Ltmp19:
0x254: {  	_ = 	snop;
	(pc) =	sbr.rel @!p1 .LBB2_38-.Ltmp19, $3  }
0x255: {  	_ =	sdelay $0x1  }
0x256: {  	v15 =	vld.idx.msk [tilespmem:v15+s12+$0x0], $0xffff  }
0x257: {  	v19 =	vimm.s32 $0x0;
	s23 =	simm.s32 $0x2;
	p0 =	por $0x0, $0x0;
	v18 =	vld.idx.msk [tilespmem:v18+s12+$0x0], $0xffff  }
0x258: {  	_ =	sdelay $0x1  }
0x259: {  	s24 =	simm.s32 $0x3;
	vm0 =	vgt.s32 v16, s25;
	v20 =	vadd.s32 v11, v19  }
0x25a: {  	v21 =	vadd.s32 s23, v11;
	vm1 =	vgt.s32 v16, s0;
	v24 =	vadd.s32 s24, v11  }
0x25b: {  	vm2 =	vgt.s32 v15, $0xFFFFFFFF;
	v22 =	vshrl.u32 v15, $0xE;
	vm3 =	vgt.s32 v18, $0xFFFFFFFF  }
0x25c: {  	v23 =	vsel vm2, $0xFFFFFFFF, v12;
	v22 =	vand.u32 $0xFF, v22;
	v25 =	vshrl.u32 v18, $0xE  }
0x25d: {  	p1 =	sgt.s32 s21, $0x4;
	v23 =	vxor.u32 v15, v23;
	vm2 =	vgt.s32 v22, v17;
	v26 =	vsel vm3, $0xFFFFFFFF, v12  }
.Ltmp20:
0x25e: {  	vm3 =	veq.s32 v22, v17;
	v22 =	vand.u32 $0xFF, v25;
	v26 =	vxor.u32 v18, v26;
	(pc) =	sbr.rel @!p1 .LBB2_40-.Ltmp20, $4  }
0x25f: {  	vm2 =	vmand vm0, vm2;
	vm4 =	vgt.s32 v22, v17;
	vm5 =	veq.s32 v22, v17  }
0x260: {  	vm0 =	vmand vm0, vm3;
	v22 =	vld.idx.msk [tilespmem:v21+s12+$0x0], $0xffff;
	v23 =	vnsel vm2, $0x0, v23;
	vm2 =	vmand vm1, vm4  }
0x261: {  	v21 =	vld.idx.msk [tilespmem:v24+s12+$0x0], $0xffff;
	v25 =	vsel vm0, $0x1, v2;
	vm1 =	vmand vm1, vm5;
	v23 =	vadd.f32 v23, v14  }
0x262: {  	s25 =	simm.s32 $0x4;
	p0 =	por $0x1, $0x1;
	v24 =	vadd.s32 v25, v19;
	v25 =	vnsel vm2, $0x0, v26;
	v26 =	vsel vm1, $0x1, v2  }
.LBB2_41:
0x263: {  	v23 =	vadd.f32 v25, v23;
	v25 =	vadd.s32 v11, v24;
	v24 =	vadd.s32 v26, v24;
	s0 =	smov.u32 s25;
	s25 =	sadd.s32 $0x2, s25  }
0x264: {  	vm2 =	vgt.s32 v16, s23;
	s26 =	sadd.s32 $0x1, s0;
	p1 =	slt.s32 s25, s21;
	v26 =	vadd.s32 v11, v24;
	s23 =	smov.u32 s0  }
0x265: {  	vm3 =	vgt.s32 v16, s24;
	v27 =	vadd.s32 s23, v11;
	v28 =	vadd.s32 s26, v11;
	s24 =	smov.u32 s26  }
0x266: {  	vm4 =	vgt.s32 v22, $0xFFFFFFFF;
	v29 =	vshrl.u32 v22, $0xE;
	vm5 =	vgt.s32 v21, $0xFFFFFFFF;
	[tilespmem:v20+s13+$0x0] =	vst.idx.msk vm0, v15;
	v20 =	vmovc v26;
	v15 =	vmovc v22  }
0x267: {  	v22 =	vsel vm4, $0xFFFFFFFF, v12;
	v26 =	vand.u32 $0xFF, v29;
	v29 =	vshrl.u32 v21, $0xE  }
0x268: {  	v30 =	vxor.u32 v15, v22;
	vm0 =	vgt.s32 v26, v17;
	v22 =	vsel vm5, $0xFFFFFFFF, v12;
	[tilespmem:v25+s13+$0x0] =	vst.idx.msk vm1, v18  }
.Ltmp21:
0x269: {  	vm1 =	veq.s32 v26, v17;
	v25 =	vxor.u32 v21, v22;
	v26 =	vand.u32 $0xFF, v29;
	v18 =	vmovc v21;
	(pc) =	sbr.rel @p1 .LBB2_41-.Ltmp21, $4  }
0x26a: {  	vm4 =	vmand vm2, vm0;
	vm5 =	vgt.s32 v26, v17;
	vm6 =	veq.s32 v26, v17;
	v22 =	vld.idx.msk [tilespmem:v27+s12+$0x0], $0xffff  }
0x26b: {  	vm0 =	vmand vm2, vm1;
	v26 =	vnsel vm4, $0x0, v30;
	vm2 =	vmand vm3, vm5;
	v21 =	vld.idx.msk [tilespmem:v28+s12+$0x0], $0xffff  }
0x26c: {  	v23 =	vadd.f32 v26, v23;
	v26 =	vsel vm0, $0x1, v2;
	vm1 =	vmand vm3, vm6  }
0x26d: {  	v24 =	vadd.s32 v26, v24;
	v25 =	vnsel vm2, $0x0, v25;
	v26 =	vsel vm1, $0x1, v2  }
0x26e: {  	s25 =	smov.u32 s23;
	s0 =	smov.u32 s24  }
.LBB2_43:
0x26f: {  	v23 =	vadd.f32 @p0 v25, v23  }
0x270: {  	v25 =	vadd.s32 @p0 v11, v24;
	v24 =	vadd.s32 @p0 v26, v24;
	v59 =	vshrl.u32 v22, $0xE  }
0x271: {  	vm2 =	vgt.s32 v16, s25;
	vm4 =	vgt.s32 v16, s0;
	v60 =	vand.u32 $0xFF, v59  }
0x272: {  	vm5 =	vgt.s32 v22, $0xFFFFFFFF;
	v27 =	vshrl.u32 v21, $0xE;
	vm3 =	veq.s32 v60, v17  }
0x273: {  	v19 =	vpsel p0, v24, v19;
	v27 =	vand.u32 $0xFF, v27;
	vm3 =	vmand vm2, vm3  }
0x274: {  	vm7 =	vgt.s32 v21, $0xFFFFFFFF;
	vm6 =	veq.s32 v27, v17;
	v28 =	vsel vm3, $0x1, v2  }
0x275: {  	v61 =	vadd.s32 v11, v19;
	vm6 =	vmand vm4, vm6;
	v19 =	vadd.s32 v28, v19  }
0x276: {  	v62 =	vsel vm5, $0xFFFFFFFF, v12;
	vm14 =	vgt.s32 v60, v17;
	v63 =	vadd.s32 v11, v19  }
.Ltmp22:
0x277: {  	v29 =	vsel vm7, $0xFFFFFFFF, v12;
	vm2 =	vmand vm2, vm14;
	v28 =	vxor.u32 v22, v62;
	(pc) =	sbr.rel .LBB2_24-.Ltmp22, $4  }
0x278: {  	[tilespmem:v20+s13+$0x0] =	vst.idx.msk @p0 vm0, v15;
	v14 =	vpsel p0, v23, v14;
	vm15 =	vgt.s32 v27, v17;
	v15 =	vnsel vm2, $0x0, v28  }
0x279: {  	vm0 =	vmand vm4, vm15;
	[tilespmem:v25+s13+$0x0] =	vst.idx.msk @p0 vm1, v18;
	v18 =	vxor.u32 v21, v29;
	v14 =	vadd.f32 v15, v14  }
0x27a: {  	v15 =	vnsel vm0, $0x0, v18;
	v18 =	vsel vm6, $0x1, v2;
	[tilespmem:v61+s13+$0x0] =	vst.idx.msk vm3, v22  }
0x27b: {  	v14 =	vadd.f32 v15, v14;
	v15 =	vadd.s32 v18, v19;
	[tilespmem:v63+s13+$0x0] =	vst.idx.msk vm6, v21  }
.LBB2_23:
0x27c: {  	v15 =	vimm.s32 $0x0  }
.LBB2_24:
0x27d: {  	p0 =	sge.s32 s21, s19  }
.Ltmp23:
0x27e: {  	_ = 	snop;
	(pc) =	sbr.rel @p0 .LBB2_27-.Ltmp23, $1  }
0x27f: {  	_ =	sdelay $0x3  }
0x280: {  	s0 =	ssub.s32 s19, s21  }
0x281: {  	s0 =	ssub.s32 $0x0, s0  }
.LBB2_26:
0x282: {  	s21 =	sadd.s32 s0, s19  }
0x283: {  	v18 =	vadd.s32 s21, v11;
	_ =	sdelay $0x4  }
0x284: {  	v18 =	vld.idx.msk [tilespmem:v18+s12+$0x0], $0xffff;
	_ =	sdelay $0x4  }
0x285: {  	v19 =	vshrl.u32 v18, $0xE  }
0x286: {  	v19 =	vand.u32 $0xFF, v19  }
0x287: {  	vm0 =	vgt.s32 v16, s21;
	vm1 =	veq.s32 v19, v17  }
0x288: {  	s0 =	sadd.s32 $0x1, s0;
	vm1 =	vmand vm0, vm1  }
0x289: {  	v20 =	vadd.s32 v11, v15;
	p0 =	seq.s32 s0, $0x0  }
.Ltmp24:
0x28a: {  	vm2 =	vgt.s32 v18, $0xFFFFFFFF;
	(pc) =	sbr.rel @!p0 .LBB2_26-.Ltmp24, $4  }
0x28b: {  	v21 =	vsel vm2, $0xFFFFFFFF, v12;
	vm15 =	vgt.s32 v19, v17  }
0x28c: {  	v19 =	vxor.u32 v18, v21;
	vm0 =	vmand vm0, vm15  }
0x28d: {  	v19 =	vnsel vm0, $0x0, v19;
	v63 =	vsel vm1, $0x1, v2  }
0x28e: {  	v14 =	vadd.f32 v19, v14;
	v15 =	vadd.s32 v63, v15;
	[tilespmem:v20+s13+$0x0] =	vst.idx.msk vm1, v18  }
.LBB2_27:
0x28f: {  	v16 =	vxor.u32 $0x80000000, v15  }
0x290: {  	(xrf0) =	vmax.scan.msk.u32 $0xffff, v16;
	_ =	sdelay $0x5  }
0x291: {  	v16, _, _ =	vpop (xrf0)  }
0x292: {  	(v2sf) =	vpush v16, $0xF;
	_ =	sdelay $0xe  }
0x293: {  	s0 =	spop (v2sf)  }
0x294: {  	s21 =	sxor.u32 $0x80000000, s0  }
0x295: {  	s0 =	sshra.s32 s21, $0x1F  }
0x296: {  	s0 =	sshrl.u32 s0, $0x1E  }
0x297: {  	s0 =	sadd.s32 s0, s21  }
0x298: {  	s19 =	sand.u32 $0xFFFFFFFC, s0  }
0x299: {  	p0 =	slt.s32 s19, $0x1  }
.Ltmp25:
0x29a: {  	_ = 	snop;
	(pc) =	sbr.rel @p0 .LBB2_44-.Ltmp25, $1  }
0x29b: {  	_ =	sdelay $0x3  }
0x29c: {  	s25 =	simm.s32 $0x1  }
0x29d: {  	s26 =	simm.s32 $0x2;
	v16 =	vadd.s32 s25, v11  }
0x29e: {  	p2 =	sgt.s32 s19, $0x4;
	v17 =	vadd.s32 s26, v11  }
.Ltmp26:
0x29f: {  	_ = 	snop;
	(pc) =	sbr.rel @!p2 .LBB2_29-.Ltmp26, $3  }
0x2a0: {  	_ =	sdelay $0x1  }
0x2a1: {  	s28 =	simm.s32 $0x0;
	s23 =	simm.s32 $0x3;
	v16 =	vld.idx.msk [tilespmem:v16+s13+$0x0], $0xffff  }
0x2a2: {  	s24 =	simm.s32 $0x4;
	p0 =	por $0x0, $0x0;
	p1 =	por $0x0, $0x0;
	v20 =	vadd.s32 s23, v11;
	v19 =	vadd.s32 s28, v11;
	v17 =	vld.idx.msk [tilespmem:v17+s13+$0x0], $0xffff  }
0x2a3: {  	_ =	sdelay $0x2  }
0x2a4: {  	s0 =	simm.s32 $0x5  }
0x2a5: {  	v22 =	vld.idx.msk [tilespmem:v20+s13+$0x0], $0xffff;
	s31 =	simm.s32 $0x6;
	v21 =	vadd.s32 s0, v11  }
0x2a6: {  	p2 =	sgt.s32 s19, $0x8;
	v23 =	vadd.s32 s31, v11  }
.Ltmp27:
0x2a7: {  	vm0 =	vgt.s32 v15, s25;
	(pc) =	sbr.rel @!p2 .LBB2_57-.Ltmp27, $4  }
0x2a8: {  	v18 =	vld.idx.msk [tilespmem:v19+s13+$0x0], $0xffff;
	vm3 =	vgt.s32 v15, s26;
	v19 =	vadd.s32 s24, v11;
	v16 =	vshrl.u32 v16, $0x6  }
0x2a9: {  	vm1 =	vgt.s32 v15, s23;
	v24 =	vand.u32 $0xFF, v16;
	v17 =	vshrl.u32 v17, $0x6  }
0x2aa: {  	s30 =	simm.s32 $0x7;
	v25 =	vshrl.u32 v22, $0x6;
	v16 =	vld.idx.msk [tilespmem:v21+s13+$0x0], $0xffff;
	v21 =	vadd.s32 v3, v24;
	v24 =	vand.u32 $0xFF, v17  }
0x2ab: {  	s29 =	simm.s32 $0x8;
	p0 =	por $0x1, $0x1;
	v20 =	vadd.s32 s30, v11;
	v17 =	vld.idx.msk [tilespmem:v23+s13+$0x0], $0xffff;
	v22 =	vadd.s32 v3, v24;
	v24 =	vand.u32 $0xFF, v25  }
0x2ac: {  	_ =	sdelay $0x2  }
0x2ad: {  	s25 =	simm.s32 $0x9;
	v24 =	vadd.s32 v3, v24  }
0x2ae: {  	v25 =	vld.idx.msk [tilespmem:v20+s13+$0x0], $0xffff;
	s26 =	simm.s32 $0xA;
	v26 =	vadd.s32 s25, v11  }
0x2af: {  	s23 =	simm.s32 $0xB;
	vm2 =	vgt.s32 v15, s28;
	[tilespmem:v21+s9+$0x0] =	vst.idx.add.s32.msk vm0, v4;
	p2 =	sgt.s32 s19, $0xC;
	v20 =	vshrl.u32 v18, $0x6;
	v27 =	vadd.s32 s26, v11  }
.Ltmp28:
0x2b0: {  	vm0 =	vgt.s32 v15, s0;
	v18 =	vld.idx.msk [tilespmem:v19+s13+$0x0], $0xffff;
	v19 =	vand.u32 $0xFF, v20;
	v20 =	vadd.s32 s23, v11;
	(pc) =	sbr.rel @!p2 .LBB2_59-.Ltmp28, $4  }
0x2b1: {  	vm4 =	vgt.s32 v15, s31;
	[tilespmem:v22+s9+$0x0] =	vst.idx.add.s32.msk vm3, v4;
	v23 =	vadd.s32 v3, v19;
	v16 =	vshrl.u32 v16, $0x6  }
0x2b2: {  	v19 =	vadd.s32 s29, v11;
	v21 =	vand.u32 $0xFF, v16;
	v17 =	vshrl.u32 v17, $0x6;
	[tilespmem:v24+s9+$0x0] =	vst.idx.add.s32.msk vm1, v4  }
0x2b3: {  	v21 =	vadd.s32 v3, v21;
	v22 =	vand.u32 $0xFF, v17;
	v24 =	vshrl.u32 v25, $0x6;
	v16 =	vld.idx.msk [tilespmem:v26+s13+$0x0], $0xffff  }
0x2b4: {  	s28 =	simm.s32 $0xC;
	p1 =	por $0x1, $0x1;
	vm1 =	vgt.s32 v15, s30;
	v17 =	vld.idx.msk [tilespmem:v27+s13+$0x0], $0xffff;
	v22 =	vadd.s32 v3, v22;
	v24 =	vand.u32 $0xFF, v24  }
.LBB2_60:
0x2b5: {  	s0 =	sadd.s32 $0x1, s28;
	v25 =	vld.idx.msk [tilespmem:v20+s13+$0x0], $0xffff;
	v24 =	vadd.s32 v3, v24;
	s30 =	smov.u32 s28;
	s28 =	sadd.s32 $0x4, s28  }
0x2b6: {  	v20 =	vshrl.u32 v18, $0x6;
	v26 =	vadd.s32 s0, v11;
	s31 =	sadd.s32 $0x2, s30;
	p2 =	slt.s32 s28, s19;
	[tilespmem:v23+s9+$0x0] =	vst.idx.add.s32.msk vm2, v4  }
0x2b7: {  	s2 =	sadd.s32 $0x3, s30;
	vm2 =	vgt.s32 v15, s24;
	s24 =	smov.u32 s29;
	s29 =	smov.u32 s30;
	v27 =	vadd.s32 s31, v11;
	v18 =	vld.idx.msk [tilespmem:v19+s13+$0x0], $0xffff;
	v19 =	vand.u32 $0xFF, v20  }
.Ltmp29:
0x2b8: {  	v20 =	vadd.s32 s2, v11;
	v23 =	vadd.s32 v3, v19;
	[tilespmem:v21+s9+$0x0] =	vst.idx.add.s32.msk vm0, v4;
	(pc) =	sbr.rel @p2 .LBB2_60-.Ltmp29, $4  }
0x2b9: {  	vm0 =	vgt.s32 v15, s25;
	v16 =	vshrl.u32 v16, $0x6;
	s25 =	smov.u32 s0;
	[tilespmem:v22+s9+$0x0] =	vst.idx.add.s32.msk vm4, v4;
	vm4 =	vgt.s32 v15, s26;
	s26 =	smov.u32 s31  }
0x2ba: {  	v19 =	vadd.s32 s29, v11;
	v21 =	vand.u32 $0xFF, v16;
	v17 =	vshrl.u32 v17, $0x6;
	[tilespmem:v24+s9+$0x0] =	vst.idx.add.s32.msk vm1, v4  }
0x2bb: {  	v21 =	vadd.s32 v3, v21;
	v22 =	vand.u32 $0xFF, v17;
	v24 =	vshrl.u32 v25, $0x6;
	v16 =	vld.idx.msk [tilespmem:v26+s13+$0x0], $0xffff  }
0x2bc: {  	vm1 =	vgt.s32 v15, s23;
	s23 =	smov.u32 s2;
	v22 =	vadd.s32 v3, v22;
	v24 =	vand.u32 $0xFF, v24;
	v17 =	vld.idx.msk [tilespmem:v27+s13+$0x0], $0xffff  }
0x2bd: {  	s28 =	smov.u32 s29;
	vm3 =	vmmov vm4  }
.LBB2_62:
0x2be: {  	_ =	sdelay $0x3  }
0x2bf: {  	v20 =	vld.idx.msk [tilespmem:v20+s13+$0x0], $0xffff;
	v18 =	vshrl.u32 @p0 v18, $0x6  }
0x2c0: {  	v24 =	vadd.s32 @p0 v3, v24;
	v19 =	vld.idx.msk [tilespmem:v19+s13+$0x0], $0xffff;
	vm4 =	vgt.s32 @p0 v15, s24;
	vm5 =	vgt.s32 v15, s25  }
0x2c1: {  	vm6 =	vgt.s32 v15, s26;
	vm14 =	vgt.s32 v15, s23;
	v18 =	vand.u32 @p0 $0xFF, v18  }
0x2c2: {  	vm4 =	vmmov @p0 vm4;
	v18 =	vadd.s32 @p0 v3, v18;
	v16 =	vshrl.u32 v16, $0x6  }
0x2c3: {  	v17 =	vshrl.u32 v17, $0x6;
	v16 =	vand.u32 $0xFF, v16;
	v18 =	vpsel p0, v18, v0  }
0x2c4: {  	[tilespmem:v23+s9+$0x0] =	vst.idx.add.s32.msk @p1 vm2, v4;
	v17 =	vand.u32 $0xFF, v17;
	v16 =	vadd.s32 v3, v16;
	v20 =	vshrl.u32 v20, $0x6  }
0x2c5: {  	[tilespmem:v21+s9+$0x0] =	vst.idx.add.s32.msk @p0 vm0, v4;
	v17 =	vadd.s32 v3, v17;
	v19 =	vshrl.u32 v19, $0x6;
	v20 =	vand.u32 $0xFF, v20  }
0x2c6: {  	[tilespmem:v22+s9+$0x0] =	vst.idx.add.s32.msk @p0 vm3, v4;
	vm15 =	vgt.s32 v15, s28;
	v19 =	vand.u32 $0xFF, v19;
	v20 =	vadd.s32 v3, v20  }
0x2c7: {  	[tilespmem:v24+s9+$0x0] =	vst.idx.add.s32.msk @p0 vm1, v4;
	v19 =	vadd.s32 v3, v19  }
0x2c8: {  	[tilespmem:v18+s9+$0x0] =	vst.idx.add.s32.msk @p0 vm4, v4  }
0x2c9: {  	[tilespmem:v16+s9+$0x0] =	vst.idx.add.s32.msk vm5, v4  }
0x2ca: {  	[tilespmem:v17+s9+$0x0] =	vst.idx.add.s32.msk vm6, v4  }
0x2cb: {  	[tilespmem:v20+s9+$0x0] =	vst.idx.add.s32.msk vm14, v4  }
0x2cc: {  	[tilespmem:v19+s9+$0x0] =	vst.idx.add.s32.msk vm15, v4  }
.LBB2_44:
0x2cd: {  	p0 =	sge.s32 s19, s21  }
.Ltmp30:
0x2ce: {  	_ = 	snop;
	(pc) =	sbr.rel @p0 .LBB2_47-.Ltmp30, $1  }
0x2cf: {  	_ =	sdelay $0x3  }
0x2d0: {  	s0 =	ssub.s32 s21, s19  }
0x2d1: {  	s0 =	ssub.s32 $0x0, s0  }
.LBB2_46:
0x2d2: {  	s2 =	sadd.s32 s0, s21  }
0x2d3: {  	v16 =	vadd.s32 s2, v11;
	_ =	sdelay $0x4  }
0x2d4: {  	v16 =	vld.idx.msk [tilespmem:v16+s13+$0x0], $0xffff;
	_ =	sdelay $0x4  }
0x2d5: {  	v16 =	vshrl.u32 v16, $0x6  }
0x2d6: {  	s0 =	sadd.s32 $0x1, s0;
	vm0 =	vgt.s32 v15, s2;
	v16 =	vand.u32 $0xFF, v16  }
0x2d7: {  	p0 =	seq.s32 s0, $0x0;
	v16 =	vadd.s32 v3, v16  }
.Ltmp31:
0x2d8: {  	_ = 	snop;
	(pc) =	sbr.rel @!p0 .LBB2_46-.Ltmp31, $2  }
0x2d9: {  	_ =	sdelay $0x2  }
0x2da: {  	[tilespmem:v16+s9+$0x0] =	vst.idx.add.s32.msk vm0, v4  }
.LBB2_47:
0x2db: {  	s25 =	simm.s32 $0x1A108  }
0x2dc: {  	v16 =	vld [tilespmem:s25+$0xFFFFE008]  }
0x2dd: {  	v17 =	vld [tilespmem:s25+$0xFFFFE409]  }
0x2de: {  	v18 =	vld [tilespmem:s25+$0xFFFFE80A]  }
0x2df: {  	v19 =	vld [tilespmem:s25+$0xFFFFEC0B]  }
0x2e0: {  	v20 =	vld [tilespmem:s25+$0xFFFFF00C]  }
0x2e1: {  	v21 =	vld [tilespmem:s25+$0xFFFFF40D]  }
0x2e2: {  	v22 =	vld [tilespmem:s25+$0xFFFFF80E]  }
0x2e3: {  	v56 =	vld [tilespmem:s25+$0xC13]  }
0x2e4: {  	[tilespmem:s25+$0xFFFFE008] =	vst v2;
	v57 =	vld [tilespmem:s25+$0x1014]  }
0x2e5: {  	[tilespmem:s25+$0xFFFFE409] =	vst v2;
	v58 =	vld [tilespmem:s25+$0xFFFFDFF8]  }
0x2e6: {  	[tilespmem:s25+$0xFFFFE80A] =	vst v2;
	v59 =	vld [tilespmem:s25+$0xFFFFE7FA]  }
0x2e7: {  	[tilespmem:s25+$0xFFFFEC0B] =	vst v2;
	v60 =	vld [tilespmem:s25+$0xFFFFF7FE]  }
0x2e8: {  	[tilespmem:s25+$0xFFFFF00C] =	vst v2;
	v61 =	vld [tilespmem:s25+$0xFFFFFBFF];
	v16 =	vadd.s32 v16, v17  }
0x2e9: {  	[tilespmem:s25+$0xFFFFF40D] =	vst v2;
	v17 =	vld [tilespmem:s25+$0xFFFFFC0F];
	v16 =	vadd.s32 v18, v16  }
0x2ea: {  	[tilespmem:s25+$0xFFFFF80E] =	vst v2;
	v18 =	vld [tilespmem:s25+$0x10];
	v16 =	vadd.s32 v19, v16  }
0x2eb: {  	[tilespmem:s25+$0xC13] =	vst v2;
	v19 =	vld [tilespmem:s25+$0x411];
	v16 =	vadd.s32 v20, v16  }
0x2ec: {  	[tilespmem:s25+$0x1014] =	vst v2;
	v20 =	vld [tilespmem:s25+$0x812];
	v16 =	vadd.s32 v21, v16  }
0x2ed: {  	[tilespmem:s25+$0xFFFFDFF8] =	vst v2;
	v62 =	vld [tilespmem:s25+$0xC03];
	v16 =	vadd.s32 v22, v16  }
0x2ee: {  	[tilespmem:s25+$0xFFFFE7FA] =	vst v2;
	v63 =	vld [tilespmem:s25+$0x1004];
	v16 =	vadd.s32 v17, v16  }
0x2ef: {  	[tilespmem:s25+$0xFFFFF7FE] =	vst v2;
	v17 =	vld [tilespmem:s25+$0x1415];
	v16 =	vadd.s32 v18, v16  }
0x2f0: {  	[tilespmem:s25+$0xFFFFFBFF] =	vst v2;
	v18 =	vld [tilespmem:s25+$0x1816];
	v16 =	vadd.s32 v19, v16  }
0x2f1: {  	[tilespmem:s25+$0xC03] =	vst v2;
	v19 =	vld [tilespmem:s25+$0x1C17];
	v16 =	vadd.s32 v20, v16  }
0x2f2: {  	[tilespmem:s25+$0x1004] =	vst v2;
	v20 =	vld [tilespmem:s25+$0xFFFFE3F9];
	v16 =	vadd.s32 v56, v16  }
0x2f3: {  	[tilespmem:s25+$0xFFFFFC0F] =	vst v2;
	v16 =	vadd.s32 v57, v16  }
0x2f4: {  	[tilespmem:s25+$0x10] =	vst v2;
	v16 =	vadd.s32 v17, v16;
	v17 =	vld [tilespmem:s25+$0xFFFFEBFB]  }
0x2f5: {  	[tilespmem:s25+$0x411] =	vst v2;
	v16 =	vadd.s32 v18, v16;
	v18 =	vld [tilespmem:s25+$0xFFFFEFFC]  }
0x2f6: {  	[tilespmem:s25+$0x812] =	vst v2;
	v16 =	vadd.s32 v19, v16;
	v19 =	vld [tilespmem:s25+$0xFFFFF3FD]  }
0x2f7: {  	[tilespmem:s25+$0x1415] =	vst v2;
	v20 =	vadd.s32 v58, v20;
	v16 =	vperm.xlane v16, v5  }
0x2f8: {  	[tilespmem:s25+$0x1816] =	vst v2;
	v20 =	vadd.s32 v59, v20  }
0x2f9: {  	[tilespmem:s25+$0x1C17] =	vst v2;
	(xrf0) =	vadd.scan.msk.s32 $0xffff, v16;
	v17 =	vadd.s32 v17, v20;
	v20 =	vld [tilespmem:s25+$0x0]  }
0x2fa: {  	[tilespmem:s25+$0xFFFFE3F9] =	vst v2;
	v17 =	vadd.s32 v18, v17;
	v18 =	vld [tilespmem:s25+$0x401]  }
0x2fb: {  	[tilespmem:s25+$0xFFFFEBFB] =	vst v2;
	v17 =	vadd.s32 v19, v17;
	v19 =	vld [tilespmem:s25+$0x802]  }
0x2fc: {  	[tilespmem:s25+$0xFFFFEFFC] =	vst v2;
	v17 =	vadd.s32 v60, v17  }
0x2fd: {  	[tilespmem:s25+$0xFFFFF3FD] =	vst v2;
	v17 =	vadd.s32 v61, v17  }
0x2fe: {  	[tilespmem:s25+$0x0] =	vst v2;
	v17 =	vadd.s32 v20, v17  }
0x2ff: {  	s19 =	simm.s32 $0x1C190;
	[tilespmem:s25+$0x401] =	vst v2;
	v20 =	vld [tilespmem:s25+$0x1405];
	v23, _, _ =	vpop (xrf0);
	v17 =	vadd.s32 v18, v17  }
0x300: {  	s23 =	simm.s32 $0x1C610;
	v18 =	vld [tilespmem:s25+$0x1806];
	[tilespmem:s19+$0x0] =	vst v23;
	v17 =	vadd.s32 v19, v17  }
0x301: {  	[tilespmem:s23+$0x0] =	vst v16;
	v16 =	vadd.s32 v62, v17;
	v17 =	vld [tilespmem:s25+$0x1C07]  }
0x302: {  	[tilespmem:s25+$0x802] =	vst v2  }
0x303: {  	[tilespmem:s25+$0x1405] =	vst v2;
	v16 =	vadd.s32 v63, v16  }
0x304: {  	s0 =	sxor.u32 $0x80000000, s22;
	s24 =	simm.s32 $0x0;
	[tilespmem:s25+$0x1806] =	vst v2;
	v16 =	vadd.s32 v20, v16  }
0x305: {  	s22 =	simm.s32 $0x1C610;
	s20 =	sadd.s32 s20, s0;
	[tilespmem:s25+$0x1C07] =	vst v2;
	s25 =	simm.s32 $0x1A128;
	v18 =	vadd.s32 v18, v16  }
.LBB2_48:
0x306: {  	v19 =	vld [tilespmem:s25+$0xFFFFE008];
	[tilespmem:s25+$0xFFFFE008] =	vst v2;
	v16 =	vadd.s32 v17, v18  }
0x307: {  	v17 =	vld [tilespmem:s25+$0xFFFFE409];
	[tilespmem:s25+$0xFFFFE409] =	vst v2;
	v16 =	vperm.xlane v16, v5  }
0x308: {  	s24 =	sadd.s32 $0x2, s24;
	v18 =	vld [tilespmem:s25+$0xFFFFE80A];
	[tilespmem:s25+$0xFFFFE80A] =	vst v2  }
0x309: {  	p0 =	slt.u32 s24, $0xE;
	v20 =	vld [tilespmem:s25+$0xFFFFEC0B];
	[tilespmem:s25+$0xFFFFEC0B] =	vst v2;
	(xrf0) =	vadd.scan.msk.s32 $0xffff, v16  }
0x30a: {  	v21 =	vld [tilespmem:s25+$0xFFFFF00C];
	[tilespmem:s25+$0xFFFFF00C] =	vst v2  }
0x30b: {  	v22 =	vld [tilespmem:s25+$0xFFFFF40D];
	[tilespmem:s25+$0xFFFFF40D] =	vst v2  }
0x30c: {  	v17 =	vadd.s32 v19, v17;
	v19 =	vld [tilespmem:s25+$0xFFFFF80E];
	[tilespmem:s25+$0xFFFFF80E] =	vst v2  }
0x30d: {  	v17 =	vadd.s32 v18, v17;
	v18 =	vld [tilespmem:s25+$0xFFFFFC0F];
	[tilespmem:s25+$0xFFFFFC0F] =	vst v2  }
0x30e: {  	v17 =	vadd.s32 v20, v17;
	v20 =	vld [tilespmem:s25+$0x10];
	[tilespmem:s25+$0x10] =	vst v2  }
0x30f: {  	v17 =	vadd.s32 v21, v17;
	v21 =	vld [tilespmem:s25+$0x411];
	[tilespmem:s25+$0x411] =	vst v2;
	v23, _, _ =	vpop (xrf0)  }
0x310: {  	v17 =	vadd.s32 v22, v17;
	v22 =	vld [tilespmem:s25+$0x812];
	[tilespmem:s25+$0x812] =	vst v2  }
0x311: {  	v17 =	vadd.s32 v19, v17;
	v19 =	vld [tilespmem:s25+$0xC13];
	[tilespmem:s25+$0xC13] =	vst v2  }
0x312: {  	v17 =	vadd.s32 v18, v17;
	v18 =	vld [tilespmem:s25+$0x1014];
	[tilespmem:s25+$0x1014] =	vst v2  }
0x313: {  	v17 =	vadd.s32 v20, v17;
	v20 =	vld [tilespmem:s25+$0x1415];
	[tilespmem:s25+$0x1415] =	vst v2  }
0x314: {  	v17 =	vadd.s32 v21, v17;
	v21 =	vld [tilespmem:s25+$0x1816];
	[tilespmem:s25+$0x1816] =	vst v2  }
0x315: {  	v17 =	vadd.s32 v22, v17;
	v22 =	vld [tilespmem:s25+$0x1C17];
	[tilespmem:s19+$0xFFFFFFF0] =	vst v23  }
0x316: {  	v23 =	vld [tilespmem:s25+$0xFFFFE3F9];
	[tilespmem:s25+$0xFFFFE3F9] =	vst v2;
	v17 =	vadd.s32 v19, v17  }
0x317: {  	v19 =	vld [tilespmem:s25+$0xFFFFDFF8];
	[tilespmem:s25+$0xFFFFDFF8] =	vst v2;
	v17 =	vadd.s32 v18, v17  }
0x318: {  	v18 =	vld [tilespmem:s25+$0xFFFFE7FA];
	[tilespmem:s25+$0xFFFFE7FA] =	vst v2;
	v17 =	vadd.s32 v20, v17  }
0x319: {  	v20 =	vld [tilespmem:s25+$0xFFFFEBFB];
	[tilespmem:s25+$0xFFFFEBFB] =	vst v2;
	v17 =	vadd.s32 v21, v17  }
0x31a: {  	v21 =	vld [tilespmem:s25+$0xFFFFEFFC];
	[tilespmem:s25+$0xFFFFEFFC] =	vst v2;
	v17 =	vadd.s32 v22, v17  }
0x31b: {  	v22 =	vld [tilespmem:s25+$0xFFFFF3FD];
	[tilespmem:s25+$0xFFFFF3FD] =	vst v2;
	v24 =	vperm.xlane v17, v5  }
0x31c: {  	v17 =	vadd.s32 v19, v23;
	v19 =	vld [tilespmem:s25+$0xFFFFF7FE];
	[tilespmem:s25+$0xFFFFF7FE] =	vst v2  }
0x31d: {  	v17 =	vadd.s32 v18, v17;
	v18 =	vld [tilespmem:s25+$0xFFFFFBFF];
	[tilespmem:s25+$0xFFFFFBFF] =	vst v2;
	(xrf0) =	vadd.scan.msk.s32 $0xffff, v24  }
0x31e: {  	v17 =	vadd.s32 v20, v17;
	v20 =	vld [tilespmem:s25+$0x0];
	[tilespmem:s25+$0x0] =	vst v2  }
0x31f: {  	v17 =	vadd.s32 v21, v17;
	v21 =	vld [tilespmem:s25+$0x401];
	[tilespmem:s25+$0x401] =	vst v2  }
0x320: {  	v17 =	vadd.s32 v22, v17;
	v22 =	vld [tilespmem:s25+$0x802];
	[tilespmem:s25+$0x802] =	vst v2  }
0x321: {  	v17 =	vadd.s32 v19, v17;
	v19 =	vld [tilespmem:s25+$0xC03];
	[tilespmem:s25+$0xC03] =	vst v2  }
0x322: {  	v17 =	vadd.s32 v18, v17;
	v18 =	vld [tilespmem:s25+$0x1004];
	[tilespmem:s25+$0x1004] =	vst v2  }
0x323: {  	s19 =	sadd.s32 $0x20, s19;
	v17 =	vadd.s32 v20, v17;
	v20 =	vld [tilespmem:s25+$0x1405];
	[tilespmem:s25+$0x1C17] =	vst v2;
	v23, _, _ =	vpop (xrf0)  }
0x324: {  	s23 =	sadd.s32 $0x20, s23;
	v17 =	vadd.s32 v21, v17;
	v21 =	vld [tilespmem:s25+$0x1806];
	[tilespmem:s19+$0x0] =	vst v23  }
.Ltmp32:
0x325: {  	v22 =	vadd.s32 v22, v17;
	v17 =	vld [tilespmem:s25+$0x1C07];
	[tilespmem:s23+$0x0] =	vst v24;
	(pc) =	sbr.rel @p0 .LBB2_48-.Ltmp32, $4  }
0x326: {  	v19 =	vadd.s32 v19, v22;
	[tilespmem:s25+$0x1405] =	vst v2  }
0x327: {  	v18 =	vadd.s32 v18, v19;
	[tilespmem:s25+$0x1806] =	vst v2  }
0x328: {  	v18 =	vadd.s32 v20, v18;
	[tilespmem:s25+$0x1C07] =	vst v2  }
0x329: {  	s25 =	sadd.s32 $0x20, s25;
	v18 =	vadd.s32 v21, v18;
	[tilespmem:s22+$0xFFFFFFF0] =	vst v16;
	s22 =	smov.u32 s23  }
0x32a: {  	v16 =	vadd.s32 v17, v18  }
0x32b: {  	v16 =	vperm.xlane v16, v5;
	_ =	sdelay $0x1  }
0x32c: {  	(xrf0) =	vadd.scan.msk.s32 $0xffff, v16;
	_ =	sdelay $0x5  }
0x32d: {  	v17, _, _ =	vpop (xrf0)  }
0x32e: {  	[tilespmem:s19+$0xFFFFFFF0] =	vst v17  }
0x32f: {  	[tilespmem:s22+$0xFFFFFFF0] =	vst v16  }
0x330: {  	v16 =	vld.idx.msk [tilespmem:v10+s10+$0x0], $0xffff;
	_ =	sdelay $0x4  }
0x331: {  	v17 =	vperm.xlane v16, v5;
	_ =	sdelay $0x1  }
0x332: {  	(xrf0) =	vadd.scan.msk.s32 $0xffff, v17;
	_ =	sdelay $0x2  }
0x333: {  	s0 =	simm.s32 $0x0  }
0x334: {  	v17 =	vmov s0  }
0x335: {  	v17 =	vand.u32 $0xFFFFFFFE, v17  }
0x336: {  	v17 =	vbroadcast v17, $0x0;
	v18, _, _ =	vpop (xrf0)  }
0x337: {  	v18 =	vperm.xlane v18, v5;
	_ =	sdelay $0x1  }
0x338: {  	s25 =	simm.s32 $0x1;
	v16 =	vsub.s32 v18, v16  }
0x339: {  	s26 =	simm.s32 $0x1C610;
	v18 =	vmov s25;
	[tilespmem:$0x1C580] =	vst v16  }
0x33a: {  	s2 =	simm.s32 $0x2;
	v19 =	vld [tilespmem:s26+$0xFFFFFFF0]  }
0x33b: {  	s28 =	simm.s32 $0x1C190;
	v16 =	vmov s2;
	v17 =	vld.idx.msk [tilespmem:v17+s11+$0x0], $0xffff  }
0x33c: {  	v16 =	vand.u32 $0xFFFFFFFE, v16;
	v22 =	vld [tilespmem:s28+$0xFFFFFFF0]  }
0x33d: {  	v29 =	vld [tilespmem:s28+$0x0];
	v26 =	vbroadcast v16, $0x0  }
0x33e: {  	s23 =	simm.s32 $0x4;
	v28 =	vld.idx.msk [tilespmem:v18+s11+$0x0], $0xffff  }
0x33f: {  	s30 =	simm.s32 $0x3;
	v20 =	vimm.s32 $0x7FFFFFFF;
	s31 =	simm.s32 $0xF;
	v24 =	vmov s23;
	v21 =	vld [tilespmem:s26+$0x0]  }
0x340: {  	s29 =	ssub.s32 $0xCCD, s20;
	v23 =	vmov s30;
	v27 =	vadd.s32 s31, v1;
	v25 =	vand.u32 $0xFFFFFFFE, v24;
	s22 =	simm.s32 $0x1F  }
0x341: {  	s19 =	simm.s32 $0x1C630;
	v24 =	vadd.s32 s22, v1;
	v16 =	vmov s29;
	v30 =	vadd.s32 v17, v22  }
0x342: {  	v18 =	vimm.s32 $0xFFFFFFFF;
	v22 =	vbroadcast v25, $0x0;
	v17 =	vld [tilespmem:s19+$0xFFFFFFF0];
	v25 =	vsub.s32 v30, v19  }
0x343: {  	s24 =	simm.s32 $0x1C1B0;
	s25 =	simm.s32 $0x6;
	vm0 =	vlt.s32 v30, v16;
	v19 =	vld.idx.msk [tilespmem:v26+s11+$0x0], $0xffff;
	vm1 =	vlt.s32 v20, v25;
	v26 =	vadd.s32 v28, v29  }
.LBB2_50:
0x344: {  	p0 =	slt.u32 s25, $0xE;
	v28 =	vld [tilespmem:s24+$0xFFFFFFF0];
	v27 =	vsel vm0, $0xFFFFFFFF, v27;
	v25 =	vsel vm1, v20, v25;
	v29 =	vsub.s32 v26, v21;
	v30 =	vmovc v22  }
0x345: {  	v31 =	vld.idx.msk [tilespmem:v23+s11+$0x0], $0xffff;
	vm1 =	vgt.s32 v18, v27;
	v20 =	vsel vm0, v20, v25;
	vm0 =	vlt.s32 v26, v16  }
0x346: {  	v26 =	vld [tilespmem:s24+$0x0];
	v18 =	vsel vm1, v18, v27;
	v22 =	vsel vm0, $0xFFFFFFFF, v24;
	vm1 =	vlt.s32 v20, v29  }
.Ltmp33:
0x347: {  	s0 =	sadd.s32 $0x1, s23;
	s23 =	smov.u32 s25;
	v24 =	vmov s25;
	v21 =	vld [tilespmem:s19+$0x0];
	vm2 =	vgt.s32 v18, v22;
	v25 =	vsel vm1, v20, v29;
	(pc) =	sbr.rel @p0 .LBB2_50-.Ltmp33, $4  }
0x348: {  	s22 =	sadd.s32 $0x20, s22;
	v23 =	vmov s0;
	v18 =	vsel vm2, v18, v22;
	v20 =	vsel vm0, v20, v25  }
0x349: {  	s0 =	sadd.s32 $0xFFFFFFF0, s22;
	s19 =	sadd.s32 $0x20, s19;
	v22 =	vand.u32 $0xFFFFFFFE, v24;
	v24 =	vadd.s32 s22, v1;
	v28 =	vadd.s32 v19, v28  }
0x34a: {  	v27 =	vadd.s32 s0, v1;
	v22 =	vbroadcast v22, $0x0;
	v25 =	vsub.s32 v28, v17;
	v17 =	vld [tilespmem:s19+$0xFFFFFFF0]  }
0x34b: {  	s25 =	sadd.s32 $0x2, s25;
	s24 =	sadd.s32 $0x20, s24;
	vm0 =	vlt.s32 v28, v16;
	v19 =	vld.idx.msk [tilespmem:v30+s11+$0x0], $0xffff;
	vm1 =	vlt.s32 v20, v25;
	v26 =	vadd.s32 v31, v26  }
0x34c: {  	_ =	sdelay $0x2  }
0x34d: {  	v28 =	vld [tilespmem:s24+$0xFFFFFFF0]  }
0x34e: {  	v27 =	vsel vm0, $0xFFFFFFFF, v27;
	v23 =	vld.idx.msk [tilespmem:v23+s11+$0x0], $0xffff  }
0x34f: {  	v25 =	vsel vm1, v20, v25;
	v21 =	vsub.s32 v26, v21;
	vm2 =	vlt.s32 v26, v16;
	v47 =	vld [tilespmem:s24+$0x0]  }
0x350: {  	s0 =	sadd.s32 $0x1, s23;
	v48 =	vld [tilespmem:s19+$0x0];
	s28 =	sadd.s32 $0x20, s22;
	vm7 =	vgt.s32 v18, v27;
	v20 =	vsel vm0, v20, v25;
	v24 =	vsel vm2, $0xFFFFFFFF, v24  }
0x351: {  	v22 =	vld.idx.msk [tilespmem:v22+s11+$0x0], $0xffff;
	s29 =	sadd.s32 $0x20, s24;
	v49 =	vmov s0;
	s2 =	sadd.s32 $0xFFFFFFF0, s28;
	v50 =	vadd.s32 s28, v1;
	s0 =	sadd.s32 $0x20, s28;
	v18 =	vsel vm7, v18, v27  }
0x352: {  	s30 =	sadd.s32 $0x20, s19;
	v52 =	vld [tilespmem:s29+$0xFFFFFFF0];
	vm0 =	vlt.s32 v20, v21;
	v51 =	vadd.s32 s2, v1;
	s31 =	sadd.s32 $0xFFFFFFF0, s0;
	v58 =	vadd.s32 s0, v1  }
0x353: {  	v53 =	vld [tilespmem:s30+$0xFFFFFFF0];
	vm1 =	vgt.s32 v18, v24;
	v21 =	vsel vm0, v20, v21;
	v59 =	vadd.s32 s31, v1  }
0x354: {  	v18 =	vsel vm1, v18, v24;
	v20 =	vsel vm2, v20, v21;
	v19 =	vadd.s32 v19, v28  }
0x355: {  	v55 =	vld [tilespmem:s29+$0x0];
	v23 =	vadd.s32 v23, v47;
	v17 =	vsub.s32 v19, v17;
	vm8 =	vlt.s32 v19, v16  }
0x356: {  	v25 =	vsub.s32 v23, v48;
	v54 =	vld.idx.msk [tilespmem:v49+s11+$0x0], $0xffff;
	vm11 =	vlt.s32 v23, v16;
	vm9 =	vlt.s32 v20, v17  }
0x357: {  	v56 =	vld [tilespmem:s30+$0x0];
	v19 =	vadd.s32 v22, v52;
	v24 =	vsel vm8, $0xFFFFFFFF, v51;
	v17 =	vsel vm9, v20, v17  }
0x358: {  	v21 =	vsel vm11, $0xFFFFFFFF, v50;
	v22 =	vsub.s32 v19, v53;
	v17 =	vsel vm8, v20, v17  }
0x359: {  	vm12 =	vlt.s32 v19, v16;
	vm10 =	vgt.s32 v18, v24;
	vm0 =	vlt.s32 v17, v25  }
0x35a: {  	v61 =	vsel vm12, $0xFFFFFFFF, v59;
	v18 =	vsel vm10, v18, v24;
	v57 =	vsel vm0, v17, v25  }
0x35b: {  	vm1 =	vgt.s32 v18, v21;
	v60 =	vadd.s32 v54, v55;
	v17 =	vsel vm11, v17, v57  }
0x35c: {  	v18 =	vsel vm1, v18, v21;
	v23 =	vsub.s32 v60, v56;
	vm13 =	vlt.s32 v17, v22  }
0x35d: {  	vm14 =	vgt.s32 v18, v61;
	vm15 =	vlt.s32 v60, v16;
	v22 =	vsel vm13, v17, v22  }
0x35e: {  	v62 =	vsel vm15, $0xFFFFFFFF, v58;
	v16 =	vsel vm12, v17, v22;
	v17 =	vsel vm14, v18, v61  }
0x35f: {  	vm0 =	vlt.s32 v16, v23;
	vm1 =	vgt.s32 v17, v62  }
0x360: {  	v63 =	vsel vm0, v16, v23;
	v17 =	vsel vm1, v17, v62  }
0x361: {  	v16 =	vsel vm15, v16, v63;
	v17 =	vxor.u32 $0x80000000, v17  }
0x362: {  	(xrf0) =	vmax.scan.msk.u32 $0xffff, v17;
	v16 =	vxor.u32 $0x80000000, v16  }
0x363: {  	(xrf0) =	vmin.scan.msk.u32 $0xffff, v16;
	_ =	sdelay $0x4  }
0x364: {  	v16, _, _ =	vpop (xrf0)  }
0x365: {  	(v2sf) =	vpush v16, $0xF;
	v16, _, _ =	vpop (xrf0)  }
0x366: {  	(v2sf) =	vpush v16, $0xF;
	_ =	sdelay $0x9  }
0x367: {  	p0 =	slt.s32 s21, $0x1  }
.Ltmp34:
0x368: {  	_ = 	snop;
	(pc) =	sbr.rel @p0 .LBB2_52-.Ltmp34, $3  }
0x369: {  	_ =	sdelay $0x1  }
0x36a: {  	s19 =	spop (v2sf)  }
0x36b: {  	s22 =	spop (v2sf)  }
0x36c: {  	p3 =	seq.s32 s21, $0x1  }
.Ltmp35:
0x36d: {  	_ = 	snop;
	(pc) =	sbr.rel @p3 .LBB2_64-.Ltmp35, $3  }
0x36e: {  	_ =	sdelay $0x1  }
0x36f: {  	s0 =	sxor.u32 $0x80000000, s19;
	s24 =	simm.s32 $0x0;
	p0 =	por $0x0, $0x0  }
0x370: {  	v17 =	vimm.s32 $0x0;
	p1 =	por $0x0, $0x0;
	p2 =	por $0x0, $0x0;
	v16 =	vmov s0;
	s0 =	simm.s32 $0x1;
	v18 =	vadd.s32 s24, v11  }
0x371: {  	p3 =	seq.s32 s21, $0x2  }
.Ltmp36:
0x372: {  	_ = 	snop;
	(pc) =	sbr.rel @p3 .LBB2_66-.Ltmp36, $2  }
0x373: {  	_ =	sdelay $0x2  }
0x374: {  	v19 =	vld.idx.msk [tilespmem:v18+s13+$0x0], $0xffff;
	s23 =	simm.s32 $0x2;
	v18 =	vadd.s32 s0, v11;
	p0 =	por $0x1, $0x1  }
0x375: {  	_ =	sdelay $0x1  }
0x376: {  	p3 =	seq.s32 s21, $0x3  }
.Ltmp37:
0x377: {  	_ = 	snop;
	(pc) =	sbr.rel @p3 .LBB2_68-.Ltmp37, $4  }
0x378: {  	v22 =	vld.idx.msk [tilespmem:v18+s13+$0x0], $0xffff  }
0x379: {  	vm1 =	vgt.s32 v15, s24;
	v20 =	vadd.s32 v11, v17;
	v21 =	vshrl.u32 v19, $0x6  }
0x37a: {  	v18 =	vadd.s32 s23, v11;
	vm0 =	vgt.s32 v19, $0xFFFFFFFF;
	v21 =	vand.u32 $0xFF, v21  }
0x37b: {  	s25 =	simm.s32 $0x3;
	p1 =	por $0x1, $0x1;
	v24 =	vsel vm0, $0xFFFFFFFF, v12;
	vm2 =	vgt.s32 v21, v16;
	vm3 =	veq.s32 v21, v16  }
0x37c: {  	vm0 =	vmand vm1, vm3  }
0x37d: {  	v23 =	vsel vm0, $0x1, v2  }
0x37e: {  	v29 =	vadd.s32 v23, v17;
	v23 =	vshrl.u32 v22, $0x6  }
0x37f: {  	v23 =	vand.u32 $0xFF, v23  }
0x380: {  	p3 =	seq.s32 s21, $0x4  }
.Ltmp38:
0x381: {  	v21 =	vxor.u32 v19, v24;
	vm5 =	vgt.s32 v22, $0xFFFFFFFF;
	(pc) =	sbr.rel @p3 .LBB2_70-.Ltmp38, $3  }
0x382: {  	v27 =	vsel vm5, $0xFFFFFFFF, v12;
	vm6 =	vgt.s32 v23, v16;
	vm5 =	veq.s32 v23, v16;
	v23 =	vmovc v20;
	_ =	sdelay $0x1  }
0x383: {  	vm4 =	vgt.s32 v15, s0;
	vm7 =	vmand vm1, vm2  }
0x384: {  	v31 =	vld.idx.msk [tilespmem:v18+s13+$0x0], $0xffff;
	v18 =	vadd.s32 s25, v11;
	s0 =	simm.s32 $0x4;
	p2 =	por $0x1, $0x1;
	v28 =	vmovc v14;
	v30 =	vnsel vm7, $0x0, v21;
	v26 =	vadd.s32 v11, v29;
	v21 =	vmovc v19  }
.LBB2_71:
0x385: {  	s2 =	smov.u32 s0;
	s0 =	sadd.s32 $0x1, s0  }
0x386: {  	v25 =	vxor.u32 v22, v27;
	v28 =	vadd.f32 v30, v28;
	[tilespmem:v23+s12+$0x0] =	vst.idx.msk vm0, v21;
	vm0 =	vmand vm4, vm5;
	p3 =	seq.s32 s21, s0  }
.Ltmp39:
0x387: {  	v21 =	vmov v22;
	v23 =	vmov v26;
	v27 =	vsel vm0, $0x1, v2;
	(pc) =	sbr.rel @!p3 .LBB2_71-.Ltmp39, $4  }
0x388: {  	vm7 =	vmand vm4, vm6;
	vm4 =	vgt.s32 v15, s23;
	s23 =	smov.u32 s25;
	s25 =	smov.u32 s2;
	v29 =	vadd.s32 v27, v29  }
0x389: {  	vm5 =	vgt.s32 v31, $0xFFFFFFFF;
	v30 =	vshrl.u32 v31, $0x6;
	v22 =	vmovc v31;
	v26 =	vadd.s32 v11, v29;
	v31 =	vld.idx.msk [tilespmem:v18+s13+$0x0], $0xffff  }
0x38a: {  	v18 =	vadd.s32 s25, v11;
	v27 =	vsel vm5, $0xFFFFFFFF, v12;
	v30 =	vand.u32 $0xFF, v30  }
0x38b: {  	vm6 =	vgt.s32 v30, v16;
	vm5 =	veq.s32 v30, v16;
	v30 =	vnsel vm7, $0x0, v25  }
0x38c: {  	_ =	sdelay $0x1  }
0x38d: {  	v25 =	vmov v22;
	s24 =	smov.u32 s23;
	s23 =	smov.u32 s25;
	v22 =	vmov v31  }
.LBB2_73:
0x38e: {  	_ =	sdelay $0x2  }
0x38f: {  	vm5 =	vmand @p1 vm4, vm5  }
0x390: {  	v28 =	vadd.f32 @p2 v30, v28;
	vm7 =	vgt.s32 @p0 v22, $0xFFFFFFFF;
	v18 =	vld.idx.msk [tilespmem:v18+s13+$0x0], $0xffff;
	v30 =	vsel @p1 vm5, $0x1, v2  }
0x391: {  	v27 =	vxor.u32 @p1 v25, v27;
	v29 =	vadd.s32 @p1 v30, v29;
	v30 =	vsel @p0 vm7, $0xFFFFFFFF, v12  }
0x392: {  	vm4 =	vmand @p1 vm4, vm6;
	vm6 =	vgt.s32 @p0 v15, s24;
	vm12 =	vgt.s32 v15, s23  }
0x393: {  	v27 =	vnsel @p1 vm4, $0x0, v27;
	vm1 =	vmmov @p0 vm6;
	vm5 =	vmmov @p1 vm5  }
0x394: {  	v27 =	vpsel p1, v27, v0;
	v24 =	vpsel p0, v30, v24;
	v29 =	vpsel p1, v29, v17;
	v30 =	vmovc @p0 v22  }
0x395: {  	v22 =	vshrl.u32 @p0 v22, $0x6;
	v61 =	vshrl.u32 v18, $0x6;
	v19 =	vpsel p0, v30, v19  }
0x396: {  	v30 =	vadd.s32 @p0 v11, v29;
	v22 =	vand.u32 @p0 $0xFF, v22;
	v15 =	vand.u32 $0xFF, v61  }
0x397: {  	vm4 =	vgt.s32 @p0 v22, v16;
	vm7 =	veq.s32 @p0 v22, v16;
	v20 =	vpsel p0, v30, v20  }
0x398: {  	v24 =	vxor.u32 @p0 v19, v24;
	vm13 =	veq.s32 v15, v16;
	vm3 =	vmmov @p0 vm7  }
0x399: {  	vm2 =	vmmov @p0 vm4;
	v22 =	vmovc @p1 v26;
	v26 =	vpsel p2, v28, v14;
	vm3 =	vmand @p0 vm1, vm3  }
0x39a: {  	v20 =	vpsel p0, v20, v0;
	v26 =	vadd.f32 @p1 v27, v26;
	v27 =	vsel @p0 vm3, $0x1, v2  }
0x39b: {  	v22 =	vpsel p1, v22, v0;
	vm3 =	vmmov @p0 vm3;
	v27 =	vadd.s32 @p0 v27, v29  }
0x39c: {  	vm1 =	vmand @p0 vm1, vm2;
	vm2 =	vmand vm12, vm13;
	v17 =	vpsel p0, v27, v17  }
0x39d: {  	v25 =	vpsel p1, v25, v0;
	v24 =	vnsel @p0 vm1, $0x0, v24;
	v27 =	vadd.s32 v11, v17  }
.Ltmp40:
0x39e: {  	[tilespmem:v23+s12+$0x0] =	vst.idx.msk @p2 vm0, v21;
	vm14 =	vgt.s32 v18, $0xFFFFFFFF;
	v23 =	vpsel p0, v24, v0;
	v21 =	vpsel p1, v26, v14;
	(pc) =	sbr.rel .LBB2_53-.Ltmp40, $4  }
0x39f: {  	v62 =	vsel vm14, $0xFFFFFFFF, v12;
	vm15 =	vgt.s32 v15, v16;
	v15 =	vadd.f32 @p0 v23, v21  }
0x3a0: {  	v16 =	vpsel p0, v19, v0;
	v63 =	vxor.u32 v18, v62;
	vm0 =	vmand vm12, vm15;
	[tilespmem:v22+s12+$0x0] =	vst.idx.msk @p1 vm5, v25  }
0x3a1: {  	v19 =	vnsel vm0, $0x0, v63;
	v14 =	vpsel p0, v15, v14;
	[tilespmem:v20+s12+$0x0] =	vst.idx.msk @p0 vm3, v16;
	v16 =	vsel vm2, $0x1, v2  }
0x3a2: {  	v14 =	vadd.f32 v19, v14;
	v15 =	vadd.s32 v16, v17;
	[tilespmem:v27+s12+$0x0] =	vst.idx.msk vm2, v18  }
.LBB2_52:
0x3a3: {  	v15 =	vimm.s32 $0x0  }
.LBB2_53:
0x3a4: {  	v16 =	vxor.u32 $0x80000000, v15  }
0x3a5: {  	(xrf0) =	vmax.scan.msk.u32 $0xffff, v16;
	_ =	sdelay $0x5  }
0x3a6: {  	v16, _, _ =	vpop (xrf0)  }
0x3a7: {  	(v2sf) =	vpush v16, $0xF;
	_ =	sdelay $0xe  }
0x3a8: {  	s0 =	spop (v2sf)  }
0x3a9: {  	s21 =	sxor.u32 $0x80000000, s0  }
0x3aa: {  	s0 =	sshra.s32 s21, $0x1F  }
0x3ab: {  	s0 =	sshrl.u32 s0, $0x1E  }
0x3ac: {  	s0 =	sadd.s32 s0, s21  }
0x3ad: {  	s23 =	sand.u32 $0xFFFFFFFC, s0  }
0x3ae: {  	p0 =	sgt.s32 s23, $0x0  }
.Ltmp41:
0x3af: {  	_ = 	snop;
	(pc) =	sbr.rel @!p0 .LBB2_74-.Ltmp41, $1  }
0x3b0: {  	_ =	sdelay $0x3  }
0x3b1: {  	s31 =	simm.s32 $0x0  }
0x3b2: {  	s0 =	simm.s32 $0x3;
	v16 =	vadd.s32 s31, v11  }
0x3b3: {  	s30 =	simm.s32 $0x2;
	v17 =	vadd.s32 s0, v11  }
0x3b4: {  	p1 =	sgt.s32 s23, $0x4;
	v18 =	vadd.s32 s30, v11  }
.Ltmp42:
0x3b5: {  	_ = 	snop;
	(pc) =	sbr.rel @!p1 .LBB2_55-.Ltmp42, $4  }
0x3b6: {  	_ = 	snop  }
0x3b7: {  	v16 =	vld.idx.msk [tilespmem:v16+s12+$0x0], $0xffff  }
0x3b8: {  	s29 =	simm.s32 $0x1;
	v17 =	vld.idx.msk [tilespmem:v17+s12+$0x0], $0xffff  }
0x3b9: {  	s24 =	simm.s32 $0x4;
	p0 =	por $0x0, $0x0;
	v19 =	vadd.s32 s29, v11;
	v18 =	vld.idx.msk [tilespmem:v18+s12+$0x0], $0xffff  }
0x3ba: {  	_ =	sdelay $0x2  }
0x3bb: {  	v21 =	vadd.s32 s24, v11;
	s25 =	simm.s32 $0x7  }
0x3bc: {  	v22 =	vld.idx.msk [tilespmem:v19+s12+$0x0], $0xffff;
	s26 =	simm.s32 $0x6;
	v23 =	vadd.s32 s25, v11  }
0x3bd: {  	s28 =	simm.s32 $0x5;
	p1 =	sgt.s32 s23, $0x8;
	v24 =	vadd.s32 s26, v11  }
.Ltmp43:
0x3be: {  	vm0 =	vgt.s32 v15, s31;
	v19 =	vadd.s32 s28, v11;
	v16 =	vand.u32 $0x3F, v16;
	(pc) =	sbr.rel @!p1 .LBB2_85-.Ltmp43, $4  }
0x3bf: {  	vm1 =	vgt.s32 v15, s0;
	v20 =	vadd.s32 v3, v16;
	v17 =	vand.u32 $0x3F, v17  }
0x3c0: {  	vm2 =	vgt.s32 v15, s30;
	v18 =	vand.u32 $0x3F, v18;
	v16 =	vld.idx.msk [tilespmem:v21+s12+$0x0], $0xffff;
	v21 =	vadd.s32 v3, v17  }
0x3c1: {  	vm3 =	vgt.s32 v15, s29;
	v17 =	vld.idx.msk [tilespmem:v23+s12+$0x0], $0xffff;
	v23 =	vand.u32 $0x3F, v22;
	v22 =	vadd.s32 v3, v18  }
0x3c2: {  	s30 =	simm.s32 $0x8;
	p0 =	por $0x1, $0x1;
	v18 =	vld.idx.msk [tilespmem:v24+s12+$0x0], $0xffff;
	v23 =	vadd.s32 v3, v23  }
.LBB2_86:
0x3c3: {  	v24 =	vadd.s32 s30, v11;
	s0 =	sadd.s32 $0x3, s30;
	v25 =	vld.idx.msk [tilespmem:v19+s12+$0x0], $0xffff;
	s2 =	smov.u32 s30  }
0x3c4: {  	s29 =	sadd.s32 $0x2, s30;
	s30 =	sadd.s32 $0x4, s30;
	v26 =	vadd.s32 s0, v11;
	[tilespmem:v20+s9+$0x0] =	vst.idx.add.s32.msk vm0, v4  }
0x3c5: {  	s31 =	sadd.s32 $0x1, s2;
	v27 =	vadd.s32 s29, v11;
	p1 =	slt.s32 s30, s23;
	[tilespmem:v21+s9+$0x0] =	vst.idx.add.s32.msk vm1, v4  }
.Ltmp44:
0x3c6: {  	vm0 =	vgt.s32 v15, s24;
	s24 =	smov.u32 s2;
	v19 =	vadd.s32 s31, v11;
	v16 =	vand.u32 $0x3F, v16;
	[tilespmem:v22+s9+$0x0] =	vst.idx.add.s32.msk vm2, v4;
	(pc) =	sbr.rel @p1 .LBB2_86-.Ltmp44, $4  }
0x3c7: {  	vm1 =	vgt.s32 v15, s25;
	s25 =	smov.u32 s0;
	v20 =	vadd.s32 v3, v16;
	v17 =	vand.u32 $0x3F, v17;
	[tilespmem:v23+s9+$0x0] =	vst.idx.add.s32.msk vm3, v4  }
0x3c8: {  	vm2 =	vgt.s32 v15, s26;
	s26 =	smov.u32 s29;
	v18 =	vand.u32 $0x3F, v18;
	v21 =	vadd.s32 v3, v17;
	v16 =	vld.idx.msk [tilespmem:v24+s12+$0x0], $0xffff  }
0x3c9: {  	vm3 =	vgt.s32 v15, s28;
	s28 =	smov.u32 s31;
	v23 =	vand.u32 $0x3F, v25;
	v22 =	vadd.s32 v3, v18;
	v17 =	vld.idx.msk [tilespmem:v26+s12+$0x0], $0xffff  }
0x3ca: {  	v23 =	vadd.s32 v3, v23;
	v18 =	vld.idx.msk [tilespmem:v27+s12+$0x0], $0xffff  }
0x3cb: {  	s31 =	smov.u32 s24  }
0x3cc: {  	s0 =	smov.u32 s25;
	s30 =	smov.u32 s26;
	s29 =	smov.u32 s28  }
.LBB2_88:
0x3cd: {  	_ =	sdelay $0x3  }
0x3ce: {  	v19 =	vld.idx.msk [tilespmem:v19+s12+$0x0], $0xffff;
	_ =	sdelay $0x1  }
0x3cf: {  	vm4 =	vgt.s32 v15, s31;
	v16 =	vand.u32 $0x3F, v16  }
0x3d0: {  	vm5 =	vgt.s32 v15, s0;
	v16 =	vadd.s32 v3, v16;
	v17 =	vand.u32 $0x3F, v17  }
0x3d1: {  	[tilespmem:v20+s9+$0x0] =	vst.idx.add.s32.msk @p0 vm0, v4;
	vm14 =	vgt.s32 v15, s30;
	v18 =	vand.u32 $0x3F, v18;
	v17 =	vadd.s32 v3, v17  }
0x3d2: {  	[tilespmem:v21+s9+$0x0] =	vst.idx.add.s32.msk @p0 vm1, v4;
	vm15 =	vgt.s32 v15, s29;
	v18 =	vadd.s32 v3, v18;
	v19 =	vand.u32 $0x3F, v19  }
0x3d3: {  	[tilespmem:v22+s9+$0x0] =	vst.idx.add.s32.msk @p0 vm2, v4;
	v19 =	vadd.s32 v3, v19  }
0x3d4: {  	[tilespmem:v23+s9+$0x0] =	vst.idx.add.s32.msk @p0 vm3, v4  }
0x3d5: {  	[tilespmem:v16+s9+$0x0] =	vst.idx.add.s32.msk vm4, v4  }
0x3d6: {  	[tilespmem:v17+s9+$0x0] =	vst.idx.add.s32.msk vm5, v4  }
0x3d7: {  	[tilespmem:v18+s9+$0x0] =	vst.idx.add.s32.msk vm14, v4  }
0x3d8: {  	[tilespmem:v19+s9+$0x0] =	vst.idx.add.s32.msk vm15, v4  }
.LBB2_74:
0x3d9: {  	p0 =	sge.s32 s23, s21  }
.Ltmp45:
0x3da: {  	_ = 	snop;
	(pc) =	sbr.rel @p0 .LBB2_77-.Ltmp45, $1  }
0x3db: {  	_ =	sdelay $0x3  }
0x3dc: {  	s0 =	ssub.s32 s21, s23  }
0x3dd: {  	s0 =	ssub.s32 $0x0, s0  }
.LBB2_76:
0x3de: {  	s2 =	sadd.s32 s0, s21  }
0x3df: {  	v16 =	vadd.s32 s2, v11;
	_ =	sdelay $0x4  }
0x3e0: {  	v16 =	vld.idx.msk [tilespmem:v16+s12+$0x0], $0xffff;
	_ =	sdelay $0x4  }
0x3e1: {  	s0 =	sadd.s32 $0x1, s0;
	vm0 =	vgt.s32 v15, s2;
	v16 =	vand.u32 $0x3F, v16  }
0x3e2: {  	p0 =	seq.s32 s0, $0x0;
	v16 =	vadd.s32 v3, v16  }
.Ltmp46:
0x3e3: {  	_ = 	snop;
	(pc) =	sbr.rel @!p0 .LBB2_76-.Ltmp46, $2  }
0x3e4: {  	_ =	sdelay $0x2  }
0x3e5: {  	[tilespmem:v16+s9+$0x0] =	vst.idx.add.s32.msk vm0, v4  }
.LBB2_77:
0x3e6: {  	s0 =	sxor.u32 $0x80000000, s22  }
0x3e7: {  	s22 =	simm.s32 $0x0;
	p0 =	por $0x1, $0x1;
	s20 =	sadd.s32 s20, s0  }
.LBB2_78:
0x3e8: {  	v16 =	vld [tilespmem:s22+$0x18100]  }
0x3e9: {  	v17 =	vld [tilespmem:s22+$0x18501]  }
0x3ea: {  	v18 =	vld [tilespmem:s22+$0x18110]  }
0x3eb: {  	v19 =	vld [tilespmem:s22+$0x18902]  }
0x3ec: {  	v20 =	vld [tilespmem:s22+$0x18511]  }
0x3ed: {  	v21 =	vld [tilespmem:s22+$0x18D03]  }
0x3ee: {  	v22 =	vld [tilespmem:s22+$0x18912]  }
0x3ef: {  	v23 =	vld [tilespmem:s22+$0x19104]  }
0x3f0: {  	v24 =	vld [tilespmem:s22+$0x18D13]  }
0x3f1: {  	v25 =	vld [tilespmem:s22+$0x19505]  }
0x3f2: {  	v26 =	vld [tilespmem:s22+$0x19114]  }
0x3f3: {  	[tilespmem:s22+$0x18100] =	vst v2;
	v27 =	vld [tilespmem:s22+$0x19906]  }
0x3f4: {  	[tilespmem:s22+$0x18501] =	vst v2;
	v28 =	vld [tilespmem:s22+$0x19515]  }
0x3f5: {  	[tilespmem:s22+$0x18110] =	vst v2;
	v29 =	vld [tilespmem:s22+$0x19D07]  }
0x3f6: {  	[tilespmem:s22+$0x18902] =	vst v2;
	v30 =	vld [tilespmem:s22+$0x19916]  }
0x3f7: {  	[tilespmem:s22+$0x18511] =	vst v2;
	v31 =	vld [tilespmem:s22+$0x1A108]  }
0x3f8: {  	[tilespmem:s22+$0x18D03] =	vst v2;
	v32 =	vld [tilespmem:s22+$0x19D17]  }
0x3f9: {  	[tilespmem:s22+$0x18912] =	vst v2;
	v33 =	vld [tilespmem:s22+$0x1A509]  }
0x3fa: {  	[tilespmem:s22+$0x19104] =	vst v2;
	v34 =	vld [tilespmem:s22+$0x1A118]  }
0x3fb: {  	[tilespmem:s22+$0x18D13] =	vst v2;
	v35 =	vld [tilespmem:s22+$0x1A90A]  }
0x3fc: {  	[tilespmem:s22+$0x19505] =	vst v2;
	v52 =	vld [tilespmem:s22+$0x1AD0B]  }
0x3fd: {  	[tilespmem:s22+$0x19114] =	vst v2;
	v53 =	vld [tilespmem:s22+$0x1A91A];
	v16 =	vadd.s32 v16, v17  }
0x3fe: {  	[tilespmem:s22+$0x19906] =	vst v2;
	v54 =	vld [tilespmem:s22+$0x1B10C];
	v18 =	vadd.s32 v18, v20;
	v16 =	vadd.s32 v19, v16  }
0x3ff: {  	[tilespmem:s22+$0x19515] =	vst v2;
	v55 =	vld [tilespmem:s22+$0x1AD1B];
	v18 =	vadd.s32 v22, v18;
	v16 =	vadd.s32 v21, v16  }
0x400: {  	[tilespmem:s22+$0x19D07] =	vst v2;
	v56 =	vld [tilespmem:s22+$0x1B50D];
	v18 =	vadd.s32 v24, v18;
	v16 =	vadd.s32 v23, v16  }
0x401: {  	[tilespmem:s22+$0x19916] =	vst v2;
	v17 =	vld [tilespmem:s22+$0x1A519];
	v18 =	vadd.s32 v26, v18;
	v16 =	vadd.s32 v25, v16  }
0x402: {  	[tilespmem:s22+$0x1A108] =	vst v2;
	v57 =	vld [tilespmem:s22+$0x1B11C];
	v18 =	vadd.s32 v28, v18;
	v16 =	vadd.s32 v27, v16  }
0x403: {  	[tilespmem:s22+$0x19D17] =	vst v2;
	v58 =	vld [tilespmem:s22+$0x1B90E];
	v18 =	vadd.s32 v30, v18;
	v16 =	vadd.s32 v29, v16  }
0x404: {  	[tilespmem:s22+$0x1A509] =	vst v2;
	v59 =	vld [tilespmem:s22+$0x1B51D];
	v18 =	vadd.s32 v32, v18;
	v16 =	vadd.s32 v31, v16  }
0x405: {  	[tilespmem:s22+$0x1A118] =	vst v2;
	v60 =	vld [tilespmem:s22+$0x1BD0F];
	v18 =	vadd.s32 v34, v18;
	v16 =	vadd.s32 v33, v16  }
0x406: {  	[tilespmem:s22+$0x1A90A] =	vst v2;
	v61 =	vld [tilespmem:s22+$0x1B91E];
	v17 =	vadd.s32 v17, v18;
	v16 =	vadd.s32 v35, v16  }
0x407: {  	[tilespmem:s22+$0x1AD0B] =	vst v2;
	v62 =	vld [tilespmem:s22+$0x1BD1F];
	v17 =	vadd.s32 v53, v17;
	v16 =	vadd.s32 v52, v16  }
0x408: {  	[tilespmem:s22+$0x1A91A] =	vst v2;
	v17 =	vadd.s32 v55, v17;
	v16 =	vadd.s32 v54, v16  }
0x409: {  	[tilespmem:s22+$0x1B10C] =	vst v2;
	v17 =	vadd.s32 v57, v17;
	v16 =	vadd.s32 v56, v16  }
0x40a: {  	[tilespmem:s22+$0x1AD1B] =	vst v2;
	v17 =	vadd.s32 v59, v17;
	v16 =	vadd.s32 v58, v16  }
0x40b: {  	[tilespmem:s22+$0x1B50D] =	vst v2;
	v17 =	vadd.s32 v61, v17;
	v16 =	vadd.s32 v60, v16  }
0x40c: {  	[tilespmem:s22+$0x1B11C] =	vst v2;
	v17 =	vadd.s32 v62, v17;
	v16 =	vperm.xlane v16, v5  }
0x40d: {  	[tilespmem:s22+$0x1B90E] =	vst v2;
	v17 =	vperm.xlane v17, v5  }
0x40e: {  	[tilespmem:s22+$0x1B51D] =	vst v2;
	(xrf0) =	vadd.scan.msk.s32 $0xffff, v16  }
0x40f: {  	[tilespmem:s22+$0x1B91E] =	vst v2;
	(xrf0) =	vadd.scan.msk.s32 $0xffff, v17  }
0x410: {  	[tilespmem:s22+$0x1BD0F] =	vst v2  }
0x411: {  	[tilespmem:s22+$0x1BD1F] =	vst v2;
	p1 =	por p0, p0  }
.Ltmp47:
0x412: {  	[tilespmem:s22+$0x1A519] =	vst v2;
	(pc) =	sbr.rel @p1 .LBB2_78-.Ltmp47, $4  }
0x413: {  	[tilespmem:s22+$0x1C600] =	vst v16  }
0x414: {  	[tilespmem:s22+$0x1C610] =	vst v17;
	v63, _, _ =	vpop (xrf0)  }
0x415: {  	[tilespmem:s22+$0x1C180] =	vst v63;
	v16, _, _ =	vpop (xrf0)  }
0x416: {  	p0 =	por $0x0, $0x0;
	[tilespmem:s22+$0x1C190] =	vst v16;
	s22 =	simm.s32 $0x20  }
0x417: {  	_ =	sdelay $0x3  }
0x418: {  	v16 =	vld.idx.msk [tilespmem:v10+s10+$0x0], $0xffff;
	_ =	sdelay $0x3  }
0x419: {  	vm0 =	vmmov $0xf  }
0x41a: {  	v16 =	vnsel vm0, $0x0, v16  }
0x41b: {  	v17 =	vperm.xlane v16, v5;
	_ =	sdelay $0x1  }
0x41c: {  	(xrf0) =	vadd.scan.msk.s32 $0xffff, v17;
	_ =	sdelay $0x5  }
0x41d: {  	v17, _, _ =	vpop (xrf0)  }
0x41e: {  	v17 =	vperm.xlane v17, v5;
	_ =	sdelay $0x1  }
0x41f: {  	s0 =	ssub.s32 $0xCCD, s20;
	v16 =	vsub.s32 v17, v16  }
0x420: {  	p0 =	por $0x1, $0x1;
	v18 =	vimm.s32 $0x7FFFFFFF;
	v17 =	vimm.s32 $0xFFFFFFFF;
	[tilespmem:$0x1C580] =	vst v16;
	v16 =	vmov s0;
	s0 =	simm.s32 $0x0  }
.LBB2_80:
0x421: {  	v19 =	vmov s0  }
0x422: {  	s2 =	sor.u32 $0x1, s0;
	v19 =	vand.u32 $0xFFFFFFFE, v19  }
0x423: {  	v20 =	vmov s2;
	v19 =	vbroadcast v19, $0x0  }
0x424: {  	s22 =	sshll.u32 s0, $0x4  }
0x425: {  	v21 =	vld [tilespmem:s22+$0x1C180]  }
0x426: {  	v22 =	vld [tilespmem:s22+$0x1C600];
	s29 =	sshll.u32 s2, $0x4  }
0x427: {  	v23 =	vld [tilespmem:s29+$0x1C180]  }
0x428: {  	v20 =	vld.idx.msk [tilespmem:v20+s11+$0x0], $0xffff  }
0x429: {  	v19 =	vld.idx.msk [tilespmem:v19+s11+$0x0], $0xffff  }
0x42a: {  	v24 =	vld [tilespmem:s29+$0x1C600];
	_ =	sdelay $0x3  }
0x42b: {  	v20 =	vadd.s32 v20, v23;
	v19 =	vadd.s32 v19, v21  }
0x42c: {  	s30 =	sshllo.u32 s0, $0x4;
	v63 =	vsub.s32 v20, v24;
	v21 =	vsub.s32 v19, v22  }
0x42d: {  	p1 =	por p0, p0;
	vm0 =	vlt.s32 v19, v16;
	v19 =	vadd.s32 s30, v1;
	vm1 =	vlt.s32 v18, v21  }
.Ltmp48:
0x42e: {  	s31 =	sshllo.u32 s2, $0x4;
	vm13 =	vlt.s32 v20, v16;
	v19 =	vsel vm0, $0xFFFFFFFF, v19;
	v21 =	vsel vm1, v18, v21;
	(pc) =	sbr.rel @p1 .LBB2_80-.Ltmp48, $4  }
0x42f: {  	v20 =	vadd.s32 s31, v1;
	vm12 =	vgt.s32 v17, v19;
	v18 =	vsel vm0, v18, v21  }
0x430: {  	v17 =	vsel vm12, v17, v19;
	v19 =	vsel vm13, $0xFFFFFFFF, v20;
	vm14 =	vlt.s32 v18, v63  }
0x431: {  	vm15 =	vgt.s32 v17, v19;
	v20 =	vsel vm14, v18, v63  }
0x432: {  	s0 =	simm.s32 $0x2;
	p0 =	por $0x0, $0x0;
	v17 =	vsel vm15, v17, v19;
	v18 =	vsel vm13, v18, v20  }
0x433: {  	v16 =	vxor.u32 $0x80000000, v17  }
0x434: {  	(xrf0) =	vmax.scan.msk.u32 $0xffff, v16;
	v16 =	vxor.u32 $0x80000000, v18  }
0x435: {  	(xrf0) =	vmin.scan.msk.u32 $0xffff, v16;
	_ =	sdelay $0x4  }
0x436: {  	v16, _, _ =	vpop (xrf0)  }
0x437: {  	(v2sf) =	vpush v16, $0xF;
	v16, _, _ =	vpop (xrf0)  }
0x438: {  	(v2sf) =	vpush v16, $0xF;
	_ =	sdelay $0x9  }
0x439: {  	p0 =	slt.s32 s21, $0x1  }
.Ltmp49:
0x43a: {  	_ = 	snop;
	(pc) =	sbr.rel @p0 .LBB2_98-.Ltmp49, $3  }
0x43b: {  	_ =	sdelay $0x1  }
0x43c: {  	s0 =	spop (v2sf)  }
0x43d: {  	s22 =	sxor.u32 $0x80000000, s0;
	s23 =	spop (v2sf)  }
0x43e: {  	p3 =	seq.s32 s21, $0x1  }
.Ltmp50:
0x43f: {  	_ = 	snop;
	(pc) =	sbr.rel @p3 .LBB2_83-.Ltmp50, $3  }
0x440: {  	_ =	sdelay $0x1  }
0x441: {  	s25 =	simm.s32 $0x0;
	s0 =	simm.s32 $0x1  }
0x442: {  	v16 =	vmov s22;
	v17 =	vimm.s32 $0x0;
	p0 =	por $0x0, $0x0;
	p1 =	por $0x0, $0x0;
	p2 =	por $0x0, $0x0;
	v18 =	vadd.s32 s25, v11  }
0x443: {  	_ =	sdelay $0x1  }
0x444: {  	p3 =	seq.s32 s21, $0x2  }
.Ltmp51:
0x445: {  	_ = 	snop;
	(pc) =	sbr.rel @p3 .LBB2_90-.Ltmp51, $2  }
0x446: {  	v21 =	vld.idx.msk [tilespmem:v18+s12+$0x0], $0xffff;
	_ =	sdelay $0x2  }
0x447: {  	s24 =	simm.s32 $0x2;
	v18 =	vadd.s32 s0, v11;
	p0 =	por $0x1, $0x1  }
0x448: {  	_ =	sdelay $0x1  }
0x449: {  	p3 =	seq.s32 s21, $0x3  }
.Ltmp52:
0x44a: {  	_ = 	snop;
	(pc) =	sbr.rel @p3 .LBB2_92-.Ltmp52, $3  }
0x44b: {  	v23 =	vld.idx.msk [tilespmem:v18+s12+$0x0], $0xffff;
	_ =	sdelay $0x1  }
0x44c: {  	vm1 =	vgt.s32 v15, s25;
	vm0 =	vgt.s32 v21, $0xFFFFFFFF;
	v22 =	vand.u32 $0x3F, v21  }
0x44d: {  	s26 =	simm.s32 $0x3;
	v18 =	vadd.s32 s24, v11;
	p1 =	por $0x1, $0x1;
	v24 =	vsel vm0, $0xFFFFFFFF, v12;
	vm2 =	veq.s32 v22, v16  }
0x44e: {  	_ = 	snop  }
0x44f: {  	vm3 =	vgt.s32 v22, v16;
	p3 =	seq.s32 s21, $0x4  }
.Ltmp53:
0x450: {  	vm0 =	vmand vm1, vm2;
	v19 =	vxor.u32 v21, v24;
	vm3 =	vmand vm1, vm3;
	(pc) =	sbr.rel @p3 .LBB2_94-.Ltmp53, $4  }
0x451: {  	v20 =	vnsel vm3, $0x0, v19;
	v19 =	vadd.s32 v11, v17  }
0x452: {  	v29 =	vld.idx.msk [tilespmem:v18+s12+$0x0], $0xffff;
	v18 =	vadd.s32 s26, v11;
	v25 =	vsel vm0, $0x1, v2;
	vm4 =	vgt.s32 v23, $0xFFFFFFFF  }
0x453: {  	v27 =	vand.u32 $0x3F, v23;
	v25 =	vadd.s32 v25, v17;
	vm3 =	vgt.s32 v15, s0  }
0x454: {  	p2 =	por $0x1, $0x1;
	s0 =	simm.s32 $0x4;
	v28 =	vsel vm4, $0xFFFFFFFF, v12;
	vm4 =	veq.s32 v27, v16;
	v26 =	vadd.f32 v20, v14;
	v20 =	vmovc v21  }
.LBB2_95:
0x455: {  	s2 =	smov.u32 s0;
	s0 =	sadd.s32 $0x1, s0  }
0x456: {  	vm5 =	vgt.s32 v27, v16;
	[tilespmem:v19+s13+$0x0] =	vst.idx.msk vm0, v20;
	vm0 =	vmand vm3, vm4;
	v20 =	vmov v23;
	p3 =	seq.s32 s21, s0  }
.Ltmp54:
0x457: {  	v19 =	vadd.s32 v11, v25;
	v23 =	vxor.u32 v20, v28;
	vm3 =	vmand vm3, vm5;
	(pc) =	sbr.rel @!p3 .LBB2_95-.Ltmp54, $4  }
0x458: {  	v27 =	vsel vm0, $0x1, v2;
	v28 =	vnsel vm3, $0x0, v23  }
0x459: {  	v25 =	vadd.s32 v27, v25;
	v26 =	vadd.f32 v28, v26  }
0x45a: {  	vm3 =	vgt.s32 v15, s24;
	s24 =	smov.u32 s26;
	s26 =	smov.u32 s2;
	vm4 =	vgt.s32 v29, $0xFFFFFFFF;
	v27 =	vand.u32 $0x3F, v29;
	v23 =	vmovc v29;
	v29 =	vld.idx.msk [tilespmem:v18+s12+$0x0], $0xffff  }
0x45b: {  	v18 =	vadd.s32 s26, v11;
	v28 =	vsel vm4, $0xFFFFFFFF, v12;
	vm4 =	veq.s32 v27, v16  }
.Ltmp55:
0x45c: {  	(pc) =	sbr.rel .LBB2_97-.Ltmp55, $2  }
0x45d: {  	_ =	sdelay $0x2  }
0x45e: {  	v30 =	vmov v23;
	s25 =	smov.u32 s24;
	s24 =	smov.u32 s26;
	v23 =	vmov v29  }
.LBB2_14:
.Ltmp56:
0x45f: {  	(pc) =	sbr.rel .LBB2_36-.Ltmp56, $2  }
0x460: {  	_ =	sdelay $0x2  }
0x461: {  	_ = 	snop  }
.LBB2_38:
.Ltmp57:
0x462: {  	_ = 	snop;
	(pc) =	sbr.rel .LBB2_43-.Ltmp57, $2  }
0x463: {  	_ =	sdelay $0x2  }
0x464: {  	v22 =	vmov v15;
	v21 =	vmov v18  }
.LBB2_29:
.Ltmp58:
0x465: {  	(pc) =	sbr.rel .LBB2_62-.Ltmp58, $2  }
0x466: {  	_ =	sdelay $0x2  }
0x467: {  	_ = 	snop  }
.LBB2_64:
.Ltmp59:
0x468: {  	(pc) =	sbr.rel .LBB2_73-.Ltmp59, $2  }
0x469: {  	_ =	sdelay $0x2  }
0x46a: {  	v28 =	vmov v14;
	v29 =	vimm.s32 $0x0;
	s23 =	simm.s32 $0x0  }
.LBB2_55:
.Ltmp60:
0x46b: {  	(pc) =	sbr.rel .LBB2_88-.Ltmp60, $2  }
0x46c: {  	_ =	sdelay $0x2  }
0x46d: {  	_ = 	snop  }
.LBB2_31:
.Ltmp61:
0x46e: {  	(pc) =	sbr.rel .LBB2_36-.Ltmp61, $3  }
0x46f: {  	_ =	sdelay $0x1  }
0x470: {  	s22 =	simm.s32 $0x0;
	s25 =	simm.s32 $0x4  }
0x471: {  	s23 =	simm.s32 $0x5;
	s24 =	simm.s32 $0x6;
	s21 =	simm.s32 $0x7  }
.LBB2_40:
.Ltmp62:
0x472: {  	(pc) =	sbr.rel .LBB2_43-.Ltmp62, $2  }
0x473: {  	_ =	sdelay $0x2  }
0x474: {  	s25 =	simm.s32 $0x2;
	s0 =	simm.s32 $0x3  }
.LBB2_57:
.Ltmp63:
0x475: {  	(pc) =	sbr.rel .LBB2_62-.Ltmp63, $3  }
0x476: {  	_ =	sdelay $0x1  }
0x477: {  	s24 =	simm.s32 $0x0;
	s28 =	simm.s32 $0x4  }
0x478: {  	s25 =	simm.s32 $0x5;
	s26 =	simm.s32 $0x6;
	s23 =	simm.s32 $0x7  }
.LBB2_66:
.Ltmp64:
0x479: {  	_ = 	snop;
	(pc) =	sbr.rel .LBB2_73-.Ltmp64, $2  }
0x47a: {  	_ =	sdelay $0x2  }
0x47b: {  	v28 =	vmov v14;
	v29 =	vimm.s32 $0x0;
	s23 =	simm.s32 $0x1;
	v22 =	vmov v19  }
.LBB2_85:
.Ltmp65:
0x47c: {  	(pc) =	sbr.rel .LBB2_88-.Ltmp65, $3  }
0x47d: {  	_ =	sdelay $0x1  }
0x47e: {  	s31 =	simm.s32 $0x4  }
0x47f: {  	s0 =	simm.s32 $0x7;
	s30 =	simm.s32 $0x6;
	s29 =	simm.s32 $0x5  }
.LBB2_90:
.Ltmp66:
0x480: {  	(pc) =	sbr.rel .LBB2_97-.Ltmp66, $2  }
0x481: {  	_ =	sdelay $0x2  }
0x482: {  	v25 =	vimm.s32 $0x0;
	v26 =	vmov v14;
	s24 =	simm.s32 $0x1;
	v23 =	vmov v21  }
.LBB2_33:
.Ltmp67:
0x483: {  	(pc) =	sbr.rel .LBB2_36-.Ltmp67, $2  }
0x484: {  	_ =	sdelay $0x2  }
0x485: {  	s25 =	simm.s32 $0x8;
	vm3 =	vmmov vm4  }
.LBB2_59:
.Ltmp68:
0x486: {  	(pc) =	sbr.rel .LBB2_62-.Ltmp68, $2  }
0x487: {  	_ =	sdelay $0x2  }
0x488: {  	s28 =	simm.s32 $0x8;
	vm3 =	vmmov vm4  }
.LBB2_68:
.Ltmp69:
0x489: {  	(pc) =	sbr.rel .LBB2_73-.Ltmp69, $3  }
0x48a: {  	_ =	sdelay $0x1  }
0x48b: {  	v27 =	vmov v24;
	v25 =	vmov v19;
	vm4 =	vmmov vm1  }
0x48c: {  	vm5 =	vmmov vm3;
	v28 =	vmovc v14;
	v26 =	vmovc v20;
	s24 =	simm.s32 $0x1;
	vm6 =	vmmov vm2;
	v29 =	vimm.s32 $0x0  }
.LBB2_92:
.Ltmp70:
0x48d: {  	(pc) =	sbr.rel .LBB2_97-.Ltmp70, $3  }
0x48e: {  	_ =	sdelay $0x1  }
0x48f: {  	v27 =	vmov v22;
	vm3 =	vmmov vm1  }
0x490: {  	vm4 =	vmmov vm2;
	v30 =	vmovc v21;
	v28 =	vmovc v24;
	v25 =	vimm.s32 $0x0;
	v26 =	vmov v14;
	s25 =	simm.s32 $0x1  }
.LBB2_70:
.Ltmp71:
0x491: {  	_ = 	snop;
	(pc) =	sbr.rel .LBB2_73-.Ltmp71, $2  }
0x492: {  	_ =	sdelay $0x2  }
0x493: {  	v25 =	vmovc v22;
	v28 =	vmovc v14;
	v21 =	vmov v19;
	v23 =	vmov v20;
	s24 =	simm.s32 $0x2;
	s23 =	simm.s32 $0x3;
	v22 =	vmov v31  }
.LBB2_94:
.Ltmp72:
0x494: {  	(pc) =	sbr.rel .LBB2_97-.Ltmp72, $2  }
0x495: {  	_ =	sdelay $0x2  }
0x496: {  	v30 =	vmov v23;
	v20 =	vmov v21;
	s25 =	simm.s32 $0x2;
	s24 =	simm.s32 $0x3;
	v23 =	vmov v29  }
.LBB2_100:
0x497: {  	_ =	sfence.sel $0x180000  }
0x498: {  	[bflag:$0x0] =	sbarrier.arrive $0xFFFF  }
0x499: {  	_ =	strace $0x90000047  }
0x49a: {  	s0 =	stileid.u32;
	[bflag:$0x2] =	sbarrier.arrive $0xFFFF  }
0x49b: {  	p0 =	sne.s32 s0, $0x0;
	s0 =	rddreg [dreg:$0x2]  }
0x49c: {  	s0 =	sadd.s32 @!p0 $0x100000, s0  }
0x49d: {  	[sflag:s0] =	ssyncadd.tile.s32 @!p0 $0x1;
	_ =	shalt  }
.Lfunc_end2:
_tile_overlayer_lowered:
.L_overlay_start_2:
0x49e: {  	(tag) =	ssettag $0x2  }
0x49f: {  	s0 =	rddreg [dreg:$0x0];
	s2 =	stileid.u32  }
0x4a0: {  	s1 =	rddreg [dreg:$0x1];
	p0 =	sne.s32 s2, $0x0  }
0x4a1: {  	s3 =	rddreg [dreg:$0x2];
	[bflag:$0x3] =	sbarrier.arrive $0xFFFF;
	s2 =	simm.s32 @!p0 $0x1C01  }
0x4a2: {  	[timem:s3], [sflag:s2] =	dma.local @!p0 [hbm:s0], s1  }
0x4a3: {  	s0 =	simm.s32 @!p0 $0x1  }
0x4a4: {  	_ =	swait.ge @!p0 [sflag:s0], s1  }
0x4a5: {  	s1 =	ssub.s32 @!p0 $0x0, s1;
	[sflag:s0] =	ssyncset.done @!p0 $0x0  }
0x4a6: {  	[sflag:s0] =	ssyncadd.s32 @!p0 s1  }
0x4a7: {  	[bflag:$0x3] =	sbarrier.arrive $0xFFFF  }
0x4a8: {  	_ =	shalt  }

</sc_bundles>
